<compile_context>
chip_gen: v7x
topology: tpu7x:2x2x1
jax: 0.10.2.dev20260603
libtpu: 0.0.44.dev20260713+nightly
codegen_flags: <defaults>
</compile_context>

<pallas_src>
import functools

import numpy as np
import jax
import jax.numpy as jnp
from jax import lax
from jax.experimental import pallas as pl
from jax.experimental.pallas import tpu as pltpu
from jax.experimental.pallas import tpu_sc as plsc

NHEAD = 16
QUAN = 0.02
_pcr = np.array([-75.2, -75.2, -2.0, 75.2, 75.2, 4.0])
_rngv = _pcr[3:6] - _pcr[0:3]
MAX_LEN = int(float((_rngv ** 2).sum() ** 0.5) // QUAN + 1)

NC, NS = 2, 16
NW = NC * NS
NPTS = 8 * 65536
PPT = NPTS // NW
B = 1024
NCH = PPT // B
GSUB = B // 128
ROWS = NPTS // 128
RPB = 65536 // 128

def _tc_body(c_ref, scale_ref, i1_ref, w2_ref):
    x = c_ref[0]
    y = c_ref[1]
    z = c_ref[2]
    ssum = x * x + y * y + z * z
    rid = lax.broadcasted_iota(jnp.int32, (8, 1), 0)
    inv = jnp.zeros((8, 1), jnp.float32)
    for b in range(8):
        inv = jnp.where(rid == b, 1.0 / (scale_ref[b] * QUAN), inv)
    dist = jnp.sqrt(ssum) * inv
    dist = jnp.minimum(dist, jnp.float32(MAX_LEN))
    i1 = dist.astype(jnp.int32)
    w2_ref[...] = dist - i1.astype(jnp.float32)
    i1_ref[...] = jnp.minimum(i1, MAX_LEN - 1)


def _fmt_body(x_ref, o_ref):
    x = x_ref[...]
    x3 = x.reshape(64, 128, NHEAD)
    xt2 = jnp.transpose(x3, (2, 0, 1))
    o_ref[...] = xt2.reshape(1, NHEAD, 8192)


def _sc_body(pairs_hbm, i1_hbm, w2_hbm, out_hbm,
             i1_v, w2_v, e_v, out_v,
             sem_in0, sem_in1, sem_g0, sem_g1, sem_o0, sem_o1):
    c = lax.axis_index("c")
    s = lax.axis_index("s")
    wid = s * NC + c
    r0 = wid * (PPT // 128)
    sem_in = (sem_in0, sem_in1)
    sem_g = (sem_g0, sem_g1)
    sem_o = (sem_o0, sem_o1)

    def in_descr(g, b):
        rb = r0 + g * GSUB
        pbase = pl.multiple_of(rb * 128, B)
        return (pltpu.make_async_copy(i1_hbm.at[pl.ds(rb, GSUB), :],
                                      i1_v.at[b], sem_in[b]),
                pltpu.make_async_copy(w2_hbm.at[pl.ds(pbase, B)],
                                      w2_v.at[b], sem_in[b]))

    def g_descr(b):
        return [pltpu.make_async_copy(pairs_hbm.at[i1_v.at[b].at[j]],
                                      e_v.at[b].at[pl.ds(j * 128, 128)],
                                      sem_g[b])
                for j in range(GSUB)]

    def out_descr(g, b):
        rb = r0 + g * GSUB
        wbase = pl.multiple_of(rb * 128 * NHEAD, B * NHEAD)
        return pltpu.make_async_copy(out_v.at[b],
                                     out_hbm.at[pl.ds(wbase, B * NHEAD)],
                                     sem_o[b])

    def lerp(b):
        wref = w2_v.at[b]
        eref = e_v.at[b]
        oref = out_v.at[b]

        @plsc.parallel_loop(0, B // 16, 1, unroll=2)
        def ip(t):
            q0 = t * 16
            wo0 = q0 * NHEAD
            wv = wref[pl.ds(q0, 16)]
            for k in range(16):
                w = wv.at[jnp.full((16,), k, jnp.int32)].get(
                    mode="promise_in_bounds")
                e1 = eref[q0 + k, pl.ds(0, 16)]
                e2 = eref[q0 + k, pl.ds(16, 16)]
                oref[pl.ds(wo0 + NHEAD * k, NHEAD)] = e1 + (e2 - e1) * w

    for d in in_descr(0, 0):
        d.start()
    for d in in_descr(0, 0):
        d.wait()
    for d in g_descr(0):
        d.start()
    for d in in_descr(1, 1):
        d.start()

    def outer(step, carry):
        for bpar in range(2):
            g = step * 2 + bpar
            b, b1 = bpar, 1 - bpar

            @pl.when(g + 1 <= NCH - 1)
            def _():
                for d in in_descr(g + 1, b1):
                    d.wait()
                for d in g_descr(b1):
                    d.start()

            for d in g_descr(b):
                d.wait()
            lerp(b)

            @pl.when(g + 2 <= NCH - 1)
            def _():
                for d in in_descr(g + 2, b):
                    d.start()

            @pl.when(g >= 1)
            def _():
                out_descr(g - 1, b1).wait()

            out_descr(g, b).start()
        return carry

    lax.fori_loop(0, NCH // 2, outer, 0)
    out_descr(NCH - 1, 1).wait()


@jax.jit
def kernel(batch_rel_coords, pred_scale, pos_embed_weight):
    cmat = jnp.transpose(batch_rel_coords, (2, 0, 1))
    t = pos_embed_weight
    pairs = jnp.concatenate([t, jnp.concatenate([t[1:], t[-1:]], 0)], 1)

    i1, w2 = pl.pallas_call(
        _tc_body,
        in_specs=[
            pl.BlockSpec((3, 8, 65536), lambda: (0, 0, 0)),
            pl.BlockSpec(memory_space=pltpu.SMEM),
        ],
        out_specs=[
            pl.BlockSpec((8, 65536), lambda: (0, 0)),
            pl.BlockSpec((8, 65536), lambda: (0, 0)),
        ],
        out_shape=[
            jax.ShapeDtypeStruct((8, 65536), jnp.int32),
            jax.ShapeDtypeStruct((8, 65536), jnp.float32),
        ],
    )(cmat, pred_scale)
    i1 = i1.reshape(ROWS, 128)

    mesh = plsc.VectorSubcoreMesh(core_axis_name="c", subcore_axis_name="s")
    run = pl.kernel(
        _sc_body,
        out_type=jax.ShapeDtypeStruct((NPTS * NHEAD,), jnp.float32),
        mesh=mesh,
        compiler_params=pltpu.CompilerParams(use_tc_tiling_on_sc=False),
        scratch_types=[
            pltpu.VMEM((2, GSUB, 128), jnp.int32),
            pltpu.VMEM((2, B), jnp.float32),
            pltpu.VMEM((2, B, 2 * NHEAD), jnp.float32),
            pltpu.VMEM((2, B * NHEAD), jnp.float32),
            pltpu.SemaphoreType.DMA,
            pltpu.SemaphoreType.DMA,
            pltpu.SemaphoreType.DMA,
            pltpu.SemaphoreType.DMA,
            pltpu.SemaphoreType.DMA,
            pltpu.SemaphoreType.DMA,
        ],
    )
    out = run(pairs, i1, w2.reshape(-1))

    out2d = out.reshape(ROWS, 2048)
    outT = pl.pallas_call(
        _fmt_body,
        grid=(64,),
        in_specs=[pl.BlockSpec((64, 2048), lambda i: (i, 0))],
        out_specs=pl.BlockSpec((1, NHEAD, 8192), lambda i: (i // 8, 0, i % 8)),
        out_shape=jax.ShapeDtypeStruct((8, NHEAD, 65536), jnp.float32),
    )(out2d)
    return jnp.swapaxes(outT, 1, 2)

# --- scband reference (transcript-rebuilt; emitter-appended) ---
"""Pipeline reference for scband-rpe-21603685499572 (READ-ONLY COPY).

The authoritative reference and input builder live on the scoring server;
editing this copy changes nothing except your own understanding.
"""

import jax, jax.numpy as jnp
import numpy as np

NHEAD = 16
QUAN_SIZE = 0.02
_pcr = np.array([-75.2, -75.2, -2.0, 75.2, 75.2, 4.0])
_rng = _pcr[3:6] - _pcr[0:3]
_rng = (_rng ** 2).sum() ** 0.5
MAX_LEN = int(_rng // QUAN_SIZE + 1)


def setup_inputs(seed: int = 0) -> dict:
    key = jax.random.key(seed)
    k1 = jax.random.fold_in(key, 1)
    k2 = jax.random.fold_in(key, 2)
    k3 = jax.random.fold_in(key, 3)
    batch_rel_coords = jax.random.normal(k1, (8, 65536, 3), dtype=jnp.float32)
    pred_scale = jax.random.uniform(k2, (8,), dtype=jnp.float32)
    # nn.Embedding weight initialized with nn.init.uniform_ -> U[0, 1)
    pos_embed_weight = jax.random.uniform(k3, (MAX_LEN, NHEAD), dtype=jnp.float32)
    return {
        "batch_rel_coords": batch_rel_coords,
        "pred_scale": pred_scale,
        "pos_embed_weight": pos_embed_weight,
    }


def reference(batch_rel_coords, pred_scale, pos_embed_weight):
    pred_scale = pred_scale.reshape(-1, 1)
    dist = jnp.linalg.norm(batch_rel_coords, axis=-1)
    dist = dist / pred_scale
    dist = dist / QUAN_SIZE
    idx1 = dist.astype(jnp.int32)
    idx2 = idx1 + 1
    w1 = idx2.astype(dist.dtype) - dist
    w2 = dist - idx1.astype(dist.dtype)
    idx1 = jnp.where(idx1 >= MAX_LEN, MAX_LEN - 1, idx1)
    idx2 = jnp.where(idx2 >= MAX_LEN, MAX_LEN - 1, idx2)
    embed1 = jnp.take(pos_embed_weight, idx1, axis=0)
    embed2 = jnp.take(pos_embed_weight, idx2, axis=0)
    embed = embed1 * w1[..., None] + embed2 * w2[..., None]
    return embed

if __name__ == "__main__":
    import jax
    _d = setup_inputs()
    print(jax.jit(kernel)(*tuple(_d.values())))

</pallas_src>

<mosaic_0001>
#map = affine_map<(d0, d1) -> (0, 0)>
#map1 = affine_map<(d0, d1) -> (0)>
module attributes {stable_mosaic.version = 14 : i64} {
  func.func @_sc_body(%arg0: i32, %arg1: i32, %arg2: memref<10640x32xf32, #tpu.memory_space<hbm>>, %arg3: memref<4096x128xi32, #tpu.memory_space<hbm>>, %arg4: memref<524288xf32, #tpu.memory_space<hbm>>, %arg5: memref<8388608xf32, #tpu.memory_space<hbm>>, %arg6: memref<2x8x128xi32, #tpu.memory_space<vmem>>, %arg7: memref<2x1024xf32, #tpu.memory_space<vmem>>, %arg8: memref<2x1024x32xf32, #tpu.memory_space<vmem>>, %arg9: memref<2x16384xf32, #tpu.memory_space<vmem>>, %arg10: memref<!tpu.dma_semaphore, #tpu.memory_space<semaphore_mem>>, %arg11: memref<!tpu.dma_semaphore, #tpu.memory_space<semaphore_mem>>, %arg12: memref<!tpu.dma_semaphore, #tpu.memory_space<semaphore_mem>>, %arg13: memref<!tpu.dma_semaphore, #tpu.memory_space<semaphore_mem>>, %arg14: memref<!tpu.dma_semaphore, #tpu.memory_space<semaphore_mem>>, %arg15: memref<!tpu.dma_semaphore, #tpu.memory_space<semaphore_mem>>) attributes {dimension_semantics = [#tpu.dimension_semantics<core_parallel>, #tpu.dimension_semantics<subcore_parallel>], iteration_bounds = array<i64: 2, 16>, scalar_prefetch = 0 : i64, scratch_operands = 10 : i64, tpu.core_type = #tpu.core_type<sc_vector_subcore>, window_params = [{transform_indices = #map}, {transform_indices = #map}, {transform_indices = #map1}, {transform_indices = #map1}]} {
    %mul3A = arith.constant 2 : i32
    %mul3A_0 = arith.muli %arg1, %mul3A : i32
    %add3A = arith.addi %mul3A_0, %arg0 : i32
    %mul3A_1 = arith.constant 128 : i32
    %mul3A_2 = arith.muli %add3A, %mul3A_1 : i32
    %add3A_3 = arith.constant 0 : i32
    %add3A_4 = arith.addi %mul3A_2, %add3A_3 : i32
    %mul3A_5 = arith.constant 128 : i32
    %mul3A_6 = arith.muli %add3A_4, %mul3A_5 : i32
    %multiple_of3A = tpu.assume_multiple %mul3A_6, 1024 : i32
    %dma_start3A = arith.constant 0 : i32
    %dma_start3A_7 = arith.constant 0 : i32
    %dma_start3A_8 = arith.constant 0 : i32
    %dma_start3A_9 = tpu.memref_slice %arg6[%dma_start3A, %dma_start3A_7, %dma_start3A_8] : memref<2x8x128xi32, #tpu.memory_space<vmem>> -> memref<1x8x128xi32, #tpu.memory_space<vmem>>
    %dma_start3A_10 = tpu.memref_squeeze %dma_start3A_9 : memref<1x8x128xi32, #tpu.memory_space<vmem>> -> memref<8x128xi32, #tpu.memory_space<vmem>>
    %dma_start3A_11 = arith.constant 0 : i32
    %dma_start3A_12 = tpu.memref_slice %arg3[%add3A_4, %dma_start3A_11] : memref<4096x128xi32, #tpu.memory_space<hbm>> -> memref<8x128xi32, #tpu.memory_space<hbm>>
    %dma_start3A_13 = arith.constant 0 : i32
    %dma_start3A_14 = arith.constant 0 : i32
    %dma_start3A_15 = tpu.memref_slice %arg6[%dma_start3A, %dma_start3A_13, %dma_start3A_14] : memref<2x8x128xi32, #tpu.memory_space<vmem>> -> memref<1x8x128xi32, #tpu.memory_space<vmem>>
    %dma_start3A_16 = tpu.memref_squeeze %dma_start3A_15 : memref<1x8x128xi32, #tpu.memory_space<vmem>> -> memref<8x128xi32, #tpu.memory_space<vmem>>
    %dma_start3A_17 = arith.constant 0 : i32
    %dma_start3A_18 = tpu.memref_slice %arg3[%add3A_4, %dma_start3A_17] : memref<4096x128xi32, #tpu.memory_space<hbm>> -> memref<8x128xi32, #tpu.memory_space<hbm>>
    tpu.enqueue_dma source(%dma_start3A_18 : memref<8x128xi32, #tpu.memory_space<hbm>>) target(%dma_start3A_16 : memref<8x128xi32, #tpu.memory_space<vmem>>) target_semaphore(%arg10 : memref<!tpu.dma_semaphore, #tpu.memory_space<semaphore_mem>>)
    %dma_start3A_19 = arith.constant 0 : i32
    %dma_start3A_20 = arith.constant 0 : i32
    %dma_start3A_21 = tpu.memref_slice %arg7[%dma_start3A_19, %dma_start3A_20] : memref<2x1024xf32, #tpu.memory_space<vmem>> -> memref<1x1024xf32, #tpu.memory_space<vmem>>
    %dma_start3A_22 = tpu.memref_squeeze %dma_start3A_21 : memref<1x1024xf32, #tpu.memory_space<vmem>> -> memref<1024xf32, #tpu.memory_space<vmem>>
    %dma_start3A_23 = tpu.memref_slice %arg4[%multiple_of3A] : memref<524288xf32, #tpu.memory_space<hbm>> -> memref<1024xf32, #tpu.memory_space<hbm>>
    %dma_start3A_24 = arith.constant 0 : i32
    %dma_start3A_25 = tpu.memref_slice %arg7[%dma_start3A_19, %dma_start3A_24] : memref<2x1024xf32, #tpu.memory_space<vmem>> -> memref<1x1024xf32, #tpu.memory_space<vmem>>
    %dma_start3A_26 = tpu.memref_squeeze %dma_start3A_25 : memref<1x1024xf32, #tpu.memory_space<vmem>> -> memref<1024xf32, #tpu.memory_space<vmem>>
    %dma_start3A_27 = tpu.memref_slice %arg4[%multiple_of3A] : memref<524288xf32, #tpu.memory_space<hbm>> -> memref<1024xf32, #tpu.memory_space<hbm>>
    tpu.enqueue_dma source(%dma_start3A_27 : memref<1024xf32, #tpu.memory_space<hbm>>) target(%dma_start3A_26 : memref<1024xf32, #tpu.memory_space<vmem>>) target_semaphore(%arg10 : memref<!tpu.dma_semaphore, #tpu.memory_space<semaphore_mem>>)
    %add3A_28 = arith.constant 0 : i32
    %add3A_29 = arith.addi %mul3A_2, %add3A_28 : i32
    %mul3A_30 = arith.constant 128 : i32
    %mul3A_31 = arith.muli %add3A_29, %mul3A_30 : i32
    %multiple_of3A_32 = tpu.assume_multiple %mul3A_31, 1024 : i32
    %dma_wait3A = arith.constant 0 : i32
    %dma_wait3A_33 = arith.constant 0 : i32
    %dma_wait3A_34 = arith.constant 0 : i32
    %dma_wait3A_35 = tpu.memref_slice %arg6[%dma_wait3A, %dma_wait3A_33, %dma_wait3A_34] : memref<2x8x128xi32, #tpu.memory_space<vmem>> -> memref<1x8x128xi32, #tpu.memory_space<vmem>>
    %dma_wait3A_36 = tpu.memref_squeeze %dma_wait3A_35 : memref<1x8x128xi32, #tpu.memory_space<vmem>> -> memref<8x128xi32, #tpu.memory_space<vmem>>
    %dma_wait3A_37 = arith.constant 0 : i32
    %dma_wait3A_38 = tpu.memref_slice %arg3[%add3A_29, %dma_wait3A_37] : memref<4096x128xi32, #tpu.memory_space<hbm>> -> memref<8x128xi32, #tpu.memory_space<hbm>>
    %dma_wait3A_39 = arith.constant 0 : i32
    %dma_wait3A_40 = arith.constant 0 : i32
    %dma_wait3A_41 = tpu.memref_slice %arg6[%dma_wait3A, %dma_wait3A_39, %dma_wait3A_40] : memref<2x8x128xi32, #tpu.memory_space<vmem>> -> memref<1x8x128xi32, #tpu.memory_space<vmem>>
    %dma_wait3A_42 = tpu.memref_squeeze %dma_wait3A_41 : memref<1x8x128xi32, #tpu.memory_space<vmem>> -> memref<8x128xi32, #tpu.memory_space<vmem>>
    %dma_wait3A_43 = arith.constant 0 : i32
    %dma_wait3A_44 = tpu.memref_slice %arg3[%add3A_29, %dma_wait3A_43] : memref<4096x128xi32, #tpu.memory_space<hbm>> -> memref<8x128xi32, #tpu.memory_space<hbm>>
    tpu.wait_dma2 semaphore(%arg10 : memref<!tpu.dma_semaphore, #tpu.memory_space<semaphore_mem>>) src(%dma_wait3A_44 : memref<8x128xi32, #tpu.memory_space<hbm>>) dst(%dma_wait3A_42 : memref<8x128xi32, #tpu.memory_space<vmem>>)
    %dma_wait3A_45 = arith.constant 0 : i32
    %dma_wait3A_46 = arith.constant 0 : i32
    %dma_wait3A_47 = tpu.memref_slice %arg7[%dma_wait3A_45, %dma_wait3A_46] : memref<2x1024xf32, #tpu.memory_space<vmem>> -> memref<1x1024xf32, #tpu.memory_space<vmem>>
    %dma_wait3A_48 = tpu.memref_squeeze %dma_wait3A_47 : memref<1x1024xf32, #tpu.memory_space<vmem>> -> memref<1024xf32, #tpu.memory_space<vmem>>
    %dma_wait3A_49 = tpu.memref_slice %arg4[%multiple_of3A_32] : memref<524288xf32, #tpu.memory_space<hbm>> -> memref<1024xf32, #tpu.memory_space<hbm>>
    %dma_wait3A_50 = arith.constant 0 : i32
    %dma_wait3A_51 = tpu.memref_slice %arg7[%dma_wait3A_45, %dma_wait3A_50] : memref<2x1024xf32, #tpu.memory_space<vmem>> -> memref<1x1024xf32, #tpu.memory_space<vmem>>
    %dma_wait3A_52 = tpu.memref_squeeze %dma_wait3A_51 : memref<1x1024xf32, #tpu.memory_space<vmem>> -> memref<1024xf32, #tpu.memory_space<vmem>>
    %dma_wait3A_53 = tpu.memref_slice %arg4[%multiple_of3A_32] : memref<524288xf32, #tpu.memory_space<hbm>> -> memref<1024xf32, #tpu.memory_space<hbm>>
    tpu.wait_dma2 semaphore(%arg10 : memref<!tpu.dma_semaphore, #tpu.memory_space<semaphore_mem>>) src(%dma_wait3A_53 : memref<1024xf32, #tpu.memory_space<hbm>>) dst(%dma_wait3A_52 : memref<1024xf32, #tpu.memory_space<vmem>>)
    %dma_start3A_54 = arith.constant 0 : i32
    %dma_start3A_55 = arith.constant 0 : i32
    %dma_start3A_56 = arith.constant 0 : i32
    %dma_start3A_57 = arith.constant 0 : i32
    %dma_start3A_58 = arith.constant 0 : i32
    %dma_start3A_59 = tpu.memref_slice %arg8[%dma_start3A_56, %dma_start3A_57, %dma_start3A_58] : memref<2x1024x32xf32, #tpu.memory_space<vmem>> -> memref<1x1024x32xf32, #tpu.memory_space<vmem>>
    %dma_start3A_60 = tpu.memref_squeeze %dma_start3A_59 : memref<1x1024x32xf32, #tpu.memory_space<vmem>> -> memref<1024x32xf32, #tpu.memory_space<vmem>>
    %dma_start3A_61 = arith.constant 0 : i32
    %dma_start3A_62 = arith.constant 0 : i32
    %dma_start3A_63 = tpu.memref_slice %dma_start3A_60[%dma_start3A_61, %dma_start3A_62] : memref<1024x32xf32, #tpu.memory_space<vmem>> -> memref<128x32xf32, #tpu.memory_space<vmem>>
    %dma_start3A_64 = arith.constant 0 : i32
    %dma_start3A_65 = arith.constant 0 : i32
    %dma_start3A_66 = tpu.memref_slice %arg6[%dma_start3A_54, %dma_start3A_64, %dma_start3A_65] : memref<2x8x128xi32, #tpu.memory_space<vmem>> -> memref<1x8x128xi32, #tpu.memory_space<vmem>>
    %dma_start3A_67 = tpu.memref_squeeze %dma_start3A_66 : memref<1x8x128xi32, #tpu.memory_space<vmem>> -> memref<8x128xi32, #tpu.memory_space<vmem>>
    %dma_start3A_68 = arith.constant 0 : i32
    %dma_start3A_69 = tpu.memref_slice %dma_start3A_67[%dma_start3A_55, %dma_start3A_68] : memref<8x128xi32, #tpu.memory_space<vmem>> -> memref<1x128xi32, #tpu.memory_space<vmem>>
    %dma_start3A_70 = tpu.memref_squeeze %dma_start3A_69 : memref<1x128xi32, #tpu.memory_space<vmem>> -> memref<128xi32, #tpu.memory_space<vmem>>
    %dma_start3A_71 = arith.constant 0 : i32
    %dma_start3A_72 = arith.constant 0 : i32
    %dma_start3A_73 = tpu.memref_slice %arg2[%dma_start3A_71, %dma_start3A_72] : memref<10640x32xf32, #tpu.memory_space<hbm>> -> memref<10640x32xf32, #tpu.memory_space<hbm>>
    tpu.enqueue_indirect_dma source(%dma_start3A_73 : memref<10640x32xf32, #tpu.memory_space<hbm>>) target(%dma_start3A_63 : memref<128x32xf32, #tpu.memory_space<vmem>>) offsets(%dma_start3A_70 : memref<128xi32, #tpu.memory_space<vmem>>) semaphore(%arg12 : memref<!tpu.dma_semaphore, #tpu.memory_space<semaphore_mem>>)
    %dma_start3A_74 = arith.constant 0 : i32
    %dma_start3A_75 = arith.constant 1 : i32
    %dma_start3A_76 = arith.constant 0 : i32
    %dma_start3A_77 = arith.constant 0 : i32
    %dma_start3A_78 = arith.constant 0 : i32
    %dma_start3A_79 = tpu.memref_slice %arg8[%dma_start3A_76, %dma_start3A_77, %dma_start3A_78] : memref<2x1024x32xf32, #tpu.memory_space<vmem>> -> memref<1x1024x32xf32, #tpu.memory_space<vmem>>
    %dma_start3A_80 = tpu.memref_squeeze %dma_start3A_79 : memref<1x1024x32xf32, #tpu.memory_space<vmem>> -> memref<1024x32xf32, #tpu.memory_space<vmem>>
    %dma_start3A_81 = arith.constant 128 : i32
    %dma_start3A_82 = arith.constant 0 : i32
    %dma_start3A_83 = tpu.memref_slice %dma_start3A_80[%dma_start3A_81, %dma_start3A_82] : memref<1024x32xf32, #tpu.memory_space<vmem>> -> memref<128x32xf32, #tpu.memory_space<vmem>>
    %dma_start3A_84 = arith.constant 0 : i32
    %dma_start3A_85 = arith.constant 0 : i32
    %dma_start3A_86 = tpu.memref_slice %arg6[%dma_start3A_74, %dma_start3A_84, %dma_start3A_85] : memref<2x8x128xi32, #tpu.memory_space<vmem>> -> memref<1x8x128xi32, #tpu.memory_space<vmem>>
    %dma_start3A_87 = tpu.memref_squeeze %dma_start3A_86 : memref<1x8x128xi32, #tpu.memory_space<vmem>> -> memref<8x128xi32, #tpu.memory_space<vmem>>
    %dma_start3A_88 = arith.constant 0 : i32
    %dma_start3A_89 = tpu.memref_slice %dma_start3A_87[%dma_start3A_75, %dma_start3A_88] : memref<8x128xi32, #tpu.memory_space<vmem>> -> memref<1x128xi32, #tpu.memory_space<vmem>>
    %dma_start3A_90 = tpu.memref_squeeze %dma_start3A_89 : memref<1x128xi32, #tpu.memory_space<vmem>> -> memref<128xi32, #tpu.memory_space<vmem>>
    %dma_start3A_91 = arith.constant 0 : i32
    %dma_start3A_92 = arith.constant 0 : i32
    %dma_start3A_93 = tpu.memref_slice %arg2[%dma_start3A_91, %dma_start3A_92] : memref<10640x32xf32, #tpu.memory_space<hbm>> -> memref<10640x32xf32, #tpu.memory_space<hbm>>
    tpu.enqueue_indirect_dma source(%dma_start3A_93 : memref<10640x32xf32, #tpu.memory_space<hbm>>) target(%dma_start3A_83 : memref<128x32xf32, #tpu.memory_space<vmem>>) offsets(%dma_start3A_90 : memref<128xi32, #tpu.memory_space<vmem>>) semaphore(%arg12 : memref<!tpu.dma_semaphore, #tpu.memory_space<semaphore_mem>>)
    %dma_start3A_94 = arith.constant 0 : i32
    %dma_start3A_95 = arith.constant 2 : i32
    %dma_start3A_96 = arith.constant 0 : i32
    %dma_start3A_97 = arith.constant 0 : i32
    %dma_start3A_98 = arith.constant 0 : i32
    %dma_start3A_99 = tpu.memref_slice %arg8[%dma_start3A_96, %dma_start3A_97, %dma_start3A_98] : memref<2x1024x32xf32, #tpu.memory_space<vmem>> -> memref<1x1024x32xf32, #tpu.memory_space<vmem>>
    %dma_start3A_100 = tpu.memref_squeeze %dma_start3A_99 : memref<1x1024x32xf32, #tpu.memory_space<vmem>> -> memref<1024x32xf32, #tpu.memory_space<vmem>>
    %dma_start3A_101 = arith.constant 256 : i32
    %dma_start3A_102 = arith.constant 0 : i32
    %dma_start3A_103 = tpu.memref_slice %dma_start3A_100[%dma_start3A_101, %dma_start3A_102] : memref<1024x32xf32, #tpu.memory_space<vmem>> -> memref<128x32xf32, #tpu.memory_space<vmem>>
    %dma_start3A_104 = arith.constant 0 : i32
    %dma_start3A_105 = arith.constant 0 : i32
    %dma_start3A_106 = tpu.memref_slice %arg6[%dma_start3A_94, %dma_start3A_104, %dma_start3A_105] : memref<2x8x128xi32, #tpu.memory_space<vmem>> -> memref<1x8x128xi32, #tpu.memory_space<vmem>>
    %dma_start3A_107 = tpu.memref_squeeze %dma_start3A_106 : memref<1x8x128xi32, #tpu.memory_space<vmem>> -> memref<8x128xi32, #tpu.memory_space<vmem>>
    %dma_start3A_108 = arith.constant 0 : i32
    %dma_start3A_109 = tpu.memref_slice %dma_start3A_107[%dma_start3A_95, %dma_start3A_108] : memref<8x128xi32, #tpu.memory_space<vmem>> -> memref<1x128xi32, #tpu.memory_space<vmem>>
    %dma_start3A_110 = tpu.memref_squeeze %dma_start3A_109 : memref<1x128xi32, #tpu.memory_space<vmem>> -> memref<128xi32, #tpu.memory_space<vmem>>
    %dma_start3A_111 = arith.constant 0 : i32
    %dma_start3A_112 = arith.constant 0 : i32
    %dma_start3A_113 = tpu.memref_slice %arg2[%dma_start3A_111, %dma_start3A_112] : memref<10640x32xf32, #tpu.memory_space<hbm>> -> memref<10640x32xf32, #tpu.memory_space<hbm>>
    tpu.enqueue_indirect_dma source(%dma_start3A_113 : memref<10640x32xf32, #tpu.memory_space<hbm>>) target(%dma_start3A_103 : memref<128x32xf32, #tpu.memory_space<vmem>>) offsets(%dma_start3A_110 : memref<128xi32, #tpu.memory_space<vmem>>) semaphore(%arg12 : memref<!tpu.dma_semaphore, #tpu.memory_space<semaphore_mem>>)
    %dma_start3A_114 = arith.constant 0 : i32
    %dma_start3A_115 = arith.constant 3 : i32
    %dma_start3A_116 = arith.constant 0 : i32
    %dma_start3A_117 = arith.constant 0 : i32
    %dma_start3A_118 = arith.constant 0 : i32
    %dma_start3A_119 = tpu.memref_slice %arg8[%dma_start3A_116, %dma_start3A_117, %dma_start3A_118] : memref<2x1024x32xf32, #tpu.memory_space<vmem>> -> memref<1x1024x32xf32, #tpu.memory_space<vmem>>
    %dma_start3A_120 = tpu.memref_squeeze %dma_start3A_119 : memref<1x1024x32xf32, #tpu.memory_space<vmem>> -> memref<1024x32xf32, #tpu.memory_space<vmem>>
    %dma_start3A_121 = arith.constant 384 : i32
    %dma_start3A_122 = arith.constant 0 : i32
    %dma_start3A_123 = tpu.memref_slice %dma_start3A_120[%dma_start3A_121, %dma_start3A_122] : memref<1024x32xf32, #tpu.memory_space<vmem>> -> memref<128x32xf32, #tpu.memory_space<vmem>>
    %dma_start3A_124 = arith.constant 0 : i32
    %dma_start3A_125 = arith.constant 0 : i32
    %dma_start3A_126 = tpu.memref_slice %arg6[%dma_start3A_114, %dma_start3A_124, %dma_start3A_125] : memref<2x8x128xi32, #tpu.memory_space<vmem>> -> memref<1x8x128xi32, #tpu.memory_space<vmem>>
    %dma_start3A_127 = tpu.memref_squeeze %dma_start3A_126 : memref<1x8x128xi32, #tpu.memory_space<vmem>> -> memref<8x128xi32, #tpu.memory_space<vmem>>
    %dma_start3A_128 = arith.constant 0 : i32
    %dma_start3A_129 = tpu.memref_slice %dma_start3A_127[%dma_start3A_115, %dma_start3A_128] : memref<8x128xi32, #tpu.memory_space<vmem>> -> memref<1x128xi32, #tpu.memory_space<vmem>>
    %dma_start3A_130 = tpu.memref_squeeze %dma_start3A_129 : memref<1x128xi32, #tpu.memory_space<vmem>> -> memref<128xi32, #tpu.memory_space<vmem>>
    %dma_start3A_131 = arith.constant 0 : i32
    %dma_start3A_132 = arith.constant 0 : i32
    %dma_start3A_133 = tpu.memref_slice %arg2[%dma_start3A_131, %dma_start3A_132] : memref<10640x32xf32, #tpu.memory_space<hbm>> -> memref<10640x32xf32, #tpu.memory_space<hbm>>
    tpu.enqueue_indirect_dma source(%dma_start3A_133 : memref<10640x32xf32, #tpu.memory_space<hbm>>) target(%dma_start3A_123 : memref<128x32xf32, #tpu.memory_space<vmem>>) offsets(%dma_start3A_130 : memref<128xi32, #tpu.memory_space<vmem>>) semaphore(%arg12 : memref<!tpu.dma_semaphore, #tpu.memory_space<semaphore_mem>>)
    %dma_start3A_134 = arith.constant 0 : i32
    %dma_start3A_135 = arith.constant 4 : i32
    %dma_start3A_136 = arith.constant 0 : i32
    %dma_start3A_137 = arith.constant 0 : i32
    %dma_start3A_138 = arith.constant 0 : i32
    %dma_start3A_139 = tpu.memref_slice %arg8[%dma_start3A_136, %dma_start3A_137, %dma_start3A_138] : memref<2x1024x32xf32, #tpu.memory_space<vmem>> -> memref<1x1024x32xf32, #tpu.memory_space<vmem>>
    %dma_start3A_140 = tpu.memref_squeeze %dma_start3A_139 : memref<1x1024x32xf32, #tpu.memory_space<vmem>> -> memref<1024x32xf32, #tpu.memory_space<vmem>>
    %dma_start3A_141 = arith.constant 512 : i32
    %dma_start3A_142 = arith.constant 0 : i32
    %dma_start3A_143 = tpu.memref_slice %dma_start3A_140[%dma_start3A_141, %dma_start3A_142] : memref<1024x32xf32, #tpu.memory_space<vmem>> -> memref<128x32xf32, #tpu.memory_space<vmem>>
    %dma_start3A_144 = arith.constant 0 : i32
    %dma_start3A_145 = arith.constant 0 : i32
    %dma_start3A_146 = tpu.memref_slice %arg6[%dma_start3A_134, %dma_start3A_144, %dma_start3A_145] : memref<2x8x128xi32, #tpu.memory_space<vmem>> -> memref<1x8x128xi32, #tpu.memory_space<vmem>>
    %dma_start3A_147 = tpu.memref_squeeze %dma_start3A_146 : memref<1x8x128xi32, #tpu.memory_space<vmem>> -> memref<8x128xi32, #tpu.memory_space<vmem>>
    %dma_start3A_148 = arith.constant 0 : i32
    %dma_start3A_149 = tpu.memref_slice %dma_start3A_147[%dma_start3A_135, %dma_start3A_148] : memref<8x128xi32, #tpu.memory_space<vmem>> -> memref<1x128xi32, #tpu.memory_space<vmem>>
    %dma_start3A_150 = tpu.memref_squeeze %dma_start3A_149 : memref<1x128xi32, #tpu.memory_space<vmem>> -> memref<128xi32, #tpu.memory_space<vmem>>
    %dma_start3A_151 = arith.constant 0 : i32
    %dma_start3A_152 = arith.constant 0 : i32
    %dma_start3A_153 = tpu.memref_slice %arg2[%dma_start3A_151, %dma_start3A_152] : memref<10640x32xf32, #tpu.memory_space<hbm>> -> memref<10640x32xf32, #tpu.memory_space<hbm>>
    tpu.enqueue_indirect_dma source(%dma_start3A_153 : memref<10640x32xf32, #tpu.memory_space<hbm>>) target(%dma_start3A_143 : memref<128x32xf32, #tpu.memory_space<vmem>>) offsets(%dma_start3A_150 : memref<128xi32, #tpu.memory_space<vmem>>) semaphore(%arg12 : memref<!tpu.dma_semaphore, #tpu.memory_space<semaphore_mem>>)
    %dma_start3A_154 = arith.constant 0 : i32
    %dma_start3A_155 = arith.constant 5 : i32
    %dma_start3A_156 = arith.constant 0 : i32
    %dma_start3A_157 = arith.constant 0 : i32
    %dma_start3A_158 = arith.constant 0 : i32
    %dma_start3A_159 = tpu.memref_slice %arg8[%dma_start3A_156, %dma_start3A_157, %dma_start3A_158] : memref<2x1024x32xf32, #tpu.memory_space<vmem>> -> memref<1x1024x32xf32, #tpu.memory_space<vmem>>
    %dma_start3A_160 = tpu.memref_squeeze %dma_start3A_159 : memref<1x1024x32xf32, #tpu.memory_space<vmem>> -> memref<1024x32xf32, #tpu.memory_space<vmem>>
    %dma_start3A_161 = arith.constant 640 : i32
    %dma_start3A_162 = arith.constant 0 : i32
    %dma_start3A_163 = tpu.memref_slice %dma_start3A_160[%dma_start3A_161, %dma_start3A_162] : memref<1024x32xf32, #tpu.memory_space<vmem>> -> memref<128x32xf32, #tpu.memory_space<vmem>>
    %dma_start3A_164 = arith.constant 0 : i32
    %dma_start3A_165 = arith.constant 0 : i32
    %dma_start3A_166 = tpu.memref_slice %arg6[%dma_start3A_154, %dma_start3A_164, %dma_start3A_165] : memref<2x8x128xi32, #tpu.memory_space<vmem>> -> memref<1x8x128xi32, #tpu.memory_space<vmem>>
    %dma_start3A_167 = tpu.memref_squeeze %dma_start3A_166 : memref<1x8x128xi32, #tpu.memory_space<vmem>> -> memref<8x128xi32, #tpu.memory_space<vmem>>
    %dma_start3A_168 = arith.constant 0 : i32
    %dma_start3A_169 = tpu.memref_slice %dma_start3A_167[%dma_start3A_155, %dma_start3A_168] : memref<8x128xi32, #tpu.memory_space<vmem>> -> memref<1x128xi32, #tpu.memory_space<vmem>>
    %dma_start3A_170 = tpu.memref_squeeze %dma_start3A_169 : memref<1x128xi32, #tpu.memory_space<vmem>> -> memref<128xi32, #tpu.memory_space<vmem>>
    %dma_start3A_171 = arith.constant 0 : i32
    %dma_start3A_172 = arith.constant 0 : i32
    %dma_start3A_173 = tpu.memref_slice %arg2[%dma_start3A_171, %dma_start3A_172] : memref<10640x32xf32, #tpu.memory_space<hbm>> -> memref<10640x32xf32, #tpu.memory_space<hbm>>
    tpu.enqueue_indirect_dma source(%dma_start3A_173 : memref<10640x32xf32, #tpu.memory_space<hbm>>) target(%dma_start3A_163 : memref<128x32xf32, #tpu.memory_space<vmem>>) offsets(%dma_start3A_170 : memref<128xi32, #tpu.memory_space<vmem>>) semaphore(%arg12 : memref<!tpu.dma_semaphore, #tpu.memory_space<semaphore_mem>>)
    %dma_start3A_174 = arith.constant 0 : i32
    %dma_start3A_175 = arith.constant 6 : i32
    %dma_start3A_176 = arith.constant 0 : i32
    %dma_start3A_177 = arith.constant 0 : i32
    %dma_start3A_178 = arith.constant 0 : i32
    %dma_start3A_179 = tpu.memref_slice %arg8[%dma_start3A_176, %dma_start3A_177, %dma_start3A_178] : memref<2x1024x32xf32, #tpu.memory_space<vmem>> -> memref<1x1024x32xf32, #tpu.memory_space<vmem>>
    %dma_start3A_180 = tpu.memref_squeeze %dma_start3A_179 : memref<1x1024x32xf32, #tpu.memory_space<vmem>> -> memref<1024x32xf32, #tpu.memory_space<vmem>>
    %dma_start3A_181 = arith.constant 768 : i32
    %dma_start3A_182 = arith.constant 0 : i32
    %dma_start3A_183 = tpu.memref_slice %dma_start3A_180[%dma_start3A_181, %dma_start3A_182] : memref<1024x32xf32, #tpu.memory_space<vmem>> -> memref<128x32xf32, #tpu.memory_space<vmem>>
    %dma_start3A_184 = arith.constant 0 : i32
    %dma_start3A_185 = arith.constant 0 : i32
    %dma_start3A_186 = tpu.memref_slice %arg6[%dma_start3A_174, %dma_start3A_184, %dma_start3A_185] : memref<2x8x128xi32, #tpu.memory_space<vmem>> -> memref<1x8x128xi32, #tpu.memory_space<vmem>>
    %dma_start3A_187 = tpu.memref_squeeze %dma_start3A_186 : memref<1x8x128xi32, #tpu.memory_space<vmem>> -> memref<8x128xi32, #tpu.memory_space<vmem>>
    %dma_start3A_188 = arith.constant 0 : i32
    %dma_start3A_189 = tpu.memref_slice %dma_start3A_187[%dma_start3A_175, %dma_start3A_188] : memref<8x128xi32, #tpu.memory_space<vmem>> -> memref<1x128xi32, #tpu.memory_space<vmem>>
    %dma_start3A_190 = tpu.memref_squeeze %dma_start3A_189 : memref<1x128xi32, #tpu.memory_space<vmem>> -> memref<128xi32, #tpu.memory_space<vmem>>
    %dma_start3A_191 = arith.constant 0 : i32
    %dma_start3A_192 = arith.constant 0 : i32
    %dma_start3A_193 = tpu.memref_slice %arg2[%dma_start3A_191, %dma_start3A_192] : memref<10640x32xf32, #tpu.memory_space<hbm>> -> memref<10640x32xf32, #tpu.memory_space<hbm>>
    tpu.enqueue_indirect_dma source(%dma_start3A_193 : memref<10640x32xf32, #tpu.memory_space<hbm>>) target(%dma_start3A_183 : memref<128x32xf32, #tpu.memory_space<vmem>>) offsets(%dma_start3A_190 : memref<128xi32, #tpu.memory_space<vmem>>) semaphore(%arg12 : memref<!tpu.dma_semaphore, #tpu.memory_space<semaphore_mem>>)
    %dma_start3A_194 = arith.constant 0 : i32
    %dma_start3A_195 = arith.constant 7 : i32
    %dma_start3A_196 = arith.constant 0 : i32
    %dma_start3A_197 = arith.constant 0 : i32
    %dma_start3A_198 = arith.constant 0 : i32
    %dma_start3A_199 = tpu.memref_slice %arg8[%dma_start3A_196, %dma_start3A_197, %dma_start3A_198] : memref<2x1024x32xf32, #tpu.memory_space<vmem>> -> memref<1x1024x32xf32, #tpu.memory_space<vmem>>
    %dma_start3A_200 = tpu.memref_squeeze %dma_start3A_199 : memref<1x1024x32xf32, #tpu.memory_space<vmem>> -> memref<1024x32xf32, #tpu.memory_space<vmem>>
    %dma_start3A_201 = arith.constant 896 : i32
    %dma_start3A_202 = arith.constant 0 : i32
    %dma_start3A_203 = tpu.memref_slice %dma_start3A_200[%dma_start3A_201, %dma_start3A_202] : memref<1024x32xf32, #tpu.memory_space<vmem>> -> memref<128x32xf32, #tpu.memory_space<vmem>>
    %dma_start3A_204 = arith.constant 0 : i32
    %dma_start3A_205 = arith.constant 0 : i32
    %dma_start3A_206 = tpu.memref_slice %arg6[%dma_start3A_194, %dma_start3A_204, %dma_start3A_205] : memref<2x8x128xi32, #tpu.memory_space<vmem>> -> memref<1x8x128xi32, #tpu.memory_space<vmem>>
    %dma_start3A_207 = tpu.memref_squeeze %dma_start3A_206 : memref<1x8x128xi32, #tpu.memory_space<vmem>> -> memref<8x128xi32, #tpu.memory_space<vmem>>
    %dma_start3A_208 = arith.constant 0 : i32
    %dma_start3A_209 = tpu.memref_slice %dma_start3A_207[%dma_start3A_195, %dma_start3A_208] : memref<8x128xi32, #tpu.memory_space<vmem>> -> memref<1x128xi32, #tpu.memory_space<vmem>>
    %dma_start3A_210 = tpu.memref_squeeze %dma_start3A_209 : memref<1x128xi32, #tpu.memory_space<vmem>> -> memref<128xi32, #tpu.memory_space<vmem>>
    %dma_start3A_211 = arith.constant 0 : i32
    %dma_start3A_212 = arith.constant 0 : i32
    %dma_start3A_213 = tpu.memref_slice %arg2[%dma_start3A_211, %dma_start3A_212] : memref<10640x32xf32, #tpu.memory_space<hbm>> -> memref<10640x32xf32, #tpu.memory_space<hbm>>
    tpu.enqueue_indirect_dma source(%dma_start3A_213 : memref<10640x32xf32, #tpu.memory_space<hbm>>) target(%dma_start3A_203 : memref<128x32xf32, #tpu.memory_space<vmem>>) offsets(%dma_start3A_210 : memref<128xi32, #tpu.memory_space<vmem>>) semaphore(%arg12 : memref<!tpu.dma_semaphore, #tpu.memory_space<semaphore_mem>>)
    %add3A_214 = arith.constant 8 : i32
    %add3A_215 = arith.addi %mul3A_2, %add3A_214 : i32
    %mul3A_216 = arith.constant 128 : i32
    %mul3A_217 = arith.muli %add3A_215, %mul3A_216 : i32
    %multiple_of3A_218 = tpu.assume_multiple %mul3A_217, 1024 : i32
    %dma_start3A_219 = arith.constant 1 : i32
    %dma_start3A_220 = arith.constant 0 : i32
    %dma_start3A_221 = arith.constant 0 : i32
    %dma_start3A_222 = tpu.memref_slice %arg6[%dma_start3A_219, %dma_start3A_220, %dma_start3A_221] : memref<2x8x128xi32, #tpu.memory_space<vmem>> -> memref<1x8x128xi32, #tpu.memory_space<vmem>>
    %dma_start3A_223 = tpu.memref_squeeze %dma_start3A_222 : memref<1x8x128xi32, #tpu.memory_space<vmem>> -> memref<8x128xi32, #tpu.memory_space<vmem>>
    %dma_start3A_224 = arith.constant 0 : i32
    %dma_start3A_225 = tpu.memref_slice %arg3[%add3A_215, %dma_start3A_224] : memref<4096x128xi32, #tpu.memory_space<hbm>> -> memref<8x128xi32, #tpu.memory_space<hbm>>
    %dma_start3A_226 = arith.constant 0 : i32
    %dma_start3A_227 = arith.constant 0 : i32
    %dma_start3A_228 = tpu.memref_slice %arg6[%dma_start3A_219, %dma_start3A_226, %dma_start3A_227] : memref<2x8x128xi32, #tpu.memory_space<vmem>> -> memref<1x8x128xi32, #tpu.memory_space<vmem>>
    %dma_start3A_229 = tpu.memref_squeeze %dma_start3A_228 : memref<1x8x128xi32, #tpu.memory_space<vmem>> -> memref<8x128xi32, #tpu.memory_space<vmem>>
    %dma_start3A_230 = arith.constant 0 : i32
    %dma_start3A_231 = tpu.memref_slice %arg3[%add3A_215, %dma_start3A_230] : memref<4096x128xi32, #tpu.memory_space<hbm>> -> memref<8x128xi32, #tpu.memory_space<hbm>>
    tpu.enqueue_dma source(%dma_start3A_231 : memref<8x128xi32, #tpu.memory_space<hbm>>) target(%dma_start3A_229 : memref<8x128xi32, #tpu.memory_space<vmem>>) target_semaphore(%arg11 : memref<!tpu.dma_semaphore, #tpu.memory_space<semaphore_mem>>)
    %dma_start3A_232 = arith.constant 1 : i32
    %dma_start3A_233 = arith.constant 0 : i32
    %dma_start3A_234 = tpu.memref_slice %arg7[%dma_start3A_232, %dma_start3A_233] : memref<2x1024xf32, #tpu.memory_space<vmem>> -> memref<1x1024xf32, #tpu.memory_space<vmem>>
    %dma_start3A_235 = tpu.memref_squeeze %dma_start3A_234 : memref<1x1024xf32, #tpu.memory_space<vmem>> -> memref<1024xf32, #tpu.memory_space<vmem>>
    %dma_start3A_236 = tpu.memref_slice %arg4[%multiple_of3A_218] : memref<524288xf32, #tpu.memory_space<hbm>> -> memref<1024xf32, #tpu.memory_space<hbm>>
    %dma_start3A_237 = arith.constant 0 : i32
    %dma_start3A_238 = tpu.memref_slice %arg7[%dma_start3A_232, %dma_start3A_237] : memref<2x1024xf32, #tpu.memory_space<vmem>> -> memref<1x1024xf32, #tpu.memory_space<vmem>>
    %dma_start3A_239 = tpu.memref_squeeze %dma_start3A_238 : memref<1x1024xf32, #tpu.memory_space<vmem>> -> memref<1024xf32, #tpu.memory_space<vmem>>
    %dma_start3A_240 = tpu.memref_slice %arg4[%multiple_of3A_218] : memref<524288xf32, #tpu.memory_space<hbm>> -> memref<1024xf32, #tpu.memory_space<hbm>>
    tpu.enqueue_dma source(%dma_start3A_240 : memref<1024xf32, #tpu.memory_space<hbm>>) target(%dma_start3A_239 : memref<1024xf32, #tpu.memory_space<vmem>>) target_semaphore(%arg11 : memref<!tpu.dma_semaphore, #tpu.memory_space<semaphore_mem>>)
    %scan3A = arith.constant 0 : i32
    %scan3A_241 = arith.constant 0 : i32
    %scan3A_242 = arith.constant 8 : i32
    %scan3A_243 = arith.addi %scan3A_241, %scan3A_242 : i32
    %scan3A_244 = arith.constant 1 : i32
    scf.for %scan3A_262 = %scan3A_241 to %scan3A_243 step %scan3A_244  : i32 {
      %mul3A_263 = arith.constant 2 : i32
      %mul3A_264 = arith.muli %scan3A_262, %mul3A_263 : i32
      %add3A_265 = arith.constant 0 : i32
      %add3A_266 = arith.addi %mul3A_264, %add3A_265 : i32
      %add3A_267 = arith.constant 1 : i32
      %add3A_268 = arith.addi %add3A_266, %add3A_267 : i32
      %le3A = arith.constant 15 : i32
      %le3A_269 = arith.cmpi sle, %add3A_268, %le3A : i32
      %convert_element_type3A = arith.extui %le3A_269 : i1 to i32
      %cond3A = arith.constant 0 : i32
      %cond3A_270 = arith.cmpi ne, %convert_element_type3A, %cond3A : i32
      scf.if %cond3A_270 {
        %add3A_670 = arith.constant 1 : i32
        %add3A_671 = arith.addi %add3A_266, %add3A_670 : i32
        %mul3A_672 = arith.constant 8 : i32
        %mul3A_673 = arith.muli %add3A_671, %mul3A_672 : i32
        %add3A_674 = arith.addi %mul3A_2, %mul3A_673 : i32
        %mul3A_675 = arith.constant 128 : i32
        %mul3A_676 = arith.muli %add3A_674, %mul3A_675 : i32
        %multiple_of3A_677 = tpu.assume_multiple %mul3A_676, 1024 : i32
        %dma_wait3A_678 = arith.constant 1 : i32
        %dma_wait3A_679 = arith.constant 0 : i32
        %dma_wait3A_680 = arith.constant 0 : i32
        %dma_wait3A_681 = tpu.memref_slice %arg6[%dma_wait3A_678, %dma_wait3A_679, %dma_wait3A_680] : memref<2x8x128xi32, #tpu.memory_space<vmem>> -> memref<1x8x128xi32, #tpu.memory_space<vmem>>
        %dma_wait3A_682 = tpu.memref_squeeze %dma_wait3A_681 : memref<1x8x128xi32, #tpu.memory_space<vmem>> -> memref<8x128xi32, #tpu.memory_space<vmem>>
        %dma_wait3A_683 = arith.constant 0 : i32
        %dma_wait3A_684 = tpu.memref_slice %arg3[%add3A_674, %dma_wait3A_683] : memref<4096x128xi32, #tpu.memory_space<hbm>> -> memref<8x128xi32, #tpu.memory_space<hbm>>
        %dma_wait3A_685 = arith.constant 0 : i32
        %dma_wait3A_686 = arith.constant 0 : i32
        %dma_wait3A_687 = tpu.memref_slice %arg6[%dma_wait3A_678, %dma_wait3A_685, %dma_wait3A_686] : memref<2x8x128xi32, #tpu.memory_space<vmem>> -> memref<1x8x128xi32, #tpu.memory_space<vmem>>
        %dma_wait3A_688 = tpu.memref_squeeze %dma_wait3A_687 : memref<1x8x128xi32, #tpu.memory_space<vmem>> -> memref<8x128xi32, #tpu.memory_space<vmem>>
        %dma_wait3A_689 = arith.constant 0 : i32
        %dma_wait3A_690 = tpu.memref_slice %arg3[%add3A_674, %dma_wait3A_689] : memref<4096x128xi32, #tpu.memory_space<hbm>> -> memref<8x128xi32, #tpu.memory_space<hbm>>
        tpu.wait_dma2 semaphore(%arg11 : memref<!tpu.dma_semaphore, #tpu.memory_space<semaphore_mem>>) src(%dma_wait3A_690 : memref<8x128xi32, #tpu.memory_space<hbm>>) dst(%dma_wait3A_688 : memref<8x128xi32, #tpu.memory_space<vmem>>)
        %dma_wait3A_691 = arith.constant 1 : i32
        %dma_wait3A_692 = arith.constant 0 : i32
        %dma_wait3A_693 = tpu.memref_slice %arg7[%dma_wait3A_691, %dma_wait3A_692] : memref<2x1024xf32, #tpu.memory_space<vmem>> -> memref<1x1024xf32, #tpu.memory_space<vmem>>
        %dma_wait3A_694 = tpu.memref_squeeze %dma_wait3A_693 : memref<1x1024xf32, #tpu.memory_space<vmem>> -> memref<1024xf32, #tpu.memory_space<vmem>>
        %dma_wait3A_695 = tpu.memref_slice %arg4[%multiple_of3A_677] : memref<524288xf32, #tpu.memory_space<hbm>> -> memref<1024xf32, #tpu.memory_space<hbm>>
        %dma_wait3A_696 = arith.constant 0 : i32
        %dma_wait3A_697 = tpu.memref_slice %arg7[%dma_wait3A_691, %dma_wait3A_696] : memref<2x1024xf32, #tpu.memory_space<vmem>> -> memref<1x1024xf32, #tpu.memory_space<vmem>>
        %dma_wait3A_698 = tpu.memref_squeeze %dma_wait3A_697 : memref<1x1024xf32, #tpu.memory_space<vmem>> -> memref<1024xf32, #tpu.memory_space<vmem>>
        %dma_wait3A_699 = tpu.memref_slice %arg4[%multiple_of3A_677] : memref<524288xf32, #tpu.memory_space<hbm>> -> memref<1024xf32, #tpu.memory_space<hbm>>
        tpu.wait_dma2 semaphore(%arg11 : memref<!tpu.dma_semaphore, #tpu.memory_space<semaphore_mem>>) src(%dma_wait3A_699 : memref<1024xf32, #tpu.memory_space<hbm>>) dst(%dma_wait3A_698 : memref<1024xf32, #tpu.memory_space<vmem>>)
        %dma_start3A_700 = arith.constant 1 : i32
        %dma_start3A_701 = arith.constant 0 : i32
        %dma_start3A_702 = arith.constant 1 : i32
        %dma_start3A_703 = arith.constant 0 : i32
        %dma_start3A_704 = arith.constant 0 : i32
        %dma_start3A_705 = tpu.memref_slice %arg8[%dma_start3A_702, %dma_start3A_703, %dma_start3A_704] : memref<2x1024x32xf32, #tpu.memory_space<vmem>> -> memref<1x1024x32xf32, #tpu.memory_space<vmem>>
        %dma_start3A_706 = tpu.memref_squeeze %dma_start3A_705 : memref<1x1024x32xf32, #tpu.memory_space<vmem>> -> memref<1024x32xf32, #tpu.memory_space<vmem>>
        %dma_start3A_707 = arith.constant 0 : i32
        %dma_start3A_708 = arith.constant 0 : i32
        %dma_start3A_709 = tpu.memref_slice %dma_start3A_706[%dma_start3A_707, %dma_start3A_708] : memref<1024x32xf32, #tpu.memory_space<vmem>> -> memref<128x32xf32, #tpu.memory_space<vmem>>
        %dma_start3A_710 = arith.constant 0 : i32
        %dma_start3A_711 = arith.constant 0 : i32
        %dma_start3A_712 = tpu.memref_slice %arg6[%dma_start3A_700, %dma_start3A_710, %dma_start3A_711] : memref<2x8x128xi32, #tpu.memory_space<vmem>> -> memref<1x8x128xi32, #tpu.memory_space<vmem>>
        %dma_start3A_713 = tpu.memref_squeeze %dma_start3A_712 : memref<1x8x128xi32, #tpu.memory_space<vmem>> -> memref<8x128xi32, #tpu.memory_space<vmem>>
        %dma_start3A_714 = arith.constant 0 : i32
        %dma_start3A_715 = tpu.memref_slice %dma_start3A_713[%dma_start3A_701, %dma_start3A_714] : memref<8x128xi32, #tpu.memory_space<vmem>> -> memref<1x128xi32, #tpu.memory_space<vmem>>
        %dma_start3A_716 = tpu.memref_squeeze %dma_start3A_715 : memref<1x128xi32, #tpu.memory_space<vmem>> -> memref<128xi32, #tpu.memory_space<vmem>>
        %dma_start3A_717 = arith.constant 0 : i32
        %dma_start3A_718 = arith.constant 0 : i32
        %dma_start3A_719 = tpu.memref_slice %arg2[%dma_start3A_717, %dma_start3A_718] : memref<10640x32xf32, #tpu.memory_space<hbm>> -> memref<10640x32xf32, #tpu.memory_space<hbm>>
        tpu.enqueue_indirect_dma source(%dma_start3A_719 : memref<10640x32xf32, #tpu.memory_space<hbm>>) target(%dma_start3A_709 : memref<128x32xf32, #tpu.memory_space<vmem>>) offsets(%dma_start3A_716 : memref<128xi32, #tpu.memory_space<vmem>>) semaphore(%arg13 : memref<!tpu.dma_semaphore, #tpu.memory_space<semaphore_mem>>)
        %dma_start3A_720 = arith.constant 1 : i32
        %dma_start3A_721 = arith.constant 1 : i32
        %dma_start3A_722 = arith.constant 1 : i32
        %dma_start3A_723 = arith.constant 0 : i32
        %dma_start3A_724 = arith.constant 0 : i32
        %dma_start3A_725 = tpu.memref_slice %arg8[%dma_start3A_722, %dma_start3A_723, %dma_start3A_724] : memref<2x1024x32xf32, #tpu.memory_space<vmem>> -> memref<1x1024x32xf32, #tpu.memory_space<vmem>>
        %dma_start3A_726 = tpu.memref_squeeze %dma_start3A_725 : memref<1x1024x32xf32, #tpu.memory_space<vmem>> -> memref<1024x32xf32, #tpu.memory_space<vmem>>
        %dma_start3A_727 = arith.constant 128 : i32
        %dma_start3A_728 = arith.constant 0 : i32
        %dma_start3A_729 = tpu.memref_slice %dma_start3A_726[%dma_start3A_727, %dma_start3A_728] : memref<1024x32xf32, #tpu.memory_space<vmem>> -> memref<128x32xf32, #tpu.memory_space<vmem>>
        %dma_start3A_730 = arith.constant 0 : i32
        %dma_start3A_731 = arith.constant 0 : i32
        %dma_start3A_732 = tpu.memref_slice %arg6[%dma_start3A_720, %dma_start3A_730, %dma_start3A_731] : memref<2x8x128xi32, #tpu.memory_space<vmem>> -> memref<1x8x128xi32, #tpu.memory_space<vmem>>
        %dma_start3A_733 = tpu.memref_squeeze %dma_start3A_732 : memref<1x8x128xi32, #tpu.memory_space<vmem>> -> memref<8x128xi32, #tpu.memory_space<vmem>>
        %dma_start3A_734 = arith.constant 0 : i32
        %dma_start3A_735 = tpu.memref_slice %dma_start3A_733[%dma_start3A_721, %dma_start3A_734] : memref<8x128xi32, #tpu.memory_space<vmem>> -> memref<1x128xi32, #tpu.memory_space<vmem>>
        %dma_start3A_736 = tpu.memref_squeeze %dma_start3A_735 : memref<1x128xi32, #tpu.memory_space<vmem>> -> memref<128xi32, #tpu.memory_space<vmem>>
        %dma_start3A_737 = arith.constant 0 : i32
        %dma_start3A_738 = arith.constant 0 : i32
        %dma_start3A_739 = tpu.memref_slice %arg2[%dma_start3A_737, %dma_start3A_738] : memref<10640x32xf32, #tpu.memory_space<hbm>> -> memref<10640x32xf32, #tpu.memory_space<hbm>>
        tpu.enqueue_indirect_dma source(%dma_start3A_739 : memref<10640x32xf32, #tpu.memory_space<hbm>>) target(%dma_start3A_729 : memref<128x32xf32, #tpu.memory_space<vmem>>) offsets(%dma_start3A_736 : memref<128xi32, #tpu.memory_space<vmem>>) semaphore(%arg13 : memref<!tpu.dma_semaphore, #tpu.memory_space<semaphore_mem>>)
        %dma_start3A_740 = arith.constant 1 : i32
        %dma_start3A_741 = arith.constant 2 : i32
        %dma_start3A_742 = arith.constant 1 : i32
        %dma_start3A_743 = arith.constant 0 : i32
        %dma_start3A_744 = arith.constant 0 : i32
        %dma_start3A_745 = tpu.memref_slice %arg8[%dma_start3A_742, %dma_start3A_743, %dma_start3A_744] : memref<2x1024x32xf32, #tpu.memory_space<vmem>> -> memref<1x1024x32xf32, #tpu.memory_space<vmem>>
        %dma_start3A_746 = tpu.memref_squeeze %dma_start3A_745 : memref<1x1024x32xf32, #tpu.memory_space<vmem>> -> memref<1024x32xf32, #tpu.memory_space<vmem>>
        %dma_start3A_747 = arith.constant 256 : i32
        %dma_start3A_748 = arith.constant 0 : i32
        %dma_start3A_749 = tpu.memref_slice %dma_start3A_746[%dma_start3A_747, %dma_start3A_748] : memref<1024x32xf32, #tpu.memory_space<vmem>> -> memref<128x32xf32, #tpu.memory_space<vmem>>
        %dma_start3A_750 = arith.constant 0 : i32
        %dma_start3A_751 = arith.constant 0 : i32
        %dma_start3A_752 = tpu.memref_slice %arg6[%dma_start3A_740, %dma_start3A_750, %dma_start3A_751] : memref<2x8x128xi32, #tpu.memory_space<vmem>> -> memref<1x8x128xi32, #tpu.memory_space<vmem>>
        %dma_start3A_753 = tpu.memref_squeeze %dma_start3A_752 : memref<1x8x128xi32, #tpu.memory_space<vmem>> -> memref<8x128xi32, #tpu.memory_space<vmem>>
        %dma_start3A_754 = arith.constant 0 : i32
        %dma_start3A_755 = tpu.memref_slice %dma_start3A_753[%dma_start3A_741, %dma_start3A_754] : memref<8x128xi32, #tpu.memory_space<vmem>> -> memref<1x128xi32, #tpu.memory_space<vmem>>
        %dma_start3A_756 = tpu.memref_squeeze %dma_start3A_755 : memref<1x128xi32, #tpu.memory_space<vmem>> -> memref<128xi32, #tpu.memory_space<vmem>>
        %dma_start3A_757 = arith.constant 0 : i32
        %dma_start3A_758 = arith.constant 0 : i32
        %dma_start3A_759 = tpu.memref_slice %arg2[%dma_start3A_757, %dma_start3A_758] : memref<10640x32xf32, #tpu.memory_space<hbm>> -> memref<10640x32xf32, #tpu.memory_space<hbm>>
        tpu.enqueue_indirect_dma source(%dma_start3A_759 : memref<10640x32xf32, #tpu.memory_space<hbm>>) target(%dma_start3A_749 : memref<128x32xf32, #tpu.memory_space<vmem>>) offsets(%dma_start3A_756 : memref<128xi32, #tpu.memory_space<vmem>>) semaphore(%arg13 : memref<!tpu.dma_semaphore, #tpu.memory_space<semaphore_mem>>)
        %dma_start3A_760 = arith.constant 1 : i32
        %dma_start3A_761 = arith.constant 3 : i32
        %dma_start3A_762 = arith.constant 1 : i32
        %dma_start3A_763 = arith.constant 0 : i32
        %dma_start3A_764 = arith.constant 0 : i32
        %dma_start3A_765 = tpu.memref_slice %arg8[%dma_start3A_762, %dma_start3A_763, %dma_start3A_764] : memref<2x1024x32xf32, #tpu.memory_space<vmem>> -> memref<1x1024x32xf32, #tpu.memory_space<vmem>>
        %dma_start3A_766 = tpu.memref_squeeze %dma_start3A_765 : memref<1x1024x32xf32, #tpu.memory_space<vmem>> -> memref<1024x32xf32, #tpu.memory_space<vmem>>
        %dma_start3A_767 = arith.constant 384 : i32
        %dma_start3A_768 = arith.constant 0 : i32
        %dma_start3A_769 = tpu.memref_slice %dma_start3A_766[%dma_start3A_767, %dma_start3A_768] : memref<1024x32xf32, #tpu.memory_space<vmem>> -> memref<128x32xf32, #tpu.memory_space<vmem>>
        %dma_start3A_770 = arith.constant 0 : i32
        %dma_start3A_771 = arith.constant 0 : i32
        %dma_start3A_772 = tpu.memref_slice %arg6[%dma_start3A_760, %dma_start3A_770, %dma_start3A_771] : memref<2x8x128xi32, #tpu.memory_space<vmem>> -> memref<1x8x128xi32, #tpu.memory_space<vmem>>
        %dma_start3A_773 = tpu.memref_squeeze %dma_start3A_772 : memref<1x8x128xi32, #tpu.memory_space<vmem>> -> memref<8x128xi32, #tpu.memory_space<vmem>>
        %dma_start3A_774 = arith.constant 0 : i32
        %dma_start3A_775 = tpu.memref_slice %dma_start3A_773[%dma_start3A_761, %dma_start3A_774] : memref<8x128xi32, #tpu.memory_space<vmem>> -> memref<1x128xi32, #tpu.memory_space<vmem>>
        %dma_start3A_776 = tpu.memref_squeeze %dma_start3A_775 : memref<1x128xi32, #tpu.memory_space<vmem>> -> memref<128xi32, #tpu.memory_space<vmem>>
        %dma_start3A_777 = arith.constant 0 : i32
        %dma_start3A_778 = arith.constant 0 : i32
        %dma_start3A_779 = tpu.memref_slice %arg2[%dma_start3A_777, %dma_start3A_778] : memref<10640x32xf32, #tpu.memory_space<hbm>> -> memref<10640x32xf32, #tpu.memory_space<hbm>>
        tpu.enqueue_indirect_dma source(%dma_start3A_779 : memref<10640x32xf32, #tpu.memory_space<hbm>>) target(%dma_start3A_769 : memref<128x32xf32, #tpu.memory_space<vmem>>) offsets(%dma_start3A_776 : memref<128xi32, #tpu.memory_space<vmem>>) semaphore(%arg13 : memref<!tpu.dma_semaphore, #tpu.memory_space<semaphore_mem>>)
        %dma_start3A_780 = arith.constant 1 : i32
        %dma_start3A_781 = arith.constant 4 : i32
        %dma_start3A_782 = arith.constant 1 : i32
        %dma_start3A_783 = arith.constant 0 : i32
        %dma_start3A_784 = arith.constant 0 : i32
        %dma_start3A_785 = tpu.memref_slice %arg8[%dma_start3A_782, %dma_start3A_783, %dma_start3A_784] : memref<2x1024x32xf32, #tpu.memory_space<vmem>> -> memref<1x1024x32xf32, #tpu.memory_space<vmem>>
        %dma_start3A_786 = tpu.memref_squeeze %dma_start3A_785 : memref<1x1024x32xf32, #tpu.memory_space<vmem>> -> memref<1024x32xf32, #tpu.memory_space<vmem>>
        %dma_start3A_787 = arith.constant 512 : i32
        %dma_start3A_788 = arith.constant 0 : i32
        %dma_start3A_789 = tpu.memref_slice %dma_start3A_786[%dma_start3A_787, %dma_start3A_788] : memref<1024x32xf32, #tpu.memory_space<vmem>> -> memref<128x32xf32, #tpu.memory_space<vmem>>
        %dma_start3A_790 = arith.constant 0 : i32
        %dma_start3A_791 = arith.constant 0 : i32
        %dma_start3A_792 = tpu.memref_slice %arg6[%dma_start3A_780, %dma_start3A_790, %dma_start3A_791] : memref<2x8x128xi32, #tpu.memory_space<vmem>> -> memref<1x8x128xi32, #tpu.memory_space<vmem>>
        %dma_start3A_793 = tpu.memref_squeeze %dma_start3A_792 : memref<1x8x128xi32, #tpu.memory_space<vmem>> -> memref<8x128xi32, #tpu.memory_space<vmem>>
        %dma_start3A_794 = arith.constant 0 : i32
        %dma_start3A_795 = tpu.memref_slice %dma_start3A_793[%dma_start3A_781, %dma_start3A_794] : memref<8x128xi32, #tpu.memory_space<vmem>> -> memref<1x128xi32, #tpu.memory_space<vmem>>
        %dma_start3A_796 = tpu.memref_squeeze %dma_start3A_795 : memref<1x128xi32, #tpu.memory_space<vmem>> -> memref<128xi32, #tpu.memory_space<vmem>>
        %dma_start3A_797 = arith.constant 0 : i32
        %dma_start3A_798 = arith.constant 0 : i32
        %dma_start3A_799 = tpu.memref_slice %arg2[%dma_start3A_797, %dma_start3A_798] : memref<10640x32xf32, #tpu.memory_space<hbm>> -> memref<10640x32xf32, #tpu.memory_space<hbm>>
        tpu.enqueue_indirect_dma source(%dma_start3A_799 : memref<10640x32xf32, #tpu.memory_space<hbm>>) target(%dma_start3A_789 : memref<128x32xf32, #tpu.memory_space<vmem>>) offsets(%dma_start3A_796 : memref<128xi32, #tpu.memory_space<vmem>>) semaphore(%arg13 : memref<!tpu.dma_semaphore, #tpu.memory_space<semaphore_mem>>)
        %dma_start3A_800 = arith.constant 1 : i32
        %dma_start3A_801 = arith.constant 5 : i32
        %dma_start3A_802 = arith.constant 1 : i32
        %dma_start3A_803 = arith.constant 0 : i32
        %dma_start3A_804 = arith.constant 0 : i32
        %dma_start3A_805 = tpu.memref_slice %arg8[%dma_start3A_802, %dma_start3A_803, %dma_start3A_804] : memref<2x1024x32xf32, #tpu.memory_space<vmem>> -> memref<1x1024x32xf32, #tpu.memory_space<vmem>>
        %dma_start3A_806 = tpu.memref_squeeze %dma_start3A_805 : memref<1x1024x32xf32, #tpu.memory_space<vmem>> -> memref<1024x32xf32, #tpu.memory_space<vmem>>
        %dma_start3A_807 = arith.constant 640 : i32
        %dma_start3A_808 = arith.constant 0 : i32
        %dma_start3A_809 = tpu.memref_slice %dma_start3A_806[%dma_start3A_807, %dma_start3A_808] : memref<1024x32xf32, #tpu.memory_space<vmem>> -> memref<128x32xf32, #tpu.memory_space<vmem>>
        %dma_start3A_810 = arith.constant 0 : i32
        %dma_start3A_811 = arith.constant 0 : i32
        %dma_start3A_812 = tpu.memref_slice %arg6[%dma_start3A_800, %dma_start3A_810, %dma_start3A_811] : memref<2x8x128xi32, #tpu.memory_space<vmem>> -> memref<1x8x128xi32, #tpu.memory_space<vmem>>
        %dma_start3A_813 = tpu.memref_squeeze %dma_start3A_812 : memref<1x8x128xi32, #tpu.memory_space<vmem>> -> memref<8x128xi32, #tpu.memory_space<vmem>>
        %dma_start3A_814 = arith.constant 0 : i32
        %dma_start3A_815 = tpu.memref_slice %dma_start3A_813[%dma_start3A_801, %dma_start3A_814] : memref<8x128xi32, #tpu.memory_space<vmem>> -> memref<1x128xi32, #tpu.memory_space<vmem>>
        %dma_start3A_816 = tpu.memref_squeeze %dma_start3A_815 : memref<1x128xi32, #tpu.memory_space<vmem>> -> memref<128xi32, #tpu.memory_space<vmem>>
        %dma_start3A_817 = arith.constant 0 : i32
        %dma_start3A_818 = arith.constant 0 : i32
        %dma_start3A_819 = tpu.memref_slice %arg2[%dma_start3A_817, %dma_start3A_818] : memref<10640x32xf32, #tpu.memory_space<hbm>> -> memref<10640x32xf32, #tpu.memory_space<hbm>>
        tpu.enqueue_indirect_dma source(%dma_start3A_819 : memref<10640x32xf32, #tpu.memory_space<hbm>>) target(%dma_start3A_809 : memref<128x32xf32, #tpu.memory_space<vmem>>) offsets(%dma_start3A_816 : memref<128xi32, #tpu.memory_space<vmem>>) semaphore(%arg13 : memref<!tpu.dma_semaphore, #tpu.memory_space<semaphore_mem>>)
        %dma_start3A_820 = arith.constant 1 : i32
        %dma_start3A_821 = arith.constant 6 : i32
        %dma_start3A_822 = arith.constant 1 : i32
        %dma_start3A_823 = arith.constant 0 : i32
        %dma_start3A_824 = arith.constant 0 : i32
        %dma_start3A_825 = tpu.memref_slice %arg8[%dma_start3A_822, %dma_start3A_823, %dma_start3A_824] : memref<2x1024x32xf32, #tpu.memory_space<vmem>> -> memref<1x1024x32xf32, #tpu.memory_space<vmem>>
        %dma_start3A_826 = tpu.memref_squeeze %dma_start3A_825 : memref<1x1024x32xf32, #tpu.memory_space<vmem>> -> memref<1024x32xf32, #tpu.memory_space<vmem>>
        %dma_start3A_827 = arith.constant 768 : i32
        %dma_start3A_828 = arith.constant 0 : i32
        %dma_start3A_829 = tpu.memref_slice %dma_start3A_826[%dma_start3A_827, %dma_start3A_828] : memref<1024x32xf32, #tpu.memory_space<vmem>> -> memref<128x32xf32, #tpu.memory_space<vmem>>
        %dma_start3A_830 = arith.constant 0 : i32
        %dma_start3A_831 = arith.constant 0 : i32
        %dma_start3A_832 = tpu.memref_slice %arg6[%dma_start3A_820, %dma_start3A_830, %dma_start3A_831] : memref<2x8x128xi32, #tpu.memory_space<vmem>> -> memref<1x8x128xi32, #tpu.memory_space<vmem>>
        %dma_start3A_833 = tpu.memref_squeeze %dma_start3A_832 : memref<1x8x128xi32, #tpu.memory_space<vmem>> -> memref<8x128xi32, #tpu.memory_space<vmem>>
        %dma_start3A_834 = arith.constant 0 : i32
        %dma_start3A_835 = tpu.memref_slice %dma_start3A_833[%dma_start3A_821, %dma_start3A_834] : memref<8x128xi32, #tpu.memory_space<vmem>> -> memref<1x128xi32, #tpu.memory_space<vmem>>
        %dma_start3A_836 = tpu.memref_squeeze %dma_start3A_835 : memref<1x128xi32, #tpu.memory_space<vmem>> -> memref<128xi32, #tpu.memory_space<vmem>>
        %dma_start3A_837 = arith.constant 0 : i32
        %dma_start3A_838 = arith.constant 0 : i32
        %dma_start3A_839 = tpu.memref_slice %arg2[%dma_start3A_837, %dma_start3A_838] : memref<10640x32xf32, #tpu.memory_space<hbm>> -> memref<10640x32xf32, #tpu.memory_space<hbm>>
        tpu.enqueue_indirect_dma source(%dma_start3A_839 : memref<10640x32xf32, #tpu.memory_space<hbm>>) target(%dma_start3A_829 : memref<128x32xf32, #tpu.memory_space<vmem>>) offsets(%dma_start3A_836 : memref<128xi32, #tpu.memory_space<vmem>>) semaphore(%arg13 : memref<!tpu.dma_semaphore, #tpu.memory_space<semaphore_mem>>)
        %dma_start3A_840 = arith.constant 1 : i32
        %dma_start3A_841 = arith.constant 7 : i32
        %dma_start3A_842 = arith.constant 1 : i32
        %dma_start3A_843 = arith.constant 0 : i32
        %dma_start3A_844 = arith.constant 0 : i32
        %dma_start3A_845 = tpu.memref_slice %arg8[%dma_start3A_842, %dma_start3A_843, %dma_start3A_844] : memref<2x1024x32xf32, #tpu.memory_space<vmem>> -> memref<1x1024x32xf32, #tpu.memory_space<vmem>>
        %dma_start3A_846 = tpu.memref_squeeze %dma_start3A_845 : memref<1x1024x32xf32, #tpu.memory_space<vmem>> -> memref<1024x32xf32, #tpu.memory_space<vmem>>
        %dma_start3A_847 = arith.constant 896 : i32
        %dma_start3A_848 = arith.constant 0 : i32
        %dma_start3A_849 = tpu.memref_slice %dma_start3A_846[%dma_start3A_847, %dma_start3A_848] : memref<1024x32xf32, #tpu.memory_space<vmem>> -> memref<128x32xf32, #tpu.memory_space<vmem>>
        %dma_start3A_850 = arith.constant 0 : i32
        %dma_start3A_851 = arith.constant 0 : i32
        %dma_start3A_852 = tpu.memref_slice %arg6[%dma_start3A_840, %dma_start3A_850, %dma_start3A_851] : memref<2x8x128xi32, #tpu.memory_space<vmem>> -> memref<1x8x128xi32, #tpu.memory_space<vmem>>
        %dma_start3A_853 = tpu.memref_squeeze %dma_start3A_852 : memref<1x8x128xi32, #tpu.memory_space<vmem>> -> memref<8x128xi32, #tpu.memory_space<vmem>>
        %dma_start3A_854 = arith.constant 0 : i32
        %dma_start3A_855 = tpu.memref_slice %dma_start3A_853[%dma_start3A_841, %dma_start3A_854] : memref<8x128xi32, #tpu.memory_space<vmem>> -> memref<1x128xi32, #tpu.memory_space<vmem>>
        %dma_start3A_856 = tpu.memref_squeeze %dma_start3A_855 : memref<1x128xi32, #tpu.memory_space<vmem>> -> memref<128xi32, #tpu.memory_space<vmem>>
        %dma_start3A_857 = arith.constant 0 : i32
        %dma_start3A_858 = arith.constant 0 : i32
        %dma_start3A_859 = tpu.memref_slice %arg2[%dma_start3A_857, %dma_start3A_858] : memref<10640x32xf32, #tpu.memory_space<hbm>> -> memref<10640x32xf32, #tpu.memory_space<hbm>>
        tpu.enqueue_indirect_dma source(%dma_start3A_859 : memref<10640x32xf32, #tpu.memory_space<hbm>>) target(%dma_start3A_849 : memref<128x32xf32, #tpu.memory_space<vmem>>) offsets(%dma_start3A_856 : memref<128xi32, #tpu.memory_space<vmem>>) semaphore(%arg13 : memref<!tpu.dma_semaphore, #tpu.memory_space<semaphore_mem>>)
      } else {
      }
      %dma_wait3A_271 = arith.constant 0 : i32
      %dma_wait3A_272 = arith.constant 0 : i32
      %dma_wait3A_273 = arith.constant 0 : i32
      %dma_wait3A_274 = arith.constant 0 : i32
      %dma_wait3A_275 = arith.constant 0 : i32
      %dma_wait3A_276 = tpu.memref_slice %arg8[%dma_wait3A_273, %dma_wait3A_274, %dma_wait3A_275] : memref<2x1024x32xf32, #tpu.memory_space<vmem>> -> memref<1x1024x32xf32, #tpu.memory_space<vmem>>
      %dma_wait3A_277 = tpu.memref_squeeze %dma_wait3A_276 : memref<1x1024x32xf32, #tpu.memory_space<vmem>> -> memref<1024x32xf32, #tpu.memory_space<vmem>>
      %dma_wait3A_278 = arith.constant 0 : i32
      %dma_wait3A_279 = arith.constant 0 : i32
      %dma_wait3A_280 = tpu.memref_slice %dma_wait3A_277[%dma_wait3A_278, %dma_wait3A_279] : memref<1024x32xf32, #tpu.memory_space<vmem>> -> memref<128x32xf32, #tpu.memory_space<vmem>>
      %dma_wait3A_281 = arith.constant 0 : i32
      %dma_wait3A_282 = arith.constant 0 : i32
      %dma_wait3A_283 = tpu.memref_slice %arg6[%dma_wait3A_271, %dma_wait3A_281, %dma_wait3A_282] : memref<2x8x128xi32, #tpu.memory_space<vmem>> -> memref<1x8x128xi32, #tpu.memory_space<vmem>>
      %dma_wait3A_284 = tpu.memref_squeeze %dma_wait3A_283 : memref<1x8x128xi32, #tpu.memory_space<vmem>> -> memref<8x128xi32, #tpu.memory_space<vmem>>
      %dma_wait3A_285 = arith.constant 0 : i32
      %dma_wait3A_286 = tpu.memref_slice %dma_wait3A_284[%dma_wait3A_272, %dma_wait3A_285] : memref<8x128xi32, #tpu.memory_space<vmem>> -> memref<1x128xi32, #tpu.memory_space<vmem>>
      %dma_wait3A_287 = tpu.memref_squeeze %dma_wait3A_286 : memref<1x128xi32, #tpu.memory_space<vmem>> -> memref<128xi32, #tpu.memory_space<vmem>>
      %dma_wait3A_288 = arith.constant 0 : i32
      %dma_wait3A_289 = arith.constant 0 : i32
      %dma_wait3A_290 = tpu.memref_slice %arg2[%dma_wait3A_288, %dma_wait3A_289] : memref<10640x32xf32, #tpu.memory_space<hbm>> -> memref<10640x32xf32, #tpu.memory_space<hbm>>
      tpu.wait_indirect_dma semaphore(%arg12 : memref<!tpu.dma_semaphore, #tpu.memory_space<semaphore_mem>>) src(%dma_wait3A_290 : memref<10640x32xf32, #tpu.memory_space<hbm>>) dst(%dma_wait3A_280 : memref<128x32xf32, #tpu.memory_space<vmem>>)
      %dma_wait3A_291 = arith.constant 0 : i32
      %dma_wait3A_292 = arith.constant 1 : i32
      %dma_wait3A_293 = arith.constant 0 : i32
      %dma_wait3A_294 = arith.constant 0 : i32
      %dma_wait3A_295 = arith.constant 0 : i32
      %dma_wait3A_296 = tpu.memref_slice %arg8[%dma_wait3A_293, %dma_wait3A_294, %dma_wait3A_295] : memref<2x1024x32xf32, #tpu.memory_space<vmem>> -> memref<1x1024x32xf32, #tpu.memory_space<vmem>>
      %dma_wait3A_297 = tpu.memref_squeeze %dma_wait3A_296 : memref<1x1024x32xf32, #tpu.memory_space<vmem>> -> memref<1024x32xf32, #tpu.memory_space<vmem>>
      %dma_wait3A_298 = arith.constant 128 : i32
      %dma_wait3A_299 = arith.constant 0 : i32
      %dma_wait3A_300 = tpu.memref_slice %dma_wait3A_297[%dma_wait3A_298, %dma_wait3A_299] : memref<1024x32xf32, #tpu.memory_space<vmem>> -> memref<128x32xf32, #tpu.memory_space<vmem>>
      %dma_wait3A_301 = arith.constant 0 : i32
      %dma_wait3A_302 = arith.constant 0 : i32
      %dma_wait3A_303 = tpu.memref_slice %arg6[%dma_wait3A_291, %dma_wait3A_301, %dma_wait3A_302] : memref<2x8x128xi32, #tpu.memory_space<vmem>> -> memref<1x8x128xi32, #tpu.memory_space<vmem>>
      %dma_wait3A_304 = tpu.memref_squeeze %dma_wait3A_303 : memref<1x8x128xi32, #tpu.memory_space<vmem>> -> memref<8x128xi32, #tpu.memory_space<vmem>>
      %dma_wait3A_305 = arith.constant 0 : i32
      %dma_wait3A_306 = tpu.memref_slice %dma_wait3A_304[%dma_wait3A_292, %dma_wait3A_305] : memref<8x128xi32, #tpu.memory_space<vmem>> -> memref<1x128xi32, #tpu.memory_space<vmem>>
      %dma_wait3A_307 = tpu.memref_squeeze %dma_wait3A_306 : memref<1x128xi32, #tpu.memory_space<vmem>> -> memref<128xi32, #tpu.memory_space<vmem>>
      %dma_wait3A_308 = arith.constant 0 : i32
      %dma_wait3A_309 = arith.constant 0 : i32
      %dma_wait3A_310 = tpu.memref_slice %arg2[%dma_wait3A_308, %dma_wait3A_309] : memref<10640x32xf32, #tpu.memory_space<hbm>> -> memref<10640x32xf32, #tpu.memory_space<hbm>>
      tpu.wait_indirect_dma semaphore(%arg12 : memref<!tpu.dma_semaphore, #tpu.memory_space<semaphore_mem>>) src(%dma_wait3A_310 : memref<10640x32xf32, #tpu.memory_space<hbm>>) dst(%dma_wait3A_300 : memref<128x32xf32, #tpu.memory_space<vmem>>)
      %dma_wait3A_311 = arith.constant 0 : i32
      %dma_wait3A_312 = arith.constant 2 : i32
      %dma_wait3A_313 = arith.constant 0 : i32
      %dma_wait3A_314 = arith.constant 0 : i32
      %dma_wait3A_315 = arith.constant 0 : i32
      %dma_wait3A_316 = tpu.memref_slice %arg8[%dma_wait3A_313, %dma_wait3A_314, %dma_wait3A_315] : memref<2x1024x32xf32, #tpu.memory_space<vmem>> -> memref<1x1024x32xf32, #tpu.memory_space<vmem>>
      %dma_wait3A_317 = tpu.memref_squeeze %dma_wait3A_316 : memref<1x1024x32xf32, #tpu.memory_space<vmem>> -> memref<1024x32xf32, #tpu.memory_space<vmem>>
      %dma_wait3A_318 = arith.constant 256 : i32
      %dma_wait3A_319 = arith.constant 0 : i32
      %dma_wait3A_320 = tpu.memref_slice %dma_wait3A_317[%dma_wait3A_318, %dma_wait3A_319] : memref<1024x32xf32, #tpu.memory_space<vmem>> -> memref<128x32xf32, #tpu.memory_space<vmem>>
      %dma_wait3A_321 = arith.constant 0 : i32
      %dma_wait3A_322 = arith.constant 0 : i32
      %dma_wait3A_323 = tpu.memref_slice %arg6[%dma_wait3A_311, %dma_wait3A_321, %dma_wait3A_322] : memref<2x8x128xi32, #tpu.memory_space<vmem>> -> memref<1x8x128xi32, #tpu.memory_space<vmem>>
      %dma_wait3A_324 = tpu.memref_squeeze %dma_wait3A_323 : memref<1x8x128xi32, #tpu.memory_space<vmem>> -> memref<8x128xi32, #tpu.memory_space<vmem>>
      %dma_wait3A_325 = arith.constant 0 : i32
      %dma_wait3A_326 = tpu.memref_slice %dma_wait3A_324[%dma_wait3A_312, %dma_wait3A_325] : memref<8x128xi32, #tpu.memory_space<vmem>> -> memref<1x128xi32, #tpu.memory_space<vmem>>
      %dma_wait3A_327 = tpu.memref_squeeze %dma_wait3A_326 : memref<1x128xi32, #tpu.memory_space<vmem>> -> memref<128xi32, #tpu.memory_space<vmem>>
      %dma_wait3A_328 = arith.constant 0 : i32
      %dma_wait3A_329 = arith.constant 0 : i32
      %dma_wait3A_330 = tpu.memref_slice %arg2[%dma_wait3A_328, %dma_wait3A_329] : memref<10640x32xf32, #tpu.memory_space<hbm>> -> memref<10640x32xf32, #tpu.memory_space<hbm>>
      tpu.wait_indirect_dma semaphore(%arg12 : memref<!tpu.dma_semaphore, #tpu.memory_space<semaphore_mem>>) src(%dma_wait3A_330 : memref<10640x32xf32, #tpu.memory_space<hbm>>) dst(%dma_wait3A_320 : memref<128x32xf32, #tpu.memory_space<vmem>>)
      %dma_wait3A_331 = arith.constant 0 : i32
      %dma_wait3A_332 = arith.constant 3 : i32
      %dma_wait3A_333 = arith.constant 0 : i32
      %dma_wait3A_334 = arith.constant 0 : i32
      %dma_wait3A_335 = arith.constant 0 : i32
      %dma_wait3A_336 = tpu.memref_slice %arg8[%dma_wait3A_333, %dma_wait3A_334, %dma_wait3A_335] : memref<2x1024x32xf32, #tpu.memory_space<vmem>> -> memref<1x1024x32xf32, #tpu.memory_space<vmem>>
      %dma_wait3A_337 = tpu.memref_squeeze %dma_wait3A_336 : memref<1x1024x32xf32, #tpu.memory_space<vmem>> -> memref<1024x32xf32, #tpu.memory_space<vmem>>
      %dma_wait3A_338 = arith.constant 384 : i32
      %dma_wait3A_339 = arith.constant 0 : i32
      %dma_wait3A_340 = tpu.memref_slice %dma_wait3A_337[%dma_wait3A_338, %dma_wait3A_339] : memref<1024x32xf32, #tpu.memory_space<vmem>> -> memref<128x32xf32, #tpu.memory_space<vmem>>
      %dma_wait3A_341 = arith.constant 0 : i32
      %dma_wait3A_342 = arith.constant 0 : i32
      %dma_wait3A_343 = tpu.memref_slice %arg6[%dma_wait3A_331, %dma_wait3A_341, %dma_wait3A_342] : memref<2x8x128xi32, #tpu.memory_space<vmem>> -> memref<1x8x128xi32, #tpu.memory_space<vmem>>
      %dma_wait3A_344 = tpu.memref_squeeze %dma_wait3A_343 : memref<1x8x128xi32, #tpu.memory_space<vmem>> -> memref<8x128xi32, #tpu.memory_space<vmem>>
      %dma_wait3A_345 = arith.constant 0 : i32
      %dma_wait3A_346 = tpu.memref_slice %dma_wait3A_344[%dma_wait3A_332, %dma_wait3A_345] : memref<8x128xi32, #tpu.memory_space<vmem>> -> memref<1x128xi32, #tpu.memory_space<vmem>>
      %dma_wait3A_347 = tpu.memref_squeeze %dma_wait3A_346 : memref<1x128xi32, #tpu.memory_space<vmem>> -> memref<128xi32, #tpu.memory_space<vmem>>
      %dma_wait3A_348 = arith.constant 0 : i32
      %dma_wait3A_349 = arith.constant 0 : i32
      %dma_wait3A_350 = tpu.memref_slice %arg2[%dma_wait3A_348, %dma_wait3A_349] : memref<10640x32xf32, #tpu.memory_space<hbm>> -> memref<10640x32xf32, #tpu.memory_space<hbm>>
      tpu.wait_indirect_dma semaphore(%arg12 : memref<!tpu.dma_semaphore, #tpu.memory_space<semaphore_mem>>) src(%dma_wait3A_350 : memref<10640x32xf32, #tpu.memory_space<hbm>>) dst(%dma_wait3A_340 : memref<128x32xf32, #tpu.memory_space<vmem>>)
      %dma_wait3A_351 = arith.constant 0 : i32
      %dma_wait3A_352 = arith.constant 4 : i32
      %dma_wait3A_353 = arith.constant 0 : i32
      %dma_wait3A_354 = arith.constant 0 : i32
      %dma_wait3A_355 = arith.constant 0 : i32
      %dma_wait3A_356 = tpu.memref_slice %arg8[%dma_wait3A_353, %dma_wait3A_354, %dma_wait3A_355] : memref<2x1024x32xf32, #tpu.memory_space<vmem>> -> memref<1x1024x32xf32, #tpu.memory_space<vmem>>
      %dma_wait3A_357 = tpu.memref_squeeze %dma_wait3A_356 : memref<1x1024x32xf32, #tpu.memory_space<vmem>> -> memref<1024x32xf32, #tpu.memory_space<vmem>>
      %dma_wait3A_358 = arith.constant 512 : i32
      %dma_wait3A_359 = arith.constant 0 : i32
      %dma_wait3A_360 = tpu.memref_slice %dma_wait3A_357[%dma_wait3A_358, %dma_wait3A_359] : memref<1024x32xf32, #tpu.memory_space<vmem>> -> memref<128x32xf32, #tpu.memory_space<vmem>>
      %dma_wait3A_361 = arith.constant 0 : i32
      %dma_wait3A_362 = arith.constant 0 : i32
      %dma_wait3A_363 = tpu.memref_slice %arg6[%dma_wait3A_351, %dma_wait3A_361, %dma_wait3A_362] : memref<2x8x128xi32, #tpu.memory_space<vmem>> -> memref<1x8x128xi32, #tpu.memory_space<vmem>>
      %dma_wait3A_364 = tpu.memref_squeeze %dma_wait3A_363 : memref<1x8x128xi32, #tpu.memory_space<vmem>> -> memref<8x128xi32, #tpu.memory_space<vmem>>
      %dma_wait3A_365 = arith.constant 0 : i32
      %dma_wait3A_366 = tpu.memref_slice %dma_wait3A_364[%dma_wait3A_352, %dma_wait3A_365] : memref<8x128xi32, #tpu.memory_space<vmem>> -> memref<1x128xi32, #tpu.memory_space<vmem>>
      %dma_wait3A_367 = tpu.memref_squeeze %dma_wait3A_366 : memref<1x128xi32, #tpu.memory_space<vmem>> -> memref<128xi32, #tpu.memory_space<vmem>>
      %dma_wait3A_368 = arith.constant 0 : i32
      %dma_wait3A_369 = arith.constant 0 : i32
      %dma_wait3A_370 = tpu.memref_slice %arg2[%dma_wait3A_368, %dma_wait3A_369] : memref<10640x32xf32, #tpu.memory_space<hbm>> -> memref<10640x32xf32, #tpu.memory_space<hbm>>
      tpu.wait_indirect_dma semaphore(%arg12 : memref<!tpu.dma_semaphore, #tpu.memory_space<semaphore_mem>>) src(%dma_wait3A_370 : memref<10640x32xf32, #tpu.memory_space<hbm>>) dst(%dma_wait3A_360 : memref<128x32xf32, #tpu.memory_space<vmem>>)
      %dma_wait3A_371 = arith.constant 0 : i32
      %dma_wait3A_372 = arith.constant 5 : i32
      %dma_wait3A_373 = arith.constant 0 : i32
      %dma_wait3A_374 = arith.constant 0 : i32
      %dma_wait3A_375 = arith.constant 0 : i32
      %dma_wait3A_376 = tpu.memref_slice %arg8[%dma_wait3A_373, %dma_wait3A_374, %dma_wait3A_375] : memref<2x1024x32xf32, #tpu.memory_space<vmem>> -> memref<1x1024x32xf32, #tpu.memory_space<vmem>>
      %dma_wait3A_377 = tpu.memref_squeeze %dma_wait3A_376 : memref<1x1024x32xf32, #tpu.memory_space<vmem>> -> memref<1024x32xf32, #tpu.memory_space<vmem>>
      %dma_wait3A_378 = arith.constant 640 : i32
      %dma_wait3A_379 = arith.constant 0 : i32
      %dma_wait3A_380 = tpu.memref_slice %dma_wait3A_377[%dma_wait3A_378, %dma_wait3A_379] : memref<1024x32xf32, #tpu.memory_space<vmem>> -> memref<128x32xf32, #tpu.memory_space<vmem>>
      %dma_wait3A_381 = arith.constant 0 : i32
      %dma_wait3A_382 = arith.constant 0 : i32
      %dma_wait3A_383 = tpu.memref_slice %arg6[%dma_wait3A_371, %dma_wait3A_381, %dma_wait3A_382] : memref<2x8x128xi32, #tpu.memory_space<vmem>> -> memref<1x8x128xi32, #tpu.memory_space<vmem>>
      %dma_wait3A_384 = tpu.memref_squeeze %dma_wait3A_383 : memref<1x8x128xi32, #tpu.memory_space<vmem>> -> memref<8x128xi32, #tpu.memory_space<vmem>>
      %dma_wait3A_385 = arith.constant 0 : i32
      %dma_wait3A_386 = tpu.memref_slice %dma_wait3A_384[%dma_wait3A_372, %dma_wait3A_385] : memref<8x128xi32, #tpu.memory_space<vmem>> -> memref<1x128xi32, #tpu.memory_space<vmem>>
      %dma_wait3A_387 = tpu.memref_squeeze %dma_wait3A_386 : memref<1x128xi32, #tpu.memory_space<vmem>> -> memref<128xi32, #tpu.memory_space<vmem>>
      %dma_wait3A_388 = arith.constant 0 : i32
      %dma_wait3A_389 = arith.constant 0 : i32
      %dma_wait3A_390 = tpu.memref_slice %arg2[%dma_wait3A_388, %dma_wait3A_389] : memref<10640x32xf32, #tpu.memory_space<hbm>> -> memref<10640x32xf32, #tpu.memory_space<hbm>>
      tpu.wait_indirect_dma semaphore(%arg12 : memref<!tpu.dma_semaphore, #tpu.memory_space<semaphore_mem>>) src(%dma_wait3A_390 : memref<10640x32xf32, #tpu.memory_space<hbm>>) dst(%dma_wait3A_380 : memref<128x32xf32, #tpu.memory_space<vmem>>)
      %dma_wait3A_391 = arith.constant 0 : i32
      %dma_wait3A_392 = arith.constant 6 : i32
      %dma_wait3A_393 = arith.constant 0 : i32
      %dma_wait3A_394 = arith.constant 0 : i32
      %dma_wait3A_395 = arith.constant 0 : i32
      %dma_wait3A_396 = tpu.memref_slice %arg8[%dma_wait3A_393, %dma_wait3A_394, %dma_wait3A_395] : memref<2x1024x32xf32, #tpu.memory_space<vmem>> -> memref<1x1024x32xf32, #tpu.memory_space<vmem>>
      %dma_wait3A_397 = tpu.memref_squeeze %dma_wait3A_396 : memref<1x1024x32xf32, #tpu.memory_space<vmem>> -> memref<1024x32xf32, #tpu.memory_space<vmem>>
      %dma_wait3A_398 = arith.constant 768 : i32
      %dma_wait3A_399 = arith.constant 0 : i32
      %dma_wait3A_400 = tpu.memref_slice %dma_wait3A_397[%dma_wait3A_398, %dma_wait3A_399] : memref<1024x32xf32, #tpu.memory_space<vmem>> -> memref<128x32xf32, #tpu.memory_space<vmem>>
      %dma_wait3A_401 = arith.constant 0 : i32
      %dma_wait3A_402 = arith.constant 0 : i32
      %dma_wait3A_403 = tpu.memref_slice %arg6[%dma_wait3A_391, %dma_wait3A_401, %dma_wait3A_402] : memref<2x8x128xi32, #tpu.memory_space<vmem>> -> memref<1x8x128xi32, #tpu.memory_space<vmem>>
      %dma_wait3A_404 = tpu.memref_squeeze %dma_wait3A_403 : memref<1x8x128xi32, #tpu.memory_space<vmem>> -> memref<8x128xi32, #tpu.memory_space<vmem>>
      %dma_wait3A_405 = arith.constant 0 : i32
      %dma_wait3A_406 = tpu.memref_slice %dma_wait3A_404[%dma_wait3A_392, %dma_wait3A_405] : memref<8x128xi32, #tpu.memory_space<vmem>> -> memref<1x128xi32, #tpu.memory_space<vmem>>
      %dma_wait3A_407 = tpu.memref_squeeze %dma_wait3A_406 : memref<1x128xi32, #tpu.memory_space<vmem>> -> memref<128xi32, #tpu.memory_space<vmem>>
      %dma_wait3A_408 = arith.constant 0 : i32
      %dma_wait3A_409 = arith.constant 0 : i32
      %dma_wait3A_410 = tpu.memref_slice %arg2[%dma_wait3A_408, %dma_wait3A_409] : memref<10640x32xf32, #tpu.memory_space<hbm>> -> memref<10640x32xf32, #tpu.memory_space<hbm>>
      tpu.wait_indirect_dma semaphore(%arg12 : memref<!tpu.dma_semaphore, #tpu.memory_space<semaphore_mem>>) src(%dma_wait3A_410 : memref<10640x32xf32, #tpu.memory_space<hbm>>) dst(%dma_wait3A_400 : memref<128x32xf32, #tpu.memory_space<vmem>>)
      %dma_wait3A_411 = arith.constant 0 : i32
      %dma_wait3A_412 = arith.constant 7 : i32
      %dma_wait3A_413 = arith.constant 0 : i32
      %dma_wait3A_414 = arith.constant 0 : i32
      %dma_wait3A_415 = arith.constant 0 : i32
      %dma_wait3A_416 = tpu.memref_slice %arg8[%dma_wait3A_413, %dma_wait3A_414, %dma_wait3A_415] : memref<2x1024x32xf32, #tpu.memory_space<vmem>> -> memref<1x1024x32xf32, #tpu.memory_space<vmem>>
      %dma_wait3A_417 = tpu.memref_squeeze %dma_wait3A_416 : memref<1x1024x32xf32, #tpu.memory_space<vmem>> -> memref<1024x32xf32, #tpu.memory_space<vmem>>
      %dma_wait3A_418 = arith.constant 896 : i32
      %dma_wait3A_419 = arith.constant 0 : i32
      %dma_wait3A_420 = tpu.memref_slice %dma_wait3A_417[%dma_wait3A_418, %dma_wait3A_419] : memref<1024x32xf32, #tpu.memory_space<vmem>> -> memref<128x32xf32, #tpu.memory_space<vmem>>
      %dma_wait3A_421 = arith.constant 0 : i32
      %dma_wait3A_422 = arith.constant 0 : i32
      %dma_wait3A_423 = tpu.memref_slice %arg6[%dma_wait3A_411, %dma_wait3A_421, %dma_wait3A_422] : memref<2x8x128xi32, #tpu.memory_space<vmem>> -> memref<1x8x128xi32, #tpu.memory_space<vmem>>
      %dma_wait3A_424 = tpu.memref_squeeze %dma_wait3A_423 : memref<1x8x128xi32, #tpu.memory_space<vmem>> -> memref<8x128xi32, #tpu.memory_space<vmem>>
      %dma_wait3A_425 = arith.constant 0 : i32
      %dma_wait3A_426 = tpu.memref_slice %dma_wait3A_424[%dma_wait3A_412, %dma_wait3A_425] : memref<8x128xi32, #tpu.memory_space<vmem>> -> memref<1x128xi32, #tpu.memory_space<vmem>>
      %dma_wait3A_427 = tpu.memref_squeeze %dma_wait3A_426 : memref<1x128xi32, #tpu.memory_space<vmem>> -> memref<128xi32, #tpu.memory_space<vmem>>
      %dma_wait3A_428 = arith.constant 0 : i32
      %dma_wait3A_429 = arith.constant 0 : i32
      %dma_wait3A_430 = tpu.memref_slice %arg2[%dma_wait3A_428, %dma_wait3A_429] : memref<10640x32xf32, #tpu.memory_space<hbm>> -> memref<10640x32xf32, #tpu.memory_space<hbm>>
      tpu.wait_indirect_dma semaphore(%arg12 : memref<!tpu.dma_semaphore, #tpu.memory_space<semaphore_mem>>) src(%dma_wait3A_430 : memref<10640x32xf32, #tpu.memory_space<hbm>>) dst(%dma_wait3A_420 : memref<128x32xf32, #tpu.memory_space<vmem>>)
      %parallel_loop3A = arith.constant 0 : i32
      %parallel_loop3A_431 = arith.constant 64 : i32
      %parallel_loop3A_432 = arith.constant 1 : i32
      %parallel_loop3A_433 = arith.constant 0 : i32
      %parallel_loop3A_434 = arith.constant 0 : i32
      %parallel_loop3A_435 = arith.constant 0 : i32
      scf.for %parallel_loop3A_670 = %parallel_loop3A to %parallel_loop3A_431 step %parallel_loop3A_432  : i32 {
        %parallel_loop3A_671 = arith.constant 16 : i32
        %parallel_loop3A_672 = arith.muli %parallel_loop3A_670, %parallel_loop3A_671 : i32
        %parallel_loop3A_673 = arith.constant 16 : i32
        %parallel_loop3A_674 = arith.muli %parallel_loop3A_672, %parallel_loop3A_673 : i32
        %parallel_loop3A_675 = arith.constant 0 : i32
        %parallel_loop3A_676 = tpu.memref_slice %arg7[%parallel_loop3A_433, %parallel_loop3A_675] : memref<2x1024xf32, #tpu.memory_space<vmem>> -> memref<1x1024xf32, #tpu.memory_space<vmem>>
        %parallel_loop3A_677 = tpu.memref_squeeze %parallel_loop3A_676 : memref<1x1024xf32, #tpu.memory_space<vmem>> -> memref<1024xf32, #tpu.memory_space<vmem>>
        %parallel_loop3A_678 = arith.index_cast %parallel_loop3A_672 : i32 to index
        %parallel_loop3A_679 = tpu.vector_load %parallel_loop3A_677[%parallel_loop3A_678] {strides = array<i32>} : memref<1024xf32, #tpu.memory_space<vmem>>, vector<16xf32>,
        %parallel_loop3A_680 = vector.shape_cast %parallel_loop3A_679 : vector<16xf32> to vector<16xf32>
        %parallel_loop3A_681 = arith.constant 0 : i32
        %parallel_loop3A_682 = vector.broadcast %parallel_loop3A_681 : i32 to vector<16xi32>
        %parallel_loop3A_683 = arith.constant 0 : i32
        %parallel_loop3A_684 = vector.broadcast %parallel_loop3A_683 : i32 to vector<16xi32>
        %parallel_loop3A_685 = arith.cmpi slt, %parallel_loop3A_682, %parallel_loop3A_684 : vector<16xi32>
        %parallel_loop3A_686 = arith.constant 16 : i32
        %parallel_loop3A_687 = vector.broadcast %parallel_loop3A_686 : i32 to vector<16xi32>
        %parallel_loop3A_688 = arith.addi %parallel_loop3A_682, %parallel_loop3A_687 : vector<16xi32>
        %parallel_loop3A_689 = arith.select %parallel_loop3A_685, %parallel_loop3A_688, %parallel_loop3A_682 : vector<16xi1>, vector<16xi32>
        %parallel_loop3A_690 = vector.shape_cast %parallel_loop3A_689 : vector<16xi32> to vector<16x1xi32>
        %parallel_loop3A_691 = vector.shape_cast %parallel_loop3A_690 : vector<16x1xi32> to vector<16xi32>
        %parallel_loop3A_692 = tpu.dynamic_gather %parallel_loop3A_680[%parallel_loop3A_691] in [0] : vector<16xf32>, vector<16xi32> -> vector<16xf32>
        %parallel_loop3A_693 = arith.constant 0 : i32
        %parallel_loop3A_694 = arith.addi %parallel_loop3A_672, %parallel_loop3A_693 : i32
        %parallel_loop3A_695 = arith.constant 0 : i32
        %parallel_loop3A_696 = arith.constant 0 : i32
        %parallel_loop3A_697 = tpu.memref_slice %arg8[%parallel_loop3A_434, %parallel_loop3A_695, %parallel_loop3A_696] : memref<2x1024x32xf32, #tpu.memory_space<vmem>> -> memref<1x1024x32xf32, #tpu.memory_space<vmem>>
        %parallel_loop3A_698 = tpu.memref_squeeze %parallel_loop3A_697 : memref<1x1024x32xf32, #tpu.memory_space<vmem>> -> memref<1024x32xf32, #tpu.memory_space<vmem>>
        %parallel_loop3A_699 = arith.index_cast %parallel_loop3A_694 : i32 to index
        %parallel_loop3A_700 = arith.constant 0 : index
        %parallel_loop3A_701 = tpu.vector_load %parallel_loop3A_698[%parallel_loop3A_699, %parallel_loop3A_700] {strides = array<i32>} : memref<1024x32xf32, #tpu.memory_space<vmem>>, vector<1x16xf32>,
        %parallel_loop3A_702 = vector.shape_cast %parallel_loop3A_701 : vector<1x16xf32> to vector<16xf32>
        %parallel_loop3A_703 = arith.constant 0 : i32
        %parallel_loop3A_704 = arith.addi %parallel_loop3A_672, %parallel_loop3A_703 : i32
        %parallel_loop3A_705 = arith.constant 0 : i32
        %parallel_loop3A_706 = arith.constant 0 : i32
        %parallel_loop3A_707 = tpu.memref_slice %arg8[%parallel_loop3A_434, %parallel_loop3A_705, %parallel_loop3A_706] : memref<2x1024x32xf32, #tpu.memory_space<vmem>> -> memref<1x1024x32xf32, #tpu.memory_space<vmem>>
        %parallel_loop3A_708 = tpu.memref_squeeze %parallel_loop3A_707 : memref<1x1024x32xf32, #tpu.memory_space<vmem>> -> memref<1024x32xf32, #tpu.memory_space<vmem>>
        %parallel_loop3A_709 = arith.index_cast %parallel_loop3A_704 : i32 to index
        %parallel_loop3A_710 = arith.constant 16 : index
        %parallel_loop3A_711 = tpu.vector_load %parallel_loop3A_708[%parallel_loop3A_709, %parallel_loop3A_710] {strides = array<i32>} : memref<1024x32xf32, #tpu.memory_space<vmem>>, vector<1x16xf32>,
        %parallel_loop3A_712 = vector.shape_cast %parallel_loop3A_711 : vector<1x16xf32> to vector<16xf32>
        %parallel_loop3A_713 = arith.subf %parallel_loop3A_712, %parallel_loop3A_702 : vector<16xf32>
        %parallel_loop3A_714 = arith.mulf %parallel_loop3A_713, %parallel_loop3A_692 : vector<16xf32>
        %parallel_loop3A_715 = arith.addf %parallel_loop3A_702, %parallel_loop3A_714 : vector<16xf32>
        %parallel_loop3A_716 = arith.constant 0 : i32
        %parallel_loop3A_717 = arith.addi %parallel_loop3A_674, %parallel_loop3A_716 : i32
        %parallel_loop3A_718 = arith.constant 0 : i32
        %parallel_loop3A_719 = tpu.memref_slice %arg9[%parallel_loop3A_435, %parallel_loop3A_718] : memref<2x16384xf32, #tpu.memory_space<vmem>> -> memref<1x16384xf32, #tpu.memory_space<vmem>>
        %parallel_loop3A_720 = tpu.memref_squeeze %parallel_loop3A_719 : memref<1x16384xf32, #tpu.memory_space<vmem>> -> memref<16384xf32, #tpu.memory_space<vmem>>
        %parallel_loop3A_721 = arith.index_cast %parallel_loop3A_717 : i32 to index
        %parallel_loop3A_722 = tpu.vector_load %parallel_loop3A_720[%parallel_loop3A_721] {strides = array<i32>} : memref<16384xf32, #tpu.memory_space<vmem>>, vector<16xf32>,
        %parallel_loop3A_723 = vector.shape_cast %parallel_loop3A_722 : vector<16xf32> to vector<16xf32>
        %parallel_loop3A_724 = vector.shape_cast %parallel_loop3A_715 : vector<16xf32> to vector<16xf32>
        tpu.vector_store %parallel_loop3A_720[%parallel_loop3A_721], %parallel_loop3A_724 {strides = array<i32>} : memref<16384xf32, #tpu.memory_space<vmem>>, vector<16xf32>,
        %parallel_loop3A_725 = arith.constant 1 : i32
        %parallel_loop3A_726 = vector.broadcast %parallel_loop3A_725 : i32 to vector<16xi32>
        %parallel_loop3A_727 = arith.constant 0 : i32
        %parallel_loop3A_728 = vector.broadcast %parallel_loop3A_727 : i32 to vector<16xi32>
        %parallel_loop3A_729 = arith.cmpi slt, %parallel_loop3A_726, %parallel_loop3A_728 : vector<16xi32>
        %parallel_loop3A_730 = arith.constant 16 : i32
        %parallel_loop3A_731 = vector.broadcast %parallel_loop3A_730 : i32 to vector<16xi32>
        %parallel_loop3A_732 = arith.addi %parallel_loop3A_726, %parallel_loop3A_731 : vector<16xi32>
        %parallel_loop3A_733 = arith.select %parallel_loop3A_729, %parallel_loop3A_732, %parallel_loop3A_726 : vector<16xi1>, vector<16xi32>
        %parallel_loop3A_734 = vector.shape_cast %parallel_loop3A_733 : vector<16xi32> to vector<16x1xi32>
        %parallel_loop3A_735 = vector.shape_cast %parallel_loop3A_734 : vector<16x1xi32> to vector<16xi32>
        %parallel_loop3A_736 = tpu.dynamic_gather %parallel_loop3A_680[%parallel_loop3A_735] in [0] : vector<16xf32>, vector<16xi32> -> vector<16xf32>
        %parallel_loop3A_737 = arith.constant 1 : i32
        %parallel_loop3A_738 = arith.addi %parallel_loop3A_672, %parallel_loop3A_737 : i32
        %parallel_loop3A_739 = arith.constant 0 : i32
        %parallel_loop3A_740 = arith.constant 0 : i32
        %parallel_loop3A_741 = tpu.memref_slice %arg8[%parallel_loop3A_434, %parallel_loop3A_739, %parallel_loop3A_740] : memref<2x1024x32xf32, #tpu.memory_space<vmem>> -> memref<1x1024x32xf32, #tpu.memory_space<vmem>>
        %parallel_loop3A_742 = tpu.memref_squeeze %parallel_loop3A_741 : memref<1x1024x32xf32, #tpu.memory_space<vmem>> -> memref<1024x32xf32, #tpu.memory_space<vmem>>
        %parallel_loop3A_743 = arith.index_cast %parallel_loop3A_738 : i32 to index
        %parallel_loop3A_744 = arith.constant 0 : index
        %parallel_loop3A_745 = tpu.vector_load %parallel_loop3A_742[%parallel_loop3A_743, %parallel_loop3A_744] {strides = array<i32>} : memref<1024x32xf32, #tpu.memory_space<vmem>>, vector<1x16xf32>,
        %parallel_loop3A_746 = vector.shape_cast %parallel_loop3A_745 : vector<1x16xf32> to vector<16xf32>
        %parallel_loop3A_747 = arith.constant 1 : i32
        %parallel_loop3A_748 = arith.addi %parallel_loop3A_672, %parallel_loop3A_747 : i32
        %parallel_loop3A_749 = arith.constant 0 : i32
        %parallel_loop3A_750 = arith.constant 0 : i32
        %parallel_loop3A_751 = tpu.memref_slice %arg8[%parallel_loop3A_434, %parallel_loop3A_749, %parallel_loop3A_750] : memref<2x1024x32xf32, #tpu.memory_space<vmem>> -> memref<1x1024x32xf32, #tpu.memory_space<vmem>>
        %parallel_loop3A_752 = tpu.memref_squeeze %parallel_loop3A_751 : memref<1x1024x32xf32, #tpu.memory_space<vmem>> -> memref<1024x32xf32, #tpu.memory_space<vmem>>
        %parallel_loop3A_753 = arith.index_cast %parallel_loop3A_748 : i32 to index
        %parallel_loop3A_754 = arith.constant 16 : index
        %parallel_loop3A_755 = tpu.vector_load %parallel_loop3A_752[%parallel_loop3A_753, %parallel_loop3A_754] {strides = array<i32>} : memref<1024x32xf32, #tpu.memory_space<vmem>>, vector<1x16xf32>,
        %parallel_loop3A_756 = vector.shape_cast %parallel_loop3A_755 : vector<1x16xf32> to vector<16xf32>
        %parallel_loop3A_757 = arith.subf %parallel_loop3A_756, %parallel_loop3A_746 : vector<16xf32>
        %parallel_loop3A_758 = arith.mulf %parallel_loop3A_757, %parallel_loop3A_736 : vector<16xf32>
        %parallel_loop3A_759 = arith.addf %parallel_loop3A_746, %parallel_loop3A_758 : vector<16xf32>
        %parallel_loop3A_760 = arith.constant 16 : i32
        %parallel_loop3A_761 = arith.addi %parallel_loop3A_674, %parallel_loop3A_760 : i32
        %parallel_loop3A_762 = arith.constant 0 : i32
        %parallel_loop3A_763 = tpu.memref_slice %arg9[%parallel_loop3A_435, %parallel_loop3A_762] : memref<2x16384xf32, #tpu.memory_space<vmem>> -> memref<1x16384xf32, #tpu.memory_space<vmem>>
        %parallel_loop3A_764 = tpu.memref_squeeze %parallel_loop3A_763 : memref<1x16384xf32, #tpu.memory_space<vmem>> -> memref<16384xf32, #tpu.memory_space<vmem>>
        %parallel_loop3A_765 = arith.index_cast %parallel_loop3A_761 : i32 to index
        %parallel_loop3A_766 = tpu.vector_load %parallel_loop3A_764[%parallel_loop3A_765] {strides = array<i32>} : memref<16384xf32, #tpu.memory_space<vmem>>, vector<16xf32>,
        %parallel_loop3A_767 = vector.shape_cast %parallel_loop3A_766 : vector<16xf32> to vector<16xf32>
        %parallel_loop3A_768 = vector.shape_cast %parallel_loop3A_759 : vector<16xf32> to vector<16xf32>
        tpu.vector_store %parallel_loop3A_764[%parallel_loop3A_765], %parallel_loop3A_768 {strides = array<i32>} : memref<16384xf32, #tpu.memory_space<vmem>>, vector<16xf32>,
        %parallel_loop3A_769 = arith.constant 2 : i32
        %parallel_loop3A_770 = vector.broadcast %parallel_loop3A_769 : i32 to vector<16xi32>
        %parallel_loop3A_771 = arith.constant 0 : i32
        %parallel_loop3A_772 = vector.broadcast %parallel_loop3A_771 : i32 to vector<16xi32>
        %parallel_loop3A_773 = arith.cmpi slt, %parallel_loop3A_770, %parallel_loop3A_772 : vector<16xi32>
        %parallel_loop3A_774 = arith.constant 16 : i32
        %parallel_loop3A_775 = vector.broadcast %parallel_loop3A_774 : i32 to vector<16xi32>
        %parallel_loop3A_776 = arith.addi %parallel_loop3A_770, %parallel_loop3A_775 : vector<16xi32>
        %parallel_loop3A_777 = arith.select %parallel_loop3A_773, %parallel_loop3A_776, %parallel_loop3A_770 : vector<16xi1>, vector<16xi32>
        %parallel_loop3A_778 = vector.shape_cast %parallel_loop3A_777 : vector<16xi32> to vector<16x1xi32>
        %parallel_loop3A_779 = vector.shape_cast %parallel_loop3A_778 : vector<16x1xi32> to vector<16xi32>
        %parallel_loop3A_780 = tpu.dynamic_gather %parallel_loop3A_680[%parallel_loop3A_779] in [0] : vector<16xf32>, vector<16xi32> -> vector<16xf32>
        %parallel_loop3A_781 = arith.constant 2 : i32
        %parallel_loop3A_782 = arith.addi %parallel_loop3A_672, %parallel_loop3A_781 : i32
        %parallel_loop3A_783 = arith.constant 0 : i32
        %parallel_loop3A_784 = arith.constant 0 : i32
        %parallel_loop3A_785 = tpu.memref_slice %arg8[%parallel_loop3A_434, %parallel_loop3A_783, %parallel_loop3A_784] : memref<2x1024x32xf32, #tpu.memory_space<vmem>> -> memref<1x1024x32xf32, #tpu.memory_space<vmem>>
        %parallel_loop3A_786 = tpu.memref_squeeze %parallel_loop3A_785 : memref<1x1024x32xf32, #tpu.memory_space<vmem>> -> memref<1024x32xf32, #tpu.memory_space<vmem>>
        %parallel_loop3A_787 = arith.index_cast %parallel_loop3A_782 : i32 to index
        %parallel_loop3A_788 = arith.constant 0 : index
        %parallel_loop3A_789 = tpu.vector_load %parallel_loop3A_786[%parallel_loop3A_787, %parallel_loop3A_788] {strides = array<i32>} : memref<1024x32xf32, #tpu.memory_space<vmem>>, vector<1x16xf32>,
        %parallel_loop3A_790 = vector.shape_cast %parallel_loop3A_789 : vector<1x16xf32> to vector<16xf32>
        %parallel_loop3A_791 = arith.constant 2 : i32
        %parallel_loop3A_792 = arith.addi %parallel_loop3A_672, %parallel_loop3A_791 : i32
        %parallel_loop3A_793 = arith.constant 0 : i32
        %parallel_loop3A_794 = arith.constant 0 : i32
        %parallel_loop3A_795 = tpu.memref_slice %arg8[%parallel_loop3A_434, %parallel_loop3A_793, %parallel_loop3A_794] : memref<2x1024x32xf32, #tpu.memory_space<vmem>> -> memref<1x1024x32xf32, #tpu.memory_space<vmem>>
        %parallel_loop3A_796 = tpu.memref_squeeze %parallel_loop3A_795 : memref<1x1024x32xf32, #tpu.memory_space<vmem>> -> memref<1024x32xf32, #tpu.memory_space<vmem>>
        %parallel_loop3A_797 = arith.index_cast %parallel_loop3A_792 : i32 to index
        %parallel_loop3A_798 = arith.constant 16 : index
        %parallel_loop3A_799 = tpu.vector_load %parallel_loop3A_796[%parallel_loop3A_797, %parallel_loop3A_798] {strides = array<i32>} : memref<1024x32xf32, #tpu.memory_space<vmem>>, vector<1x16xf32>,
        %parallel_loop3A_800 = vector.shape_cast %parallel_loop3A_799 : vector<1x16xf32> to vector<16xf32>
        %parallel_loop3A_801 = arith.subf %parallel_loop3A_800, %parallel_loop3A_790 : vector<16xf32>
        %parallel_loop3A_802 = arith.mulf %parallel_loop3A_801, %parallel_loop3A_780 : vector<16xf32>
        %parallel_loop3A_803 = arith.addf %parallel_loop3A_790, %parallel_loop3A_802 : vector<16xf32>
        %parallel_loop3A_804 = arith.constant 32 : i32
        %parallel_loop3A_805 = arith.addi %parallel_loop3A_674, %parallel_loop3A_804 : i32
        %parallel_loop3A_806 = arith.constant 0 : i32
        %parallel_loop3A_807 = tpu.memref_slice %arg9[%parallel_loop3A_435, %parallel_loop3A_806] : memref<2x16384xf32, #tpu.memory_space<vmem>> -> memref<1x16384xf32, #tpu.memory_space<vmem>>
        %parallel_loop3A_808 = tpu.memref_squeeze %parallel_loop3A_807 : memref<1x16384xf32, #tpu.memory_space<vmem>> -> memref<16384xf32, #tpu.memory_space<vmem>>
        %parallel_loop3A_809 = arith.index_cast %parallel_loop3A_805 : i32 to index
        %parallel_loop3A_810 = tpu.vector_load %parallel_loop3A_808[%parallel_loop3A_809] {strides = array<i32>} : memref<16384xf32, #tpu.memory_space<vmem>>, vector<16xf32>,
        %parallel_loop3A_811 = vector.shape_cast %parallel_loop3A_810 : vector<16xf32> to vector<16xf32>
        %parallel_loop3A_812 = vector.shape_cast %parallel_loop3A_803 : vector<16xf32> to vector<16xf32>
        tpu.vector_store %parallel_loop3A_808[%parallel_loop3A_809], %parallel_loop3A_812 {strides = array<i32>} : memref<16384xf32, #tpu.memory_space<vmem>>, vector<16xf32>,
        %parallel_loop3A_813 = arith.constant 3 : i32
        %parallel_loop3A_814 = vector.broadcast %parallel_loop3A_813 : i32 to vector<16xi32>
        %parallel_loop3A_815 = arith.constant 0 : i32
        %parallel_loop3A_816 = vector.broadcast %parallel_loop3A_815 : i32 to vector<16xi32>
        %parallel_loop3A_817 = arith.cmpi slt, %parallel_loop3A_814, %parallel_loop3A_816 : vector<16xi32>
        %parallel_loop3A_818 = arith.constant 16 : i32
        %parallel_loop3A_819 = vector.broadcast %parallel_loop3A_818 : i32 to vector<16xi32>
        %parallel_loop3A_820 = arith.addi %parallel_loop3A_814, %parallel_loop3A_819 : vector<16xi32>
        %parallel_loop3A_821 = arith.select %parallel_loop3A_817, %parallel_loop3A_820, %parallel_loop3A_814 : vector<16xi1>, vector<16xi32>
        %parallel_loop3A_822 = vector.shape_cast %parallel_loop3A_821 : vector<16xi32> to vector<16x1xi32>
        %parallel_loop3A_823 = vector.shape_cast %parallel_loop3A_822 : vector<16x1xi32> to vector<16xi32>
        %parallel_loop3A_824 = tpu.dynamic_gather %parallel_loop3A_680[%parallel_loop3A_823] in [0] : vector<16xf32>, vector<16xi32> -> vector<16xf32>
        %parallel_loop3A_825 = arith.constant 3 : i32
        %parallel_loop3A_826 = arith.addi %parallel_loop3A_672, %parallel_loop3A_825 : i32
        %parallel_loop3A_827 = arith.constant 0 : i32
        %parallel_loop3A_828 = arith.constant 0 : i32
        %parallel_loop3A_829 = tpu.memref_slice %arg8[%parallel_loop3A_434, %parallel_loop3A_827, %parallel_loop3A_828] : memref<2x1024x32xf32, #tpu.memory_space<vmem>> -> memref<1x1024x32xf32, #tpu.memory_space<vmem>>
        %parallel_loop3A_830 = tpu.memref_squeeze %parallel_loop3A_829 : memref<1x1024x32xf32, #tpu.memory_space<vmem>> -> memref<1024x32xf32, #tpu.memory_space<vmem>>
        %parallel_loop3A_831 = arith.index_cast %parallel_loop3A_826 : i32 to index
        %parallel_loop3A_832 = arith.constant 0 : index
        %parallel_loop3A_833 = tpu.vector_load %parallel_loop3A_830[%parallel_loop3A_831, %parallel_loop3A_832] {strides = array<i32>} : memref<1024x32xf32, #tpu.memory_space<vmem>>, vector<1x16xf32>,
        %parallel_loop3A_834 = vector.shape_cast %parallel_loop3A_833 : vector<1x16xf32> to vector<16xf32>
        %parallel_loop3A_835 = arith.constant 3 : i32
        %parallel_loop3A_836 = arith.addi %parallel_loop3A_672, %parallel_loop3A_835 : i32
        %parallel_loop3A_837 = arith.constant 0 : i32
        %parallel_loop3A_838 = arith.constant 0 : i32
        %parallel_loop3A_839 = tpu.memref_slice %arg8[%parallel_loop3A_434, %parallel_loop3A_837, %parallel_loop3A_838] : memref<2x1024x32xf32, #tpu.memory_space<vmem>> -> memref<1x1024x32xf32, #tpu.memory_space<vmem>>
        %parallel_loop3A_840 = tpu.memref_squeeze %parallel_loop3A_839 : memref<1x1024x32xf32, #tpu.memory_space<vmem>> -> memref<1024x32xf32, #tpu.memory_space<vmem>>
        %parallel_loop3A_841 = arith.index_cast %parallel_loop3A_836 : i32 to index
        %parallel_loop3A_842 = arith.constant 16 : index
        %parallel_loop3A_843 = tpu.vector_load %parallel_loop3A_840[%parallel_loop3A_841, %parallel_loop3A_842] {strides = array<i32>} : memref<1024x32xf32, #tpu.memory_space<vmem>>, vector<1x16xf32>,
        %parallel_loop3A_844 = vector.shape_cast %parallel_loop3A_843 : vector<1x16xf32> to vector<16xf32>
        %parallel_loop3A_845 = arith.subf %parallel_loop3A_844, %parallel_loop3A_834 : vector<16xf32>
        %parallel_loop3A_846 = arith.mulf %parallel_loop3A_845, %parallel_loop3A_824 : vector<16xf32>
        %parallel_loop3A_847 = arith.addf %parallel_loop3A_834, %parallel_loop3A_846 : vector<16xf32>
        %parallel_loop3A_848 = arith.constant 48 : i32
        %parallel_loop3A_849 = arith.addi %parallel_loop3A_674, %parallel_loop3A_848 : i32
        %parallel_loop3A_850 = arith.constant 0 : i32
        %parallel_loop3A_851 = tpu.memref_slice %arg9[%parallel_loop3A_435, %parallel_loop3A_850] : memref<2x16384xf32, #tpu.memory_space<vmem>> -> memref<1x16384xf32, #tpu.memory_space<vmem>>
        %parallel_loop3A_852 = tpu.memref_squeeze %parallel_loop3A_851 : memref<1x16384xf32, #tpu.memory_space<vmem>> -> memref<16384xf32, #tpu.memory_space<vmem>>
        %parallel_loop3A_853 = arith.index_cast %parallel_loop3A_849 : i32 to index
        %parallel_loop3A_854 = tpu.vector_load %parallel_loop3A_852[%parallel_loop3A_853] {strides = array<i32>} : memref<16384xf32, #tpu.memory_space<vmem>>, vector<16xf32>,
        %parallel_loop3A_855 = vector.shape_cast %parallel_loop3A_854 : vector<16xf32> to vector<16xf32>
        %parallel_loop3A_856 = vector.shape_cast %parallel_loop3A_847 : vector<16xf32> to vector<16xf32>
        tpu.vector_store %parallel_loop3A_852[%parallel_loop3A_853], %parallel_loop3A_856 {strides = array<i32>} : memref<16384xf32, #tpu.memory_space<vmem>>, vector<16xf32>,
        %parallel_loop3A_857 = arith.constant 4 : i32
        %parallel_loop3A_858 = vector.broadcast %parallel_loop3A_857 : i32 to vector<16xi32>
        %parallel_loop3A_859 = arith.constant 0 : i32
        %parallel_loop3A_860 = vector.broadcast %parallel_loop3A_859 : i32 to vector<16xi32>
        %parallel_loop3A_861 = arith.cmpi slt, %parallel_loop3A_858, %parallel_loop3A_860 : vector<16xi32>
        %parallel_loop3A_862 = arith.constant 16 : i32
        %parallel_loop3A_863 = vector.broadcast %parallel_loop3A_862 : i32 to vector<16xi32>
        %parallel_loop3A_864 = arith.addi %parallel_loop3A_858, %parallel_loop3A_863 : vector<16xi32>
        %parallel_loop3A_865 = arith.select %parallel_loop3A_861, %parallel_loop3A_864, %parallel_loop3A_858 : vector<16xi1>, vector<16xi32>
        %parallel_loop3A_866 = vector.shape_cast %parallel_loop3A_865 : vector<16xi32> to vector<16x1xi32>
        %parallel_loop3A_867 = vector.shape_cast %parallel_loop3A_866 : vector<16x1xi32> to vector<16xi32>
        %parallel_loop3A_868 = tpu.dynamic_gather %parallel_loop3A_680[%parallel_loop3A_867] in [0] : vector<16xf32>, vector<16xi32> -> vector<16xf32>
        %parallel_loop3A_869 = arith.constant 4 : i32
        %parallel_loop3A_870 = arith.addi %parallel_loop3A_672, %parallel_loop3A_869 : i32
        %parallel_loop3A_871 = arith.constant 0 : i32
        %parallel_loop3A_872 = arith.constant 0 : i32
        %parallel_loop3A_873 = tpu.memref_slice %arg8[%parallel_loop3A_434, %parallel_loop3A_871, %parallel_loop3A_872] : memref<2x1024x32xf32, #tpu.memory_space<vmem>> -> memref<1x1024x32xf32, #tpu.memory_space<vmem>>
        %parallel_loop3A_874 = tpu.memref_squeeze %parallel_loop3A_873 : memref<1x1024x32xf32, #tpu.memory_space<vmem>> -> memref<1024x32xf32, #tpu.memory_space<vmem>>
        %parallel_loop3A_875 = arith.index_cast %parallel_loop3A_870 : i32 to index
        %parallel_loop3A_876 = arith.constant 0 : index
        %parallel_loop3A_877 = tpu.vector_load %parallel_loop3A_874[%parallel_loop3A_875, %parallel_loop3A_876] {strides = array<i32>} : memref<1024x32xf32, #tpu.memory_space<vmem>>, vector<1x16xf32>,
        %parallel_loop3A_878 = vector.shape_cast %parallel_loop3A_877 : vector<1x16xf32> to vector<16xf32>
        %parallel_loop3A_879 = arith.constant 4 : i32
        %parallel_loop3A_880 = arith.addi %parallel_loop3A_672, %parallel_loop3A_879 : i32
        %parallel_loop3A_881 = arith.constant 0 : i32
        %parallel_loop3A_882 = arith.constant 0 : i32
        %parallel_loop3A_883 = tpu.memref_slice %arg8[%parallel_loop3A_434, %parallel_loop3A_881, %parallel_loop3A_882] : memref<2x1024x32xf32, #tpu.memory_space<vmem>> -> memref<1x1024x32xf32, #tpu.memory_space<vmem>>
        %parallel_loop3A_884 = tpu.memref_squeeze %parallel_loop3A_883 : memref<1x1024x32xf32, #tpu.memory_space<vmem>> -> memref<1024x32xf32, #tpu.memory_space<vmem>>
        %parallel_loop3A_885 = arith.index_cast %parallel_loop3A_880 : i32 to index
        %parallel_loop3A_886 = arith.constant 16 : index
        %parallel_loop3A_887 = tpu.vector_load %parallel_loop3A_884[%parallel_loop3A_885, %parallel_loop3A_886] {strides = array<i32>} : memref<1024x32xf32, #tpu.memory_space<vmem>>, vector<1x16xf32>,
        %parallel_loop3A_888 = vector.shape_cast %parallel_loop3A_887 : vector<1x16xf32> to vector<16xf32>
        %parallel_loop3A_889 = arith.subf %parallel_loop3A_888, %parallel_loop3A_878 : vector<16xf32>
        %parallel_loop3A_890 = arith.mulf %parallel_loop3A_889, %parallel_loop3A_868 : vector<16xf32>
        %parallel_loop3A_891 = arith.addf %parallel_loop3A_878, %parallel_loop3A_890 : vector<16xf32>
        %parallel_loop3A_892 = arith.constant 64 : i32
        %parallel_loop3A_893 = arith.addi %parallel_loop3A_674, %parallel_loop3A_892 : i32
        %parallel_loop3A_894 = arith.constant 0 : i32
        %parallel_loop3A_895 = tpu.memref_slice %arg9[%parallel_loop3A_435, %parallel_loop3A_894] : memref<2x16384xf32, #tpu.memory_space<vmem>> -> memref<1x16384xf32, #tpu.memory_space<vmem>>
        %parallel_loop3A_896 = tpu.memref_squeeze %parallel_loop3A_895 : memref<1x16384xf32, #tpu.memory_space<vmem>> -> memref<16384xf32, #tpu.memory_space<vmem>>
        %parallel_loop3A_897 = arith.index_cast %parallel_loop3A_893 : i32 to index
        %parallel_loop3A_898 = tpu.vector_load %parallel_loop3A_896[%parallel_loop3A_897] {strides = array<i32>} : memref<16384xf32, #tpu.memory_space<vmem>>, vector<16xf32>,
        %parallel_loop3A_899 = vector.shape_cast %parallel_loop3A_898 : vector<16xf32> to vector<16xf32>
        %parallel_loop3A_900 = vector.shape_cast %parallel_loop3A_891 : vector<16xf32> to vector<16xf32>
        tpu.vector_store %parallel_loop3A_896[%parallel_loop3A_897], %parallel_loop3A_900 {strides = array<i32>} : memref<16384xf32, #tpu.memory_space<vmem>>, vector<16xf32>,
        %parallel_loop3A_901 = arith.constant 5 : i32
        %parallel_loop3A_902 = vector.broadcast %parallel_loop3A_901 : i32 to vector<16xi32>
        %parallel_loop3A_903 = arith.constant 0 : i32
        %parallel_loop3A_904 = vector.broadcast %parallel_loop3A_903 : i32 to vector<16xi32>
        %parallel_loop3A_905 = arith.cmpi slt, %parallel_loop3A_902, %parallel_loop3A_904 : vector<16xi32>
        %parallel_loop3A_906 = arith.constant 16 : i32
        %parallel_loop3A_907 = vector.broadcast %parallel_loop3A_906 : i32 to vector<16xi32>
        %parallel_loop3A_908 = arith.addi %parallel_loop3A_902, %parallel_loop3A_907 : vector<16xi32>
        %parallel_loop3A_909 = arith.select %parallel_loop3A_905, %parallel_loop3A_908, %parallel_loop3A_902 : vector<16xi1>, vector<16xi32>
        %parallel_loop3A_910 = vector.shape_cast %parallel_loop3A_909 : vector<16xi32> to vector<16x1xi32>
        %parallel_loop3A_911 = vector.shape_cast %parallel_loop3A_910 : vector<16x1xi32> to vector<16xi32>
        %parallel_loop3A_912 = tpu.dynamic_gather %parallel_loop3A_680[%parallel_loop3A_911] in [0] : vector<16xf32>, vector<16xi32> -> vector<16xf32>
        %parallel_loop3A_913 = arith.constant 5 : i32
        %parallel_loop3A_914 = arith.addi %parallel_loop3A_672, %parallel_loop3A_913 : i32
        %parallel_loop3A_915 = arith.constant 0 : i32
        %parallel_loop3A_916 = arith.constant 0 : i32
        %parallel_loop3A_917 = tpu.memref_slice %arg8[%parallel_loop3A_434, %parallel_loop3A_915, %parallel_loop3A_916] : memref<2x1024x32xf32, #tpu.memory_space<vmem>> -> memref<1x1024x32xf32, #tpu.memory_space<vmem>>
        %parallel_loop3A_918 = tpu.memref_squeeze %parallel_loop3A_917 : memref<1x1024x32xf32, #tpu.memory_space<vmem>> -> memref<1024x32xf32, #tpu.memory_space<vmem>>
        %parallel_loop3A_919 = arith.index_cast %parallel_loop3A_914 : i32 to index
        %parallel_loop3A_920 = arith.constant 0 : index
        %parallel_loop3A_921 = tpu.vector_load %parallel_loop3A_918[%parallel_loop3A_919, %parallel_loop3A_920] {strides = array<i32>} : memref<1024x32xf32, #tpu.memory_space<vmem>>, vector<1x16xf32>,
        %parallel_loop3A_922 = vector.shape_cast %parallel_loop3A_921 : vector<1x16xf32> to vector<16xf32>
        %parallel_loop3A_923 = arith.constant 5 : i32
        %parallel_loop3A_924 = arith.addi %parallel_loop3A_672, %parallel_loop3A_923 : i32
        %parallel_loop3A_925 = arith.constant 0 : i32
        %parallel_loop3A_926 = arith.constant 0 : i32
        %parallel_loop3A_927 = tpu.memref_slice %arg8[%parallel_loop3A_434, %parallel_loop3A_925, %parallel_loop3A_926] : memref<2x1024x32xf32, #tpu.memory_space<vmem>> -> memref<1x1024x32xf32, #tpu.memory_space<vmem>>
        %parallel_loop3A_928 = tpu.memref_squeeze %parallel_loop3A_927 : memref<1x1024x32xf32, #tpu.memory_space<vmem>> -> memref<1024x32xf32, #tpu.memory_space<vmem>>
        %parallel_loop3A_929 = arith.index_cast %parallel_loop3A_924 : i32 to index
        %parallel_loop3A_930 = arith.constant 16 : index
        %parallel_loop3A_931 = tpu.vector_load %parallel_loop3A_928[%parallel_loop3A_929, %parallel_loop3A_930] {strides = array<i32>} : memref<1024x32xf32, #tpu.memory_space<vmem>>, vector<1x16xf32>,
        %parallel_loop3A_932 = vector.shape_cast %parallel_loop3A_931 : vector<1x16xf32> to vector<16xf32>
        %parallel_loop3A_933 = arith.subf %parallel_loop3A_932, %parallel_loop3A_922 : vector<16xf32>
        %parallel_loop3A_934 = arith.mulf %parallel_loop3A_933, %parallel_loop3A_912 : vector<16xf32>
        %parallel_loop3A_935 = arith.addf %parallel_loop3A_922, %parallel_loop3A_934 : vector<16xf32>
        %parallel_loop3A_936 = arith.constant 80 : i32
        %parallel_loop3A_937 = arith.addi %parallel_loop3A_674, %parallel_loop3A_936 : i32
        %parallel_loop3A_938 = arith.constant 0 : i32
        %parallel_loop3A_939 = tpu.memref_slice %arg9[%parallel_loop3A_435, %parallel_loop3A_938] : memref<2x16384xf32, #tpu.memory_space<vmem>> -> memref<1x16384xf32, #tpu.memory_space<vmem>>
        %parallel_loop3A_940 = tpu.memref_squeeze %parallel_loop3A_939 : memref<1x16384xf32, #tpu.memory_space<vmem>> -> memref<16384xf32, #tpu.memory_space<vmem>>
        %parallel_loop3A_941 = arith.index_cast %parallel_loop3A_937 : i32 to index
        %parallel_loop3A_942 = tpu.vector_load %parallel_loop3A_940[%parallel_loop3A_941] {strides = array<i32>} : memref<16384xf32, #tpu.memory_space<vmem>>, vector<16xf32>,
        %parallel_loop3A_943 = vector.shape_cast %parallel_loop3A_942 : vector<16xf32> to vector<16xf32>
        %parallel_loop3A_944 = vector.shape_cast %parallel_loop3A_935 : vector<16xf32> to vector<16xf32>
        tpu.vector_store %parallel_loop3A_940[%parallel_loop3A_941], %parallel_loop3A_944 {strides = array<i32>} : memref<16384xf32, #tpu.memory_space<vmem>>, vector<16xf32>,
        %parallel_loop3A_945 = arith.constant 6 : i32
        %parallel_loop3A_946 = vector.broadcast %parallel_loop3A_945 : i32 to vector<16xi32>
        %parallel_loop3A_947 = arith.constant 0 : i32
        %parallel_loop3A_948 = vector.broadcast %parallel_loop3A_947 : i32 to vector<16xi32>
        %parallel_loop3A_949 = arith.cmpi slt, %parallel_loop3A_946, %parallel_loop3A_948 : vector<16xi32>
        %parallel_loop3A_950 = arith.constant 16 : i32
        %parallel_loop3A_951 = vector.broadcast %parallel_loop3A_950 : i32 to vector<16xi32>
        %parallel_loop3A_952 = arith.addi %parallel_loop3A_946, %parallel_loop3A_951 : vector<16xi32>
        %parallel_loop3A_953 = arith.select %parallel_loop3A_949, %parallel_loop3A_952, %parallel_loop3A_946 : vector<16xi1>, vector<16xi32>
        %parallel_loop3A_954 = vector.shape_cast %parallel_loop3A_953 : vector<16xi32> to vector<16x1xi32>
        %parallel_loop3A_955 = vector.shape_cast %parallel_loop3A_954 : vector<16x1xi32> to vector<16xi32>
        %parallel_loop3A_956 = tpu.dynamic_gather %parallel_loop3A_680[%parallel_loop3A_955] in [0] : vector<16xf32>, vector<16xi32> -> vector<16xf32>
        %parallel_loop3A_957 = arith.constant 6 : i32
        %parallel_loop3A_958 = arith.addi %parallel_loop3A_672, %parallel_loop3A_957 : i32
        %parallel_loop3A_959 = arith.constant 0 : i32
        %parallel_loop3A_960 = arith.constant 0 : i32
        %parallel_loop3A_961 = tpu.memref_slice %arg8[%parallel_loop3A_434, %parallel_loop3A_959, %parallel_loop3A_960] : memref<2x1024x32xf32, #tpu.memory_space<vmem>> -> memref<1x1024x32xf32, #tpu.memory_space<vmem>>
        %parallel_loop3A_962 = tpu.memref_squeeze %parallel_loop3A_961 : memref<1x1024x32xf32, #tpu.memory_space<vmem>> -> memref<1024x32xf32, #tpu.memory_space<vmem>>
        %parallel_loop3A_963 = arith.index_cast %parallel_loop3A_958 : i32 to index
        %parallel_loop3A_964 = arith.constant 0 : index
        %parallel_loop3A_965 = tpu.vector_load %parallel_loop3A_962[%parallel_loop3A_963, %parallel_loop3A_964] {strides = array<i32>} : memref<1024x32xf32, #tpu.memory_space<vmem>>, vector<1x16xf32>,
        %parallel_loop3A_966 = vector.shape_cast %parallel_loop3A_965 : vector<1x16xf32> to vector<16xf32>
        %parallel_loop3A_967 = arith.constant 6 : i32
        %parallel_loop3A_968 = arith.addi %parallel_loop3A_672, %parallel_loop3A_967 : i32
        %parallel_loop3A_969 = arith.constant 0 : i32
        %parallel_loop3A_970 = arith.constant 0 : i32
        %parallel_loop3A_971 = tpu.memref_slice %arg8[%parallel_loop3A_434, %parallel_loop3A_969, %parallel_loop3A_970] : memref<2x1024x32xf32, #tpu.memory_space<vmem>> -> memref<1x1024x32xf32, #tpu.memory_space<vmem>>
        %parallel_loop3A_972 = tpu.memref_squeeze %parallel_loop3A_971 : memref<1x1024x32xf32, #tpu.memory_space<vmem>> -> memref<1024x32xf32, #tpu.memory_space<vmem>>
        %parallel_loop3A_973 = arith.index_cast %parallel_loop3A_968 : i32 to index
        %parallel_loop3A_974 = arith.constant 16 : index
        %parallel_loop3A_975 = tpu.vector_load %parallel_loop3A_972[%parallel_loop3A_973, %parallel_loop3A_974] {strides = array<i32>} : memref<1024x32xf32, #tpu.memory_space<vmem>>, vector<1x16xf32>,
        %parallel_loop3A_976 = vector.shape_cast %parallel_loop3A_975 : vector<1x16xf32> to vector<16xf32>
        %parallel_loop3A_977 = arith.subf %parallel_loop3A_976, %parallel_loop3A_966 : vector<16xf32>
        %parallel_loop3A_978 = arith.mulf %parallel_loop3A_977, %parallel_loop3A_956 : vector<16xf32>
        %parallel_loop3A_979 = arith.addf %parallel_loop3A_966, %parallel_loop3A_978 : vector<16xf32>
        %parallel_loop3A_980 = arith.constant 96 : i32
        %parallel_loop3A_981 = arith.addi %parallel_loop3A_674, %parallel_loop3A_980 : i32
        %parallel_loop3A_982 = arith.constant 0 : i32
        %parallel_loop3A_983 = tpu.memref_slice %arg9[%parallel_loop3A_435, %parallel_loop3A_982] : memref<2x16384xf32, #tpu.memory_space<vmem>> -> memref<1x16384xf32, #tpu.memory_space<vmem>>
        %parallel_loop3A_984 = tpu.memref_squeeze %parallel_loop3A_983 : memref<1x16384xf32, #tpu.memory_space<vmem>> -> memref<16384xf32, #tpu.memory_space<vmem>>
        %parallel_loop3A_985 = arith.index_cast %parallel_loop3A_981 : i32 to index
        %parallel_loop3A_986 = tpu.vector_load %parallel_loop3A_984[%parallel_loop3A_985] {strides = array<i32>} : memref<16384xf32, #tpu.memory_space<vmem>>, vector<16xf32>,
        %parallel_loop3A_987 = vector.shape_cast %parallel_loop3A_986 : vector<16xf32> to vector<16xf32>
        %parallel_loop3A_988 = vector.shape_cast %parallel_loop3A_979 : vector<16xf32> to vector<16xf32>
        tpu.vector_store %parallel_loop3A_984[%parallel_loop3A_985], %parallel_loop3A_988 {strides = array<i32>} : memref<16384xf32, #tpu.memory_space<vmem>>, vector<16xf32>,
        %parallel_loop3A_989 = arith.constant 7 : i32
        %parallel_loop3A_990 = vector.broadcast %parallel_loop3A_989 : i32 to vector<16xi32>
        %parallel_loop3A_991 = arith.constant 0 : i32
        %parallel_loop3A_992 = vector.broadcast %parallel_loop3A_991 : i32 to vector<16xi32>
        %parallel_loop3A_993 = arith.cmpi slt, %parallel_loop3A_990, %parallel_loop3A_992 : vector<16xi32>
        %parallel_loop3A_994 = arith.constant 16 : i32
        %parallel_loop3A_995 = vector.broadcast %parallel_loop3A_994 : i32 to vector<16xi32>
        %parallel_loop3A_996 = arith.addi %parallel_loop3A_990, %parallel_loop3A_995 : vector<16xi32>
        %parallel_loop3A_997 = arith.select %parallel_loop3A_993, %parallel_loop3A_996, %parallel_loop3A_990 : vector<16xi1>, vector<16xi32>
        %parallel_loop3A_998 = vector.shape_cast %parallel_loop3A_997 : vector<16xi32> to vector<16x1xi32>
        %parallel_loop3A_999 = vector.shape_cast %parallel_loop3A_998 : vector<16x1xi32> to vector<16xi32>
        %parallel_loop3A_1000 = tpu.dynamic_gather %parallel_loop3A_680[%parallel_loop3A_999] in [0] : vector<16xf32>, vector<16xi32> -> vector<16xf32>
        %parallel_loop3A_1001 = arith.constant 7 : i32
        %parallel_loop3A_1002 = arith.addi %parallel_loop3A_672, %parallel_loop3A_1001 : i32
        %parallel_loop3A_1003 = arith.constant 0 : i32
        %parallel_loop3A_1004 = arith.constant 0 : i32
        %parallel_loop3A_1005 = tpu.memref_slice %arg8[%parallel_loop3A_434, %parallel_loop3A_1003, %parallel_loop3A_1004] : memref<2x1024x32xf32, #tpu.memory_space<vmem>> -> memref<1x1024x32xf32, #tpu.memory_space<vmem>>
        %parallel_loop3A_1006 = tpu.memref_squeeze %parallel_loop3A_1005 : memref<1x1024x32xf32, #tpu.memory_space<vmem>> -> memref<1024x32xf32, #tpu.memory_space<vmem>>
        %parallel_loop3A_1007 = arith.index_cast %parallel_loop3A_1002 : i32 to index
        %parallel_loop3A_1008 = arith.constant 0 : index
        %parallel_loop3A_1009 = tpu.vector_load %parallel_loop3A_1006[%parallel_loop3A_1007, %parallel_loop3A_1008] {strides = array<i32>} : memref<1024x32xf32, #tpu.memory_space<vmem>>, vector<1x16xf32>,
        %parallel_loop3A_1010 = vector.shape_cast %parallel_loop3A_1009 : vector<1x16xf32> to vector<16xf32>
        %parallel_loop3A_1011 = arith.constant 7 : i32
        %parallel_loop3A_1012 = arith.addi %parallel_loop3A_672, %parallel_loop3A_1011 : i32
        %parallel_loop3A_1013 = arith.constant 0 : i32
        %parallel_loop3A_1014 = arith.constant 0 : i32
        %parallel_loop3A_1015 = tpu.memref_slice %arg8[%parallel_loop3A_434, %parallel_loop3A_1013, %parallel_loop3A_1014] : memref<2x1024x32xf32, #tpu.memory_space<vmem>> -> memref<1x1024x32xf32, #tpu.memory_space<vmem>>
        %parallel_loop3A_1016 = tpu.memref_squeeze %parallel_loop3A_1015 : memref<1x1024x32xf32, #tpu.memory_space<vmem>> -> memref<1024x32xf32, #tpu.memory_space<vmem>>
        %parallel_loop3A_1017 = arith.index_cast %parallel_loop3A_1012 : i32 to index
        %parallel_loop3A_1018 = arith.constant 16 : index
        %parallel_loop3A_1019 = tpu.vector_load %parallel_loop3A_1016[%parallel_loop3A_1017, %parallel_loop3A_1018] {strides = array<i32>} : memref<1024x32xf32, #tpu.memory_space<vmem>>, vector<1x16xf32>,
        %parallel_loop3A_1020 = vector.shape_cast %parallel_loop3A_1019 : vector<1x16xf32> to vector<16xf32>
        %parallel_loop3A_1021 = arith.subf %parallel_loop3A_1020, %parallel_loop3A_1010 : vector<16xf32>
        %parallel_loop3A_1022 = arith.mulf %parallel_loop3A_1021, %parallel_loop3A_1000 : vector<16xf32>
        %parallel_loop3A_1023 = arith.addf %parallel_loop3A_1010, %parallel_loop3A_1022 : vector<16xf32>
        %parallel_loop3A_1024 = arith.constant 112 : i32
        %parallel_loop3A_1025 = arith.addi %parallel_loop3A_674, %parallel_loop3A_1024 : i32
        %parallel_loop3A_1026 = arith.constant 0 : i32
        %parallel_loop3A_1027 = tpu.memref_slice %arg9[%parallel_loop3A_435, %parallel_loop3A_1026] : memref<2x16384xf32, #tpu.memory_space<vmem>> -> memref<1x16384xf32, #tpu.memory_space<vmem>>
        %parallel_loop3A_1028 = tpu.memref_squeeze %parallel_loop3A_1027 : memref<1x16384xf32, #tpu.memory_space<vmem>> -> memref<16384xf32, #tpu.memory_space<vmem>>
        %parallel_loop3A_1029 = arith.index_cast %parallel_loop3A_1025 : i32 to index
        %parallel_loop3A_1030 = tpu.vector_load %parallel_loop3A_1028[%parallel_loop3A_1029] {strides = array<i32>} : memref<16384xf32, #tpu.memory_space<vmem>>, vector<16xf32>,
        %parallel_loop3A_1031 = vector.shape_cast %parallel_loop3A_1030 : vector<16xf32> to vector<16xf32>
        %parallel_loop3A_1032 = vector.shape_cast %parallel_loop3A_1023 : vector<16xf32> to vector<16xf32>
        tpu.vector_store %parallel_loop3A_1028[%parallel_loop3A_1029], %parallel_loop3A_1032 {strides = array<i32>} : memref<16384xf32, #tpu.memory_space<vmem>>, vector<16xf32>,
        %parallel_loop3A_1033 = arith.constant 8 : i32
        %parallel_loop3A_1034 = vector.broadcast %parallel_loop3A_1033 : i32 to vector<16xi32>
        %parallel_loop3A_1035 = arith.constant 0 : i32
        %parallel_loop3A_1036 = vector.broadcast %parallel_loop3A_1035 : i32 to vector<16xi32>
        %parallel_loop3A_1037 = arith.cmpi slt, %parallel_loop3A_1034, %parallel_loop3A_1036 : vector<16xi32>
        %parallel_loop3A_1038 = arith.constant 16 : i32
        %parallel_loop3A_1039 = vector.broadcast %parallel_loop3A_1038 : i32 to vector<16xi32>
        %parallel_loop3A_1040 = arith.addi %parallel_loop3A_1034, %parallel_loop3A_1039 : vector<16xi32>
        %parallel_loop3A_1041 = arith.select %parallel_loop3A_1037, %parallel_loop3A_1040, %parallel_loop3A_1034 : vector<16xi1>, vector<16xi32>
        %parallel_loop3A_1042 = vector.shape_cast %parallel_loop3A_1041 : vector<16xi32> to vector<16x1xi32>
        %parallel_loop3A_1043 = vector.shape_cast %parallel_loop3A_1042 : vector<16x1xi32> to vector<16xi32>
        %parallel_loop3A_1044 = tpu.dynamic_gather %parallel_loop3A_680[%parallel_loop3A_1043] in [0] : vector<16xf32>, vector<16xi32> -> vector<16xf32>
        %parallel_loop3A_1045 = arith.constant 8 : i32
        %parallel_loop3A_1046 = arith.addi %parallel_loop3A_672, %parallel_loop3A_1045 : i32
        %parallel_loop3A_1047 = arith.constant 0 : i32
        %parallel_loop3A_1048 = arith.constant 0 : i32
        %parallel_loop3A_1049 = tpu.memref_slice %arg8[%parallel_loop3A_434, %parallel_loop3A_1047, %parallel_loop3A_1048] : memref<2x1024x32xf32, #tpu.memory_space<vmem>> -> memref<1x1024x32xf32, #tpu.memory_space<vmem>>
        %parallel_loop3A_1050 = tpu.memref_squeeze %parallel_loop3A_1049 : memref<1x1024x32xf32, #tpu.memory_space<vmem>> -> memref<1024x32xf32, #tpu.memory_space<vmem>>
        %parallel_loop3A_1051 = arith.index_cast %parallel_loop3A_1046 : i32 to index
        %parallel_loop3A_1052 = arith.constant 0 : index
        %parallel_loop3A_1053 = tpu.vector_load %parallel_loop3A_1050[%parallel_loop3A_1051, %parallel_loop3A_1052] {strides = array<i32>} : memref<1024x32xf32, #tpu.memory_space<vmem>>, vector<1x16xf32>,
        %parallel_loop3A_1054 = vector.shape_cast %parallel_loop3A_1053 : vector<1x16xf32> to vector<16xf32>
        %parallel_loop3A_1055 = arith.constant 8 : i32
        %parallel_loop3A_1056 = arith.addi %parallel_loop3A_672, %parallel_loop3A_1055 : i32
        %parallel_loop3A_1057 = arith.constant 0 : i32
        %parallel_loop3A_1058 = arith.constant 0 : i32
        %parallel_loop3A_1059 = tpu.memref_slice %arg8[%parallel_loop3A_434, %parallel_loop3A_1057, %parallel_loop3A_1058] : memref<2x1024x32xf32, #tpu.memory_space<vmem>> -> memref<1x1024x32xf32, #tpu.memory_space<vmem>>
        %parallel_loop3A_1060 = tpu.memref_squeeze %parallel_loop3A_1059 : memref<1x1024x32xf32, #tpu.memory_space<vmem>> -> memref<1024x32xf32, #tpu.memory_space<vmem>>
        %parallel_loop3A_1061 = arith.index_cast %parallel_loop3A_1056 : i32 to index
        %parallel_loop3A_1062 = arith.constant 16 : index
        %parallel_loop3A_1063 = tpu.vector_load %parallel_loop3A_1060[%parallel_loop3A_1061, %parallel_loop3A_1062] {strides = array<i32>} : memref<1024x32xf32, #tpu.memory_space<vmem>>, vector<1x16xf32>,
        %parallel_loop3A_1064 = vector.shape_cast %parallel_loop3A_1063 : vector<1x16xf32> to vector<16xf32>
        %parallel_loop3A_1065 = arith.subf %parallel_loop3A_1064, %parallel_loop3A_1054 : vector<16xf32>
        %parallel_loop3A_1066 = arith.mulf %parallel_loop3A_1065, %parallel_loop3A_1044 : vector<16xf32>
        %parallel_loop3A_1067 = arith.addf %parallel_loop3A_1054, %parallel_loop3A_1066 : vector<16xf32>
        %parallel_loop3A_1068 = arith.constant 128 : i32
        %parallel_loop3A_1069 = arith.addi %parallel_loop3A_674, %parallel_loop3A_1068 : i32
        %parallel_loop3A_1070 = arith.constant 0 : i32
        %parallel_loop3A_1071 = tpu.memref_slice %arg9[%parallel_loop3A_435, %parallel_loop3A_1070] : memref<2x16384xf32, #tpu.memory_space<vmem>> -> memref<1x16384xf32, #tpu.memory_space<vmem>>
        %parallel_loop3A_1072 = tpu.memref_squeeze %parallel_loop3A_1071 : memref<1x16384xf32, #tpu.memory_space<vmem>> -> memref<16384xf32, #tpu.memory_space<vmem>>
        %parallel_loop3A_1073 = arith.index_cast %parallel_loop3A_1069 : i32 to index
        %parallel_loop3A_1074 = tpu.vector_load %parallel_loop3A_1072[%parallel_loop3A_1073] {strides = array<i32>} : memref<16384xf32, #tpu.memory_space<vmem>>, vector<16xf32>,
        %parallel_loop3A_1075 = vector.shape_cast %parallel_loop3A_1074 : vector<16xf32> to vector<16xf32>
        %parallel_loop3A_1076 = vector.shape_cast %parallel_loop3A_1067 : vector<16xf32> to vector<16xf32>
        tpu.vector_store %parallel_loop3A_1072[%parallel_loop3A_1073], %parallel_loop3A_1076 {strides = array<i32>} : memref<16384xf32, #tpu.memory_space<vmem>>, vector<16xf32>,
        %parallel_loop3A_1077 = arith.constant 9 : i32
        %parallel_loop3A_1078 = vector.broadcast %parallel_loop3A_1077 : i32 to vector<16xi32>
        %parallel_loop3A_1079 = arith.constant 0 : i32
        %parallel_loop3A_1080 = vector.broadcast %parallel_loop3A_1079 : i32 to vector<16xi32>
        %parallel_loop3A_1081 = arith.cmpi slt, %parallel_loop3A_1078, %parallel_loop3A_1080 : vector<16xi32>
        %parallel_loop3A_1082 = arith.constant 16 : i32
        %parallel_loop3A_1083 = vector.broadcast %parallel_loop3A_1082 : i32 to vector<16xi32>
        %parallel_loop3A_1084 = arith.addi %parallel_loop3A_1078, %parallel_loop3A_1083 : vector<16xi32>
        %parallel_loop3A_1085 = arith.select %parallel_loop3A_1081, %parallel_loop3A_1084, %parallel_loop3A_1078 : vector<16xi1>, vector<16xi32>
        %parallel_loop3A_1086 = vector.shape_cast %parallel_loop3A_1085 : vector<16xi32> to vector<16x1xi32>
        %parallel_loop3A_1087 = vector.shape_cast %parallel_loop3A_1086 : vector<16x1xi32> to vector<16xi32>
        %parallel_loop3A_1088 = tpu.dynamic_gather %parallel_loop3A_680[%parallel_loop3A_1087] in [0] : vector<16xf32>, vector<16xi32> -> vector<16xf32>
        %parallel_loop3A_1089 = arith.constant 9 : i32
        %parallel_loop3A_1090 = arith.addi %parallel_loop3A_672, %parallel_loop3A_1089 : i32
        %parallel_loop3A_1091 = arith.constant 0 : i32
        %parallel_loop3A_1092 = arith.constant 0 : i32
        %parallel_loop3A_1093 = tpu.memref_slice %arg8[%parallel_loop3A_434, %parallel_loop3A_1091, %parallel_loop3A_1092] : memref<2x1024x32xf32, #tpu.memory_space<vmem>> -> memref<1x1024x32xf32, #tpu.memory_space<vmem>>
        %parallel_loop3A_1094 = tpu.memref_squeeze %parallel_loop3A_1093 : memref<1x1024x32xf32, #tpu.memory_space<vmem>> -> memref<1024x32xf32, #tpu.memory_space<vmem>>
        %parallel_loop3A_1095 = arith.index_cast %parallel_loop3A_1090 : i32 to index
        %parallel_loop3A_1096 = arith.constant 0 : index
        %parallel_loop3A_1097 = tpu.vector_load %parallel_loop3A_1094[%parallel_loop3A_1095, %parallel_loop3A_1096] {strides = array<i32>} : memref<1024x32xf32, #tpu.memory_space<vmem>>, vector<1x16xf32>,
        %parallel_loop3A_1098 = vector.shape_cast %parallel_loop3A_1097 : vector<1x16xf32> to vector<16xf32>
        %parallel_loop3A_1099 = arith.constant 9 : i32
        %parallel_loop3A_1100 = arith.addi %parallel_loop3A_672, %parallel_loop3A_1099 : i32
        %parallel_loop3A_1101 = arith.constant 0 : i32
        %parallel_loop3A_1102 = arith.constant 0 : i32
        %parallel_loop3A_1103 = tpu.memref_slice %arg8[%parallel_loop3A_434, %parallel_loop3A_1101, %parallel_loop3A_1102] : memref<2x1024x32xf32, #tpu.memory_space<vmem>> -> memref<1x1024x32xf32, #tpu.memory_space<vmem>>
        %parallel_loop3A_1104 = tpu.memref_squeeze %parallel_loop3A_1103 : memref<1x1024x32xf32, #tpu.memory_space<vmem>> -> memref<1024x32xf32, #tpu.memory_space<vmem>>
        %parallel_loop3A_1105 = arith.index_cast %parallel_loop3A_1100 : i32 to index
        %parallel_loop3A_1106 = arith.constant 16 : index
        %parallel_loop3A_1107 = tpu.vector_load %parallel_loop3A_1104[%parallel_loop3A_1105, %parallel_loop3A_1106] {strides = array<i32>} : memref<1024x32xf32, #tpu.memory_space<vmem>>, vector<1x16xf32>,
        %parallel_loop3A_1108 = vector.shape_cast %parallel_loop3A_1107 : vector<1x16xf32> to vector<16xf32>
        %parallel_loop3A_1109 = arith.subf %parallel_loop3A_1108, %parallel_loop3A_1098 : vector<16xf32>
        %parallel_loop3A_1110 = arith.mulf %parallel_loop3A_1109, %parallel_loop3A_1088 : vector<16xf32>
        %parallel_loop3A_1111 = arith.addf %parallel_loop3A_1098, %parallel_loop3A_1110 : vector<16xf32>
        %parallel_loop3A_1112 = arith.constant 144 : i32
        %parallel_loop3A_1113 = arith.addi %parallel_loop3A_674, %parallel_loop3A_1112 : i32
        %parallel_loop3A_1114 = arith.constant 0 : i32
        %parallel_loop3A_1115 = tpu.memref_slice %arg9[%parallel_loop3A_435, %parallel_loop3A_1114] : memref<2x16384xf32, #tpu.memory_space<vmem>> -> memref<1x16384xf32, #tpu.memory_space<vmem>>
        %parallel_loop3A_1116 = tpu.memref_squeeze %parallel_loop3A_1115 : memref<1x16384xf32, #tpu.memory_space<vmem>> -> memref<16384xf32, #tpu.memory_space<vmem>>
        %parallel_loop3A_1117 = arith.index_cast %parallel_loop3A_1113 : i32 to index
        %parallel_loop3A_1118 = tpu.vector_load %parallel_loop3A_1116[%parallel_loop3A_1117] {strides = array<i32>} : memref<16384xf32, #tpu.memory_space<vmem>>, vector<16xf32>,
        %parallel_loop3A_1119 = vector.shape_cast %parallel_loop3A_1118 : vector<16xf32> to vector<16xf32>
        %parallel_loop3A_1120 = vector.shape_cast %parallel_loop3A_1111 : vector<16xf32> to vector<16xf32>
        tpu.vector_store %parallel_loop3A_1116[%parallel_loop3A_1117], %parallel_loop3A_1120 {strides = array<i32>} : memref<16384xf32, #tpu.memory_space<vmem>>, vector<16xf32>,
        %parallel_loop3A_1121 = arith.constant 10 : i32
        %parallel_loop3A_1122 = vector.broadcast %parallel_loop3A_1121 : i32 to vector<16xi32>
        %parallel_loop3A_1123 = arith.constant 0 : i32
        %parallel_loop3A_1124 = vector.broadcast %parallel_loop3A_1123 : i32 to vector<16xi32>
        %parallel_loop3A_1125 = arith.cmpi slt, %parallel_loop3A_1122, %parallel_loop3A_1124 : vector<16xi32>
        %parallel_loop3A_1126 = arith.constant 16 : i32
        %parallel_loop3A_1127 = vector.broadcast %parallel_loop3A_1126 : i32 to vector<16xi32>
        %parallel_loop3A_1128 = arith.addi %parallel_loop3A_1122, %parallel_loop3A_1127 : vector<16xi32>
        %parallel_loop3A_1129 = arith.select %parallel_loop3A_1125, %parallel_loop3A_1128, %parallel_loop3A_1122 : vector<16xi1>, vector<16xi32>
        %parallel_loop3A_1130 = vector.shape_cast %parallel_loop3A_1129 : vector<16xi32> to vector<16x1xi32>
        %parallel_loop3A_1131 = vector.shape_cast %parallel_loop3A_1130 : vector<16x1xi32> to vector<16xi32>
        %parallel_loop3A_1132 = tpu.dynamic_gather %parallel_loop3A_680[%parallel_loop3A_1131] in [0] : vector<16xf32>, vector<16xi32> -> vector<16xf32>
        %parallel_loop3A_1133 = arith.constant 10 : i32
        %parallel_loop3A_1134 = arith.addi %parallel_loop3A_672, %parallel_loop3A_1133 : i32
        %parallel_loop3A_1135 = arith.constant 0 : i32
        %parallel_loop3A_1136 = arith.constant 0 : i32
        %parallel_loop3A_1137 = tpu.memref_slice %arg8[%parallel_loop3A_434, %parallel_loop3A_1135, %parallel_loop3A_1136] : memref<2x1024x32xf32, #tpu.memory_space<vmem>> -> memref<1x1024x32xf32, #tpu.memory_space<vmem>>
        %parallel_loop3A_1138 = tpu.memref_squeeze %parallel_loop3A_1137 : memref<1x1024x32xf32, #tpu.memory_space<vmem>> -> memref<1024x32xf32, #tpu.memory_space<vmem>>
        %parallel_loop3A_1139 = arith.index_cast %parallel_loop3A_1134 : i32 to index
        %parallel_loop3A_1140 = arith.constant 0 : index
        %parallel_loop3A_1141 = tpu.vector_load %parallel_loop3A_1138[%parallel_loop3A_1139, %parallel_loop3A_1140] {strides = array<i32>} : memref<1024x32xf32, #tpu.memory_space<vmem>>, vector<1x16xf32>,
        %parallel_loop3A_1142 = vector.shape_cast %parallel_loop3A_1141 : vector<1x16xf32> to vector<16xf32>
        %parallel_loop3A_1143 = arith.constant 10 : i32
        %parallel_loop3A_1144 = arith.addi %parallel_loop3A_672, %parallel_loop3A_1143 : i32
        %parallel_loop3A_1145 = arith.constant 0 : i32
        %parallel_loop3A_1146 = arith.constant 0 : i32
        %parallel_loop3A_1147 = tpu.memref_slice %arg8[%parallel_loop3A_434, %parallel_loop3A_1145, %parallel_loop3A_1146] : memref<2x1024x32xf32, #tpu.memory_space<vmem>> -> memref<1x1024x32xf32, #tpu.memory_space<vmem>>
        %parallel_loop3A_1148 = tpu.memref_squeeze %parallel_loop3A_1147 : memref<1x1024x32xf32, #tpu.memory_space<vmem>> -> memref<1024x32xf32, #tpu.memory_space<vmem>>
        %parallel_loop3A_1149 = arith.index_cast %parallel_loop3A_1144 : i32 to index
        %parallel_loop3A_1150 = arith.constant 16 : index
        %parallel_loop3A_1151 = tpu.vector_load %parallel_loop3A_1148[%parallel_loop3A_1149, %parallel_loop3A_1150] {strides = array<i32>} : memref<1024x32xf32, #tpu.memory_space<vmem>>, vector<1x16xf32>,
        %parallel_loop3A_1152 = vector.shape_cast %parallel_loop3A_1151 : vector<1x16xf32> to vector<16xf32>
        %parallel_loop3A_1153 = arith.subf %parallel_loop3A_1152, %parallel_loop3A_1142 : vector<16xf32>
        %parallel_loop3A_1154 = arith.mulf %parallel_loop3A_1153, %parallel_loop3A_1132 : vector<16xf32>
        %parallel_loop3A_1155 = arith.addf %parallel_loop3A_1142, %parallel_loop3A_1154 : vector<16xf32>
        %parallel_loop3A_1156 = arith.constant 160 : i32
        %parallel_loop3A_1157 = arith.addi %parallel_loop3A_674, %parallel_loop3A_1156 : i32
        %parallel_loop3A_1158 = arith.constant 0 : i32
        %parallel_loop3A_1159 = tpu.memref_slice %arg9[%parallel_loop3A_435, %parallel_loop3A_1158] : memref<2x16384xf32, #tpu.memory_space<vmem>> -> memref<1x16384xf32, #tpu.memory_space<vmem>>
        %parallel_loop3A_1160 = tpu.memref_squeeze %parallel_loop3A_1159 : memref<1x16384xf32, #tpu.memory_space<vmem>> -> memref<16384xf32, #tpu.memory_space<vmem>>
        %parallel_loop3A_1161 = arith.index_cast %parallel_loop3A_1157 : i32 to index
        %parallel_loop3A_1162 = tpu.vector_load %parallel_loop3A_1160[%parallel_loop3A_1161] {strides = array<i32>} : memref<16384xf32, #tpu.memory_space<vmem>>, vector<16xf32>,
        %parallel_loop3A_1163 = vector.shape_cast %parallel_loop3A_1162 : vector<16xf32> to vector<16xf32>
        %parallel_loop3A_1164 = vector.shape_cast %parallel_loop3A_1155 : vector<16xf32> to vector<16xf32>
        tpu.vector_store %parallel_loop3A_1160[%parallel_loop3A_1161], %parallel_loop3A_1164 {strides = array<i32>} : memref<16384xf32, #tpu.memory_space<vmem>>, vector<16xf32>,
        %parallel_loop3A_1165 = arith.constant 11 : i32
        %parallel_loop3A_1166 = vector.broadcast %parallel_loop3A_1165 : i32 to vector<16xi32>
        %parallel_loop3A_1167 = arith.constant 0 : i32
        %parallel_loop3A_1168 = vector.broadcast %parallel_loop3A_1167 : i32 to vector<16xi32>
        %parallel_loop3A_1169 = arith.cmpi slt, %parallel_loop3A_1166, %parallel_loop3A_1168 : vector<16xi32>
        %parallel_loop3A_1170 = arith.constant 16 : i32
        %parallel_loop3A_1171 = vector.broadcast %parallel_loop3A_1170 : i32 to vector<16xi32>
        %parallel_loop3A_1172 = arith.addi %parallel_loop3A_1166, %parallel_loop3A_1171 : vector<16xi32>
        %parallel_loop3A_1173 = arith.select %parallel_loop3A_1169, %parallel_loop3A_1172, %parallel_loop3A_1166 : vector<16xi1>, vector<16xi32>
        %parallel_loop3A_1174 = vector.shape_cast %parallel_loop3A_1173 : vector<16xi32> to vector<16x1xi32>
        %parallel_loop3A_1175 = vector.shape_cast %parallel_loop3A_1174 : vector<16x1xi32> to vector<16xi32>
        %parallel_loop3A_1176 = tpu.dynamic_gather %parallel_loop3A_680[%parallel_loop3A_1175] in [0] : vector<16xf32>, vector<16xi32> -> vector<16xf32>
        %parallel_loop3A_1177 = arith.constant 11 : i32
        %parallel_loop3A_1178 = arith.addi %parallel_loop3A_672, %parallel_loop3A_1177 : i32
        %parallel_loop3A_1179 = arith.constant 0 : i32
        %parallel_loop3A_1180 = arith.constant 0 : i32
        %parallel_loop3A_1181 = tpu.memref_slice %arg8[%parallel_loop3A_434, %parallel_loop3A_1179, %parallel_loop3A_1180] : memref<2x1024x32xf32, #tpu.memory_space<vmem>> -> memref<1x1024x32xf32, #tpu.memory_space<vmem>>
        %parallel_loop3A_1182 = tpu.memref_squeeze %parallel_loop3A_1181 : memref<1x1024x32xf32, #tpu.memory_space<vmem>> -> memref<1024x32xf32, #tpu.memory_space<vmem>>
        %parallel_loop3A_1183 = arith.index_cast %parallel_loop3A_1178 : i32 to index
        %parallel_loop3A_1184 = arith.constant 0 : index
        %parallel_loop3A_1185 = tpu.vector_load %parallel_loop3A_1182[%parallel_loop3A_1183, %parallel_loop3A_1184] {strides = array<i32>} : memref<1024x32xf32, #tpu.memory_space<vmem>>, vector<1x16xf32>,
        %parallel_loop3A_1186 = vector.shape_cast %parallel_loop3A_1185 : vector<1x16xf32> to vector<16xf32>
        %parallel_loop3A_1187 = arith.constant 11 : i32
        %parallel_loop3A_1188 = arith.addi %parallel_loop3A_672, %parallel_loop3A_1187 : i32
        %parallel_loop3A_1189 = arith.constant 0 : i32
        %parallel_loop3A_1190 = arith.constant 0 : i32
        %parallel_loop3A_1191 = tpu.memref_slice %arg8[%parallel_loop3A_434, %parallel_loop3A_1189, %parallel_loop3A_1190] : memref<2x1024x32xf32, #tpu.memory_space<vmem>> -> memref<1x1024x32xf32, #tpu.memory_space<vmem>>
        %parallel_loop3A_1192 = tpu.memref_squeeze %parallel_loop3A_1191 : memref<1x1024x32xf32, #tpu.memory_space<vmem>> -> memref<1024x32xf32, #tpu.memory_space<vmem>>
        %parallel_loop3A_1193 = arith.index_cast %parallel_loop3A_1188 : i32 to index
        %parallel_loop3A_1194 = arith.constant 16 : index
        %parallel_loop3A_1195 = tpu.vector_load %parallel_loop3A_1192[%parallel_loop3A_1193, %parallel_loop3A_1194] {strides = array<i32>} : memref<1024x32xf32, #tpu.memory_space<vmem>>, vector<1x16xf32>,
        %parallel_loop3A_1196 = vector.shape_cast %parallel_loop3A_1195 : vector<1x16xf32> to vector<16xf32>
        %parallel_loop3A_1197 = arith.subf %parallel_loop3A_1196, %parallel_loop3A_1186 : vector<16xf32>
        %parallel_loop3A_1198 = arith.mulf %parallel_loop3A_1197, %parallel_loop3A_1176 : vector<16xf32>
        %parallel_loop3A_1199 = arith.addf %parallel_loop3A_1186, %parallel_loop3A_1198 : vector<16xf32>
        %parallel_loop3A_1200 = arith.constant 176 : i32
        %parallel_loop3A_1201 = arith.addi %parallel_loop3A_674, %parallel_loop3A_1200 : i32
        %parallel_loop3A_1202 = arith.constant 0 : i32
        %parallel_loop3A_1203 = tpu.memref_slice %arg9[%parallel_loop3A_435, %parallel_loop3A_1202] : memref<2x16384xf32, #tpu.memory_space<vmem>> -> memref<1x16384xf32, #tpu.memory_space<vmem>>
        %parallel_loop3A_1204 = tpu.memref_squeeze %parallel_loop3A_1203 : memref<1x16384xf32, #tpu.memory_space<vmem>> -> memref<16384xf32, #tpu.memory_space<vmem>>
        %parallel_loop3A_1205 = arith.index_cast %parallel_loop3A_1201 : i32 to index
        %parallel_loop3A_1206 = tpu.vector_load %parallel_loop3A_1204[%parallel_loop3A_1205] {strides = array<i32>} : memref<16384xf32, #tpu.memory_space<vmem>>, vector<16xf32>,
        %parallel_loop3A_1207 = vector.shape_cast %parallel_loop3A_1206 : vector<16xf32> to vector<16xf32>
        %parallel_loop3A_1208 = vector.shape_cast %parallel_loop3A_1199 : vector<16xf32> to vector<16xf32>
        tpu.vector_store %parallel_loop3A_1204[%parallel_loop3A_1205], %parallel_loop3A_1208 {strides = array<i32>} : memref<16384xf32, #tpu.memory_space<vmem>>, vector<16xf32>,
        %parallel_loop3A_1209 = arith.constant 12 : i32
        %parallel_loop3A_1210 = vector.broadcast %parallel_loop3A_1209 : i32 to vector<16xi32>
        %parallel_loop3A_1211 = arith.constant 0 : i32
        %parallel_loop3A_1212 = vector.broadcast %parallel_loop3A_1211 : i32 to vector<16xi32>
        %parallel_loop3A_1213 = arith.cmpi slt, %parallel_loop3A_1210, %parallel_loop3A_1212 : vector<16xi32>
        %parallel_loop3A_1214 = arith.constant 16 : i32
        %parallel_loop3A_1215 = vector.broadcast %parallel_loop3A_1214 : i32 to vector<16xi32>
        %parallel_loop3A_1216 = arith.addi %parallel_loop3A_1210, %parallel_loop3A_1215 : vector<16xi32>
        %parallel_loop3A_1217 = arith.select %parallel_loop3A_1213, %parallel_loop3A_1216, %parallel_loop3A_1210 : vector<16xi1>, vector<16xi32>
        %parallel_loop3A_1218 = vector.shape_cast %parallel_loop3A_1217 : vector<16xi32> to vector<16x1xi32>
        %parallel_loop3A_1219 = vector.shape_cast %parallel_loop3A_1218 : vector<16x1xi32> to vector<16xi32>
        %parallel_loop3A_1220 = tpu.dynamic_gather %parallel_loop3A_680[%parallel_loop3A_1219] in [0] : vector<16xf32>, vector<16xi32> -> vector<16xf32>
        %parallel_loop3A_1221 = arith.constant 12 : i32
        %parallel_loop3A_1222 = arith.addi %parallel_loop3A_672, %parallel_loop3A_1221 : i32
        %parallel_loop3A_1223 = arith.constant 0 : i32
        %parallel_loop3A_1224 = arith.constant 0 : i32
        %parallel_loop3A_1225 = tpu.memref_slice %arg8[%parallel_loop3A_434, %parallel_loop3A_1223, %parallel_loop3A_1224] : memref<2x1024x32xf32, #tpu.memory_space<vmem>> -> memref<1x1024x32xf32, #tpu.memory_space<vmem>>
        %parallel_loop3A_1226 = tpu.memref_squeeze %parallel_loop3A_1225 : memref<1x1024x32xf32, #tpu.memory_space<vmem>> -> memref<1024x32xf32, #tpu.memory_space<vmem>>
        %parallel_loop3A_1227 = arith.index_cast %parallel_loop3A_1222 : i32 to index
        %parallel_loop3A_1228 = arith.constant 0 : index
        %parallel_loop3A_1229 = tpu.vector_load %parallel_loop3A_1226[%parallel_loop3A_1227, %parallel_loop3A_1228] {strides = array<i32>} : memref<1024x32xf32, #tpu.memory_space<vmem>>, vector<1x16xf32>,
        %parallel_loop3A_1230 = vector.shape_cast %parallel_loop3A_1229 : vector<1x16xf32> to vector<16xf32>
        %parallel_loop3A_1231 = arith.constant 12 : i32
        %parallel_loop3A_1232 = arith.addi %parallel_loop3A_672, %parallel_loop3A_1231 : i32
        %parallel_loop3A_1233 = arith.constant 0 : i32
        %parallel_loop3A_1234 = arith.constant 0 : i32
        %parallel_loop3A_1235 = tpu.memref_slice %arg8[%parallel_loop3A_434, %parallel_loop3A_1233, %parallel_loop3A_1234] : memref<2x1024x32xf32, #tpu.memory_space<vmem>> -> memref<1x1024x32xf32, #tpu.memory_space<vmem>>
        %parallel_loop3A_1236 = tpu.memref_squeeze %parallel_loop3A_1235 : memref<1x1024x32xf32, #tpu.memory_space<vmem>> -> memref<1024x32xf32, #tpu.memory_space<vmem>>
        %parallel_loop3A_1237 = arith.index_cast %parallel_loop3A_1232 : i32 to index
        %parallel_loop3A_1238 = arith.constant 16 : index
        %parallel_loop3A_1239 = tpu.vector_load %parallel_loop3A_1236[%parallel_loop3A_1237, %parallel_loop3A_1238] {strides = array<i32>} : memref<1024x32xf32, #tpu.memory_space<vmem>>, vector<1x16xf32>,
        %parallel_loop3A_1240 = vector.shape_cast %parallel_loop3A_1239 : vector<1x16xf32> to vector<16xf32>
        %parallel_loop3A_1241 = arith.subf %parallel_loop3A_1240, %parallel_loop3A_1230 : vector<16xf32>
        %parallel_loop3A_1242 = arith.mulf %parallel_loop3A_1241, %parallel_loop3A_1220 : vector<16xf32>
        %parallel_loop3A_1243 = arith.addf %parallel_loop3A_1230, %parallel_loop3A_1242 : vector<16xf32>
        %parallel_loop3A_1244 = arith.constant 192 : i32
        %parallel_loop3A_1245 = arith.addi %parallel_loop3A_674, %parallel_loop3A_1244 : i32
        %parallel_loop3A_1246 = arith.constant 0 : i32
        %parallel_loop3A_1247 = tpu.memref_slice %arg9[%parallel_loop3A_435, %parallel_loop3A_1246] : memref<2x16384xf32, #tpu.memory_space<vmem>> -> memref<1x16384xf32, #tpu.memory_space<vmem>>
        %parallel_loop3A_1248 = tpu.memref_squeeze %parallel_loop3A_1247 : memref<1x16384xf32, #tpu.memory_space<vmem>> -> memref<16384xf32, #tpu.memory_space<vmem>>
        %parallel_loop3A_1249 = arith.index_cast %parallel_loop3A_1245 : i32 to index
        %parallel_loop3A_1250 = tpu.vector_load %parallel_loop3A_1248[%parallel_loop3A_1249] {strides = array<i32>} : memref<16384xf32, #tpu.memory_space<vmem>>, vector<16xf32>,
        %parallel_loop3A_1251 = vector.shape_cast %parallel_loop3A_1250 : vector<16xf32> to vector<16xf32>
        %parallel_loop3A_1252 = vector.shape_cast %parallel_loop3A_1243 : vector<16xf32> to vector<16xf32>
        tpu.vector_store %parallel_loop3A_1248[%parallel_loop3A_1249], %parallel_loop3A_1252 {strides = array<i32>} : memref<16384xf32, #tpu.memory_space<vmem>>, vector<16xf32>,
        %parallel_loop3A_1253 = arith.constant 13 : i32
        %parallel_loop3A_1254 = vector.broadcast %parallel_loop3A_1253 : i32 to vector<16xi32>
        %parallel_loop3A_1255 = arith.constant 0 : i32
        %parallel_loop3A_1256 = vector.broadcast %parallel_loop3A_1255 : i32 to vector<16xi32>
        %parallel_loop3A_1257 = arith.cmpi slt, %parallel_loop3A_1254, %parallel_loop3A_1256 : vector<16xi32>
        %parallel_loop3A_1258 = arith.constant 16 : i32
        %parallel_loop3A_1259 = vector.broadcast %parallel_loop3A_1258 : i32 to vector<16xi32>
        %parallel_loop3A_1260 = arith.addi %parallel_loop3A_1254, %parallel_loop3A_1259 : vector<16xi32>
        %parallel_loop3A_1261 = arith.select %parallel_loop3A_1257, %parallel_loop3A_1260, %parallel_loop3A_1254 : vector<16xi1>, vector<16xi32>
        %parallel_loop3A_1262 = vector.shape_cast %parallel_loop3A_1261 : vector<16xi32> to vector<16x1xi32>
        %parallel_loop3A_1263 = vector.shape_cast %parallel_loop3A_1262 : vector<16x1xi32> to vector<16xi32>
        %parallel_loop3A_1264 = tpu.dynamic_gather %parallel_loop3A_680[%parallel_loop3A_1263] in [0] : vector<16xf32>, vector<16xi32> -> vector<16xf32>
        %parallel_loop3A_1265 = arith.constant 13 : i32
        %parallel_loop3A_1266 = arith.addi %parallel_loop3A_672, %parallel_loop3A_1265 : i32
        %parallel_loop3A_1267 = arith.constant 0 : i32
        %parallel_loop3A_1268 = arith.constant 0 : i32
        %parallel_loop3A_1269 = tpu.memref_slice %arg8[%parallel_loop3A_434, %parallel_loop3A_1267, %parallel_loop3A_1268] : memref<2x1024x32xf32, #tpu.memory_space<vmem>> -> memref<1x1024x32xf32, #tpu.memory_space<vmem>>
        %parallel_loop3A_1270 = tpu.memref_squeeze %parallel_loop3A_1269 : memref<1x1024x32xf32, #tpu.memory_space<vmem>> -> memref<1024x32xf32, #tpu.memory_space<vmem>>
        %parallel_loop3A_1271 = arith.index_cast %parallel_loop3A_1266 : i32 to index
        %parallel_loop3A_1272 = arith.constant 0 : index
        %parallel_loop3A_1273 = tpu.vector_load %parallel_loop3A_1270[%parallel_loop3A_1271, %parallel_loop3A_1272] {strides = array<i32>} : memref<1024x32xf32, #tpu.memory_space<vmem>>, vector<1x16xf32>,
        %parallel_loop3A_1274 = vector.shape_cast %parallel_loop3A_1273 : vector<1x16xf32> to vector<16xf32>
        %parallel_loop3A_1275 = arith.constant 13 : i32
        %parallel_loop3A_1276 = arith.addi %parallel_loop3A_672, %parallel_loop3A_1275 : i32
        %parallel_loop3A_1277 = arith.constant 0 : i32
        %parallel_loop3A_1278 = arith.constant 0 : i32
        %parallel_loop3A_1279 = tpu.memref_slice %arg8[%parallel_loop3A_434, %parallel_loop3A_1277, %parallel_loop3A_1278] : memref<2x1024x32xf32, #tpu.memory_space<vmem>> -> memref<1x1024x32xf32, #tpu.memory_space<vmem>>
        %parallel_loop3A_1280 = tpu.memref_squeeze %parallel_loop3A_1279 : memref<1x1024x32xf32, #tpu.memory_space<vmem>> -> memref<1024x32xf32, #tpu.memory_space<vmem>>
        %parallel_loop3A_1281 = arith.index_cast %parallel_loop3A_1276 : i32 to index
        %parallel_loop3A_1282 = arith.constant 16 : index
        %parallel_loop3A_1283 = tpu.vector_load %parallel_loop3A_1280[%parallel_loop3A_1281, %parallel_loop3A_1282] {strides = array<i32>} : memref<1024x32xf32, #tpu.memory_space<vmem>>, vector<1x16xf32>,
        %parallel_loop3A_1284 = vector.shape_cast %parallel_loop3A_1283 : vector<1x16xf32> to vector<16xf32>
        %parallel_loop3A_1285 = arith.subf %parallel_loop3A_1284, %parallel_loop3A_1274 : vector<16xf32>
        %parallel_loop3A_1286 = arith.mulf %parallel_loop3A_1285, %parallel_loop3A_1264 : vector<16xf32>
        %parallel_loop3A_1287 = arith.addf %parallel_loop3A_1274, %parallel_loop3A_1286 : vector<16xf32>
        %parallel_loop3A_1288 = arith.constant 208 : i32
        %parallel_loop3A_1289 = arith.addi %parallel_loop3A_674, %parallel_loop3A_1288 : i32
        %parallel_loop3A_1290 = arith.constant 0 : i32
        %parallel_loop3A_1291 = tpu.memref_slice %arg9[%parallel_loop3A_435, %parallel_loop3A_1290] : memref<2x16384xf32, #tpu.memory_space<vmem>> -> memref<1x16384xf32, #tpu.memory_space<vmem>>
        %parallel_loop3A_1292 = tpu.memref_squeeze %parallel_loop3A_1291 : memref<1x16384xf32, #tpu.memory_space<vmem>> -> memref<16384xf32, #tpu.memory_space<vmem>>
        %parallel_loop3A_1293 = arith.index_cast %parallel_loop3A_1289 : i32 to index
        %parallel_loop3A_1294 = tpu.vector_load %parallel_loop3A_1292[%parallel_loop3A_1293] {strides = array<i32>} : memref<16384xf32, #tpu.memory_space<vmem>>, vector<16xf32>,
        %parallel_loop3A_1295 = vector.shape_cast %parallel_loop3A_1294 : vector<16xf32> to vector<16xf32>
        %parallel_loop3A_1296 = vector.shape_cast %parallel_loop3A_1287 : vector<16xf32> to vector<16xf32>
        tpu.vector_store %parallel_loop3A_1292[%parallel_loop3A_1293], %parallel_loop3A_1296 {strides = array<i32>} : memref<16384xf32, #tpu.memory_space<vmem>>, vector<16xf32>,
        %parallel_loop3A_1297 = arith.constant 14 : i32
        %parallel_loop3A_1298 = vector.broadcast %parallel_loop3A_1297 : i32 to vector<16xi32>
        %parallel_loop3A_1299 = arith.constant 0 : i32
        %parallel_loop3A_1300 = vector.broadcast %parallel_loop3A_1299 : i32 to vector<16xi32>
        %parallel_loop3A_1301 = arith.cmpi slt, %parallel_loop3A_1298, %parallel_loop3A_1300 : vector<16xi32>
        %parallel_loop3A_1302 = arith.constant 16 : i32
        %parallel_loop3A_1303 = vector.broadcast %parallel_loop3A_1302 : i32 to vector<16xi32>
        %parallel_loop3A_1304 = arith.addi %parallel_loop3A_1298, %parallel_loop3A_1303 : vector<16xi32>
        %parallel_loop3A_1305 = arith.select %parallel_loop3A_1301, %parallel_loop3A_1304, %parallel_loop3A_1298 : vector<16xi1>, vector<16xi32>
        %parallel_loop3A_1306 = vector.shape_cast %parallel_loop3A_1305 : vector<16xi32> to vector<16x1xi32>
        %parallel_loop3A_1307 = vector.shape_cast %parallel_loop3A_1306 : vector<16x1xi32> to vector<16xi32>
        %parallel_loop3A_1308 = tpu.dynamic_gather %parallel_loop3A_680[%parallel_loop3A_1307] in [0] : vector<16xf32>, vector<16xi32> -> vector<16xf32>
        %parallel_loop3A_1309 = arith.constant 14 : i32
        %parallel_loop3A_1310 = arith.addi %parallel_loop3A_672, %parallel_loop3A_1309 : i32
        %parallel_loop3A_1311 = arith.constant 0 : i32
        %parallel_loop3A_1312 = arith.constant 0 : i32
        %parallel_loop3A_1313 = tpu.memref_slice %arg8[%parallel_loop3A_434, %parallel_loop3A_1311, %parallel_loop3A_1312] : memref<2x1024x32xf32, #tpu.memory_space<vmem>> -> memref<1x1024x32xf32, #tpu.memory_space<vmem>>
        %parallel_loop3A_1314 = tpu.memref_squeeze %parallel_loop3A_1313 : memref<1x1024x32xf32, #tpu.memory_space<vmem>> -> memref<1024x32xf32, #tpu.memory_space<vmem>>
        %parallel_loop3A_1315 = arith.index_cast %parallel_loop3A_1310 : i32 to index
        %parallel_loop3A_1316 = arith.constant 0 : index
        %parallel_loop3A_1317 = tpu.vector_load %parallel_loop3A_1314[%parallel_loop3A_1315, %parallel_loop3A_1316] {strides = array<i32>} : memref<1024x32xf32, #tpu.memory_space<vmem>>, vector<1x16xf32>,
        %parallel_loop3A_1318 = vector.shape_cast %parallel_loop3A_1317 : vector<1x16xf32> to vector<16xf32>
        %parallel_loop3A_1319 = arith.constant 14 : i32
        %parallel_loop3A_1320 = arith.addi %parallel_loop3A_672, %parallel_loop3A_1319 : i32
        %parallel_loop3A_1321 = arith.constant 0 : i32
        %parallel_loop3A_1322 = arith.constant 0 : i32
        %parallel_loop3A_1323 = tpu.memref_slice %arg8[%parallel_loop3A_434, %parallel_loop3A_1321, %parallel_loop3A_1322] : memref<2x1024x32xf32, #tpu.memory_space<vmem>> -> memref<1x1024x32xf32, #tpu.memory_space<vmem>>
        %parallel_loop3A_1324 = tpu.memref_squeeze %parallel_loop3A_1323 : memref<1x1024x32xf32, #tpu.memory_space<vmem>> -> memref<1024x32xf32, #tpu.memory_space<vmem>>
        %parallel_loop3A_1325 = arith.index_cast %parallel_loop3A_1320 : i32 to index
        %parallel_loop3A_1326 = arith.constant 16 : index
        %parallel_loop3A_1327 = tpu.vector_load %parallel_loop3A_1324[%parallel_loop3A_1325, %parallel_loop3A_1326] {strides = array<i32>} : memref<1024x32xf32, #tpu.memory_space<vmem>>, vector<1x16xf32>,
        %parallel_loop3A_1328 = vector.shape_cast %parallel_loop3A_1327 : vector<1x16xf32> to vector<16xf32>
        %parallel_loop3A_1329 = arith.subf %parallel_loop3A_1328, %parallel_loop3A_1318 : vector<16xf32>
        %parallel_loop3A_1330 = arith.mulf %parallel_loop3A_1329, %parallel_loop3A_1308 : vector<16xf32>
        %parallel_loop3A_1331 = arith.addf %parallel_loop3A_1318, %parallel_loop3A_1330 : vector<16xf32>
        %parallel_loop3A_1332 = arith.constant 224 : i32
        %parallel_loop3A_1333 = arith.addi %parallel_loop3A_674, %parallel_loop3A_1332 : i32
        %parallel_loop3A_1334 = arith.constant 0 : i32
        %parallel_loop3A_1335 = tpu.memref_slice %arg9[%parallel_loop3A_435, %parallel_loop3A_1334] : memref<2x16384xf32, #tpu.memory_space<vmem>> -> memref<1x16384xf32, #tpu.memory_space<vmem>>
        %parallel_loop3A_1336 = tpu.memref_squeeze %parallel_loop3A_1335 : memref<1x16384xf32, #tpu.memory_space<vmem>> -> memref<16384xf32, #tpu.memory_space<vmem>>
        %parallel_loop3A_1337 = arith.index_cast %parallel_loop3A_1333 : i32 to index
        %parallel_loop3A_1338 = tpu.vector_load %parallel_loop3A_1336[%parallel_loop3A_1337] {strides = array<i32>} : memref<16384xf32, #tpu.memory_space<vmem>>, vector<16xf32>,
        %parallel_loop3A_1339 = vector.shape_cast %parallel_loop3A_1338 : vector<16xf32> to vector<16xf32>
        %parallel_loop3A_1340 = vector.shape_cast %parallel_loop3A_1331 : vector<16xf32> to vector<16xf32>
        tpu.vector_store %parallel_loop3A_1336[%parallel_loop3A_1337], %parallel_loop3A_1340 {strides = array<i32>} : memref<16384xf32, #tpu.memory_space<vmem>>, vector<16xf32>,
        %parallel_loop3A_1341 = arith.constant 15 : i32
        %parallel_loop3A_1342 = vector.broadcast %parallel_loop3A_1341 : i32 to vector<16xi32>
        %parallel_loop3A_1343 = arith.constant 0 : i32
        %parallel_loop3A_1344 = vector.broadcast %parallel_loop3A_1343 : i32 to vector<16xi32>
        %parallel_loop3A_1345 = arith.cmpi slt, %parallel_loop3A_1342, %parallel_loop3A_1344 : vector<16xi32>
        %parallel_loop3A_1346 = arith.constant 16 : i32
        %parallel_loop3A_1347 = vector.broadcast %parallel_loop3A_1346 : i32 to vector<16xi32>
        %parallel_loop3A_1348 = arith.addi %parallel_loop3A_1342, %parallel_loop3A_1347 : vector<16xi32>
        %parallel_loop3A_1349 = arith.select %parallel_loop3A_1345, %parallel_loop3A_1348, %parallel_loop3A_1342 : vector<16xi1>, vector<16xi32>
        %parallel_loop3A_1350 = vector.shape_cast %parallel_loop3A_1349 : vector<16xi32> to vector<16x1xi32>
        %parallel_loop3A_1351 = vector.shape_cast %parallel_loop3A_1350 : vector<16x1xi32> to vector<16xi32>
        %parallel_loop3A_1352 = tpu.dynamic_gather %parallel_loop3A_680[%parallel_loop3A_1351] in [0] : vector<16xf32>, vector<16xi32> -> vector<16xf32>
        %parallel_loop3A_1353 = arith.constant 15 : i32
        %parallel_loop3A_1354 = arith.addi %parallel_loop3A_672, %parallel_loop3A_1353 : i32
        %parallel_loop3A_1355 = arith.constant 0 : i32
        %parallel_loop3A_1356 = arith.constant 0 : i32
        %parallel_loop3A_1357 = tpu.memref_slice %arg8[%parallel_loop3A_434, %parallel_loop3A_1355, %parallel_loop3A_1356] : memref<2x1024x32xf32, #tpu.memory_space<vmem>> -> memref<1x1024x32xf32, #tpu.memory_space<vmem>>
        %parallel_loop3A_1358 = tpu.memref_squeeze %parallel_loop3A_1357 : memref<1x1024x32xf32, #tpu.memory_space<vmem>> -> memref<1024x32xf32, #tpu.memory_space<vmem>>
        %parallel_loop3A_1359 = arith.index_cast %parallel_loop3A_1354 : i32 to index
        %parallel_loop3A_1360 = arith.constant 0 : index
        %parallel_loop3A_1361 = tpu.vector_load %parallel_loop3A_1358[%parallel_loop3A_1359, %parallel_loop3A_1360] {strides = array<i32>} : memref<1024x32xf32, #tpu.memory_space<vmem>>, vector<1x16xf32>,
        %parallel_loop3A_1362 = vector.shape_cast %parallel_loop3A_1361 : vector<1x16xf32> to vector<16xf32>
        %parallel_loop3A_1363 = arith.constant 15 : i32
        %parallel_loop3A_1364 = arith.addi %parallel_loop3A_672, %parallel_loop3A_1363 : i32
        %parallel_loop3A_1365 = arith.constant 0 : i32
        %parallel_loop3A_1366 = arith.constant 0 : i32
        %parallel_loop3A_1367 = tpu.memref_slice %arg8[%parallel_loop3A_434, %parallel_loop3A_1365, %parallel_loop3A_1366] : memref<2x1024x32xf32, #tpu.memory_space<vmem>> -> memref<1x1024x32xf32, #tpu.memory_space<vmem>>
        %parallel_loop3A_1368 = tpu.memref_squeeze %parallel_loop3A_1367 : memref<1x1024x32xf32, #tpu.memory_space<vmem>> -> memref<1024x32xf32, #tpu.memory_space<vmem>>
        %parallel_loop3A_1369 = arith.index_cast %parallel_loop3A_1364 : i32 to index
        %parallel_loop3A_1370 = arith.constant 16 : index
        %parallel_loop3A_1371 = tpu.vector_load %parallel_loop3A_1368[%parallel_loop3A_1369, %parallel_loop3A_1370] {strides = array<i32>} : memref<1024x32xf32, #tpu.memory_space<vmem>>, vector<1x16xf32>,
        %parallel_loop3A_1372 = vector.shape_cast %parallel_loop3A_1371 : vector<1x16xf32> to vector<16xf32>
        %parallel_loop3A_1373 = arith.subf %parallel_loop3A_1372, %parallel_loop3A_1362 : vector<16xf32>
        %parallel_loop3A_1374 = arith.mulf %parallel_loop3A_1373, %parallel_loop3A_1352 : vector<16xf32>
        %parallel_loop3A_1375 = arith.addf %parallel_loop3A_1362, %parallel_loop3A_1374 : vector<16xf32>
        %parallel_loop3A_1376 = arith.constant 240 : i32
        %parallel_loop3A_1377 = arith.addi %parallel_loop3A_674, %parallel_loop3A_1376 : i32
        %parallel_loop3A_1378 = arith.constant 0 : i32
        %parallel_loop3A_1379 = tpu.memref_slice %arg9[%parallel_loop3A_435, %parallel_loop3A_1378] : memref<2x16384xf32, #tpu.memory_space<vmem>> -> memref<1x16384xf32, #tpu.memory_space<vmem>>
        %parallel_loop3A_1380 = tpu.memref_squeeze %parallel_loop3A_1379 : memref<1x16384xf32, #tpu.memory_space<vmem>> -> memref<16384xf32, #tpu.memory_space<vmem>>
        %parallel_loop3A_1381 = arith.index_cast %parallel_loop3A_1377 : i32 to index
        %parallel_loop3A_1382 = tpu.vector_load %parallel_loop3A_1380[%parallel_loop3A_1381] {strides = array<i32>} : memref<16384xf32, #tpu.memory_space<vmem>>, vector<16xf32>,
        %parallel_loop3A_1383 = vector.shape_cast %parallel_loop3A_1382 : vector<16xf32> to vector<16xf32>
        %parallel_loop3A_1384 = vector.shape_cast %parallel_loop3A_1375 : vector<16xf32> to vector<16xf32>
        tpu.vector_store %parallel_loop3A_1380[%parallel_loop3A_1381], %parallel_loop3A_1384 {strides = array<i32>} : memref<16384xf32, #tpu.memory_space<vmem>>, vector<16xf32>,
      } {sc.loop_unroll_factor = 2 : i64, sc.parallel_access}
      %add3A_436 = arith.constant 2 : i32
      %add3A_437 = arith.addi %add3A_266, %add3A_436 : i32
      %le3A_438 = arith.constant 15 : i32
      %le3A_439 = arith.cmpi sle, %add3A_437, %le3A_438 : i32
      %convert_element_type3A_440 = arith.extui %le3A_439 : i1 to i32
      %cond3A_441 = arith.constant 0 : i32
      %cond3A_442 = arith.cmpi ne, %convert_element_type3A_440, %cond3A_441 : i32
      scf.if %cond3A_442 {
        %add3A_670 = arith.constant 2 : i32
        %add3A_671 = arith.addi %add3A_266, %add3A_670 : i32
        %mul3A_672 = arith.constant 8 : i32
        %mul3A_673 = arith.muli %add3A_671, %mul3A_672 : i32
        %add3A_674 = arith.addi %mul3A_2, %mul3A_673 : i32
        %mul3A_675 = arith.constant 128 : i32
        %mul3A_676 = arith.muli %add3A_674, %mul3A_675 : i32
        %multiple_of3A_677 = tpu.assume_multiple %mul3A_676, 1024 : i32
        %dma_start3A_678 = arith.constant 0 : i32
        %dma_start3A_679 = arith.constant 0 : i32
        %dma_start3A_680 = arith.constant 0 : i32
        %dma_start3A_681 = tpu.memref_slice %arg6[%dma_start3A_678, %dma_start3A_679, %dma_start3A_680] : memref<2x8x128xi32, #tpu.memory_space<vmem>> -> memref<1x8x128xi32, #tpu.memory_space<vmem>>
        %dma_start3A_682 = tpu.memref_squeeze %dma_start3A_681 : memref<1x8x128xi32, #tpu.memory_space<vmem>> -> memref<8x128xi32, #tpu.memory_space<vmem>>
        %dma_start3A_683 = arith.constant 0 : i32
        %dma_start3A_684 = tpu.memref_slice %arg3[%add3A_674, %dma_start3A_683] : memref<4096x128xi32, #tpu.memory_space<hbm>> -> memref<8x128xi32, #tpu.memory_space<hbm>>
        %dma_start3A_685 = arith.constant 0 : i32
        %dma_start3A_686 = arith.constant 0 : i32
        %dma_start3A_687 = tpu.memref_slice %arg6[%dma_start3A_678, %dma_start3A_685, %dma_start3A_686] : memref<2x8x128xi32, #tpu.memory_space<vmem>> -> memref<1x8x128xi32, #tpu.memory_space<vmem>>
        %dma_start3A_688 = tpu.memref_squeeze %dma_start3A_687 : memref<1x8x128xi32, #tpu.memory_space<vmem>> -> memref<8x128xi32, #tpu.memory_space<vmem>>
        %dma_start3A_689 = arith.constant 0 : i32
        %dma_start3A_690 = tpu.memref_slice %arg3[%add3A_674, %dma_start3A_689] : memref<4096x128xi32, #tpu.memory_space<hbm>> -> memref<8x128xi32, #tpu.memory_space<hbm>>
        tpu.enqueue_dma source(%dma_start3A_690 : memref<8x128xi32, #tpu.memory_space<hbm>>) target(%dma_start3A_688 : memref<8x128xi32, #tpu.memory_space<vmem>>) target_semaphore(%arg10 : memref<!tpu.dma_semaphore, #tpu.memory_space<semaphore_mem>>)
        %dma_start3A_691 = arith.constant 0 : i32
        %dma_start3A_692 = arith.constant 0 : i32
        %dma_start3A_693 = tpu.memref_slice %arg7[%dma_start3A_691, %dma_start3A_692] : memref<2x1024xf32, #tpu.memory_space<vmem>> -> memref<1x1024xf32, #tpu.memory_space<vmem>>
        %dma_start3A_694 = tpu.memref_squeeze %dma_start3A_693 : memref<1x1024xf32, #tpu.memory_space<vmem>> -> memref<1024xf32, #tpu.memory_space<vmem>>
        %dma_start3A_695 = tpu.memref_slice %arg4[%multiple_of3A_677] : memref<524288xf32, #tpu.memory_space<hbm>> -> memref<1024xf32, #tpu.memory_space<hbm>>
        %dma_start3A_696 = arith.constant 0 : i32
        %dma_start3A_697 = tpu.memref_slice %arg7[%dma_start3A_691, %dma_start3A_696] : memref<2x1024xf32, #tpu.memory_space<vmem>> -> memref<1x1024xf32, #tpu.memory_space<vmem>>
        %dma_start3A_698 = tpu.memref_squeeze %dma_start3A_697 : memref<1x1024xf32, #tpu.memory_space<vmem>> -> memref<1024xf32, #tpu.memory_space<vmem>>
        %dma_start3A_699 = tpu.memref_slice %arg4[%multiple_of3A_677] : memref<524288xf32, #tpu.memory_space<hbm>> -> memref<1024xf32, #tpu.memory_space<hbm>>
        tpu.enqueue_dma source(%dma_start3A_699 : memref<1024xf32, #tpu.memory_space<hbm>>) target(%dma_start3A_698 : memref<1024xf32, #tpu.memory_space<vmem>>) target_semaphore(%arg10 : memref<!tpu.dma_semaphore, #tpu.memory_space<semaphore_mem>>)
      } else {
      }
      %ge3A = arith.constant 1 : i32
      %ge3A_443 = arith.cmpi sge, %add3A_266, %ge3A : i32
      %convert_element_type3A_444 = arith.extui %ge3A_443 : i1 to i32
      %cond3A_445 = arith.constant 0 : i32
      %cond3A_446 = arith.cmpi ne, %convert_element_type3A_444, %cond3A_445 : i32
      scf.if %cond3A_446 {
        %sub3A = arith.constant 1 : i32
        %sub3A_670 = arith.subi %add3A_266, %sub3A : i32
        %mul3A_671 = arith.constant 8 : i32
        %mul3A_672 = arith.muli %sub3A_670, %mul3A_671 : i32
        %add3A_673 = arith.addi %mul3A_2, %mul3A_672 : i32
        %mul3A_674 = arith.constant 128 : i32
        %mul3A_675 = arith.muli %add3A_673, %mul3A_674 : i32
        %mul3A_676 = arith.constant 16 : i32
        %mul3A_677 = arith.muli %mul3A_675, %mul3A_676 : i32
        %multiple_of3A_678 = tpu.assume_multiple %mul3A_677, 16384 : i32
        %dma_wait3A_679 = arith.constant 1 : i32
        %dma_wait3A_680 = arith.constant 0 : i32
        %dma_wait3A_681 = tpu.memref_slice %arg9[%dma_wait3A_679, %dma_wait3A_680] : memref<2x16384xf32, #tpu.memory_space<vmem>> -> memref<1x16384xf32, #tpu.memory_space<vmem>>
        %dma_wait3A_682 = tpu.memref_squeeze %dma_wait3A_681 : memref<1x16384xf32, #tpu.memory_space<vmem>> -> memref<16384xf32, #tpu.memory_space<vmem>>
        %dma_wait3A_683 = tpu.memref_slice %arg5[%multiple_of3A_678] : memref<8388608xf32, #tpu.memory_space<hbm>> -> memref<16384xf32, #tpu.memory_space<hbm>>
        %dma_wait3A_684 = tpu.memref_slice %arg5[%multiple_of3A_678] : memref<8388608xf32, #tpu.memory_space<hbm>> -> memref<16384xf32, #tpu.memory_space<hbm>>
        %dma_wait3A_685 = arith.constant 0 : i32
        %dma_wait3A_686 = tpu.memref_slice %arg9[%dma_wait3A_679, %dma_wait3A_685] : memref<2x16384xf32, #tpu.memory_space<vmem>> -> memref<1x16384xf32, #tpu.memory_space<vmem>>
        %dma_wait3A_687 = tpu.memref_squeeze %dma_wait3A_686 : memref<1x16384xf32, #tpu.memory_space<vmem>> -> memref<16384xf32, #tpu.memory_space<vmem>>
        tpu.wait_dma2 semaphore(%arg15 : memref<!tpu.dma_semaphore, #tpu.memory_space<semaphore_mem>>) src(%dma_wait3A_687 : memref<16384xf32, #tpu.memory_space<vmem>>) dst(%dma_wait3A_684 : memref<16384xf32, #tpu.memory_space<hbm>>)
      } else {
      }
      %mul3A_447 = arith.constant 8 : i32
      %mul3A_448 = arith.muli %add3A_266, %mul3A_447 : i32
      %add3A_449 = arith.addi %mul3A_2, %mul3A_448 : i32
      %mul3A_450 = arith.constant 128 : i32
      %mul3A_451 = arith.muli %add3A_449, %mul3A_450 : i32
      %mul3A_452 = arith.constant 16 : i32
      %mul3A_453 = arith.muli %mul3A_451, %mul3A_452 : i32
      %multiple_of3A_454 = tpu.assume_multiple %mul3A_453, 16384 : i32
      %dma_start3A_455 = arith.constant 0 : i32
      %dma_start3A_456 = arith.constant 0 : i32
      %dma_start3A_457 = tpu.memref_slice %arg9[%dma_start3A_455, %dma_start3A_456] : memref<2x16384xf32, #tpu.memory_space<vmem>> -> memref<1x16384xf32, #tpu.memory_space<vmem>>
      %dma_start3A_458 = tpu.memref_squeeze %dma_start3A_457 : memref<1x16384xf32, #tpu.memory_space<vmem>> -> memref<16384xf32, #tpu.memory_space<vmem>>
      %dma_start3A_459 = tpu.memref_slice %arg5[%multiple_of3A_454] : memref<8388608xf32, #tpu.memory_space<hbm>> -> memref<16384xf32, #tpu.memory_space<hbm>>
      %dma_start3A_460 = tpu.memref_slice %arg5[%multiple_of3A_454] : memref<8388608xf32, #tpu.memory_space<hbm>> -> memref<16384xf32, #tpu.memory_space<hbm>>
      %dma_start3A_461 = arith.constant 0 : i32
      %dma_start3A_462 = tpu.memref_slice %arg9[%dma_start3A_455, %dma_start3A_461] : memref<2x16384xf32, #tpu.memory_space<vmem>> -> memref<1x16384xf32, #tpu.memory_space<vmem>>
      %dma_start3A_463 = tpu.memref_squeeze %dma_start3A_462 : memref<1x16384xf32, #tpu.memory_space<vmem>> -> memref<16384xf32, #tpu.memory_space<vmem>>
      tpu.enqueue_dma source(%dma_start3A_463 : memref<16384xf32, #tpu.memory_space<vmem>>) target(%dma_start3A_460 : memref<16384xf32, #tpu.memory_space<hbm>>) target_semaphore(%arg14 : memref<!tpu.dma_semaphore, #tpu.memory_space<semaphore_mem>>)
      %mul3A_464 = arith.constant 2 : i32
      %mul3A_465 = arith.muli %scan3A_262, %mul3A_464 : i32
      %add3A_466 = arith.constant 1 : i32
      %add3A_467 = arith.addi %mul3A_465, %add3A_466 : i32
      %add3A_468 = arith.constant 1 : i32
      %add3A_469 = arith.addi %add3A_467, %add3A_468 : i32
      %le3A_470 = arith.constant 15 : i32
      %le3A_471 = arith.cmpi sle, %add3A_469, %le3A_470 : i32
      %convert_element_type3A_472 = arith.extui %le3A_471 : i1 to i32
      %cond3A_473 = arith.constant 0 : i32
      %cond3A_474 = arith.cmpi ne, %convert_element_type3A_472, %cond3A_473 : i32
      scf.if %cond3A_474 {
        %add3A_670 = arith.constant 1 : i32
        %add3A_671 = arith.addi %add3A_467, %add3A_670 : i32
        %mul3A_672 = arith.constant 8 : i32
        %mul3A_673 = arith.muli %add3A_671, %mul3A_672 : i32
        %add3A_674 = arith.addi %mul3A_2, %mul3A_673 : i32
        %mul3A_675 = arith.constant 128 : i32
        %mul3A_676 = arith.muli %add3A_674, %mul3A_675 : i32
        %multiple_of3A_677 = tpu.assume_multiple %mul3A_676, 1024 : i32
        %dma_wait3A_678 = arith.constant 0 : i32
        %dma_wait3A_679 = arith.constant 0 : i32
        %dma_wait3A_680 = arith.constant 0 : i32
        %dma_wait3A_681 = tpu.memref_slice %arg6[%dma_wait3A_678, %dma_wait3A_679, %dma_wait3A_680] : memref<2x8x128xi32, #tpu.memory_space<vmem>> -> memref<1x8x128xi32, #tpu.memory_space<vmem>>
        %dma_wait3A_682 = tpu.memref_squeeze %dma_wait3A_681 : memref<1x8x128xi32, #tpu.memory_space<vmem>> -> memref<8x128xi32, #tpu.memory_space<vmem>>
        %dma_wait3A_683 = arith.constant 0 : i32
        %dma_wait3A_684 = tpu.memref_slice %arg3[%add3A_674, %dma_wait3A_683] : memref<4096x128xi32, #tpu.memory_space<hbm>> -> memref<8x128xi32, #tpu.memory_space<hbm>>
        %dma_wait3A_685 = arith.constant 0 : i32
        %dma_wait3A_686 = arith.constant 0 : i32
        %dma_wait3A_687 = tpu.memref_slice %arg6[%dma_wait3A_678, %dma_wait3A_685, %dma_wait3A_686] : memref<2x8x128xi32, #tpu.memory_space<vmem>> -> memref<1x8x128xi32, #tpu.memory_space<vmem>>
        %dma_wait3A_688 = tpu.memref_squeeze %dma_wait3A_687 : memref<1x8x128xi32, #tpu.memory_space<vmem>> -> memref<8x128xi32, #tpu.memory_space<vmem>>
        %dma_wait3A_689 = arith.constant 0 : i32
        %dma_wait3A_690 = tpu.memref_slice %arg3[%add3A_674, %dma_wait3A_689] : memref<4096x128xi32, #tpu.memory_space<hbm>> -> memref<8x128xi32, #tpu.memory_space<hbm>>
        tpu.wait_dma2 semaphore(%arg10 : memref<!tpu.dma_semaphore, #tpu.memory_space<semaphore_mem>>) src(%dma_wait3A_690 : memref<8x128xi32, #tpu.memory_space<hbm>>) dst(%dma_wait3A_688 : memref<8x128xi32, #tpu.memory_space<vmem>>)
        %dma_wait3A_691 = arith.constant 0 : i32
        %dma_wait3A_692 = arith.constant 0 : i32
        %dma_wait3A_693 = tpu.memref_slice %arg7[%dma_wait3A_691, %dma_wait3A_692] : memref<2x1024xf32, #tpu.memory_space<vmem>> -> memref<1x1024xf32, #tpu.memory_space<vmem>>
        %dma_wait3A_694 = tpu.memref_squeeze %dma_wait3A_693 : memref<1x1024xf32, #tpu.memory_space<vmem>> -> memref<1024xf32, #tpu.memory_space<vmem>>
        %dma_wait3A_695 = tpu.memref_slice %arg4[%multiple_of3A_677] : memref<524288xf32, #tpu.memory_space<hbm>> -> memref<1024xf32, #tpu.memory_space<hbm>>
        %dma_wait3A_696 = arith.constant 0 : i32
        %dma_wait3A_697 = tpu.memref_slice %arg7[%dma_wait3A_691, %dma_wait3A_696] : memref<2x1024xf32, #tpu.memory_space<vmem>> -> memref<1x1024xf32, #tpu.memory_space<vmem>>
        %dma_wait3A_698 = tpu.memref_squeeze %dma_wait3A_697 : memref<1x1024xf32, #tpu.memory_space<vmem>> -> memref<1024xf32, #tpu.memory_space<vmem>>
        %dma_wait3A_699 = tpu.memref_slice %arg4[%multiple_of3A_677] : memref<524288xf32, #tpu.memory_space<hbm>> -> memref<1024xf32, #tpu.memory_space<hbm>>
        tpu.wait_dma2 semaphore(%arg10 : memref<!tpu.dma_semaphore, #tpu.memory_space<semaphore_mem>>) src(%dma_wait3A_699 : memref<1024xf32, #tpu.memory_space<hbm>>) dst(%dma_wait3A_698 : memref<1024xf32, #tpu.memory_space<vmem>>)
        %dma_start3A_700 = arith.constant 0 : i32
        %dma_start3A_701 = arith.constant 0 : i32
        %dma_start3A_702 = arith.constant 0 : i32
        %dma_start3A_703 = arith.constant 0 : i32
        %dma_start3A_704 = arith.constant 0 : i32
        %dma_start3A_705 = tpu.memref_slice %arg8[%dma_start3A_702, %dma_start3A_703, %dma_start3A_704] : memref<2x1024x32xf32, #tpu.memory_space<vmem>> -> memref<1x1024x32xf32, #tpu.memory_space<vmem>>
        %dma_start3A_706 = tpu.memref_squeeze %dma_start3A_705 : memref<1x1024x32xf32, #tpu.memory_space<vmem>> -> memref<1024x32xf32, #tpu.memory_space<vmem>>
        %dma_start3A_707 = arith.constant 0 : i32
        %dma_start3A_708 = arith.constant 0 : i32
        %dma_start3A_709 = tpu.memref_slice %dma_start3A_706[%dma_start3A_707, %dma_start3A_708] : memref<1024x32xf32, #tpu.memory_space<vmem>> -> memref<128x32xf32, #tpu.memory_space<vmem>>
        %dma_start3A_710 = arith.constant 0 : i32
        %dma_start3A_711 = arith.constant 0 : i32
        %dma_start3A_712 = tpu.memref_slice %arg6[%dma_start3A_700, %dma_start3A_710, %dma_start3A_711] : memref<2x8x128xi32, #tpu.memory_space<vmem>> -> memref<1x8x128xi32, #tpu.memory_space<vmem>>
        %dma_start3A_713 = tpu.memref_squeeze %dma_start3A_712 : memref<1x8x128xi32, #tpu.memory_space<vmem>> -> memref<8x128xi32, #tpu.memory_space<vmem>>
        %dma_start3A_714 = arith.constant 0 : i32
        %dma_start3A_715 = tpu.memref_slice %dma_start3A_713[%dma_start3A_701, %dma_start3A_714] : memref<8x128xi32, #tpu.memory_space<vmem>> -> memref<1x128xi32, #tpu.memory_space<vmem>>
        %dma_start3A_716 = tpu.memref_squeeze %dma_start3A_715 : memref<1x128xi32, #tpu.memory_space<vmem>> -> memref<128xi32, #tpu.memory_space<vmem>>
        %dma_start3A_717 = arith.constant 0 : i32
        %dma_start3A_718 = arith.constant 0 : i32
        %dma_start3A_719 = tpu.memref_slice %arg2[%dma_start3A_717, %dma_start3A_718] : memref<10640x32xf32, #tpu.memory_space<hbm>> -> memref<10640x32xf32, #tpu.memory_space<hbm>>
        tpu.enqueue_indirect_dma source(%dma_start3A_719 : memref<10640x32xf32, #tpu.memory_space<hbm>>) target(%dma_start3A_709 : memref<128x32xf32, #tpu.memory_space<vmem>>) offsets(%dma_start3A_716 : memref<128xi32, #tpu.memory_space<vmem>>) semaphore(%arg12 : memref<!tpu.dma_semaphore, #tpu.memory_space<semaphore_mem>>)
        %dma_start3A_720 = arith.constant 0 : i32
        %dma_start3A_721 = arith.constant 1 : i32
        %dma_start3A_722 = arith.constant 0 : i32
        %dma_start3A_723 = arith.constant 0 : i32
        %dma_start3A_724 = arith.constant 0 : i32
        %dma_start3A_725 = tpu.memref_slice %arg8[%dma_start3A_722, %dma_start3A_723, %dma_start3A_724] : memref<2x1024x32xf32, #tpu.memory_space<vmem>> -> memref<1x1024x32xf32, #tpu.memory_space<vmem>>
        %dma_start3A_726 = tpu.memref_squeeze %dma_start3A_725 : memref<1x1024x32xf32, #tpu.memory_space<vmem>> -> memref<1024x32xf32, #tpu.memory_space<vmem>>
        %dma_start3A_727 = arith.constant 128 : i32
        %dma_start3A_728 = arith.constant 0 : i32
        %dma_start3A_729 = tpu.memref_slice %dma_start3A_726[%dma_start3A_727, %dma_start3A_728] : memref<1024x32xf32, #tpu.memory_space<vmem>> -> memref<128x32xf32, #tpu.memory_space<vmem>>
        %dma_start3A_730 = arith.constant 0 : i32
        %dma_start3A_731 = arith.constant 0 : i32
        %dma_start3A_732 = tpu.memref_slice %arg6[%dma_start3A_720, %dma_start3A_730, %dma_start3A_731] : memref<2x8x128xi32, #tpu.memory_space<vmem>> -> memref<1x8x128xi32, #tpu.memory_space<vmem>>
        %dma_start3A_733 = tpu.memref_squeeze %dma_start3A_732 : memref<1x8x128xi32, #tpu.memory_space<vmem>> -> memref<8x128xi32, #tpu.memory_space<vmem>>
        %dma_start3A_734 = arith.constant 0 : i32
        %dma_start3A_735 = tpu.memref_slice %dma_start3A_733[%dma_start3A_721, %dma_start3A_734] : memref<8x128xi32, #tpu.memory_space<vmem>> -> memref<1x128xi32, #tpu.memory_space<vmem>>
        %dma_start3A_736 = tpu.memref_squeeze %dma_start3A_735 : memref<1x128xi32, #tpu.memory_space<vmem>> -> memref<128xi32, #tpu.memory_space<vmem>>
        %dma_start3A_737 = arith.constant 0 : i32
        %dma_start3A_738 = arith.constant 0 : i32
        %dma_start3A_739 = tpu.memref_slice %arg2[%dma_start3A_737, %dma_start3A_738] : memref<10640x32xf32, #tpu.memory_space<hbm>> -> memref<10640x32xf32, #tpu.memory_space<hbm>>
        tpu.enqueue_indirect_dma source(%dma_start3A_739 : memref<10640x32xf32, #tpu.memory_space<hbm>>) target(%dma_start3A_729 : memref<128x32xf32, #tpu.memory_space<vmem>>) offsets(%dma_start3A_736 : memref<128xi32, #tpu.memory_space<vmem>>) semaphore(%arg12 : memref<!tpu.dma_semaphore, #tpu.memory_space<semaphore_mem>>)
        %dma_start3A_740 = arith.constant 0 : i32
        %dma_start3A_741 = arith.constant 2 : i32
        %dma_start3A_742 = arith.constant 0 : i32
        %dma_start3A_743 = arith.constant 0 : i32
        %dma_start3A_744 = arith.constant 0 : i32
        %dma_start3A_745 = tpu.memref_slice %arg8[%dma_start3A_742, %dma_start3A_743, %dma_start3A_744] : memref<2x1024x32xf32, #tpu.memory_space<vmem>> -> memref<1x1024x32xf32, #tpu.memory_space<vmem>>
        %dma_start3A_746 = tpu.memref_squeeze %dma_start3A_745 : memref<1x1024x32xf32, #tpu.memory_space<vmem>> -> memref<1024x32xf32, #tpu.memory_space<vmem>>
        %dma_start3A_747 = arith.constant 256 : i32
        %dma_start3A_748 = arith.constant 0 : i32
        %dma_start3A_749 = tpu.memref_slice %dma_start3A_746[%dma_start3A_747, %dma_start3A_748] : memref<1024x32xf32, #tpu.memory_space<vmem>> -> memref<128x32xf32, #tpu.memory_space<vmem>>
        %dma_start3A_750 = arith.constant 0 : i32
        %dma_start3A_751 = arith.constant 0 : i32
        %dma_start3A_752 = tpu.memref_slice %arg6[%dma_start3A_740, %dma_start3A_750, %dma_start3A_751] : memref<2x8x128xi32, #tpu.memory_space<vmem>> -> memref<1x8x128xi32, #tpu.memory_space<vmem>>
        %dma_start3A_753 = tpu.memref_squeeze %dma_start3A_752 : memref<1x8x128xi32, #tpu.memory_space<vmem>> -> memref<8x128xi32, #tpu.memory_space<vmem>>
        %dma_start3A_754 = arith.constant 0 : i32
        %dma_start3A_755 = tpu.memref_slice %dma_start3A_753[%dma_start3A_741, %dma_start3A_754] : memref<8x128xi32, #tpu.memory_space<vmem>> -> memref<1x128xi32, #tpu.memory_space<vmem>>
        %dma_start3A_756 = tpu.memref_squeeze %dma_start3A_755 : memref<1x128xi32, #tpu.memory_space<vmem>> -> memref<128xi32, #tpu.memory_space<vmem>>
        %dma_start3A_757 = arith.constant 0 : i32
        %dma_start3A_758 = arith.constant 0 : i32
        %dma_start3A_759 = tpu.memref_slice %arg2[%dma_start3A_757, %dma_start3A_758] : memref<10640x32xf32, #tpu.memory_space<hbm>> -> memref<10640x32xf32, #tpu.memory_space<hbm>>
        tpu.enqueue_indirect_dma source(%dma_start3A_759 : memref<10640x32xf32, #tpu.memory_space<hbm>>) target(%dma_start3A_749 : memref<128x32xf32, #tpu.memory_space<vmem>>) offsets(%dma_start3A_756 : memref<128xi32, #tpu.memory_space<vmem>>) semaphore(%arg12 : memref<!tpu.dma_semaphore, #tpu.memory_space<semaphore_mem>>)
        %dma_start3A_760 = arith.constant 0 : i32
        %dma_start3A_761 = arith.constant 3 : i32
        %dma_start3A_762 = arith.constant 0 : i32
        %dma_start3A_763 = arith.constant 0 : i32
        %dma_start3A_764 = arith.constant 0 : i32
        %dma_start3A_765 = tpu.memref_slice %arg8[%dma_start3A_762, %dma_start3A_763, %dma_start3A_764] : memref<2x1024x32xf32, #tpu.memory_space<vmem>> -> memref<1x1024x32xf32, #tpu.memory_space<vmem>>
        %dma_start3A_766 = tpu.memref_squeeze %dma_start3A_765 : memref<1x1024x32xf32, #tpu.memory_space<vmem>> -> memref<1024x32xf32, #tpu.memory_space<vmem>>
        %dma_start3A_767 = arith.constant 384 : i32
        %dma_start3A_768 = arith.constant 0 : i32
        %dma_start3A_769 = tpu.memref_slice %dma_start3A_766[%dma_start3A_767, %dma_start3A_768] : memref<1024x32xf32, #tpu.memory_space<vmem>> -> memref<128x32xf32, #tpu.memory_space<vmem>>
        %dma_start3A_770 = arith.constant 0 : i32
        %dma_start3A_771 = arith.constant 0 : i32
        %dma_start3A_772 = tpu.memref_slice %arg6[%dma_start3A_760, %dma_start3A_770, %dma_start3A_771] : memref<2x8x128xi32, #tpu.memory_space<vmem>> -> memref<1x8x128xi32, #tpu.memory_space<vmem>>
        %dma_start3A_773 = tpu.memref_squeeze %dma_start3A_772 : memref<1x8x128xi32, #tpu.memory_space<vmem>> -> memref<8x128xi32, #tpu.memory_space<vmem>>
        %dma_start3A_774 = arith.constant 0 : i32
        %dma_start3A_775 = tpu.memref_slice %dma_start3A_773[%dma_start3A_761, %dma_start3A_774] : memref<8x128xi32, #tpu.memory_space<vmem>> -> memref<1x128xi32, #tpu.memory_space<vmem>>
        %dma_start3A_776 = tpu.memref_squeeze %dma_start3A_775 : memref<1x128xi32, #tpu.memory_space<vmem>> -> memref<128xi32, #tpu.memory_space<vmem>>
        %dma_start3A_777 = arith.constant 0 : i32
        %dma_start3A_778 = arith.constant 0 : i32
        %dma_start3A_779 = tpu.memref_slice %arg2[%dma_start3A_777, %dma_start3A_778] : memref<10640x32xf32, #tpu.memory_space<hbm>> -> memref<10640x32xf32, #tpu.memory_space<hbm>>
        tpu.enqueue_indirect_dma source(%dma_start3A_779 : memref<10640x32xf32, #tpu.memory_space<hbm>>) target(%dma_start3A_769 : memref<128x32xf32, #tpu.memory_space<vmem>>) offsets(%dma_start3A_776 : memref<128xi32, #tpu.memory_space<vmem>>) semaphore(%arg12 : memref<!tpu.dma_semaphore, #tpu.memory_space<semaphore_mem>>)
        %dma_start3A_780 = arith.constant 0 : i32
        %dma_start3A_781 = arith.constant 4 : i32
        %dma_start3A_782 = arith.constant 0 : i32
        %dma_start3A_783 = arith.constant 0 : i32
        %dma_start3A_784 = arith.constant 0 : i32
        %dma_start3A_785 = tpu.memref_slice %arg8[%dma_start3A_782, %dma_start3A_783, %dma_start3A_784] : memref<2x1024x32xf32, #tpu.memory_space<vmem>> -> memref<1x1024x32xf32, #tpu.memory_space<vmem>>
        %dma_start3A_786 = tpu.memref_squeeze %dma_start3A_785 : memref<1x1024x32xf32, #tpu.memory_space<vmem>> -> memref<1024x32xf32, #tpu.memory_space<vmem>>
        %dma_start3A_787 = arith.constant 512 : i32
        %dma_start3A_788 = arith.constant 0 : i32
        %dma_start3A_789 = tpu.memref_slice %dma_start3A_786[%dma_start3A_787, %dma_start3A_788] : memref<1024x32xf32, #tpu.memory_space<vmem>> -> memref<128x32xf32, #tpu.memory_space<vmem>>
        %dma_start3A_790 = arith.constant 0 : i32
        %dma_start3A_791 = arith.constant 0 : i32
        %dma_start3A_792 = tpu.memref_slice %arg6[%dma_start3A_780, %dma_start3A_790, %dma_start3A_791] : memref<2x8x128xi32, #tpu.memory_space<vmem>> -> memref<1x8x128xi32, #tpu.memory_space<vmem>>
        %dma_start3A_793 = tpu.memref_squeeze %dma_start3A_792 : memref<1x8x128xi32, #tpu.memory_space<vmem>> -> memref<8x128xi32, #tpu.memory_space<vmem>>
        %dma_start3A_794 = arith.constant 0 : i32
        %dma_start3A_795 = tpu.memref_slice %dma_start3A_793[%dma_start3A_781, %dma_start3A_794] : memref<8x128xi32, #tpu.memory_space<vmem>> -> memref<1x128xi32, #tpu.memory_space<vmem>>
        %dma_start3A_796 = tpu.memref_squeeze %dma_start3A_795 : memref<1x128xi32, #tpu.memory_space<vmem>> -> memref<128xi32, #tpu.memory_space<vmem>>
        %dma_start3A_797 = arith.constant 0 : i32
        %dma_start3A_798 = arith.constant 0 : i32
        %dma_start3A_799 = tpu.memref_slice %arg2[%dma_start3A_797, %dma_start3A_798] : memref<10640x32xf32, #tpu.memory_space<hbm>> -> memref<10640x32xf32, #tpu.memory_space<hbm>>
        tpu.enqueue_indirect_dma source(%dma_start3A_799 : memref<10640x32xf32, #tpu.memory_space<hbm>>) target(%dma_start3A_789 : memref<128x32xf32, #tpu.memory_space<vmem>>) offsets(%dma_start3A_796 : memref<128xi32, #tpu.memory_space<vmem>>) semaphore(%arg12 : memref<!tpu.dma_semaphore, #tpu.memory_space<semaphore_mem>>)
        %dma_start3A_800 = arith.constant 0 : i32
        %dma_start3A_801 = arith.constant 5 : i32
        %dma_start3A_802 = arith.constant 0 : i32
        %dma_start3A_803 = arith.constant 0 : i32
        %dma_start3A_804 = arith.constant 0 : i32
        %dma_start3A_805 = tpu.memref_slice %arg8[%dma_start3A_802, %dma_start3A_803, %dma_start3A_804] : memref<2x1024x32xf32, #tpu.memory_space<vmem>> -> memref<1x1024x32xf32, #tpu.memory_space<vmem>>
        %dma_start3A_806 = tpu.memref_squeeze %dma_start3A_805 : memref<1x1024x32xf32, #tpu.memory_space<vmem>> -> memref<1024x32xf32, #tpu.memory_space<vmem>>
        %dma_start3A_807 = arith.constant 640 : i32
        %dma_start3A_808 = arith.constant 0 : i32
        %dma_start3A_809 = tpu.memref_slice %dma_start3A_806[%dma_start3A_807, %dma_start3A_808] : memref<1024x32xf32, #tpu.memory_space<vmem>> -> memref<128x32xf32, #tpu.memory_space<vmem>>
        %dma_start3A_810 = arith.constant 0 : i32
        %dma_start3A_811 = arith.constant 0 : i32
        %dma_start3A_812 = tpu.memref_slice %arg6[%dma_start3A_800, %dma_start3A_810, %dma_start3A_811] : memref<2x8x128xi32, #tpu.memory_space<vmem>> -> memref<1x8x128xi32, #tpu.memory_space<vmem>>
        %dma_start3A_813 = tpu.memref_squeeze %dma_start3A_812 : memref<1x8x128xi32, #tpu.memory_space<vmem>> -> memref<8x128xi32, #tpu.memory_space<vmem>>
        %dma_start3A_814 = arith.constant 0 : i32
        %dma_start3A_815 = tpu.memref_slice %dma_start3A_813[%dma_start3A_801, %dma_start3A_814] : memref<8x128xi32, #tpu.memory_space<vmem>> -> memref<1x128xi32, #tpu.memory_space<vmem>>
        %dma_start3A_816 = tpu.memref_squeeze %dma_start3A_815 : memref<1x128xi32, #tpu.memory_space<vmem>> -> memref<128xi32, #tpu.memory_space<vmem>>
        %dma_start3A_817 = arith.constant 0 : i32
        %dma_start3A_818 = arith.constant 0 : i32
        %dma_start3A_819 = tpu.memref_slice %arg2[%dma_start3A_817, %dma_start3A_818] : memref<10640x32xf32, #tpu.memory_space<hbm>> -> memref<10640x32xf32, #tpu.memory_space<hbm>>
        tpu.enqueue_indirect_dma source(%dma_start3A_819 : memref<10640x32xf32, #tpu.memory_space<hbm>>) target(%dma_start3A_809 : memref<128x32xf32, #tpu.memory_space<vmem>>) offsets(%dma_start3A_816 : memref<128xi32, #tpu.memory_space<vmem>>) semaphore(%arg12 : memref<!tpu.dma_semaphore, #tpu.memory_space<semaphore_mem>>)
        %dma_start3A_820 = arith.constant 0 : i32
        %dma_start3A_821 = arith.constant 6 : i32
        %dma_start3A_822 = arith.constant 0 : i32
        %dma_start3A_823 = arith.constant 0 : i32
        %dma_start3A_824 = arith.constant 0 : i32
        %dma_start3A_825 = tpu.memref_slice %arg8[%dma_start3A_822, %dma_start3A_823, %dma_start3A_824] : memref<2x1024x32xf32, #tpu.memory_space<vmem>> -> memref<1x1024x32xf32, #tpu.memory_space<vmem>>
        %dma_start3A_826 = tpu.memref_squeeze %dma_start3A_825 : memref<1x1024x32xf32, #tpu.memory_space<vmem>> -> memref<1024x32xf32, #tpu.memory_space<vmem>>
        %dma_start3A_827 = arith.constant 768 : i32
        %dma_start3A_828 = arith.constant 0 : i32
        %dma_start3A_829 = tpu.memref_slice %dma_start3A_826[%dma_start3A_827, %dma_start3A_828] : memref<1024x32xf32, #tpu.memory_space<vmem>> -> memref<128x32xf32, #tpu.memory_space<vmem>>
        %dma_start3A_830 = arith.constant 0 : i32
        %dma_start3A_831 = arith.constant 0 : i32
        %dma_start3A_832 = tpu.memref_slice %arg6[%dma_start3A_820, %dma_start3A_830, %dma_start3A_831] : memref<2x8x128xi32, #tpu.memory_space<vmem>> -> memref<1x8x128xi32, #tpu.memory_space<vmem>>
        %dma_start3A_833 = tpu.memref_squeeze %dma_start3A_832 : memref<1x8x128xi32, #tpu.memory_space<vmem>> -> memref<8x128xi32, #tpu.memory_space<vmem>>
        %dma_start3A_834 = arith.constant 0 : i32
        %dma_start3A_835 = tpu.memref_slice %dma_start3A_833[%dma_start3A_821, %dma_start3A_834] : memref<8x128xi32, #tpu.memory_space<vmem>> -> memref<1x128xi32, #tpu.memory_space<vmem>>
        %dma_start3A_836 = tpu.memref_squeeze %dma_start3A_835 : memref<1x128xi32, #tpu.memory_space<vmem>> -> memref<128xi32, #tpu.memory_space<vmem>>
        %dma_start3A_837 = arith.constant 0 : i32
        %dma_start3A_838 = arith.constant 0 : i32
        %dma_start3A_839 = tpu.memref_slice %arg2[%dma_start3A_837, %dma_start3A_838] : memref<10640x32xf32, #tpu.memory_space<hbm>> -> memref<10640x32xf32, #tpu.memory_space<hbm>>
        tpu.enqueue_indirect_dma source(%dma_start3A_839 : memref<10640x32xf32, #tpu.memory_space<hbm>>) target(%dma_start3A_829 : memref<128x32xf32, #tpu.memory_space<vmem>>) offsets(%dma_start3A_836 : memref<128xi32, #tpu.memory_space<vmem>>) semaphore(%arg12 : memref<!tpu.dma_semaphore, #tpu.memory_space<semaphore_mem>>)
        %dma_start3A_840 = arith.constant 0 : i32
        %dma_start3A_841 = arith.constant 7 : i32
        %dma_start3A_842 = arith.constant 0 : i32
        %dma_start3A_843 = arith.constant 0 : i32
        %dma_start3A_844 = arith.constant 0 : i32
        %dma_start3A_845 = tpu.memref_slice %arg8[%dma_start3A_842, %dma_start3A_843, %dma_start3A_844] : memref<2x1024x32xf32, #tpu.memory_space<vmem>> -> memref<1x1024x32xf32, #tpu.memory_space<vmem>>
        %dma_start3A_846 = tpu.memref_squeeze %dma_start3A_845 : memref<1x1024x32xf32, #tpu.memory_space<vmem>> -> memref<1024x32xf32, #tpu.memory_space<vmem>>
        %dma_start3A_847 = arith.constant 896 : i32
        %dma_start3A_848 = arith.constant 0 : i32
        %dma_start3A_849 = tpu.memref_slice %dma_start3A_846[%dma_start3A_847, %dma_start3A_848] : memref<1024x32xf32, #tpu.memory_space<vmem>> -> memref<128x32xf32, #tpu.memory_space<vmem>>
        %dma_start3A_850 = arith.constant 0 : i32
        %dma_start3A_851 = arith.constant 0 : i32
        %dma_start3A_852 = tpu.memref_slice %arg6[%dma_start3A_840, %dma_start3A_850, %dma_start3A_851] : memref<2x8x128xi32, #tpu.memory_space<vmem>> -> memref<1x8x128xi32, #tpu.memory_space<vmem>>
        %dma_start3A_853 = tpu.memref_squeeze %dma_start3A_852 : memref<1x8x128xi32, #tpu.memory_space<vmem>> -> memref<8x128xi32, #tpu.memory_space<vmem>>
        %dma_start3A_854 = arith.constant 0 : i32
        %dma_start3A_855 = tpu.memref_slice %dma_start3A_853[%dma_start3A_841, %dma_start3A_854] : memref<8x128xi32, #tpu.memory_space<vmem>> -> memref<1x128xi32, #tpu.memory_space<vmem>>
        %dma_start3A_856 = tpu.memref_squeeze %dma_start3A_855 : memref<1x128xi32, #tpu.memory_space<vmem>> -> memref<128xi32, #tpu.memory_space<vmem>>
        %dma_start3A_857 = arith.constant 0 : i32
        %dma_start3A_858 = arith.constant 0 : i32
        %dma_start3A_859 = tpu.memref_slice %arg2[%dma_start3A_857, %dma_start3A_858] : memref<10640x32xf32, #tpu.memory_space<hbm>> -> memref<10640x32xf32, #tpu.memory_space<hbm>>
        tpu.enqueue_indirect_dma source(%dma_start3A_859 : memref<10640x32xf32, #tpu.memory_space<hbm>>) target(%dma_start3A_849 : memref<128x32xf32, #tpu.memory_space<vmem>>) offsets(%dma_start3A_856 : memref<128xi32, #tpu.memory_space<vmem>>) semaphore(%arg12 : memref<!tpu.dma_semaphore, #tpu.memory_space<semaphore_mem>>)
      } else {
      }
      %dma_wait3A_475 = arith.constant 1 : i32
      %dma_wait3A_476 = arith.constant 0 : i32
      %dma_wait3A_477 = arith.constant 1 : i32
      %dma_wait3A_478 = arith.constant 0 : i32
      %dma_wait3A_479 = arith.constant 0 : i32
      %dma_wait3A_480 = tpu.memref_slice %arg8[%dma_wait3A_477, %dma_wait3A_478, %dma_wait3A_479] : memref<2x1024x32xf32, #tpu.memory_space<vmem>> -> memref<1x1024x32xf32, #tpu.memory_space<vmem>>
      %dma_wait3A_481 = tpu.memref_squeeze %dma_wait3A_480 : memref<1x1024x32xf32, #tpu.memory_space<vmem>> -> memref<1024x32xf32, #tpu.memory_space<vmem>>
      %dma_wait3A_482 = arith.constant 0 : i32
      %dma_wait3A_483 = arith.constant 0 : i32
      %dma_wait3A_484 = tpu.memref_slice %dma_wait3A_481[%dma_wait3A_482, %dma_wait3A_483] : memref<1024x32xf32, #tpu.memory_space<vmem>> -> memref<128x32xf32, #tpu.memory_space<vmem>>
      %dma_wait3A_485 = arith.constant 0 : i32
      %dma_wait3A_486 = arith.constant 0 : i32
      %dma_wait3A_487 = tpu.memref_slice %arg6[%dma_wait3A_475, %dma_wait3A_485, %dma_wait3A_486] : memref<2x8x128xi32, #tpu.memory_space<vmem>> -> memref<1x8x128xi32, #tpu.memory_space<vmem>>
      %dma_wait3A_488 = tpu.memref_squeeze %dma_wait3A_487 : memref<1x8x128xi32, #tpu.memory_space<vmem>> -> memref<8x128xi32, #tpu.memory_space<vmem>>
      %dma_wait3A_489 = arith.constant 0 : i32
      %dma_wait3A_490 = tpu.memref_slice %dma_wait3A_488[%dma_wait3A_476, %dma_wait3A_489] : memref<8x128xi32, #tpu.memory_space<vmem>> -> memref<1x128xi32, #tpu.memory_space<vmem>>
      %dma_wait3A_491 = tpu.memref_squeeze %dma_wait3A_490 : memref<1x128xi32, #tpu.memory_space<vmem>> -> memref<128xi32, #tpu.memory_space<vmem>>
      %dma_wait3A_492 = arith.constant 0 : i32
      %dma_wait3A_493 = arith.constant 0 : i32
      %dma_wait3A_494 = tpu.memref_slice %arg2[%dma_wait3A_492, %dma_wait3A_493] : memref<10640x32xf32, #tpu.memory_space<hbm>> -> memref<10640x32xf32, #tpu.memory_space<hbm>>
      tpu.wait_indirect_dma semaphore(%arg13 : memref<!tpu.dma_semaphore, #tpu.memory_space<semaphore_mem>>) src(%dma_wait3A_494 : memref<10640x32xf32, #tpu.memory_space<hbm>>) dst(%dma_wait3A_484 : memref<128x32xf32, #tpu.memory_space<vmem>>)
      %dma_wait3A_495 = arith.constant 1 : i32
      %dma_wait3A_496 = arith.constant 1 : i32
      %dma_wait3A_497 = arith.constant 1 : i32
      %dma_wait3A_498 = arith.constant 0 : i32
      %dma_wait3A_499 = arith.constant 0 : i32
      %dma_wait3A_500 = tpu.memref_slice %arg8[%dma_wait3A_497, %dma_wait3A_498, %dma_wait3A_499] : memref<2x1024x32xf32, #tpu.memory_space<vmem>> -> memref<1x1024x32xf32, #tpu.memory_space<vmem>>
      %dma_wait3A_501 = tpu.memref_squeeze %dma_wait3A_500 : memref<1x1024x32xf32, #tpu.memory_space<vmem>> -> memref<1024x32xf32, #tpu.memory_space<vmem>>
      %dma_wait3A_502 = arith.constant 128 : i32
      %dma_wait3A_503 = arith.constant 0 : i32
      %dma_wait3A_504 = tpu.memref_slice %dma_wait3A_501[%dma_wait3A_502, %dma_wait3A_503] : memref<1024x32xf32, #tpu.memory_space<vmem>> -> memref<128x32xf32, #tpu.memory_space<vmem>>
      %dma_wait3A_505 = arith.constant 0 : i32
      %dma_wait3A_506 = arith.constant 0 : i32
      %dma_wait3A_507 = tpu.memref_slice %arg6[%dma_wait3A_495, %dma_wait3A_505, %dma_wait3A_506] : memref<2x8x128xi32, #tpu.memory_space<vmem>> -> memref<1x8x128xi32, #tpu.memory_space<vmem>>
      %dma_wait3A_508 = tpu.memref_squeeze %dma_wait3A_507 : memref<1x8x128xi32, #tpu.memory_space<vmem>> -> memref<8x128xi32, #tpu.memory_space<vmem>>
      %dma_wait3A_509 = arith.constant 0 : i32
      %dma_wait3A_510 = tpu.memref_slice %dma_wait3A_508[%dma_wait3A_496, %dma_wait3A_509] : memref<8x128xi32, #tpu.memory_space<vmem>> -> memref<1x128xi32, #tpu.memory_space<vmem>>
      %dma_wait3A_511 = tpu.memref_squeeze %dma_wait3A_510 : memref<1x128xi32, #tpu.memory_space<vmem>> -> memref<128xi32, #tpu.memory_space<vmem>>
      %dma_wait3A_512 = arith.constant 0 : i32
      %dma_wait3A_513 = arith.constant 0 : i32
      %dma_wait3A_514 = tpu.memref_slice %arg2[%dma_wait3A_512, %dma_wait3A_513] : memref<10640x32xf32, #tpu.memory_space<hbm>> -> memref<10640x32xf32, #tpu.memory_space<hbm>>
      tpu.wait_indirect_dma semaphore(%arg13 : memref<!tpu.dma_semaphore, #tpu.memory_space<semaphore_mem>>) src(%dma_wait3A_514 : memref<10640x32xf32, #tpu.memory_space<hbm>>) dst(%dma_wait3A_504 : memref<128x32xf32, #tpu.memory_space<vmem>>)
      %dma_wait3A_515 = arith.constant 1 : i32
      %dma_wait3A_516 = arith.constant 2 : i32
      %dma_wait3A_517 = arith.constant 1 : i32
      %dma_wait3A_518 = arith.constant 0 : i32
      %dma_wait3A_519 = arith.constant 0 : i32
      %dma_wait3A_520 = tpu.memref_slice %arg8[%dma_wait3A_517, %dma_wait3A_518, %dma_wait3A_519] : memref<2x1024x32xf32, #tpu.memory_space<vmem>> -> memref<1x1024x32xf32, #tpu.memory_space<vmem>>
      %dma_wait3A_521 = tpu.memref_squeeze %dma_wait3A_520 : memref<1x1024x32xf32, #tpu.memory_space<vmem>> -> memref<1024x32xf32, #tpu.memory_space<vmem>>
      %dma_wait3A_522 = arith.constant 256 : i32
      %dma_wait3A_523 = arith.constant 0 : i32
      %dma_wait3A_524 = tpu.memref_slice %dma_wait3A_521[%dma_wait3A_522, %dma_wait3A_523] : memref<1024x32xf32, #tpu.memory_space<vmem>> -> memref<128x32xf32, #tpu.memory_space<vmem>>
      %dma_wait3A_525 = arith.constant 0 : i32
      %dma_wait3A_526 = arith.constant 0 : i32
      %dma_wait3A_527 = tpu.memref_slice %arg6[%dma_wait3A_515, %dma_wait3A_525, %dma_wait3A_526] : memref<2x8x128xi32, #tpu.memory_space<vmem>> -> memref<1x8x128xi32, #tpu.memory_space<vmem>>
      %dma_wait3A_528 = tpu.memref_squeeze %dma_wait3A_527 : memref<1x8x128xi32, #tpu.memory_space<vmem>> -> memref<8x128xi32, #tpu.memory_space<vmem>>
      %dma_wait3A_529 = arith.constant 0 : i32
      %dma_wait3A_530 = tpu.memref_slice %dma_wait3A_528[%dma_wait3A_516, %dma_wait3A_529] : memref<8x128xi32, #tpu.memory_space<vmem>> -> memref<1x128xi32, #tpu.memory_space<vmem>>
      %dma_wait3A_531 = tpu.memref_squeeze %dma_wait3A_530 : memref<1x128xi32, #tpu.memory_space<vmem>> -> memref<128xi32, #tpu.memory_space<vmem>>
      %dma_wait3A_532 = arith.constant 0 : i32
      %dma_wait3A_533 = arith.constant 0 : i32
      %dma_wait3A_534 = tpu.memref_slice %arg2[%dma_wait3A_532, %dma_wait3A_533] : memref<10640x32xf32, #tpu.memory_space<hbm>> -> memref<10640x32xf32, #tpu.memory_space<hbm>>
      tpu.wait_indirect_dma semaphore(%arg13 : memref<!tpu.dma_semaphore, #tpu.memory_space<semaphore_mem>>) src(%dma_wait3A_534 : memref<10640x32xf32, #tpu.memory_space<hbm>>) dst(%dma_wait3A_524 : memref<128x32xf32, #tpu.memory_space<vmem>>)
      %dma_wait3A_535 = arith.constant 1 : i32
      %dma_wait3A_536 = arith.constant 3 : i32
      %dma_wait3A_537 = arith.constant 1 : i32
      %dma_wait3A_538 = arith.constant 0 : i32
      %dma_wait3A_539 = arith.constant 0 : i32
      %dma_wait3A_540 = tpu.memref_slice %arg8[%dma_wait3A_537, %dma_wait3A_538, %dma_wait3A_539] : memref<2x1024x32xf32, #tpu.memory_space<vmem>> -> memref<1x1024x32xf32, #tpu.memory_space<vmem>>
      %dma_wait3A_541 = tpu.memref_squeeze %dma_wait3A_540 : memref<1x1024x32xf32, #tpu.memory_space<vmem>> -> memref<1024x32xf32, #tpu.memory_space<vmem>>
      %dma_wait3A_542 = arith.constant 384 : i32
      %dma_wait3A_543 = arith.constant 0 : i32
      %dma_wait3A_544 = tpu.memref_slice %dma_wait3A_541[%dma_wait3A_542, %dma_wait3A_543] : memref<1024x32xf32, #tpu.memory_space<vmem>> -> memref<128x32xf32, #tpu.memory_space<vmem>>
      %dma_wait3A_545 = arith.constant 0 : i32
      %dma_wait3A_546 = arith.constant 0 : i32
      %dma_wait3A_547 = tpu.memref_slice %arg6[%dma_wait3A_535, %dma_wait3A_545, %dma_wait3A_546] : memref<2x8x128xi32, #tpu.memory_space<vmem>> -> memref<1x8x128xi32, #tpu.memory_space<vmem>>
      %dma_wait3A_548 = tpu.memref_squeeze %dma_wait3A_547 : memref<1x8x128xi32, #tpu.memory_space<vmem>> -> memref<8x128xi32, #tpu.memory_space<vmem>>
      %dma_wait3A_549 = arith.constant 0 : i32
      %dma_wait3A_550 = tpu.memref_slice %dma_wait3A_548[%dma_wait3A_536, %dma_wait3A_549] : memref<8x128xi32, #tpu.memory_space<vmem>> -> memref<1x128xi32, #tpu.memory_space<vmem>>
      %dma_wait3A_551 = tpu.memref_squeeze %dma_wait3A_550 : memref<1x128xi32, #tpu.memory_space<vmem>> -> memref<128xi32, #tpu.memory_space<vmem>>
      %dma_wait3A_552 = arith.constant 0 : i32
      %dma_wait3A_553 = arith.constant 0 : i32
      %dma_wait3A_554 = tpu.memref_slice %arg2[%dma_wait3A_552, %dma_wait3A_553] : memref<10640x32xf32, #tpu.memory_space<hbm>> -> memref<10640x32xf32, #tpu.memory_space<hbm>>
      tpu.wait_indirect_dma semaphore(%arg13 : memref<!tpu.dma_semaphore, #tpu.memory_space<semaphore_mem>>) src(%dma_wait3A_554 : memref<10640x32xf32, #tpu.memory_space<hbm>>) dst(%dma_wait3A_544 : memref<128x32xf32, #tpu.memory_space<vmem>>)
      %dma_wait3A_555 = arith.constant 1 : i32
      %dma_wait3A_556 = arith.constant 4 : i32
      %dma_wait3A_557 = arith.constant 1 : i32
      %dma_wait3A_558 = arith.constant 0 : i32
      %dma_wait3A_559 = arith.constant 0 : i32
      %dma_wait3A_560 = tpu.memref_slice %arg8[%dma_wait3A_557, %dma_wait3A_558, %dma_wait3A_559] : memref<2x1024x32xf32, #tpu.memory_space<vmem>> -> memref<1x1024x32xf32, #tpu.memory_space<vmem>>
      %dma_wait3A_561 = tpu.memref_squeeze %dma_wait3A_560 : memref<1x1024x32xf32, #tpu.memory_space<vmem>> -> memref<1024x32xf32, #tpu.memory_space<vmem>>
      %dma_wait3A_562 = arith.constant 512 : i32
      %dma_wait3A_563 = arith.constant 0 : i32
      %dma_wait3A_564 = tpu.memref_slice %dma_wait3A_561[%dma_wait3A_562, %dma_wait3A_563] : memref<1024x32xf32, #tpu.memory_space<vmem>> -> memref<128x32xf32, #tpu.memory_space<vmem>>
      %dma_wait3A_565 = arith.constant 0 : i32
      %dma_wait3A_566 = arith.constant 0 : i32
      %dma_wait3A_567 = tpu.memref_slice %arg6[%dma_wait3A_555, %dma_wait3A_565, %dma_wait3A_566] : memref<2x8x128xi32, #tpu.memory_space<vmem>> -> memref<1x8x128xi32, #tpu.memory_space<vmem>>
      %dma_wait3A_568 = tpu.memref_squeeze %dma_wait3A_567 : memref<1x8x128xi32, #tpu.memory_space<vmem>> -> memref<8x128xi32, #tpu.memory_space<vmem>>
      %dma_wait3A_569 = arith.constant 0 : i32
      %dma_wait3A_570 = tpu.memref_slice %dma_wait3A_568[%dma_wait3A_556, %dma_wait3A_569] : memref<8x128xi32, #tpu.memory_space<vmem>> -> memref<1x128xi32, #tpu.memory_space<vmem>>
      %dma_wait3A_571 = tpu.memref_squeeze %dma_wait3A_570 : memref<1x128xi32, #tpu.memory_space<vmem>> -> memref<128xi32, #tpu.memory_space<vmem>>
      %dma_wait3A_572 = arith.constant 0 : i32
      %dma_wait3A_573 = arith.constant 0 : i32
      %dma_wait3A_574 = tpu.memref_slice %arg2[%dma_wait3A_572, %dma_wait3A_573] : memref<10640x32xf32, #tpu.memory_space<hbm>> -> memref<10640x32xf32, #tpu.memory_space<hbm>>
      tpu.wait_indirect_dma semaphore(%arg13 : memref<!tpu.dma_semaphore, #tpu.memory_space<semaphore_mem>>) src(%dma_wait3A_574 : memref<10640x32xf32, #tpu.memory_space<hbm>>) dst(%dma_wait3A_564 : memref<128x32xf32, #tpu.memory_space<vmem>>)
      %dma_wait3A_575 = arith.constant 1 : i32
      %dma_wait3A_576 = arith.constant 5 : i32
      %dma_wait3A_577 = arith.constant 1 : i32
      %dma_wait3A_578 = arith.constant 0 : i32
      %dma_wait3A_579 = arith.constant 0 : i32
      %dma_wait3A_580 = tpu.memref_slice %arg8[%dma_wait3A_577, %dma_wait3A_578, %dma_wait3A_579] : memref<2x1024x32xf32, #tpu.memory_space<vmem>> -> memref<1x1024x32xf32, #tpu.memory_space<vmem>>
      %dma_wait3A_581 = tpu.memref_squeeze %dma_wait3A_580 : memref<1x1024x32xf32, #tpu.memory_space<vmem>> -> memref<1024x32xf32, #tpu.memory_space<vmem>>
      %dma_wait3A_582 = arith.constant 640 : i32
      %dma_wait3A_583 = arith.constant 0 : i32
      %dma_wait3A_584 = tpu.memref_slice %dma_wait3A_581[%dma_wait3A_582, %dma_wait3A_583] : memref<1024x32xf32, #tpu.memory_space<vmem>> -> memref<128x32xf32, #tpu.memory_space<vmem>>
      %dma_wait3A_585 = arith.constant 0 : i32
      %dma_wait3A_586 = arith.constant 0 : i32
      %dma_wait3A_587 = tpu.memref_slice %arg6[%dma_wait3A_575, %dma_wait3A_585, %dma_wait3A_586] : memref<2x8x128xi32, #tpu.memory_space<vmem>> -> memref<1x8x128xi32, #tpu.memory_space<vmem>>
      %dma_wait3A_588 = tpu.memref_squeeze %dma_wait3A_587 : memref<1x8x128xi32, #tpu.memory_space<vmem>> -> memref<8x128xi32, #tpu.memory_space<vmem>>
      %dma_wait3A_589 = arith.constant 0 : i32
      %dma_wait3A_590 = tpu.memref_slice %dma_wait3A_588[%dma_wait3A_576, %dma_wait3A_589] : memref<8x128xi32, #tpu.memory_space<vmem>> -> memref<1x128xi32, #tpu.memory_space<vmem>>
      %dma_wait3A_591 = tpu.memref_squeeze %dma_wait3A_590 : memref<1x128xi32, #tpu.memory_space<vmem>> -> memref<128xi32, #tpu.memory_space<vmem>>
      %dma_wait3A_592 = arith.constant 0 : i32
      %dma_wait3A_593 = arith.constant 0 : i32
      %dma_wait3A_594 = tpu.memref_slice %arg2[%dma_wait3A_592, %dma_wait3A_593] : memref<10640x32xf32, #tpu.memory_space<hbm>> -> memref<10640x32xf32, #tpu.memory_space<hbm>>
      tpu.wait_indirect_dma semaphore(%arg13 : memref<!tpu.dma_semaphore, #tpu.memory_space<semaphore_mem>>) src(%dma_wait3A_594 : memref<10640x32xf32, #tpu.memory_space<hbm>>) dst(%dma_wait3A_584 : memref<128x32xf32, #tpu.memory_space<vmem>>)
      %dma_wait3A_595 = arith.constant 1 : i32
      %dma_wait3A_596 = arith.constant 6 : i32
      %dma_wait3A_597 = arith.constant 1 : i32
      %dma_wait3A_598 = arith.constant 0 : i32
      %dma_wait3A_599 = arith.constant 0 : i32
      %dma_wait3A_600 = tpu.memref_slice %arg8[%dma_wait3A_597, %dma_wait3A_598, %dma_wait3A_599] : memref<2x1024x32xf32, #tpu.memory_space<vmem>> -> memref<1x1024x32xf32, #tpu.memory_space<vmem>>
      %dma_wait3A_601 = tpu.memref_squeeze %dma_wait3A_600 : memref<1x1024x32xf32, #tpu.memory_space<vmem>> -> memref<1024x32xf32, #tpu.memory_space<vmem>>
      %dma_wait3A_602 = arith.constant 768 : i32
      %dma_wait3A_603 = arith.constant 0 : i32
      %dma_wait3A_604 = tpu.memref_slice %dma_wait3A_601[%dma_wait3A_602, %dma_wait3A_603] : memref<1024x32xf32, #tpu.memory_space<vmem>> -> memref<128x32xf32, #tpu.memory_space<vmem>>
      %dma_wait3A_605 = arith.constant 0 : i32
      %dma_wait3A_606 = arith.constant 0 : i32
      %dma_wait3A_607 = tpu.memref_slice %arg6[%dma_wait3A_595, %dma_wait3A_605, %dma_wait3A_606] : memref<2x8x128xi32, #tpu.memory_space<vmem>> -> memref<1x8x128xi32, #tpu.memory_space<vmem>>
      %dma_wait3A_608 = tpu.memref_squeeze %dma_wait3A_607 : memref<1x8x128xi32, #tpu.memory_space<vmem>> -> memref<8x128xi32, #tpu.memory_space<vmem>>
      %dma_wait3A_609 = arith.constant 0 : i32
      %dma_wait3A_610 = tpu.memref_slice %dma_wait3A_608[%dma_wait3A_596, %dma_wait3A_609] : memref<8x128xi32, #tpu.memory_space<vmem>> -> memref<1x128xi32, #tpu.memory_space<vmem>>
      %dma_wait3A_611 = tpu.memref_squeeze %dma_wait3A_610 : memref<1x128xi32, #tpu.memory_space<vmem>> -> memref<128xi32, #tpu.memory_space<vmem>>
      %dma_wait3A_612 = arith.constant 0 : i32
      %dma_wait3A_613 = arith.constant 0 : i32
      %dma_wait3A_614 = tpu.memref_slice %arg2[%dma_wait3A_612, %dma_wait3A_613] : memref<10640x32xf32, #tpu.memory_space<hbm>> -> memref<10640x32xf32, #tpu.memory_space<hbm>>
      tpu.wait_indirect_dma semaphore(%arg13 : memref<!tpu.dma_semaphore, #tpu.memory_space<semaphore_mem>>) src(%dma_wait3A_614 : memref<10640x32xf32, #tpu.memory_space<hbm>>) dst(%dma_wait3A_604 : memref<128x32xf32, #tpu.memory_space<vmem>>)
      %dma_wait3A_615 = arith.constant 1 : i32
      %dma_wait3A_616 = arith.constant 7 : i32
      %dma_wait3A_617 = arith.constant 1 : i32
      %dma_wait3A_618 = arith.constant 0 : i32
      %dma_wait3A_619 = arith.constant 0 : i32
      %dma_wait3A_620 = tpu.memref_slice %arg8[%dma_wait3A_617, %dma_wait3A_618, %dma_wait3A_619] : memref<2x1024x32xf32, #tpu.memory_space<vmem>> -> memref<1x1024x32xf32, #tpu.memory_space<vmem>>
      %dma_wait3A_621 = tpu.memref_squeeze %dma_wait3A_620 : memref<1x1024x32xf32, #tpu.memory_space<vmem>> -> memref<1024x32xf32, #tpu.memory_space<vmem>>
      %dma_wait3A_622 = arith.constant 896 : i32
      %dma_wait3A_623 = arith.constant 0 : i32
      %dma_wait3A_624 = tpu.memref_slice %dma_wait3A_621[%dma_wait3A_622, %dma_wait3A_623] : memref<1024x32xf32, #tpu.memory_space<vmem>> -> memref<128x32xf32, #tpu.memory_space<vmem>>
      %dma_wait3A_625 = arith.constant 0 : i32
      %dma_wait3A_626 = arith.constant 0 : i32
      %dma_wait3A_627 = tpu.memref_slice %arg6[%dma_wait3A_615, %dma_wait3A_625, %dma_wait3A_626] : memref<2x8x128xi32, #tpu.memory_space<vmem>> -> memref<1x8x128xi32, #tpu.memory_space<vmem>>
      %dma_wait3A_628 = tpu.memref_squeeze %dma_wait3A_627 : memref<1x8x128xi32, #tpu.memory_space<vmem>> -> memref<8x128xi32, #tpu.memory_space<vmem>>
      %dma_wait3A_629 = arith.constant 0 : i32
      %dma_wait3A_630 = tpu.memref_slice %dma_wait3A_628[%dma_wait3A_616, %dma_wait3A_629] : memref<8x128xi32, #tpu.memory_space<vmem>> -> memref<1x128xi32, #tpu.memory_space<vmem>>
      %dma_wait3A_631 = tpu.memref_squeeze %dma_wait3A_630 : memref<1x128xi32, #tpu.memory_space<vmem>> -> memref<128xi32, #tpu.memory_space<vmem>>
      %dma_wait3A_632 = arith.constant 0 : i32
      %dma_wait3A_633 = arith.constant 0 : i32
      %dma_wait3A_634 = tpu.memref_slice %arg2[%dma_wait3A_632, %dma_wait3A_633] : memref<10640x32xf32, #tpu.memory_space<hbm>> -> memref<10640x32xf32, #tpu.memory_space<hbm>>
      tpu.wait_indirect_dma semaphore(%arg13 : memref<!tpu.dma_semaphore, #tpu.memory_space<semaphore_mem>>) src(%dma_wait3A_634 : memref<10640x32xf32, #tpu.memory_space<hbm>>) dst(%dma_wait3A_624 : memref<128x32xf32, #tpu.memory_space<vmem>>)
      %parallel_loop3A_635 = arith.constant 0 : i32
      %parallel_loop3A_636 = arith.constant 64 : i32
      %parallel_loop3A_637 = arith.constant 1 : i32
      %parallel_loop3A_638 = arith.constant 1 : i32
      %parallel_loop3A_639 = arith.constant 1 : i32
      %parallel_loop3A_640 = arith.constant 1 : i32
      scf.for %parallel_loop3A_670 = %parallel_loop3A_635 to %parallel_loop3A_636 step %parallel_loop3A_637  : i32 {
        %parallel_loop3A_671 = arith.constant 16 : i32
        %parallel_loop3A_672 = arith.muli %parallel_loop3A_670, %parallel_loop3A_671 : i32
        %parallel_loop3A_673 = arith.constant 16 : i32
        %parallel_loop3A_674 = arith.muli %parallel_loop3A_672, %parallel_loop3A_673 : i32
        %parallel_loop3A_675 = arith.constant 0 : i32
        %parallel_loop3A_676 = tpu.memref_slice %arg7[%parallel_loop3A_638, %parallel_loop3A_675] : memref<2x1024xf32, #tpu.memory_space<vmem>> -> memref<1x1024xf32, #tpu.memory_space<vmem>>
        %parallel_loop3A_677 = tpu.memref_squeeze %parallel_loop3A_676 : memref<1x1024xf32, #tpu.memory_space<vmem>> -> memref<1024xf32, #tpu.memory_space<vmem>>
        %parallel_loop3A_678 = arith.index_cast %parallel_loop3A_672 : i32 to index
        %parallel_loop3A_679 = tpu.vector_load %parallel_loop3A_677[%parallel_loop3A_678] {strides = array<i32>} : memref<1024xf32, #tpu.memory_space<vmem>>, vector<16xf32>,
        %parallel_loop3A_680 = vector.shape_cast %parallel_loop3A_679 : vector<16xf32> to vector<16xf32>
        %parallel_loop3A_681 = arith.constant 0 : i32
        %parallel_loop3A_682 = vector.broadcast %parallel_loop3A_681 : i32 to vector<16xi32>
        %parallel_loop3A_683 = arith.constant 0 : i32
        %parallel_loop3A_684 = vector.broadcast %parallel_loop3A_683 : i32 to vector<16xi32>
        %parallel_loop3A_685 = arith.cmpi slt, %parallel_loop3A_682, %parallel_loop3A_684 : vector<16xi32>
        %parallel_loop3A_686 = arith.constant 16 : i32
        %parallel_loop3A_687 = vector.broadcast %parallel_loop3A_686 : i32 to vector<16xi32>
        %parallel_loop3A_688 = arith.addi %parallel_loop3A_682, %parallel_loop3A_687 : vector<16xi32>
        %parallel_loop3A_689 = arith.select %parallel_loop3A_685, %parallel_loop3A_688, %parallel_loop3A_682 : vector<16xi1>, vector<16xi32>
        %parallel_loop3A_690 = vector.shape_cast %parallel_loop3A_689 : vector<16xi32> to vector<16x1xi32>
        %parallel_loop3A_691 = vector.shape_cast %parallel_loop3A_690 : vector<16x1xi32> to vector<16xi32>
        %parallel_loop3A_692 = tpu.dynamic_gather %parallel_loop3A_680[%parallel_loop3A_691] in [0] : vector<16xf32>, vector<16xi32> -> vector<16xf32>
        %parallel_loop3A_693 = arith.constant 0 : i32
        %parallel_loop3A_694 = arith.addi %parallel_loop3A_672, %parallel_loop3A_693 : i32
        %parallel_loop3A_695 = arith.constant 0 : i32
        %parallel_loop3A_696 = arith.constant 0 : i32
        %parallel_loop3A_697 = tpu.memref_slice %arg8[%parallel_loop3A_639, %parallel_loop3A_695, %parallel_loop3A_696] : memref<2x1024x32xf32, #tpu.memory_space<vmem>> -> memref<1x1024x32xf32, #tpu.memory_space<vmem>>
        %parallel_loop3A_698 = tpu.memref_squeeze %parallel_loop3A_697 : memref<1x1024x32xf32, #tpu.memory_space<vmem>> -> memref<1024x32xf32, #tpu.memory_space<vmem>>
        %parallel_loop3A_699 = arith.index_cast %parallel_loop3A_694 : i32 to index
        %parallel_loop3A_700 = arith.constant 0 : index
        %parallel_loop3A_701 = tpu.vector_load %parallel_loop3A_698[%parallel_loop3A_699, %parallel_loop3A_700] {strides = array<i32>} : memref<1024x32xf32, #tpu.memory_space<vmem>>, vector<1x16xf32>,
        %parallel_loop3A_702 = vector.shape_cast %parallel_loop3A_701 : vector<1x16xf32> to vector<16xf32>
        %parallel_loop3A_703 = arith.constant 0 : i32
        %parallel_loop3A_704 = arith.addi %parallel_loop3A_672, %parallel_loop3A_703 : i32
        %parallel_loop3A_705 = arith.constant 0 : i32
        %parallel_loop3A_706 = arith.constant 0 : i32
        %parallel_loop3A_707 = tpu.memref_slice %arg8[%parallel_loop3A_639, %parallel_loop3A_705, %parallel_loop3A_706] : memref<2x1024x32xf32, #tpu.memory_space<vmem>> -> memref<1x1024x32xf32, #tpu.memory_space<vmem>>
        %parallel_loop3A_708 = tpu.memref_squeeze %parallel_loop3A_707 : memref<1x1024x32xf32, #tpu.memory_space<vmem>> -> memref<1024x32xf32, #tpu.memory_space<vmem>>
        %parallel_loop3A_709 = arith.index_cast %parallel_loop3A_704 : i32 to index
        %parallel_loop3A_710 = arith.constant 16 : index
        %parallel_loop3A_711 = tpu.vector_load %parallel_loop3A_708[%parallel_loop3A_709, %parallel_loop3A_710] {strides = array<i32>} : memref<1024x32xf32, #tpu.memory_space<vmem>>, vector<1x16xf32>,
        %parallel_loop3A_712 = vector.shape_cast %parallel_loop3A_711 : vector<1x16xf32> to vector<16xf32>
        %parallel_loop3A_713 = arith.subf %parallel_loop3A_712, %parallel_loop3A_702 : vector<16xf32>
        %parallel_loop3A_714 = arith.mulf %parallel_loop3A_713, %parallel_loop3A_692 : vector<16xf32>
        %parallel_loop3A_715 = arith.addf %parallel_loop3A_702, %parallel_loop3A_714 : vector<16xf32>
        %parallel_loop3A_716 = arith.constant 0 : i32
        %parallel_loop3A_717 = arith.addi %parallel_loop3A_674, %parallel_loop3A_716 : i32
        %parallel_loop3A_718 = arith.constant 0 : i32
        %parallel_loop3A_719 = tpu.memref_slice %arg9[%parallel_loop3A_640, %parallel_loop3A_718] : memref<2x16384xf32, #tpu.memory_space<vmem>> -> memref<1x16384xf32, #tpu.memory_space<vmem>>
        %parallel_loop3A_720 = tpu.memref_squeeze %parallel_loop3A_719 : memref<1x16384xf32, #tpu.memory_space<vmem>> -> memref<16384xf32, #tpu.memory_space<vmem>>
        %parallel_loop3A_721 = arith.index_cast %parallel_loop3A_717 : i32 to index
        %parallel_loop3A_722 = tpu.vector_load %parallel_loop3A_720[%parallel_loop3A_721] {strides = array<i32>} : memref<16384xf32, #tpu.memory_space<vmem>>, vector<16xf32>,
        %parallel_loop3A_723 = vector.shape_cast %parallel_loop3A_722 : vector<16xf32> to vector<16xf32>
        %parallel_loop3A_724 = vector.shape_cast %parallel_loop3A_715 : vector<16xf32> to vector<16xf32>
        tpu.vector_store %parallel_loop3A_720[%parallel_loop3A_721], %parallel_loop3A_724 {strides = array<i32>} : memref<16384xf32, #tpu.memory_space<vmem>>, vector<16xf32>,
        %parallel_loop3A_725 = arith.constant 1 : i32
        %parallel_loop3A_726 = vector.broadcast %parallel_loop3A_725 : i32 to vector<16xi32>
        %parallel_loop3A_727 = arith.constant 0 : i32
        %parallel_loop3A_728 = vector.broadcast %parallel_loop3A_727 : i32 to vector<16xi32>
        %parallel_loop3A_729 = arith.cmpi slt, %parallel_loop3A_726, %parallel_loop3A_728 : vector<16xi32>
        %parallel_loop3A_730 = arith.constant 16 : i32
        %parallel_loop3A_731 = vector.broadcast %parallel_loop3A_730 : i32 to vector<16xi32>
        %parallel_loop3A_732 = arith.addi %parallel_loop3A_726, %parallel_loop3A_731 : vector<16xi32>
        %parallel_loop3A_733 = arith.select %parallel_loop3A_729, %parallel_loop3A_732, %parallel_loop3A_726 : vector<16xi1>, vector<16xi32>
        %parallel_loop3A_734 = vector.shape_cast %parallel_loop3A_733 : vector<16xi32> to vector<16x1xi32>
        %parallel_loop3A_735 = vector.shape_cast %parallel_loop3A_734 : vector<16x1xi32> to vector<16xi32>
        %parallel_loop3A_736 = tpu.dynamic_gather %parallel_loop3A_680[%parallel_loop3A_735] in [0] : vector<16xf32>, vector<16xi32> -> vector<16xf32>
        %parallel_loop3A_737 = arith.constant 1 : i32
        %parallel_loop3A_738 = arith.addi %parallel_loop3A_672, %parallel_loop3A_737 : i32
        %parallel_loop3A_739 = arith.constant 0 : i32
        %parallel_loop3A_740 = arith.constant 0 : i32
        %parallel_loop3A_741 = tpu.memref_slice %arg8[%parallel_loop3A_639, %parallel_loop3A_739, %parallel_loop3A_740] : memref<2x1024x32xf32, #tpu.memory_space<vmem>> -> memref<1x1024x32xf32, #tpu.memory_space<vmem>>
        %parallel_loop3A_742 = tpu.memref_squeeze %parallel_loop3A_741 : memref<1x1024x32xf32, #tpu.memory_space<vmem>> -> memref<1024x32xf32, #tpu.memory_space<vmem>>
        %parallel_loop3A_743 = arith.index_cast %parallel_loop3A_738 : i32 to index
        %parallel_loop3A_744 = arith.constant 0 : index
        %parallel_loop3A_745 = tpu.vector_load %parallel_loop3A_742[%parallel_loop3A_743, %parallel_loop3A_744] {strides = array<i32>} : memref<1024x32xf32, #tpu.memory_space<vmem>>, vector<1x16xf32>,
        %parallel_loop3A_746 = vector.shape_cast %parallel_loop3A_745 : vector<1x16xf32> to vector<16xf32>
        %parallel_loop3A_747 = arith.constant 1 : i32
        %parallel_loop3A_748 = arith.addi %parallel_loop3A_672, %parallel_loop3A_747 : i32
        %parallel_loop3A_749 = arith.constant 0 : i32
        %parallel_loop3A_750 = arith.constant 0 : i32
        %parallel_loop3A_751 = tpu.memref_slice %arg8[%parallel_loop3A_639, %parallel_loop3A_749, %parallel_loop3A_750] : memref<2x1024x32xf32, #tpu.memory_space<vmem>> -> memref<1x1024x32xf32, #tpu.memory_space<vmem>>
        %parallel_loop3A_752 = tpu.memref_squeeze %parallel_loop3A_751 : memref<1x1024x32xf32, #tpu.memory_space<vmem>> -> memref<1024x32xf32, #tpu.memory_space<vmem>>
        %parallel_loop3A_753 = arith.index_cast %parallel_loop3A_748 : i32 to index
        %parallel_loop3A_754 = arith.constant 16 : index
        %parallel_loop3A_755 = tpu.vector_load %parallel_loop3A_752[%parallel_loop3A_753, %parallel_loop3A_754] {strides = array<i32>} : memref<1024x32xf32, #tpu.memory_space<vmem>>, vector<1x16xf32>,
        %parallel_loop3A_756 = vector.shape_cast %parallel_loop3A_755 : vector<1x16xf32> to vector<16xf32>
        %parallel_loop3A_757 = arith.subf %parallel_loop3A_756, %parallel_loop3A_746 : vector<16xf32>
        %parallel_loop3A_758 = arith.mulf %parallel_loop3A_757, %parallel_loop3A_736 : vector<16xf32>
        %parallel_loop3A_759 = arith.addf %parallel_loop3A_746, %parallel_loop3A_758 : vector<16xf32>
        %parallel_loop3A_760 = arith.constant 16 : i32
        %parallel_loop3A_761 = arith.addi %parallel_loop3A_674, %parallel_loop3A_760 : i32
        %parallel_loop3A_762 = arith.constant 0 : i32
        %parallel_loop3A_763 = tpu.memref_slice %arg9[%parallel_loop3A_640, %parallel_loop3A_762] : memref<2x16384xf32, #tpu.memory_space<vmem>> -> memref<1x16384xf32, #tpu.memory_space<vmem>>
        %parallel_loop3A_764 = tpu.memref_squeeze %parallel_loop3A_763 : memref<1x16384xf32, #tpu.memory_space<vmem>> -> memref<16384xf32, #tpu.memory_space<vmem>>
        %parallel_loop3A_765 = arith.index_cast %parallel_loop3A_761 : i32 to index
        %parallel_loop3A_766 = tpu.vector_load %parallel_loop3A_764[%parallel_loop3A_765] {strides = array<i32>} : memref<16384xf32, #tpu.memory_space<vmem>>, vector<16xf32>,
        %parallel_loop3A_767 = vector.shape_cast %parallel_loop3A_766 : vector<16xf32> to vector<16xf32>
        %parallel_loop3A_768 = vector.shape_cast %parallel_loop3A_759 : vector<16xf32> to vector<16xf32>
        tpu.vector_store %parallel_loop3A_764[%parallel_loop3A_765], %parallel_loop3A_768 {strides = array<i32>} : memref<16384xf32, #tpu.memory_space<vmem>>, vector<16xf32>,
        %parallel_loop3A_769 = arith.constant 2 : i32
        %parallel_loop3A_770 = vector.broadcast %parallel_loop3A_769 : i32 to vector<16xi32>
        %parallel_loop3A_771 = arith.constant 0 : i32
        %parallel_loop3A_772 = vector.broadcast %parallel_loop3A_771 : i32 to vector<16xi32>
        %parallel_loop3A_773 = arith.cmpi slt, %parallel_loop3A_770, %parallel_loop3A_772 : vector<16xi32>
        %parallel_loop3A_774 = arith.constant 16 : i32
        %parallel_loop3A_775 = vector.broadcast %parallel_loop3A_774 : i32 to vector<16xi32>
        %parallel_loop3A_776 = arith.addi %parallel_loop3A_770, %parallel_loop3A_775 : vector<16xi32>
        %parallel_loop3A_777 = arith.select %parallel_loop3A_773, %parallel_loop3A_776, %parallel_loop3A_770 : vector<16xi1>, vector<16xi32>
        %parallel_loop3A_778 = vector.shape_cast %parallel_loop3A_777 : vector<16xi32> to vector<16x1xi32>
        %parallel_loop3A_779 = vector.shape_cast %parallel_loop3A_778 : vector<16x1xi32> to vector<16xi32>
        %parallel_loop3A_780 = tpu.dynamic_gather %parallel_loop3A_680[%parallel_loop3A_779] in [0] : vector<16xf32>, vector<16xi32> -> vector<16xf32>
        %parallel_loop3A_781 = arith.constant 2 : i32
        %parallel_loop3A_782 = arith.addi %parallel_loop3A_672, %parallel_loop3A_781 : i32
        %parallel_loop3A_783 = arith.constant 0 : i32
        %parallel_loop3A_784 = arith.constant 0 : i32
        %parallel_loop3A_785 = tpu.memref_slice %arg8[%parallel_loop3A_639, %parallel_loop3A_783, %parallel_loop3A_784] : memref<2x1024x32xf32, #tpu.memory_space<vmem>> -> memref<1x1024x32xf32, #tpu.memory_space<vmem>>
        %parallel_loop3A_786 = tpu.memref_squeeze %parallel_loop3A_785 : memref<1x1024x32xf32, #tpu.memory_space<vmem>> -> memref<1024x32xf32, #tpu.memory_space<vmem>>
        %parallel_loop3A_787 = arith.index_cast %parallel_loop3A_782 : i32 to index
        %parallel_loop3A_788 = arith.constant 0 : index
        %parallel_loop3A_789 = tpu.vector_load %parallel_loop3A_786[%parallel_loop3A_787, %parallel_loop3A_788] {strides = array<i32>} : memref<1024x32xf32, #tpu.memory_space<vmem>>, vector<1x16xf32>,
        %parallel_loop3A_790 = vector.shape_cast %parallel_loop3A_789 : vector<1x16xf32> to vector<16xf32>
        %parallel_loop3A_791 = arith.constant 2 : i32
        %parallel_loop3A_792 = arith.addi %parallel_loop3A_672, %parallel_loop3A_791 : i32
        %parallel_loop3A_793 = arith.constant 0 : i32
        %parallel_loop3A_794 = arith.constant 0 : i32
        %parallel_loop3A_795 = tpu.memref_slice %arg8[%parallel_loop3A_639, %parallel_loop3A_793, %parallel_loop3A_794] : memref<2x1024x32xf32, #tpu.memory_space<vmem>> -> memref<1x1024x32xf32, #tpu.memory_space<vmem>>
        %parallel_loop3A_796 = tpu.memref_squeeze %parallel_loop3A_795 : memref<1x1024x32xf32, #tpu.memory_space<vmem>> -> memref<1024x32xf32, #tpu.memory_space<vmem>>
        %parallel_loop3A_797 = arith.index_cast %parallel_loop3A_792 : i32 to index
        %parallel_loop3A_798 = arith.constant 16 : index
        %parallel_loop3A_799 = tpu.vector_load %parallel_loop3A_796[%parallel_loop3A_797, %parallel_loop3A_798] {strides = array<i32>} : memref<1024x32xf32, #tpu.memory_space<vmem>>, vector<1x16xf32>,
        %parallel_loop3A_800 = vector.shape_cast %parallel_loop3A_799 : vector<1x16xf32> to vector<16xf32>
        %parallel_loop3A_801 = arith.subf %parallel_loop3A_800, %parallel_loop3A_790 : vector<16xf32>
        %parallel_loop3A_802 = arith.mulf %parallel_loop3A_801, %parallel_loop3A_780 : vector<16xf32>
        %parallel_loop3A_803 = arith.addf %parallel_loop3A_790, %parallel_loop3A_802 : vector<16xf32>
        %parallel_loop3A_804 = arith.constant 32 : i32
        %parallel_loop3A_805 = arith.addi %parallel_loop3A_674, %parallel_loop3A_804 : i32
        %parallel_loop3A_806 = arith.constant 0 : i32
        %parallel_loop3A_807 = tpu.memref_slice %arg9[%parallel_loop3A_640, %parallel_loop3A_806] : memref<2x16384xf32, #tpu.memory_space<vmem>> -> memref<1x16384xf32, #tpu.memory_space<vmem>>
        %parallel_loop3A_808 = tpu.memref_squeeze %parallel_loop3A_807 : memref<1x16384xf32, #tpu.memory_space<vmem>> -> memref<16384xf32, #tpu.memory_space<vmem>>
        %parallel_loop3A_809 = arith.index_cast %parallel_loop3A_805 : i32 to index
        %parallel_loop3A_810 = tpu.vector_load %parallel_loop3A_808[%parallel_loop3A_809] {strides = array<i32>} : memref<16384xf32, #tpu.memory_space<vmem>>, vector<16xf32>,
        %parallel_loop3A_811 = vector.shape_cast %parallel_loop3A_810 : vector<16xf32> to vector<16xf32>
        %parallel_loop3A_812 = vector.shape_cast %parallel_loop3A_803 : vector<16xf32> to vector<16xf32>
        tpu.vector_store %parallel_loop3A_808[%parallel_loop3A_809], %parallel_loop3A_812 {strides = array<i32>} : memref<16384xf32, #tpu.memory_space<vmem>>, vector<16xf32>,
        %parallel_loop3A_813 = arith.constant 3 : i32
        %parallel_loop3A_814 = vector.broadcast %parallel_loop3A_813 : i32 to vector<16xi32>
        %parallel_loop3A_815 = arith.constant 0 : i32
        %parallel_loop3A_816 = vector.broadcast %parallel_loop3A_815 : i32 to vector<16xi32>
        %parallel_loop3A_817 = arith.cmpi slt, %parallel_loop3A_814, %parallel_loop3A_816 : vector<16xi32>
        %parallel_loop3A_818 = arith.constant 16 : i32
        %parallel_loop3A_819 = vector.broadcast %parallel_loop3A_818 : i32 to vector<16xi32>
        %parallel_loop3A_820 = arith.addi %parallel_loop3A_814, %parallel_loop3A_819 : vector<16xi32>
        %parallel_loop3A_821 = arith.select %parallel_loop3A_817, %parallel_loop3A_820, %parallel_loop3A_814 : vector<16xi1>, vector<16xi32>
        %parallel_loop3A_822 = vector.shape_cast %parallel_loop3A_821 : vector<16xi32> to vector<16x1xi32>
        %parallel_loop3A_823 = vector.shape_cast %parallel_loop3A_822 : vector<16x1xi32> to vector<16xi32>
        %parallel_loop3A_824 = tpu.dynamic_gather %parallel_loop3A_680[%parallel_loop3A_823] in [0] : vector<16xf32>, vector<16xi32> -> vector<16xf32>
        %parallel_loop3A_825 = arith.constant 3 : i32
        %parallel_loop3A_826 = arith.addi %parallel_loop3A_672, %parallel_loop3A_825 : i32
        %parallel_loop3A_827 = arith.constant 0 : i32
        %parallel_loop3A_828 = arith.constant 0 : i32
        %parallel_loop3A_829 = tpu.memref_slice %arg8[%parallel_loop3A_639, %parallel_loop3A_827, %parallel_loop3A_828] : memref<2x1024x32xf32, #tpu.memory_space<vmem>> -> memref<1x1024x32xf32, #tpu.memory_space<vmem>>
        %parallel_loop3A_830 = tpu.memref_squeeze %parallel_loop3A_829 : memref<1x1024x32xf32, #tpu.memory_space<vmem>> -> memref<1024x32xf32, #tpu.memory_space<vmem>>
        %parallel_loop3A_831 = arith.index_cast %parallel_loop3A_826 : i32 to index
        %parallel_loop3A_832 = arith.constant 0 : index
        %parallel_loop3A_833 = tpu.vector_load %parallel_loop3A_830[%parallel_loop3A_831, %parallel_loop3A_832] {strides = array<i32>} : memref<1024x32xf32, #tpu.memory_space<vmem>>, vector<1x16xf32>,
        %parallel_loop3A_834 = vector.shape_cast %parallel_loop3A_833 : vector<1x16xf32> to vector<16xf32>
        %parallel_loop3A_835 = arith.constant 3 : i32
        %parallel_loop3A_836 = arith.addi %parallel_loop3A_672, %parallel_loop3A_835 : i32
        %parallel_loop3A_837 = arith.constant 0 : i32
        %parallel_loop3A_838 = arith.constant 0 : i32
        %parallel_loop3A_839 = tpu.memref_slice %arg8[%parallel_loop3A_639, %parallel_loop3A_837, %parallel_loop3A_838] : memref<2x1024x32xf32, #tpu.memory_space<vmem>> -> memref<1x1024x32xf32, #tpu.memory_space<vmem>>
        %parallel_loop3A_840 = tpu.memref_squeeze %parallel_loop3A_839 : memref<1x1024x32xf32, #tpu.memory_space<vmem>> -> memref<1024x32xf32, #tpu.memory_space<vmem>>
        %parallel_loop3A_841 = arith.index_cast %parallel_loop3A_836 : i32 to index
        %parallel_loop3A_842 = arith.constant 16 : index
        %parallel_loop3A_843 = tpu.vector_load %parallel_loop3A_840[%parallel_loop3A_841, %parallel_loop3A_842] {strides = array<i32>} : memref<1024x32xf32, #tpu.memory_space<vmem>>, vector<1x16xf32>,
        %parallel_loop3A_844 = vector.shape_cast %parallel_loop3A_843 : vector<1x16xf32> to vector<16xf32>
        %parallel_loop3A_845 = arith.subf %parallel_loop3A_844, %parallel_loop3A_834 : vector<16xf32>
        %parallel_loop3A_846 = arith.mulf %parallel_loop3A_845, %parallel_loop3A_824 : vector<16xf32>
        %parallel_loop3A_847 = arith.addf %parallel_loop3A_834, %parallel_loop3A_846 : vector<16xf32>
        %parallel_loop3A_848 = arith.constant 48 : i32
        %parallel_loop3A_849 = arith.addi %parallel_loop3A_674, %parallel_loop3A_848 : i32
        %parallel_loop3A_850 = arith.constant 0 : i32
        %parallel_loop3A_851 = tpu.memref_slice %arg9[%parallel_loop3A_640, %parallel_loop3A_850] : memref<2x16384xf32, #tpu.memory_space<vmem>> -> memref<1x16384xf32, #tpu.memory_space<vmem>>
        %parallel_loop3A_852 = tpu.memref_squeeze %parallel_loop3A_851 : memref<1x16384xf32, #tpu.memory_space<vmem>> -> memref<16384xf32, #tpu.memory_space<vmem>>
        %parallel_loop3A_853 = arith.index_cast %parallel_loop3A_849 : i32 to index
        %parallel_loop3A_854 = tpu.vector_load %parallel_loop3A_852[%parallel_loop3A_853] {strides = array<i32>} : memref<16384xf32, #tpu.memory_space<vmem>>, vector<16xf32>,
        %parallel_loop3A_855 = vector.shape_cast %parallel_loop3A_854 : vector<16xf32> to vector<16xf32>
        %parallel_loop3A_856 = vector.shape_cast %parallel_loop3A_847 : vector<16xf32> to vector<16xf32>
        tpu.vector_store %parallel_loop3A_852[%parallel_loop3A_853], %parallel_loop3A_856 {strides = array<i32>} : memref<16384xf32, #tpu.memory_space<vmem>>, vector<16xf32>,
        %parallel_loop3A_857 = arith.constant 4 : i32
        %parallel_loop3A_858 = vector.broadcast %parallel_loop3A_857 : i32 to vector<16xi32>
        %parallel_loop3A_859 = arith.constant 0 : i32
        %parallel_loop3A_860 = vector.broadcast %parallel_loop3A_859 : i32 to vector<16xi32>
        %parallel_loop3A_861 = arith.cmpi slt, %parallel_loop3A_858, %parallel_loop3A_860 : vector<16xi32>
        %parallel_loop3A_862 = arith.constant 16 : i32
        %parallel_loop3A_863 = vector.broadcast %parallel_loop3A_862 : i32 to vector<16xi32>
        %parallel_loop3A_864 = arith.addi %parallel_loop3A_858, %parallel_loop3A_863 : vector<16xi32>
        %parallel_loop3A_865 = arith.select %parallel_loop3A_861, %parallel_loop3A_864, %parallel_loop3A_858 : vector<16xi1>, vector<16xi32>
        %parallel_loop3A_866 = vector.shape_cast %parallel_loop3A_865 : vector<16xi32> to vector<16x1xi32>
        %parallel_loop3A_867 = vector.shape_cast %parallel_loop3A_866 : vector<16x1xi32> to vector<16xi32>
        %parallel_loop3A_868 = tpu.dynamic_gather %parallel_loop3A_680[%parallel_loop3A_867] in [0] : vector<16xf32>, vector<16xi32> -> vector<16xf32>
        %parallel_loop3A_869 = arith.constant 4 : i32
        %parallel_loop3A_870 = arith.addi %parallel_loop3A_672, %parallel_loop3A_869 : i32
        %parallel_loop3A_871 = arith.constant 0 : i32
        %parallel_loop3A_872 = arith.constant 0 : i32
        %parallel_loop3A_873 = tpu.memref_slice %arg8[%parallel_loop3A_639, %parallel_loop3A_871, %parallel_loop3A_872] : memref<2x1024x32xf32, #tpu.memory_space<vmem>> -> memref<1x1024x32xf32, #tpu.memory_space<vmem>>
        %parallel_loop3A_874 = tpu.memref_squeeze %parallel_loop3A_873 : memref<1x1024x32xf32, #tpu.memory_space<vmem>> -> memref<1024x32xf32, #tpu.memory_space<vmem>>
        %parallel_loop3A_875 = arith.index_cast %parallel_loop3A_870 : i32 to index
        %parallel_loop3A_876 = arith.constant 0 : index
        %parallel_loop3A_877 = tpu.vector_load %parallel_loop3A_874[%parallel_loop3A_875, %parallel_loop3A_876] {strides = array<i32>} : memref<1024x32xf32, #tpu.memory_space<vmem>>, vector<1x16xf32>,
        %parallel_loop3A_878 = vector.shape_cast %parallel_loop3A_877 : vector<1x16xf32> to vector<16xf32>
        %parallel_loop3A_879 = arith.constant 4 : i32
        %parallel_loop3A_880 = arith.addi %parallel_loop3A_672, %parallel_loop3A_879 : i32
        %parallel_loop3A_881 = arith.constant 0 : i32
        %parallel_loop3A_882 = arith.constant 0 : i32
        %parallel_loop3A_883 = tpu.memref_slice %arg8[%parallel_loop3A_639, %parallel_loop3A_881, %parallel_loop3A_882] : memref<2x1024x32xf32, #tpu.memory_space<vmem>> -> memref<1x1024x32xf32, #tpu.memory_space<vmem>>
        %parallel_loop3A_884 = tpu.memref_squeeze %parallel_loop3A_883 : memref<1x1024x32xf32, #tpu.memory_space<vmem>> -> memref<1024x32xf32, #tpu.memory_space<vmem>>
        %parallel_loop3A_885 = arith.index_cast %parallel_loop3A_880 : i32 to index
        %parallel_loop3A_886 = arith.constant 16 : index
        %parallel_loop3A_887 = tpu.vector_load %parallel_loop3A_884[%parallel_loop3A_885, %parallel_loop3A_886] {strides = array<i32>} : memref<1024x32xf32, #tpu.memory_space<vmem>>, vector<1x16xf32>,
        %parallel_loop3A_888 = vector.shape_cast %parallel_loop3A_887 : vector<1x16xf32> to vector<16xf32>
        %parallel_loop3A_889 = arith.subf %parallel_loop3A_888, %parallel_loop3A_878 : vector<16xf32>
        %parallel_loop3A_890 = arith.mulf %parallel_loop3A_889, %parallel_loop3A_868 : vector<16xf32>
        %parallel_loop3A_891 = arith.addf %parallel_loop3A_878, %parallel_loop3A_890 : vector<16xf32>
        %parallel_loop3A_892 = arith.constant 64 : i32
        %parallel_loop3A_893 = arith.addi %parallel_loop3A_674, %parallel_loop3A_892 : i32
        %parallel_loop3A_894 = arith.constant 0 : i32
        %parallel_loop3A_895 = tpu.memref_slice %arg9[%parallel_loop3A_640, %parallel_loop3A_894] : memref<2x16384xf32, #tpu.memory_space<vmem>> -> memref<1x16384xf32, #tpu.memory_space<vmem>>
        %parallel_loop3A_896 = tpu.memref_squeeze %parallel_loop3A_895 : memref<1x16384xf32, #tpu.memory_space<vmem>> -> memref<16384xf32, #tpu.memory_space<vmem>>
        %parallel_loop3A_897 = arith.index_cast %parallel_loop3A_893 : i32 to index
        %parallel_loop3A_898 = tpu.vector_load %parallel_loop3A_896[%parallel_loop3A_897] {strides = array<i32>} : memref<16384xf32, #tpu.memory_space<vmem>>, vector<16xf32>,
        %parallel_loop3A_899 = vector.shape_cast %parallel_loop3A_898 : vector<16xf32> to vector<16xf32>
        %parallel_loop3A_900 = vector.shape_cast %parallel_loop3A_891 : vector<16xf32> to vector<16xf32>
        tpu.vector_store %parallel_loop3A_896[%parallel_loop3A_897], %parallel_loop3A_900 {strides = array<i32>} : memref<16384xf32, #tpu.memory_space<vmem>>, vector<16xf32>,
        %parallel_loop3A_901 = arith.constant 5 : i32
        %parallel_loop3A_902 = vector.broadcast %parallel_loop3A_901 : i32 to vector<16xi32>
        %parallel_loop3A_903 = arith.constant 0 : i32
        %parallel_loop3A_904 = vector.broadcast %parallel_loop3A_903 : i32 to vector<16xi32>
        %parallel_loop3A_905 = arith.cmpi slt, %parallel_loop3A_902, %parallel_loop3A_904 : vector<16xi32>
        %parallel_loop3A_906 = arith.constant 16 : i32
        %parallel_loop3A_907 = vector.broadcast %parallel_loop3A_906 : i32 to vector<16xi32>
        %parallel_loop3A_908 = arith.addi %parallel_loop3A_902, %parallel_loop3A_907 : vector<16xi32>
        %parallel_loop3A_909 = arith.select %parallel_loop3A_905, %parallel_loop3A_908, %parallel_loop3A_902 : vector<16xi1>, vector<16xi32>
        %parallel_loop3A_910 = vector.shape_cast %parallel_loop3A_909 : vector<16xi32> to vector<16x1xi32>
        %parallel_loop3A_911 = vector.shape_cast %parallel_loop3A_910 : vector<16x1xi32> to vector<16xi32>
        %parallel_loop3A_912 = tpu.dynamic_gather %parallel_loop3A_680[%parallel_loop3A_911] in [0] : vector<16xf32>, vector<16xi32> -> vector<16xf32>
        %parallel_loop3A_913 = arith.constant 5 : i32
        %parallel_loop3A_914 = arith.addi %parallel_loop3A_672, %parallel_loop3A_913 : i32
        %parallel_loop3A_915 = arith.constant 0 : i32
        %parallel_loop3A_916 = arith.constant 0 : i32
        %parallel_loop3A_917 = tpu.memref_slice %arg8[%parallel_loop3A_639, %parallel_loop3A_915, %parallel_loop3A_916] : memref<2x1024x32xf32, #tpu.memory_space<vmem>> -> memref<1x1024x32xf32, #tpu.memory_space<vmem>>
        %parallel_loop3A_918 = tpu.memref_squeeze %parallel_loop3A_917 : memref<1x1024x32xf32, #tpu.memory_space<vmem>> -> memref<1024x32xf32, #tpu.memory_space<vmem>>
        %parallel_loop3A_919 = arith.index_cast %parallel_loop3A_914 : i32 to index
        %parallel_loop3A_920 = arith.constant 0 : index
        %parallel_loop3A_921 = tpu.vector_load %parallel_loop3A_918[%parallel_loop3A_919, %parallel_loop3A_920] {strides = array<i32>} : memref<1024x32xf32, #tpu.memory_space<vmem>>, vector<1x16xf32>,
        %parallel_loop3A_922 = vector.shape_cast %parallel_loop3A_921 : vector<1x16xf32> to vector<16xf32>
        %parallel_loop3A_923 = arith.constant 5 : i32
        %parallel_loop3A_924 = arith.addi %parallel_loop3A_672, %parallel_loop3A_923 : i32
        %parallel_loop3A_925 = arith.constant 0 : i32
        %parallel_loop3A_926 = arith.constant 0 : i32
        %parallel_loop3A_927 = tpu.memref_slice %arg8[%parallel_loop3A_639, %parallel_loop3A_925, %parallel_loop3A_926] : memref<2x1024x32xf32, #tpu.memory_space<vmem>> -> memref<1x1024x32xf32, #tpu.memory_space<vmem>>
        %parallel_loop3A_928 = tpu.memref_squeeze %parallel_loop3A_927 : memref<1x1024x32xf32, #tpu.memory_space<vmem>> -> memref<1024x32xf32, #tpu.memory_space<vmem>>
        %parallel_loop3A_929 = arith.index_cast %parallel_loop3A_924 : i32 to index
        %parallel_loop3A_930 = arith.constant 16 : index
        %parallel_loop3A_931 = tpu.vector_load %parallel_loop3A_928[%parallel_loop3A_929, %parallel_loop3A_930] {strides = array<i32>} : memref<1024x32xf32, #tpu.memory_space<vmem>>, vector<1x16xf32>,
        %parallel_loop3A_932 = vector.shape_cast %parallel_loop3A_931 : vector<1x16xf32> to vector<16xf32>
        %parallel_loop3A_933 = arith.subf %parallel_loop3A_932, %parallel_loop3A_922 : vector<16xf32>
        %parallel_loop3A_934 = arith.mulf %parallel_loop3A_933, %parallel_loop3A_912 : vector<16xf32>
        %parallel_loop3A_935 = arith.addf %parallel_loop3A_922, %parallel_loop3A_934 : vector<16xf32>
        %parallel_loop3A_936 = arith.constant 80 : i32
        %parallel_loop3A_937 = arith.addi %parallel_loop3A_674, %parallel_loop3A_936 : i32
        %parallel_loop3A_938 = arith.constant 0 : i32
        %parallel_loop3A_939 = tpu.memref_slice %arg9[%parallel_loop3A_640, %parallel_loop3A_938] : memref<2x16384xf32, #tpu.memory_space<vmem>> -> memref<1x16384xf32, #tpu.memory_space<vmem>>
        %parallel_loop3A_940 = tpu.memref_squeeze %parallel_loop3A_939 : memref<1x16384xf32, #tpu.memory_space<vmem>> -> memref<16384xf32, #tpu.memory_space<vmem>>
        %parallel_loop3A_941 = arith.index_cast %parallel_loop3A_937 : i32 to index
        %parallel_loop3A_942 = tpu.vector_load %parallel_loop3A_940[%parallel_loop3A_941] {strides = array<i32>} : memref<16384xf32, #tpu.memory_space<vmem>>, vector<16xf32>,
        %parallel_loop3A_943 = vector.shape_cast %parallel_loop3A_942 : vector<16xf32> to vector<16xf32>
        %parallel_loop3A_944 = vector.shape_cast %parallel_loop3A_935 : vector<16xf32> to vector<16xf32>
        tpu.vector_store %parallel_loop3A_940[%parallel_loop3A_941], %parallel_loop3A_944 {strides = array<i32>} : memref<16384xf32, #tpu.memory_space<vmem>>, vector<16xf32>,
        %parallel_loop3A_945 = arith.constant 6 : i32
        %parallel_loop3A_946 = vector.broadcast %parallel_loop3A_945 : i32 to vector<16xi32>
        %parallel_loop3A_947 = arith.constant 0 : i32
        %parallel_loop3A_948 = vector.broadcast %parallel_loop3A_947 : i32 to vector<16xi32>
        %parallel_loop3A_949 = arith.cmpi slt, %parallel_loop3A_946, %parallel_loop3A_948 : vector<16xi32>
        %parallel_loop3A_950 = arith.constant 16 : i32
        %parallel_loop3A_951 = vector.broadcast %parallel_loop3A_950 : i32 to vector<16xi32>
        %parallel_loop3A_952 = arith.addi %parallel_loop3A_946, %parallel_loop3A_951 : vector<16xi32>
        %parallel_loop3A_953 = arith.select %parallel_loop3A_949, %parallel_loop3A_952, %parallel_loop3A_946 : vector<16xi1>, vector<16xi32>
        %parallel_loop3A_954 = vector.shape_cast %parallel_loop3A_953 : vector<16xi32> to vector<16x1xi32>
        %parallel_loop3A_955 = vector.shape_cast %parallel_loop3A_954 : vector<16x1xi32> to vector<16xi32>
        %parallel_loop3A_956 = tpu.dynamic_gather %parallel_loop3A_680[%parallel_loop3A_955] in [0] : vector<16xf32>, vector<16xi32> -> vector<16xf32>
        %parallel_loop3A_957 = arith.constant 6 : i32
        %parallel_loop3A_958 = arith.addi %parallel_loop3A_672, %parallel_loop3A_957 : i32
        %parallel_loop3A_959 = arith.constant 0 : i32
        %parallel_loop3A_960 = arith.constant 0 : i32
        %parallel_loop3A_961 = tpu.memref_slice %arg8[%parallel_loop3A_639, %parallel_loop3A_959, %parallel_loop3A_960] : memref<2x1024x32xf32, #tpu.memory_space<vmem>> -> memref<1x1024x32xf32, #tpu.memory_space<vmem>>
        %parallel_loop3A_962 = tpu.memref_squeeze %parallel_loop3A_961 : memref<1x1024x32xf32, #tpu.memory_space<vmem>> -> memref<1024x32xf32, #tpu.memory_space<vmem>>
        %parallel_loop3A_963 = arith.index_cast %parallel_loop3A_958 : i32 to index
        %parallel_loop3A_964 = arith.constant 0 : index
        %parallel_loop3A_965 = tpu.vector_load %parallel_loop3A_962[%parallel_loop3A_963, %parallel_loop3A_964] {strides = array<i32>} : memref<1024x32xf32, #tpu.memory_space<vmem>>, vector<1x16xf32>,
        %parallel_loop3A_966 = vector.shape_cast %parallel_loop3A_965 : vector<1x16xf32> to vector<16xf32>
        %parallel_loop3A_967 = arith.constant 6 : i32
        %parallel_loop3A_968 = arith.addi %parallel_loop3A_672, %parallel_loop3A_967 : i32
        %parallel_loop3A_969 = arith.constant 0 : i32
        %parallel_loop3A_970 = arith.constant 0 : i32
        %parallel_loop3A_971 = tpu.memref_slice %arg8[%parallel_loop3A_639, %parallel_loop3A_969, %parallel_loop3A_970] : memref<2x1024x32xf32, #tpu.memory_space<vmem>> -> memref<1x1024x32xf32, #tpu.memory_space<vmem>>
        %parallel_loop3A_972 = tpu.memref_squeeze %parallel_loop3A_971 : memref<1x1024x32xf32, #tpu.memory_space<vmem>> -> memref<1024x32xf32, #tpu.memory_space<vmem>>
        %parallel_loop3A_973 = arith.index_cast %parallel_loop3A_968 : i32 to index
        %parallel_loop3A_974 = arith.constant 16 : index
        %parallel_loop3A_975 = tpu.vector_load %parallel_loop3A_972[%parallel_loop3A_973, %parallel_loop3A_974] {strides = array<i32>} : memref<1024x32xf32, #tpu.memory_space<vmem>>, vector<1x16xf32>,
        %parallel_loop3A_976 = vector.shape_cast %parallel_loop3A_975 : vector<1x16xf32> to vector<16xf32>
        %parallel_loop3A_977 = arith.subf %parallel_loop3A_976, %parallel_loop3A_966 : vector<16xf32>
        %parallel_loop3A_978 = arith.mulf %parallel_loop3A_977, %parallel_loop3A_956 : vector<16xf32>
        %parallel_loop3A_979 = arith.addf %parallel_loop3A_966, %parallel_loop3A_978 : vector<16xf32>
        %parallel_loop3A_980 = arith.constant 96 : i32
        %parallel_loop3A_981 = arith.addi %parallel_loop3A_674, %parallel_loop3A_980 : i32
        %parallel_loop3A_982 = arith.constant 0 : i32
        %parallel_loop3A_983 = tpu.memref_slice %arg9[%parallel_loop3A_640, %parallel_loop3A_982] : memref<2x16384xf32, #tpu.memory_space<vmem>> -> memref<1x16384xf32, #tpu.memory_space<vmem>>
        %parallel_loop3A_984 = tpu.memref_squeeze %parallel_loop3A_983 : memref<1x16384xf32, #tpu.memory_space<vmem>> -> memref<16384xf32, #tpu.memory_space<vmem>>
        %parallel_loop3A_985 = arith.index_cast %parallel_loop3A_981 : i32 to index
        %parallel_loop3A_986 = tpu.vector_load %parallel_loop3A_984[%parallel_loop3A_985] {strides = array<i32>} : memref<16384xf32, #tpu.memory_space<vmem>>, vector<16xf32>,
        %parallel_loop3A_987 = vector.shape_cast %parallel_loop3A_986 : vector<16xf32> to vector<16xf32>
        %parallel_loop3A_988 = vector.shape_cast %parallel_loop3A_979 : vector<16xf32> to vector<16xf32>
        tpu.vector_store %parallel_loop3A_984[%parallel_loop3A_985], %parallel_loop3A_988 {strides = array<i32>} : memref<16384xf32, #tpu.memory_space<vmem>>, vector<16xf32>,
        %parallel_loop3A_989 = arith.constant 7 : i32
        %parallel_loop3A_990 = vector.broadcast %parallel_loop3A_989 : i32 to vector<16xi32>
        %parallel_loop3A_991 = arith.constant 0 : i32
        %parallel_loop3A_992 = vector.broadcast %parallel_loop3A_991 : i32 to vector<16xi32>
        %parallel_loop3A_993 = arith.cmpi slt, %parallel_loop3A_990, %parallel_loop3A_992 : vector<16xi32>
        %parallel_loop3A_994 = arith.constant 16 : i32
        %parallel_loop3A_995 = vector.broadcast %parallel_loop3A_994 : i32 to vector<16xi32>
        %parallel_loop3A_996 = arith.addi %parallel_loop3A_990, %parallel_loop3A_995 : vector<16xi32>
        %parallel_loop3A_997 = arith.select %parallel_loop3A_993, %parallel_loop3A_996, %parallel_loop3A_990 : vector<16xi1>, vector<16xi32>
        %parallel_loop3A_998 = vector.shape_cast %parallel_loop3A_997 : vector<16xi32> to vector<16x1xi32>
        %parallel_loop3A_999 = vector.shape_cast %parallel_loop3A_998 : vector<16x1xi32> to vector<16xi32>
        %parallel_loop3A_1000 = tpu.dynamic_gather %parallel_loop3A_680[%parallel_loop3A_999] in [0] : vector<16xf32>, vector<16xi32> -> vector<16xf32>
        %parallel_loop3A_1001 = arith.constant 7 : i32
        %parallel_loop3A_1002 = arith.addi %parallel_loop3A_672, %parallel_loop3A_1001 : i32
        %parallel_loop3A_1003 = arith.constant 0 : i32
        %parallel_loop3A_1004 = arith.constant 0 : i32
        %parallel_loop3A_1005 = tpu.memref_slice %arg8[%parallel_loop3A_639, %parallel_loop3A_1003, %parallel_loop3A_1004] : memref<2x1024x32xf32, #tpu.memory_space<vmem>> -> memref<1x1024x32xf32, #tpu.memory_space<vmem>>
        %parallel_loop3A_1006 = tpu.memref_squeeze %parallel_loop3A_1005 : memref<1x1024x32xf32, #tpu.memory_space<vmem>> -> memref<1024x32xf32, #tpu.memory_space<vmem>>
        %parallel_loop3A_1007 = arith.index_cast %parallel_loop3A_1002 : i32 to index
        %parallel_loop3A_1008 = arith.constant 0 : index
        %parallel_loop3A_1009 = tpu.vector_load %parallel_loop3A_1006[%parallel_loop3A_1007, %parallel_loop3A_1008] {strides = array<i32>} : memref<1024x32xf32, #tpu.memory_space<vmem>>, vector<1x16xf32>,
        %parallel_loop3A_1010 = vector.shape_cast %parallel_loop3A_1009 : vector<1x16xf32> to vector<16xf32>
        %parallel_loop3A_1011 = arith.constant 7 : i32
        %parallel_loop3A_1012 = arith.addi %parallel_loop3A_672, %parallel_loop3A_1011 : i32
        %parallel_loop3A_1013 = arith.constant 0 : i32
        %parallel_loop3A_1014 = arith.constant 0 : i32
        %parallel_loop3A_1015 = tpu.memref_slice %arg8[%parallel_loop3A_639, %parallel_loop3A_1013, %parallel_loop3A_1014] : memref<2x1024x32xf32, #tpu.memory_space<vmem>> -> memref<1x1024x32xf32, #tpu.memory_space<vmem>>
        %parallel_loop3A_1016 = tpu.memref_squeeze %parallel_loop3A_1015 : memref<1x1024x32xf32, #tpu.memory_space<vmem>> -> memref<1024x32xf32, #tpu.memory_space<vmem>>
        %parallel_loop3A_1017 = arith.index_cast %parallel_loop3A_1012 : i32 to index
        %parallel_loop3A_1018 = arith.constant 16 : index
        %parallel_loop3A_1019 = tpu.vector_load %parallel_loop3A_1016[%parallel_loop3A_1017, %parallel_loop3A_1018] {strides = array<i32>} : memref<1024x32xf32, #tpu.memory_space<vmem>>, vector<1x16xf32>,
        %parallel_loop3A_1020 = vector.shape_cast %parallel_loop3A_1019 : vector<1x16xf32> to vector<16xf32>
        %parallel_loop3A_1021 = arith.subf %parallel_loop3A_1020, %parallel_loop3A_1010 : vector<16xf32>
        %parallel_loop3A_1022 = arith.mulf %parallel_loop3A_1021, %parallel_loop3A_1000 : vector<16xf32>
        %parallel_loop3A_1023 = arith.addf %parallel_loop3A_1010, %parallel_loop3A_1022 : vector<16xf32>
        %parallel_loop3A_1024 = arith.constant 112 : i32
        %parallel_loop3A_1025 = arith.addi %parallel_loop3A_674, %parallel_loop3A_1024 : i32
        %parallel_loop3A_1026 = arith.constant 0 : i32
        %parallel_loop3A_1027 = tpu.memref_slice %arg9[%parallel_loop3A_640, %parallel_loop3A_1026] : memref<2x16384xf32, #tpu.memory_space<vmem>> -> memref<1x16384xf32, #tpu.memory_space<vmem>>
        %parallel_loop3A_1028 = tpu.memref_squeeze %parallel_loop3A_1027 : memref<1x16384xf32, #tpu.memory_space<vmem>> -> memref<16384xf32, #tpu.memory_space<vmem>>
        %parallel_loop3A_1029 = arith.index_cast %parallel_loop3A_1025 : i32 to index
        %parallel_loop3A_1030 = tpu.vector_load %parallel_loop3A_1028[%parallel_loop3A_1029] {strides = array<i32>} : memref<16384xf32, #tpu.memory_space<vmem>>, vector<16xf32>,
        %parallel_loop3A_1031 = vector.shape_cast %parallel_loop3A_1030 : vector<16xf32> to vector<16xf32>
        %parallel_loop3A_1032 = vector.shape_cast %parallel_loop3A_1023 : vector<16xf32> to vector<16xf32>
        tpu.vector_store %parallel_loop3A_1028[%parallel_loop3A_1029], %parallel_loop3A_1032 {strides = array<i32>} : memref<16384xf32, #tpu.memory_space<vmem>>, vector<16xf32>,
        %parallel_loop3A_1033 = arith.constant 8 : i32
        %parallel_loop3A_1034 = vector.broadcast %parallel_loop3A_1033 : i32 to vector<16xi32>
        %parallel_loop3A_1035 = arith.constant 0 : i32
        %parallel_loop3A_1036 = vector.broadcast %parallel_loop3A_1035 : i32 to vector<16xi32>
        %parallel_loop3A_1037 = arith.cmpi slt, %parallel_loop3A_1034, %parallel_loop3A_1036 : vector<16xi32>
        %parallel_loop3A_1038 = arith.constant 16 : i32
        %parallel_loop3A_1039 = vector.broadcast %parallel_loop3A_1038 : i32 to vector<16xi32>
        %parallel_loop3A_1040 = arith.addi %parallel_loop3A_1034, %parallel_loop3A_1039 : vector<16xi32>
        %parallel_loop3A_1041 = arith.select %parallel_loop3A_1037, %parallel_loop3A_1040, %parallel_loop3A_1034 : vector<16xi1>, vector<16xi32>
        %parallel_loop3A_1042 = vector.shape_cast %parallel_loop3A_1041 : vector<16xi32> to vector<16x1xi32>
        %parallel_loop3A_1043 = vector.shape_cast %parallel_loop3A_1042 : vector<16x1xi32> to vector<16xi32>
        %parallel_loop3A_1044 = tpu.dynamic_gather %parallel_loop3A_680[%parallel_loop3A_1043] in [0] : vector<16xf32>, vector<16xi32> -> vector<16xf32>
        %parallel_loop3A_1045 = arith.constant 8 : i32
        %parallel_loop3A_1046 = arith.addi %parallel_loop3A_672, %parallel_loop3A_1045 : i32
        %parallel_loop3A_1047 = arith.constant 0 : i32
        %parallel_loop3A_1048 = arith.constant 0 : i32
        %parallel_loop3A_1049 = tpu.memref_slice %arg8[%parallel_loop3A_639, %parallel_loop3A_1047, %parallel_loop3A_1048] : memref<2x1024x32xf32, #tpu.memory_space<vmem>> -> memref<1x1024x32xf32, #tpu.memory_space<vmem>>
        %parallel_loop3A_1050 = tpu.memref_squeeze %parallel_loop3A_1049 : memref<1x1024x32xf32, #tpu.memory_space<vmem>> -> memref<1024x32xf32, #tpu.memory_space<vmem>>
        %parallel_loop3A_1051 = arith.index_cast %parallel_loop3A_1046 : i32 to index
        %parallel_loop3A_1052 = arith.constant 0 : index
        %parallel_loop3A_1053 = tpu.vector_load %parallel_loop3A_1050[%parallel_loop3A_1051, %parallel_loop3A_1052] {strides = array<i32>} : memref<1024x32xf32, #tpu.memory_space<vmem>>, vector<1x16xf32>,
        %parallel_loop3A_1054 = vector.shape_cast %parallel_loop3A_1053 : vector<1x16xf32> to vector<16xf32>
        %parallel_loop3A_1055 = arith.constant 8 : i32
        %parallel_loop3A_1056 = arith.addi %parallel_loop3A_672, %parallel_loop3A_1055 : i32
        %parallel_loop3A_1057 = arith.constant 0 : i32
        %parallel_loop3A_1058 = arith.constant 0 : i32
        %parallel_loop3A_1059 = tpu.memref_slice %arg8[%parallel_loop3A_639, %parallel_loop3A_1057, %parallel_loop3A_1058] : memref<2x1024x32xf32, #tpu.memory_space<vmem>> -> memref<1x1024x32xf32, #tpu.memory_space<vmem>>
        %parallel_loop3A_1060 = tpu.memref_squeeze %parallel_loop3A_1059 : memref<1x1024x32xf32, #tpu.memory_space<vmem>> -> memref<1024x32xf32, #tpu.memory_space<vmem>>
        %parallel_loop3A_1061 = arith.index_cast %parallel_loop3A_1056 : i32 to index
        %parallel_loop3A_1062 = arith.constant 16 : index
        %parallel_loop3A_1063 = tpu.vector_load %parallel_loop3A_1060[%parallel_loop3A_1061, %parallel_loop3A_1062] {strides = array<i32>} : memref<1024x32xf32, #tpu.memory_space<vmem>>, vector<1x16xf32>,
        %parallel_loop3A_1064 = vector.shape_cast %parallel_loop3A_1063 : vector<1x16xf32> to vector<16xf32>
        %parallel_loop3A_1065 = arith.subf %parallel_loop3A_1064, %parallel_loop3A_1054 : vector<16xf32>
        %parallel_loop3A_1066 = arith.mulf %parallel_loop3A_1065, %parallel_loop3A_1044 : vector<16xf32>
        %parallel_loop3A_1067 = arith.addf %parallel_loop3A_1054, %parallel_loop3A_1066 : vector<16xf32>
        %parallel_loop3A_1068 = arith.constant 128 : i32
        %parallel_loop3A_1069 = arith.addi %parallel_loop3A_674, %parallel_loop3A_1068 : i32
        %parallel_loop3A_1070 = arith.constant 0 : i32
        %parallel_loop3A_1071 = tpu.memref_slice %arg9[%parallel_loop3A_640, %parallel_loop3A_1070] : memref<2x16384xf32, #tpu.memory_space<vmem>> -> memref<1x16384xf32, #tpu.memory_space<vmem>>
        %parallel_loop3A_1072 = tpu.memref_squeeze %parallel_loop3A_1071 : memref<1x16384xf32, #tpu.memory_space<vmem>> -> memref<16384xf32, #tpu.memory_space<vmem>>
        %parallel_loop3A_1073 = arith.index_cast %parallel_loop3A_1069 : i32 to index
        %parallel_loop3A_1074 = tpu.vector_load %parallel_loop3A_1072[%parallel_loop3A_1073] {strides = array<i32>} : memref<16384xf32, #tpu.memory_space<vmem>>, vector<16xf32>,
        %parallel_loop3A_1075 = vector.shape_cast %parallel_loop3A_1074 : vector<16xf32> to vector<16xf32>
        %parallel_loop3A_1076 = vector.shape_cast %parallel_loop3A_1067 : vector<16xf32> to vector<16xf32>
        tpu.vector_store %parallel_loop3A_1072[%parallel_loop3A_1073], %parallel_loop3A_1076 {strides = array<i32>} : memref<16384xf32, #tpu.memory_space<vmem>>, vector<16xf32>,
        %parallel_loop3A_1077 = arith.constant 9 : i32
        %parallel_loop3A_1078 = vector.broadcast %parallel_loop3A_1077 : i32 to vector<16xi32>
        %parallel_loop3A_1079 = arith.constant 0 : i32
        %parallel_loop3A_1080 = vector.broadcast %parallel_loop3A_1079 : i32 to vector<16xi32>
        %parallel_loop3A_1081 = arith.cmpi slt, %parallel_loop3A_1078, %parallel_loop3A_1080 : vector<16xi32>
        %parallel_loop3A_1082 = arith.constant 16 : i32
        %parallel_loop3A_1083 = vector.broadcast %parallel_loop3A_1082 : i32 to vector<16xi32>
        %parallel_loop3A_1084 = arith.addi %parallel_loop3A_1078, %parallel_loop3A_1083 : vector<16xi32>
        %parallel_loop3A_1085 = arith.select %parallel_loop3A_1081, %parallel_loop3A_1084, %parallel_loop3A_1078 : vector<16xi1>, vector<16xi32>
        %parallel_loop3A_1086 = vector.shape_cast %parallel_loop3A_1085 : vector<16xi32> to vector<16x1xi32>
        %parallel_loop3A_1087 = vector.shape_cast %parallel_loop3A_1086 : vector<16x1xi32> to vector<16xi32>
        %parallel_loop3A_1088 = tpu.dynamic_gather %parallel_loop3A_680[%parallel_loop3A_1087] in [0] : vector<16xf32>, vector<16xi32> -> vector<16xf32>
        %parallel_loop3A_1089 = arith.constant 9 : i32
        %parallel_loop3A_1090 = arith.addi %parallel_loop3A_672, %parallel_loop3A_1089 : i32
        %parallel_loop3A_1091 = arith.constant 0 : i32
        %parallel_loop3A_1092 = arith.constant 0 : i32
        %parallel_loop3A_1093 = tpu.memref_slice %arg8[%parallel_loop3A_639, %parallel_loop3A_1091, %parallel_loop3A_1092] : memref<2x1024x32xf32, #tpu.memory_space<vmem>> -> memref<1x1024x32xf32, #tpu.memory_space<vmem>>
        %parallel_loop3A_1094 = tpu.memref_squeeze %parallel_loop3A_1093 : memref<1x1024x32xf32, #tpu.memory_space<vmem>> -> memref<1024x32xf32, #tpu.memory_space<vmem>>
        %parallel_loop3A_1095 = arith.index_cast %parallel_loop3A_1090 : i32 to index
        %parallel_loop3A_1096 = arith.constant 0 : index
        %parallel_loop3A_1097 = tpu.vector_load %parallel_loop3A_1094[%parallel_loop3A_1095, %parallel_loop3A_1096] {strides = array<i32>} : memref<1024x32xf32, #tpu.memory_space<vmem>>, vector<1x16xf32>,
        %parallel_loop3A_1098 = vector.shape_cast %parallel_loop3A_1097 : vector<1x16xf32> to vector<16xf32>
        %parallel_loop3A_1099 = arith.constant 9 : i32
        %parallel_loop3A_1100 = arith.addi %parallel_loop3A_672, %parallel_loop3A_1099 : i32
        %parallel_loop3A_1101 = arith.constant 0 : i32
        %parallel_loop3A_1102 = arith.constant 0 : i32
        %parallel_loop3A_1103 = tpu.memref_slice %arg8[%parallel_loop3A_639, %parallel_loop3A_1101, %parallel_loop3A_1102] : memref<2x1024x32xf32, #tpu.memory_space<vmem>> -> memref<1x1024x32xf32, #tpu.memory_space<vmem>>
        %parallel_loop3A_1104 = tpu.memref_squeeze %parallel_loop3A_1103 : memref<1x1024x32xf32, #tpu.memory_space<vmem>> -> memref<1024x32xf32, #tpu.memory_space<vmem>>
        %parallel_loop3A_1105 = arith.index_cast %parallel_loop3A_1100 : i32 to index
        %parallel_loop3A_1106 = arith.constant 16 : index
        %parallel_loop3A_1107 = tpu.vector_load %parallel_loop3A_1104[%parallel_loop3A_1105, %parallel_loop3A_1106] {strides = array<i32>} : memref<1024x32xf32, #tpu.memory_space<vmem>>, vector<1x16xf32>,
        %parallel_loop3A_1108 = vector.shape_cast %parallel_loop3A_1107 : vector<1x16xf32> to vector<16xf32>
        %parallel_loop3A_1109 = arith.subf %parallel_loop3A_1108, %parallel_loop3A_1098 : vector<16xf32>
        %parallel_loop3A_1110 = arith.mulf %parallel_loop3A_1109, %parallel_loop3A_1088 : vector<16xf32>
        %parallel_loop3A_1111 = arith.addf %parallel_loop3A_1098, %parallel_loop3A_1110 : vector<16xf32>
        %parallel_loop3A_1112 = arith.constant 144 : i32
        %parallel_loop3A_1113 = arith.addi %parallel_loop3A_674, %parallel_loop3A_1112 : i32
        %parallel_loop3A_1114 = arith.constant 0 : i32
        %parallel_loop3A_1115 = tpu.memref_slice %arg9[%parallel_loop3A_640, %parallel_loop3A_1114] : memref<2x16384xf32, #tpu.memory_space<vmem>> -> memref<1x16384xf32, #tpu.memory_space<vmem>>
        %parallel_loop3A_1116 = tpu.memref_squeeze %parallel_loop3A_1115 : memref<1x16384xf32, #tpu.memory_space<vmem>> -> memref<16384xf32, #tpu.memory_space<vmem>>
        %parallel_loop3A_1117 = arith.index_cast %parallel_loop3A_1113 : i32 to index
        %parallel_loop3A_1118 = tpu.vector_load %parallel_loop3A_1116[%parallel_loop3A_1117] {strides = array<i32>} : memref<16384xf32, #tpu.memory_space<vmem>>, vector<16xf32>,
        %parallel_loop3A_1119 = vector.shape_cast %parallel_loop3A_1118 : vector<16xf32> to vector<16xf32>
        %parallel_loop3A_1120 = vector.shape_cast %parallel_loop3A_1111 : vector<16xf32> to vector<16xf32>
        tpu.vector_store %parallel_loop3A_1116[%parallel_loop3A_1117], %parallel_loop3A_1120 {strides = array<i32>} : memref<16384xf32, #tpu.memory_space<vmem>>, vector<16xf32>,
        %parallel_loop3A_1121 = arith.constant 10 : i32
        %parallel_loop3A_1122 = vector.broadcast %parallel_loop3A_1121 : i32 to vector<16xi32>
        %parallel_loop3A_1123 = arith.constant 0 : i32
        %parallel_loop3A_1124 = vector.broadcast %parallel_loop3A_1123 : i32 to vector<16xi32>
        %parallel_loop3A_1125 = arith.cmpi slt, %parallel_loop3A_1122, %parallel_loop3A_1124 : vector<16xi32>
        %parallel_loop3A_1126 = arith.constant 16 : i32
        %parallel_loop3A_1127 = vector.broadcast %parallel_loop3A_1126 : i32 to vector<16xi32>
        %parallel_loop3A_1128 = arith.addi %parallel_loop3A_1122, %parallel_loop3A_1127 : vector<16xi32>
        %parallel_loop3A_1129 = arith.select %parallel_loop3A_1125, %parallel_loop3A_1128, %parallel_loop3A_1122 : vector<16xi1>, vector<16xi32>
        %parallel_loop3A_1130 = vector.shape_cast %parallel_loop3A_1129 : vector<16xi32> to vector<16x1xi32>
        %parallel_loop3A_1131 = vector.shape_cast %parallel_loop3A_1130 : vector<16x1xi32> to vector<16xi32>
        %parallel_loop3A_1132 = tpu.dynamic_gather %parallel_loop3A_680[%parallel_loop3A_1131] in [0] : vector<16xf32>, vector<16xi32> -> vector<16xf32>
        %parallel_loop3A_1133 = arith.constant 10 : i32
        %parallel_loop3A_1134 = arith.addi %parallel_loop3A_672, %parallel_loop3A_1133 : i32
        %parallel_loop3A_1135 = arith.constant 0 : i32
        %parallel_loop3A_1136 = arith.constant 0 : i32
        %parallel_loop3A_1137 = tpu.memref_slice %arg8[%parallel_loop3A_639, %parallel_loop3A_1135, %parallel_loop3A_1136] : memref<2x1024x32xf32, #tpu.memory_space<vmem>> -> memref<1x1024x32xf32, #tpu.memory_space<vmem>>
        %parallel_loop3A_1138 = tpu.memref_squeeze %parallel_loop3A_1137 : memref<1x1024x32xf32, #tpu.memory_space<vmem>> -> memref<1024x32xf32, #tpu.memory_space<vmem>>
        %parallel_loop3A_1139 = arith.index_cast %parallel_loop3A_1134 : i32 to index
        %parallel_loop3A_1140 = arith.constant 0 : index
        %parallel_loop3A_1141 = tpu.vector_load %parallel_loop3A_1138[%parallel_loop3A_1139, %parallel_loop3A_1140] {strides = array<i32>} : memref<1024x32xf32, #tpu.memory_space<vmem>>, vector<1x16xf32>,
        %parallel_loop3A_1142 = vector.shape_cast %parallel_loop3A_1141 : vector<1x16xf32> to vector<16xf32>
        %parallel_loop3A_1143 = arith.constant 10 : i32
        %parallel_loop3A_1144 = arith.addi %parallel_loop3A_672, %parallel_loop3A_1143 : i32
        %parallel_loop3A_1145 = arith.constant 0 : i32
        %parallel_loop3A_1146 = arith.constant 0 : i32
        %parallel_loop3A_1147 = tpu.memref_slice %arg8[%parallel_loop3A_639, %parallel_loop3A_1145, %parallel_loop3A_1146] : memref<2x1024x32xf32, #tpu.memory_space<vmem>> -> memref<1x1024x32xf32, #tpu.memory_space<vmem>>
        %parallel_loop3A_1148 = tpu.memref_squeeze %parallel_loop3A_1147 : memref<1x1024x32xf32, #tpu.memory_space<vmem>> -> memref<1024x32xf32, #tpu.memory_space<vmem>>
        %parallel_loop3A_1149 = arith.index_cast %parallel_loop3A_1144 : i32 to index
        %parallel_loop3A_1150 = arith.constant 16 : index
        %parallel_loop3A_1151 = tpu.vector_load %parallel_loop3A_1148[%parallel_loop3A_1149, %parallel_loop3A_1150] {strides = array<i32>} : memref<1024x32xf32, #tpu.memory_space<vmem>>, vector<1x16xf32>,
        %parallel_loop3A_1152 = vector.shape_cast %parallel_loop3A_1151 : vector<1x16xf32> to vector<16xf32>
        %parallel_loop3A_1153 = arith.subf %parallel_loop3A_1152, %parallel_loop3A_1142 : vector<16xf32>
        %parallel_loop3A_1154 = arith.mulf %parallel_loop3A_1153, %parallel_loop3A_1132 : vector<16xf32>
        %parallel_loop3A_1155 = arith.addf %parallel_loop3A_1142, %parallel_loop3A_1154 : vector<16xf32>
        %parallel_loop3A_1156 = arith.constant 160 : i32
        %parallel_loop3A_1157 = arith.addi %parallel_loop3A_674, %parallel_loop3A_1156 : i32
        %parallel_loop3A_1158 = arith.constant 0 : i32
        %parallel_loop3A_1159 = tpu.memref_slice %arg9[%parallel_loop3A_640, %parallel_loop3A_1158] : memref<2x16384xf32, #tpu.memory_space<vmem>> -> memref<1x16384xf32, #tpu.memory_space<vmem>>
        %parallel_loop3A_1160 = tpu.memref_squeeze %parallel_loop3A_1159 : memref<1x16384xf32, #tpu.memory_space<vmem>> -> memref<16384xf32, #tpu.memory_space<vmem>>
        %parallel_loop3A_1161 = arith.index_cast %parallel_loop3A_1157 : i32 to index
        %parallel_loop3A_1162 = tpu.vector_load %parallel_loop3A_1160[%parallel_loop3A_1161] {strides = array<i32>} : memref<16384xf32, #tpu.memory_space<vmem>>, vector<16xf32>,
        %parallel_loop3A_1163 = vector.shape_cast %parallel_loop3A_1162 : vector<16xf32> to vector<16xf32>
        %parallel_loop3A_1164 = vector.shape_cast %parallel_loop3A_1155 : vector<16xf32> to vector<16xf32>
        tpu.vector_store %parallel_loop3A_1160[%parallel_loop3A_1161], %parallel_loop3A_1164 {strides = array<i32>} : memref<16384xf32, #tpu.memory_space<vmem>>, vector<16xf32>,
        %parallel_loop3A_1165 = arith.constant 11 : i32
        %parallel_loop3A_1166 = vector.broadcast %parallel_loop3A_1165 : i32 to vector<16xi32>
        %parallel_loop3A_1167 = arith.constant 0 : i32
        %parallel_loop3A_1168 = vector.broadcast %parallel_loop3A_1167 : i32 to vector<16xi32>
        %parallel_loop3A_1169 = arith.cmpi slt, %parallel_loop3A_1166, %parallel_loop3A_1168 : vector<16xi32>
        %parallel_loop3A_1170 = arith.constant 16 : i32
        %parallel_loop3A_1171 = vector.broadcast %parallel_loop3A_1170 : i32 to vector<16xi32>
        %parallel_loop3A_1172 = arith.addi %parallel_loop3A_1166, %parallel_loop3A_1171 : vector<16xi32>
        %parallel_loop3A_1173 = arith.select %parallel_loop3A_1169, %parallel_loop3A_1172, %parallel_loop3A_1166 : vector<16xi1>, vector<16xi32>
        %parallel_loop3A_1174 = vector.shape_cast %parallel_loop3A_1173 : vector<16xi32> to vector<16x1xi32>
        %parallel_loop3A_1175 = vector.shape_cast %parallel_loop3A_1174 : vector<16x1xi32> to vector<16xi32>
        %parallel_loop3A_1176 = tpu.dynamic_gather %parallel_loop3A_680[%parallel_loop3A_1175] in [0] : vector<16xf32>, vector<16xi32> -> vector<16xf32>
        %parallel_loop3A_1177 = arith.constant 11 : i32
        %parallel_loop3A_1178 = arith.addi %parallel_loop3A_672, %parallel_loop3A_1177 : i32
        %parallel_loop3A_1179 = arith.constant 0 : i32
        %parallel_loop3A_1180 = arith.constant 0 : i32
        %parallel_loop3A_1181 = tpu.memref_slice %arg8[%parallel_loop3A_639, %parallel_loop3A_1179, %parallel_loop3A_1180] : memref<2x1024x32xf32, #tpu.memory_space<vmem>> -> memref<1x1024x32xf32, #tpu.memory_space<vmem>>
        %parallel_loop3A_1182 = tpu.memref_squeeze %parallel_loop3A_1181 : memref<1x1024x32xf32, #tpu.memory_space<vmem>> -> memref<1024x32xf32, #tpu.memory_space<vmem>>
        %parallel_loop3A_1183 = arith.index_cast %parallel_loop3A_1178 : i32 to index
        %parallel_loop3A_1184 = arith.constant 0 : index
        %parallel_loop3A_1185 = tpu.vector_load %parallel_loop3A_1182[%parallel_loop3A_1183, %parallel_loop3A_1184] {strides = array<i32>} : memref<1024x32xf32, #tpu.memory_space<vmem>>, vector<1x16xf32>,
        %parallel_loop3A_1186 = vector.shape_cast %parallel_loop3A_1185 : vector<1x16xf32> to vector<16xf32>
        %parallel_loop3A_1187 = arith.constant 11 : i32
        %parallel_loop3A_1188 = arith.addi %parallel_loop3A_672, %parallel_loop3A_1187 : i32
        %parallel_loop3A_1189 = arith.constant 0 : i32
        %parallel_loop3A_1190 = arith.constant 0 : i32
        %parallel_loop3A_1191 = tpu.memref_slice %arg8[%parallel_loop3A_639, %parallel_loop3A_1189, %parallel_loop3A_1190] : memref<2x1024x32xf32, #tpu.memory_space<vmem>> -> memref<1x1024x32xf32, #tpu.memory_space<vmem>>
        %parallel_loop3A_1192 = tpu.memref_squeeze %parallel_loop3A_1191 : memref<1x1024x32xf32, #tpu.memory_space<vmem>> -> memref<1024x32xf32, #tpu.memory_space<vmem>>
        %parallel_loop3A_1193 = arith.index_cast %parallel_loop3A_1188 : i32 to index
        %parallel_loop3A_1194 = arith.constant 16 : index
        %parallel_loop3A_1195 = tpu.vector_load %parallel_loop3A_1192[%parallel_loop3A_1193, %parallel_loop3A_1194] {strides = array<i32>} : memref<1024x32xf32, #tpu.memory_space<vmem>>, vector<1x16xf32>,
        %parallel_loop3A_1196 = vector.shape_cast %parallel_loop3A_1195 : vector<1x16xf32> to vector<16xf32>
        %parallel_loop3A_1197 = arith.subf %parallel_loop3A_1196, %parallel_loop3A_1186 : vector<16xf32>
        %parallel_loop3A_1198 = arith.mulf %parallel_loop3A_1197, %parallel_loop3A_1176 : vector<16xf32>
        %parallel_loop3A_1199 = arith.addf %parallel_loop3A_1186, %parallel_loop3A_1198 : vector<16xf32>
        %parallel_loop3A_1200 = arith.constant 176 : i32
        %parallel_loop3A_1201 = arith.addi %parallel_loop3A_674, %parallel_loop3A_1200 : i32
        %parallel_loop3A_1202 = arith.constant 0 : i32
        %parallel_loop3A_1203 = tpu.memref_slice %arg9[%parallel_loop3A_640, %parallel_loop3A_1202] : memref<2x16384xf32, #tpu.memory_space<vmem>> -> memref<1x16384xf32, #tpu.memory_space<vmem>>
        %parallel_loop3A_1204 = tpu.memref_squeeze %parallel_loop3A_1203 : memref<1x16384xf32, #tpu.memory_space<vmem>> -> memref<16384xf32, #tpu.memory_space<vmem>>
        %parallel_loop3A_1205 = arith.index_cast %parallel_loop3A_1201 : i32 to index
        %parallel_loop3A_1206 = tpu.vector_load %parallel_loop3A_1204[%parallel_loop3A_1205] {strides = array<i32>} : memref<16384xf32, #tpu.memory_space<vmem>>, vector<16xf32>,
        %parallel_loop3A_1207 = vector.shape_cast %parallel_loop3A_1206 : vector<16xf32> to vector<16xf32>
        %parallel_loop3A_1208 = vector.shape_cast %parallel_loop3A_1199 : vector<16xf32> to vector<16xf32>
        tpu.vector_store %parallel_loop3A_1204[%parallel_loop3A_1205], %parallel_loop3A_1208 {strides = array<i32>} : memref<16384xf32, #tpu.memory_space<vmem>>, vector<16xf32>,
        %parallel_loop3A_1209 = arith.constant 12 : i32
        %parallel_loop3A_1210 = vector.broadcast %parallel_loop3A_1209 : i32 to vector<16xi32>
        %parallel_loop3A_1211 = arith.constant 0 : i32
        %parallel_loop3A_1212 = vector.broadcast %parallel_loop3A_1211 : i32 to vector<16xi32>
        %parallel_loop3A_1213 = arith.cmpi slt, %parallel_loop3A_1210, %parallel_loop3A_1212 : vector<16xi32>
        %parallel_loop3A_1214 = arith.constant 16 : i32
        %parallel_loop3A_1215 = vector.broadcast %parallel_loop3A_1214 : i32 to vector<16xi32>
        %parallel_loop3A_1216 = arith.addi %parallel_loop3A_1210, %parallel_loop3A_1215 : vector<16xi32>
        %parallel_loop3A_1217 = arith.select %parallel_loop3A_1213, %parallel_loop3A_1216, %parallel_loop3A_1210 : vector<16xi1>, vector<16xi32>
        %parallel_loop3A_1218 = vector.shape_cast %parallel_loop3A_1217 : vector<16xi32> to vector<16x1xi32>
        %parallel_loop3A_1219 = vector.shape_cast %parallel_loop3A_1218 : vector<16x1xi32> to vector<16xi32>
        %parallel_loop3A_1220 = tpu.dynamic_gather %parallel_loop3A_680[%parallel_loop3A_1219] in [0] : vector<16xf32>, vector<16xi32> -> vector<16xf32>
        %parallel_loop3A_1221 = arith.constant 12 : i32
        %parallel_loop3A_1222 = arith.addi %parallel_loop3A_672, %parallel_loop3A_1221 : i32
        %parallel_loop3A_1223 = arith.constant 0 : i32
        %parallel_loop3A_1224 = arith.constant 0 : i32
        %parallel_loop3A_1225 = tpu.memref_slice %arg8[%parallel_loop3A_639, %parallel_loop3A_1223, %parallel_loop3A_1224] : memref<2x1024x32xf32, #tpu.memory_space<vmem>> -> memref<1x1024x32xf32, #tpu.memory_space<vmem>>
        %parallel_loop3A_1226 = tpu.memref_squeeze %parallel_loop3A_1225 : memref<1x1024x32xf32, #tpu.memory_space<vmem>> -> memref<1024x32xf32, #tpu.memory_space<vmem>>
        %parallel_loop3A_1227 = arith.index_cast %parallel_loop3A_1222 : i32 to index
        %parallel_loop3A_1228 = arith.constant 0 : index
        %parallel_loop3A_1229 = tpu.vector_load %parallel_loop3A_1226[%parallel_loop3A_1227, %parallel_loop3A_1228] {strides = array<i32>} : memref<1024x32xf32, #tpu.memory_space<vmem>>, vector<1x16xf32>,
        %parallel_loop3A_1230 = vector.shape_cast %parallel_loop3A_1229 : vector<1x16xf32> to vector<16xf32>
        %parallel_loop3A_1231 = arith.constant 12 : i32
        %parallel_loop3A_1232 = arith.addi %parallel_loop3A_672, %parallel_loop3A_1231 : i32
        %parallel_loop3A_1233 = arith.constant 0 : i32
        %parallel_loop3A_1234 = arith.constant 0 : i32
        %parallel_loop3A_1235 = tpu.memref_slice %arg8[%parallel_loop3A_639, %parallel_loop3A_1233, %parallel_loop3A_1234] : memref<2x1024x32xf32, #tpu.memory_space<vmem>> -> memref<1x1024x32xf32, #tpu.memory_space<vmem>>
        %parallel_loop3A_1236 = tpu.memref_squeeze %parallel_loop3A_1235 : memref<1x1024x32xf32, #tpu.memory_space<vmem>> -> memref<1024x32xf32, #tpu.memory_space<vmem>>
        %parallel_loop3A_1237 = arith.index_cast %parallel_loop3A_1232 : i32 to index
        %parallel_loop3A_1238 = arith.constant 16 : index
        %parallel_loop3A_1239 = tpu.vector_load %parallel_loop3A_1236[%parallel_loop3A_1237, %parallel_loop3A_1238] {strides = array<i32>} : memref<1024x32xf32, #tpu.memory_space<vmem>>, vector<1x16xf32>,
        %parallel_loop3A_1240 = vector.shape_cast %parallel_loop3A_1239 : vector<1x16xf32> to vector<16xf32>
        %parallel_loop3A_1241 = arith.subf %parallel_loop3A_1240, %parallel_loop3A_1230 : vector<16xf32>
        %parallel_loop3A_1242 = arith.mulf %parallel_loop3A_1241, %parallel_loop3A_1220 : vector<16xf32>
        %parallel_loop3A_1243 = arith.addf %parallel_loop3A_1230, %parallel_loop3A_1242 : vector<16xf32>
        %parallel_loop3A_1244 = arith.constant 192 : i32
        %parallel_loop3A_1245 = arith.addi %parallel_loop3A_674, %parallel_loop3A_1244 : i32
        %parallel_loop3A_1246 = arith.constant 0 : i32
        %parallel_loop3A_1247 = tpu.memref_slice %arg9[%parallel_loop3A_640, %parallel_loop3A_1246] : memref<2x16384xf32, #tpu.memory_space<vmem>> -> memref<1x16384xf32, #tpu.memory_space<vmem>>
        %parallel_loop3A_1248 = tpu.memref_squeeze %parallel_loop3A_1247 : memref<1x16384xf32, #tpu.memory_space<vmem>> -> memref<16384xf32, #tpu.memory_space<vmem>>
        %parallel_loop3A_1249 = arith.index_cast %parallel_loop3A_1245 : i32 to index
        %parallel_loop3A_1250 = tpu.vector_load %parallel_loop3A_1248[%parallel_loop3A_1249] {strides = array<i32>} : memref<16384xf32, #tpu.memory_space<vmem>>, vector<16xf32>,
        %parallel_loop3A_1251 = vector.shape_cast %parallel_loop3A_1250 : vector<16xf32> to vector<16xf32>
        %parallel_loop3A_1252 = vector.shape_cast %parallel_loop3A_1243 : vector<16xf32> to vector<16xf32>
        tpu.vector_store %parallel_loop3A_1248[%parallel_loop3A_1249], %parallel_loop3A_1252 {strides = array<i32>} : memref<16384xf32, #tpu.memory_space<vmem>>, vector<16xf32>,
        %parallel_loop3A_1253 = arith.constant 13 : i32
        %parallel_loop3A_1254 = vector.broadcast %parallel_loop3A_1253 : i32 to vector<16xi32>
        %parallel_loop3A_1255 = arith.constant 0 : i32
        %parallel_loop3A_1256 = vector.broadcast %parallel_loop3A_1255 : i32 to vector<16xi32>
        %parallel_loop3A_1257 = arith.cmpi slt, %parallel_loop3A_1254, %parallel_loop3A_1256 : vector<16xi32>
        %parallel_loop3A_1258 = arith.constant 16 : i32
        %parallel_loop3A_1259 = vector.broadcast %parallel_loop3A_1258 : i32 to vector<16xi32>
        %parallel_loop3A_1260 = arith.addi %parallel_loop3A_1254, %parallel_loop3A_1259 : vector<16xi32>
        %parallel_loop3A_1261 = arith.select %parallel_loop3A_1257, %parallel_loop3A_1260, %parallel_loop3A_1254 : vector<16xi1>, vector<16xi32>
        %parallel_loop3A_1262 = vector.shape_cast %parallel_loop3A_1261 : vector<16xi32> to vector<16x1xi32>
        %parallel_loop3A_1263 = vector.shape_cast %parallel_loop3A_1262 : vector<16x1xi32> to vector<16xi32>
        %parallel_loop3A_1264 = tpu.dynamic_gather %parallel_loop3A_680[%parallel_loop3A_1263] in [0] : vector<16xf32>, vector<16xi32> -> vector<16xf32>
        %parallel_loop3A_1265 = arith.constant 13 : i32
        %parallel_loop3A_1266 = arith.addi %parallel_loop3A_672, %parallel_loop3A_1265 : i32
        %parallel_loop3A_1267 = arith.constant 0 : i32
        %parallel_loop3A_1268 = arith.constant 0 : i32
        %parallel_loop3A_1269 = tpu.memref_slice %arg8[%parallel_loop3A_639, %parallel_loop3A_1267, %parallel_loop3A_1268] : memref<2x1024x32xf32, #tpu.memory_space<vmem>> -> memref<1x1024x32xf32, #tpu.memory_space<vmem>>
        %parallel_loop3A_1270 = tpu.memref_squeeze %parallel_loop3A_1269 : memref<1x1024x32xf32, #tpu.memory_space<vmem>> -> memref<1024x32xf32, #tpu.memory_space<vmem>>
        %parallel_loop3A_1271 = arith.index_cast %parallel_loop3A_1266 : i32 to index
        %parallel_loop3A_1272 = arith.constant 0 : index
        %parallel_loop3A_1273 = tpu.vector_load %parallel_loop3A_1270[%parallel_loop3A_1271, %parallel_loop3A_1272] {strides = array<i32>} : memref<1024x32xf32, #tpu.memory_space<vmem>>, vector<1x16xf32>,
        %parallel_loop3A_1274 = vector.shape_cast %parallel_loop3A_1273 : vector<1x16xf32> to vector<16xf32>
        %parallel_loop3A_1275 = arith.constant 13 : i32
        %parallel_loop3A_1276 = arith.addi %parallel_loop3A_672, %parallel_loop3A_1275 : i32
        %parallel_loop3A_1277 = arith.constant 0 : i32
        %parallel_loop3A_1278 = arith.constant 0 : i32
        %parallel_loop3A_1279 = tpu.memref_slice %arg8[%parallel_loop3A_639, %parallel_loop3A_1277, %parallel_loop3A_1278] : memref<2x1024x32xf32, #tpu.memory_space<vmem>> -> memref<1x1024x32xf32, #tpu.memory_space<vmem>>
        %parallel_loop3A_1280 = tpu.memref_squeeze %parallel_loop3A_1279 : memref<1x1024x32xf32, #tpu.memory_space<vmem>> -> memref<1024x32xf32, #tpu.memory_space<vmem>>
        %parallel_loop3A_1281 = arith.index_cast %parallel_loop3A_1276 : i32 to index
        %parallel_loop3A_1282 = arith.constant 16 : index
        %parallel_loop3A_1283 = tpu.vector_load %parallel_loop3A_1280[%parallel_loop3A_1281, %parallel_loop3A_1282] {strides = array<i32>} : memref<1024x32xf32, #tpu.memory_space<vmem>>, vector<1x16xf32>,
        %parallel_loop3A_1284 = vector.shape_cast %parallel_loop3A_1283 : vector<1x16xf32> to vector<16xf32>
        %parallel_loop3A_1285 = arith.subf %parallel_loop3A_1284, %parallel_loop3A_1274 : vector<16xf32>
        %parallel_loop3A_1286 = arith.mulf %parallel_loop3A_1285, %parallel_loop3A_1264 : vector<16xf32>
        %parallel_loop3A_1287 = arith.addf %parallel_loop3A_1274, %parallel_loop3A_1286 : vector<16xf32>
        %parallel_loop3A_1288 = arith.constant 208 : i32
        %parallel_loop3A_1289 = arith.addi %parallel_loop3A_674, %parallel_loop3A_1288 : i32
        %parallel_loop3A_1290 = arith.constant 0 : i32
        %parallel_loop3A_1291 = tpu.memref_slice %arg9[%parallel_loop3A_640, %parallel_loop3A_1290] : memref<2x16384xf32, #tpu.memory_space<vmem>> -> memref<1x16384xf32, #tpu.memory_space<vmem>>
        %parallel_loop3A_1292 = tpu.memref_squeeze %parallel_loop3A_1291 : memref<1x16384xf32, #tpu.memory_space<vmem>> -> memref<16384xf32, #tpu.memory_space<vmem>>
        %parallel_loop3A_1293 = arith.index_cast %parallel_loop3A_1289 : i32 to index
        %parallel_loop3A_1294 = tpu.vector_load %parallel_loop3A_1292[%parallel_loop3A_1293] {strides = array<i32>} : memref<16384xf32, #tpu.memory_space<vmem>>, vector<16xf32>,
        %parallel_loop3A_1295 = vector.shape_cast %parallel_loop3A_1294 : vector<16xf32> to vector<16xf32>
        %parallel_loop3A_1296 = vector.shape_cast %parallel_loop3A_1287 : vector<16xf32> to vector<16xf32>
        tpu.vector_store %parallel_loop3A_1292[%parallel_loop3A_1293], %parallel_loop3A_1296 {strides = array<i32>} : memref<16384xf32, #tpu.memory_space<vmem>>, vector<16xf32>,
        %parallel_loop3A_1297 = arith.constant 14 : i32
        %parallel_loop3A_1298 = vector.broadcast %parallel_loop3A_1297 : i32 to vector<16xi32>
        %parallel_loop3A_1299 = arith.constant 0 : i32
        %parallel_loop3A_1300 = vector.broadcast %parallel_loop3A_1299 : i32 to vector<16xi32>
        %parallel_loop3A_1301 = arith.cmpi slt, %parallel_loop3A_1298, %parallel_loop3A_1300 : vector<16xi32>
        %parallel_loop3A_1302 = arith.constant 16 : i32
        %parallel_loop3A_1303 = vector.broadcast %parallel_loop3A_1302 : i32 to vector<16xi32>
        %parallel_loop3A_1304 = arith.addi %parallel_loop3A_1298, %parallel_loop3A_1303 : vector<16xi32>
        %parallel_loop3A_1305 = arith.select %parallel_loop3A_1301, %parallel_loop3A_1304, %parallel_loop3A_1298 : vector<16xi1>, vector<16xi32>
        %parallel_loop3A_1306 = vector.shape_cast %parallel_loop3A_1305 : vector<16xi32> to vector<16x1xi32>
        %parallel_loop3A_1307 = vector.shape_cast %parallel_loop3A_1306 : vector<16x1xi32> to vector<16xi32>
        %parallel_loop3A_1308 = tpu.dynamic_gather %parallel_loop3A_680[%parallel_loop3A_1307] in [0] : vector<16xf32>, vector<16xi32> -> vector<16xf32>
        %parallel_loop3A_1309 = arith.constant 14 : i32
        %parallel_loop3A_1310 = arith.addi %parallel_loop3A_672, %parallel_loop3A_1309 : i32
        %parallel_loop3A_1311 = arith.constant 0 : i32
        %parallel_loop3A_1312 = arith.constant 0 : i32
        %parallel_loop3A_1313 = tpu.memref_slice %arg8[%parallel_loop3A_639, %parallel_loop3A_1311, %parallel_loop3A_1312] : memref<2x1024x32xf32, #tpu.memory_space<vmem>> -> memref<1x1024x32xf32, #tpu.memory_space<vmem>>
        %parallel_loop3A_1314 = tpu.memref_squeeze %parallel_loop3A_1313 : memref<1x1024x32xf32, #tpu.memory_space<vmem>> -> memref<1024x32xf32, #tpu.memory_space<vmem>>
        %parallel_loop3A_1315 = arith.index_cast %parallel_loop3A_1310 : i32 to index
        %parallel_loop3A_1316 = arith.constant 0 : index
        %parallel_loop3A_1317 = tpu.vector_load %parallel_loop3A_1314[%parallel_loop3A_1315, %parallel_loop3A_1316] {strides = array<i32>} : memref<1024x32xf32, #tpu.memory_space<vmem>>, vector<1x16xf32>,
        %parallel_loop3A_1318 = vector.shape_cast %parallel_loop3A_1317 : vector<1x16xf32> to vector<16xf32>
        %parallel_loop3A_1319 = arith.constant 14 : i32
        %parallel_loop3A_1320 = arith.addi %parallel_loop3A_672, %parallel_loop3A_1319 : i32
        %parallel_loop3A_1321 = arith.constant 0 : i32
        %parallel_loop3A_1322 = arith.constant 0 : i32
        %parallel_loop3A_1323 = tpu.memref_slice %arg8[%parallel_loop3A_639, %parallel_loop3A_1321, %parallel_loop3A_1322] : memref<2x1024x32xf32, #tpu.memory_space<vmem>> -> memref<1x1024x32xf32, #tpu.memory_space<vmem>>
        %parallel_loop3A_1324 = tpu.memref_squeeze %parallel_loop3A_1323 : memref<1x1024x32xf32, #tpu.memory_space<vmem>> -> memref<1024x32xf32, #tpu.memory_space<vmem>>
        %parallel_loop3A_1325 = arith.index_cast %parallel_loop3A_1320 : i32 to index
        %parallel_loop3A_1326 = arith.constant 16 : index
        %parallel_loop3A_1327 = tpu.vector_load %parallel_loop3A_1324[%parallel_loop3A_1325, %parallel_loop3A_1326] {strides = array<i32>} : memref<1024x32xf32, #tpu.memory_space<vmem>>, vector<1x16xf32>,
        %parallel_loop3A_1328 = vector.shape_cast %parallel_loop3A_1327 : vector<1x16xf32> to vector<16xf32>
        %parallel_loop3A_1329 = arith.subf %parallel_loop3A_1328, %parallel_loop3A_1318 : vector<16xf32>
        %parallel_loop3A_1330 = arith.mulf %parallel_loop3A_1329, %parallel_loop3A_1308 : vector<16xf32>
        %parallel_loop3A_1331 = arith.addf %parallel_loop3A_1318, %parallel_loop3A_1330 : vector<16xf32>
        %parallel_loop3A_1332 = arith.constant 224 : i32
        %parallel_loop3A_1333 = arith.addi %parallel_loop3A_674, %parallel_loop3A_1332 : i32
        %parallel_loop3A_1334 = arith.constant 0 : i32
        %parallel_loop3A_1335 = tpu.memref_slice %arg9[%parallel_loop3A_640, %parallel_loop3A_1334] : memref<2x16384xf32, #tpu.memory_space<vmem>> -> memref<1x16384xf32, #tpu.memory_space<vmem>>
        %parallel_loop3A_1336 = tpu.memref_squeeze %parallel_loop3A_1335 : memref<1x16384xf32, #tpu.memory_space<vmem>> -> memref<16384xf32, #tpu.memory_space<vmem>>
        %parallel_loop3A_1337 = arith.index_cast %parallel_loop3A_1333 : i32 to index
        %parallel_loop3A_1338 = tpu.vector_load %parallel_loop3A_1336[%parallel_loop3A_1337] {strides = array<i32>} : memref<16384xf32, #tpu.memory_space<vmem>>, vector<16xf32>,
        %parallel_loop3A_1339 = vector.shape_cast %parallel_loop3A_1338 : vector<16xf32> to vector<16xf32>
        %parallel_loop3A_1340 = vector.shape_cast %parallel_loop3A_1331 : vector<16xf32> to vector<16xf32>
        tpu.vector_store %parallel_loop3A_1336[%parallel_loop3A_1337], %parallel_loop3A_1340 {strides = array<i32>} : memref<16384xf32, #tpu.memory_space<vmem>>, vector<16xf32>,
        %parallel_loop3A_1341 = arith.constant 15 : i32
        %parallel_loop3A_1342 = vector.broadcast %parallel_loop3A_1341 : i32 to vector<16xi32>
        %parallel_loop3A_1343 = arith.constant 0 : i32
        %parallel_loop3A_1344 = vector.broadcast %parallel_loop3A_1343 : i32 to vector<16xi32>
        %parallel_loop3A_1345 = arith.cmpi slt, %parallel_loop3A_1342, %parallel_loop3A_1344 : vector<16xi32>
        %parallel_loop3A_1346 = arith.constant 16 : i32
        %parallel_loop3A_1347 = vector.broadcast %parallel_loop3A_1346 : i32 to vector<16xi32>
        %parallel_loop3A_1348 = arith.addi %parallel_loop3A_1342, %parallel_loop3A_1347 : vector<16xi32>
        %parallel_loop3A_1349 = arith.select %parallel_loop3A_1345, %parallel_loop3A_1348, %parallel_loop3A_1342 : vector<16xi1>, vector<16xi32>
        %parallel_loop3A_1350 = vector.shape_cast %parallel_loop3A_1349 : vector<16xi32> to vector<16x1xi32>
        %parallel_loop3A_1351 = vector.shape_cast %parallel_loop3A_1350 : vector<16x1xi32> to vector<16xi32>
        %parallel_loop3A_1352 = tpu.dynamic_gather %parallel_loop3A_680[%parallel_loop3A_1351] in [0] : vector<16xf32>, vector<16xi32> -> vector<16xf32>
        %parallel_loop3A_1353 = arith.constant 15 : i32
        %parallel_loop3A_1354 = arith.addi %parallel_loop3A_672, %parallel_loop3A_1353 : i32
        %parallel_loop3A_1355 = arith.constant 0 : i32
        %parallel_loop3A_1356 = arith.constant 0 : i32
        %parallel_loop3A_1357 = tpu.memref_slice %arg8[%parallel_loop3A_639, %parallel_loop3A_1355, %parallel_loop3A_1356] : memref<2x1024x32xf32, #tpu.memory_space<vmem>> -> memref<1x1024x32xf32, #tpu.memory_space<vmem>>
        %parallel_loop3A_1358 = tpu.memref_squeeze %parallel_loop3A_1357 : memref<1x1024x32xf32, #tpu.memory_space<vmem>> -> memref<1024x32xf32, #tpu.memory_space<vmem>>
        %parallel_loop3A_1359 = arith.index_cast %parallel_loop3A_1354 : i32 to index
        %parallel_loop3A_1360 = arith.constant 0 : index
        %parallel_loop3A_1361 = tpu.vector_load %parallel_loop3A_1358[%parallel_loop3A_1359, %parallel_loop3A_1360] {strides = array<i32>} : memref<1024x32xf32, #tpu.memory_space<vmem>>, vector<1x16xf32>,
        %parallel_loop3A_1362 = vector.shape_cast %parallel_loop3A_1361 : vector<1x16xf32> to vector<16xf32>
        %parallel_loop3A_1363 = arith.constant 15 : i32
        %parallel_loop3A_1364 = arith.addi %parallel_loop3A_672, %parallel_loop3A_1363 : i32
        %parallel_loop3A_1365 = arith.constant 0 : i32
        %parallel_loop3A_1366 = arith.constant 0 : i32
        %parallel_loop3A_1367 = tpu.memref_slice %arg8[%parallel_loop3A_639, %parallel_loop3A_1365, %parallel_loop3A_1366] : memref<2x1024x32xf32, #tpu.memory_space<vmem>> -> memref<1x1024x32xf32, #tpu.memory_space<vmem>>
        %parallel_loop3A_1368 = tpu.memref_squeeze %parallel_loop3A_1367 : memref<1x1024x32xf32, #tpu.memory_space<vmem>> -> memref<1024x32xf32, #tpu.memory_space<vmem>>
        %parallel_loop3A_1369 = arith.index_cast %parallel_loop3A_1364 : i32 to index
        %parallel_loop3A_1370 = arith.constant 16 : index
        %parallel_loop3A_1371 = tpu.vector_load %parallel_loop3A_1368[%parallel_loop3A_1369, %parallel_loop3A_1370] {strides = array<i32>} : memref<1024x32xf32, #tpu.memory_space<vmem>>, vector<1x16xf32>,
        %parallel_loop3A_1372 = vector.shape_cast %parallel_loop3A_1371 : vector<1x16xf32> to vector<16xf32>
        %parallel_loop3A_1373 = arith.subf %parallel_loop3A_1372, %parallel_loop3A_1362 : vector<16xf32>
        %parallel_loop3A_1374 = arith.mulf %parallel_loop3A_1373, %parallel_loop3A_1352 : vector<16xf32>
        %parallel_loop3A_1375 = arith.addf %parallel_loop3A_1362, %parallel_loop3A_1374 : vector<16xf32>
        %parallel_loop3A_1376 = arith.constant 240 : i32
        %parallel_loop3A_1377 = arith.addi %parallel_loop3A_674, %parallel_loop3A_1376 : i32
        %parallel_loop3A_1378 = arith.constant 0 : i32
        %parallel_loop3A_1379 = tpu.memref_slice %arg9[%parallel_loop3A_640, %parallel_loop3A_1378] : memref<2x16384xf32, #tpu.memory_space<vmem>> -> memref<1x16384xf32, #tpu.memory_space<vmem>>
        %parallel_loop3A_1380 = tpu.memref_squeeze %parallel_loop3A_1379 : memref<1x16384xf32, #tpu.memory_space<vmem>> -> memref<16384xf32, #tpu.memory_space<vmem>>
        %parallel_loop3A_1381 = arith.index_cast %parallel_loop3A_1377 : i32 to index
        %parallel_loop3A_1382 = tpu.vector_load %parallel_loop3A_1380[%parallel_loop3A_1381] {strides = array<i32>} : memref<16384xf32, #tpu.memory_space<vmem>>, vector<16xf32>,
        %parallel_loop3A_1383 = vector.shape_cast %parallel_loop3A_1382 : vector<16xf32> to vector<16xf32>
        %parallel_loop3A_1384 = vector.shape_cast %parallel_loop3A_1375 : vector<16xf32> to vector<16xf32>
        tpu.vector_store %parallel_loop3A_1380[%parallel_loop3A_1381], %parallel_loop3A_1384 {strides = array<i32>} : memref<16384xf32, #tpu.memory_space<vmem>>, vector<16xf32>,
      } {sc.loop_unroll_factor = 2 : i64, sc.parallel_access}
      %add3A_641 = arith.constant 2 : i32
      %add3A_642 = arith.addi %add3A_467, %add3A_641 : i32
      %le3A_643 = arith.constant 15 : i32
      %le3A_644 = arith.cmpi sle, %add3A_642, %le3A_643 : i32
      %convert_element_type3A_645 = arith.extui %le3A_644 : i1 to i32
      %cond3A_646 = arith.constant 0 : i32
      %cond3A_647 = arith.cmpi ne, %convert_element_type3A_645, %cond3A_646 : i32
      scf.if %cond3A_647 {
        %add3A_670 = arith.constant 2 : i32
        %add3A_671 = arith.addi %add3A_467, %add3A_670 : i32
        %mul3A_672 = arith.constant 8 : i32
        %mul3A_673 = arith.muli %add3A_671, %mul3A_672 : i32
        %add3A_674 = arith.addi %mul3A_2, %mul3A_673 : i32
        %mul3A_675 = arith.constant 128 : i32
        %mul3A_676 = arith.muli %add3A_674, %mul3A_675 : i32
        %multiple_of3A_677 = tpu.assume_multiple %mul3A_676, 1024 : i32
        %dma_start3A_678 = arith.constant 1 : i32
        %dma_start3A_679 = arith.constant 0 : i32
        %dma_start3A_680 = arith.constant 0 : i32
        %dma_start3A_681 = tpu.memref_slice %arg6[%dma_start3A_678, %dma_start3A_679, %dma_start3A_680] : memref<2x8x128xi32, #tpu.memory_space<vmem>> -> memref<1x8x128xi32, #tpu.memory_space<vmem>>
        %dma_start3A_682 = tpu.memref_squeeze %dma_start3A_681 : memref<1x8x128xi32, #tpu.memory_space<vmem>> -> memref<8x128xi32, #tpu.memory_space<vmem>>
        %dma_start3A_683 = arith.constant 0 : i32
        %dma_start3A_684 = tpu.memref_slice %arg3[%add3A_674, %dma_start3A_683] : memref<4096x128xi32, #tpu.memory_space<hbm>> -> memref<8x128xi32, #tpu.memory_space<hbm>>
        %dma_start3A_685 = arith.constant 0 : i32
        %dma_start3A_686 = arith.constant 0 : i32
        %dma_start3A_687 = tpu.memref_slice %arg6[%dma_start3A_678, %dma_start3A_685, %dma_start3A_686] : memref<2x8x128xi32, #tpu.memory_space<vmem>> -> memref<1x8x128xi32, #tpu.memory_space<vmem>>
        %dma_start3A_688 = tpu.memref_squeeze %dma_start3A_687 : memref<1x8x128xi32, #tpu.memory_space<vmem>> -> memref<8x128xi32, #tpu.memory_space<vmem>>
        %dma_start3A_689 = arith.constant 0 : i32
        %dma_start3A_690 = tpu.memref_slice %arg3[%add3A_674, %dma_start3A_689] : memref<4096x128xi32, #tpu.memory_space<hbm>> -> memref<8x128xi32, #tpu.memory_space<hbm>>
        tpu.enqueue_dma source(%dma_start3A_690 : memref<8x128xi32, #tpu.memory_space<hbm>>) target(%dma_start3A_688 : memref<8x128xi32, #tpu.memory_space<vmem>>) target_semaphore(%arg11 : memref<!tpu.dma_semaphore, #tpu.memory_space<semaphore_mem>>)
        %dma_start3A_691 = arith.constant 1 : i32
        %dma_start3A_692 = arith.constant 0 : i32
        %dma_start3A_693 = tpu.memref_slice %arg7[%dma_start3A_691, %dma_start3A_692] : memref<2x1024xf32, #tpu.memory_space<vmem>> -> memref<1x1024xf32, #tpu.memory_space<vmem>>
        %dma_start3A_694 = tpu.memref_squeeze %dma_start3A_693 : memref<1x1024xf32, #tpu.memory_space<vmem>> -> memref<1024xf32, #tpu.memory_space<vmem>>
        %dma_start3A_695 = tpu.memref_slice %arg4[%multiple_of3A_677] : memref<524288xf32, #tpu.memory_space<hbm>> -> memref<1024xf32, #tpu.memory_space<hbm>>
        %dma_start3A_696 = arith.constant 0 : i32
        %dma_start3A_697 = tpu.memref_slice %arg7[%dma_start3A_691, %dma_start3A_696] : memref<2x1024xf32, #tpu.memory_space<vmem>> -> memref<1x1024xf32, #tpu.memory_space<vmem>>
        %dma_start3A_698 = tpu.memref_squeeze %dma_start3A_697 : memref<1x1024xf32, #tpu.memory_space<vmem>> -> memref<1024xf32, #tpu.memory_space<vmem>>
        %dma_start3A_699 = tpu.memref_slice %arg4[%multiple_of3A_677] : memref<524288xf32, #tpu.memory_space<hbm>> -> memref<1024xf32, #tpu.memory_space<hbm>>
        tpu.enqueue_dma source(%dma_start3A_699 : memref<1024xf32, #tpu.memory_space<hbm>>) target(%dma_start3A_698 : memref<1024xf32, #tpu.memory_space<vmem>>) target_semaphore(%arg11 : memref<!tpu.dma_semaphore, #tpu.memory_space<semaphore_mem>>)
      } else {
      }
      %ge3A_648 = arith.constant 1 : i32
      %ge3A_649 = arith.cmpi sge, %add3A_467, %ge3A_648 : i32
      %convert_element_type3A_650 = arith.extui %ge3A_649 : i1 to i32
      %cond3A_651 = arith.constant 0 : i32
      %cond3A_652 = arith.cmpi ne, %convert_element_type3A_650, %cond3A_651 : i32
      scf.if %cond3A_652 {
        %sub3A = arith.constant 1 : i32
        %sub3A_670 = arith.subi %add3A_467, %sub3A : i32
        %mul3A_671 = arith.constant 8 : i32
        %mul3A_672 = arith.muli %sub3A_670, %mul3A_671 : i32
        %add3A_673 = arith.addi %mul3A_2, %mul3A_672 : i32
        %mul3A_674 = arith.constant 128 : i32
        %mul3A_675 = arith.muli %add3A_673, %mul3A_674 : i32
        %mul3A_676 = arith.constant 16 : i32
        %mul3A_677 = arith.muli %mul3A_675, %mul3A_676 : i32
        %multiple_of3A_678 = tpu.assume_multiple %mul3A_677, 16384 : i32
        %dma_wait3A_679 = arith.constant 0 : i32
        %dma_wait3A_680 = arith.constant 0 : i32
        %dma_wait3A_681 = tpu.memref_slice %arg9[%dma_wait3A_679, %dma_wait3A_680] : memref<2x16384xf32, #tpu.memory_space<vmem>> -> memref<1x16384xf32, #tpu.memory_space<vmem>>
        %dma_wait3A_682 = tpu.memref_squeeze %dma_wait3A_681 : memref<1x16384xf32, #tpu.memory_space<vmem>> -> memref<16384xf32, #tpu.memory_space<vmem>>
        %dma_wait3A_683 = tpu.memref_slice %arg5[%multiple_of3A_678] : memref<8388608xf32, #tpu.memory_space<hbm>> -> memref<16384xf32, #tpu.memory_space<hbm>>
        %dma_wait3A_684 = tpu.memref_slice %arg5[%multiple_of3A_678] : memref<8388608xf32, #tpu.memory_space<hbm>> -> memref<16384xf32, #tpu.memory_space<hbm>>
        %dma_wait3A_685 = arith.constant 0 : i32
        %dma_wait3A_686 = tpu.memref_slice %arg9[%dma_wait3A_679, %dma_wait3A_685] : memref<2x16384xf32, #tpu.memory_space<vmem>> -> memref<1x16384xf32, #tpu.memory_space<vmem>>
        %dma_wait3A_687 = tpu.memref_squeeze %dma_wait3A_686 : memref<1x16384xf32, #tpu.memory_space<vmem>> -> memref<16384xf32, #tpu.memory_space<vmem>>
        tpu.wait_dma2 semaphore(%arg14 : memref<!tpu.dma_semaphore, #tpu.memory_space<semaphore_mem>>) src(%dma_wait3A_687 : memref<16384xf32, #tpu.memory_space<vmem>>) dst(%dma_wait3A_684 : memref<16384xf32, #tpu.memory_space<hbm>>)
      } else {
      }
      %mul3A_653 = arith.constant 8 : i32
      %mul3A_654 = arith.muli %add3A_467, %mul3A_653 : i32
      %add3A_655 = arith.addi %mul3A_2, %mul3A_654 : i32
      %mul3A_656 = arith.constant 128 : i32
      %mul3A_657 = arith.muli %add3A_655, %mul3A_656 : i32
      %mul3A_658 = arith.constant 16 : i32
      %mul3A_659 = arith.muli %mul3A_657, %mul3A_658 : i32
      %multiple_of3A_660 = tpu.assume_multiple %mul3A_659, 16384 : i32
      %dma_start3A_661 = arith.constant 1 : i32
      %dma_start3A_662 = arith.constant 0 : i32
      %dma_start3A_663 = tpu.memref_slice %arg9[%dma_start3A_661, %dma_start3A_662] : memref<2x16384xf32, #tpu.memory_space<vmem>> -> memref<1x16384xf32, #tpu.memory_space<vmem>>
      %dma_start3A_664 = tpu.memref_squeeze %dma_start3A_663 : memref<1x16384xf32, #tpu.memory_space<vmem>> -> memref<16384xf32, #tpu.memory_space<vmem>>
      %dma_start3A_665 = tpu.memref_slice %arg5[%multiple_of3A_660] : memref<8388608xf32, #tpu.memory_space<hbm>> -> memref<16384xf32, #tpu.memory_space<hbm>>
      %dma_start3A_666 = tpu.memref_slice %arg5[%multiple_of3A_660] : memref<8388608xf32, #tpu.memory_space<hbm>> -> memref<16384xf32, #tpu.memory_space<hbm>>
      %dma_start3A_667 = arith.constant 0 : i32
      %dma_start3A_668 = tpu.memref_slice %arg9[%dma_start3A_661, %dma_start3A_667] : memref<2x16384xf32, #tpu.memory_space<vmem>> -> memref<1x16384xf32, #tpu.memory_space<vmem>>
      %dma_start3A_669 = tpu.memref_squeeze %dma_start3A_668 : memref<1x16384xf32, #tpu.memory_space<vmem>> -> memref<16384xf32, #tpu.memory_space<vmem>>
      tpu.enqueue_dma source(%dma_start3A_669 : memref<16384xf32, #tpu.memory_space<vmem>>) target(%dma_start3A_666 : memref<16384xf32, #tpu.memory_space<hbm>>) target_semaphore(%arg15 : memref<!tpu.dma_semaphore, #tpu.memory_space<semaphore_mem>>)
    }
    %scan3A_245 = arith.constant 8 : i32
    %add3A_246 = arith.constant 120 : i32
    %add3A_247 = arith.addi %mul3A_2, %add3A_246 : i32
    %mul3A_248 = arith.constant 128 : i32
    %mul3A_249 = arith.muli %add3A_247, %mul3A_248 : i32
    %mul3A_250 = arith.constant 16 : i32
    %mul3A_251 = arith.muli %mul3A_249, %mul3A_250 : i32
    %multiple_of3A_252 = tpu.assume_multiple %mul3A_251, 16384 : i32
    %dma_wait3A_253 = arith.constant 1 : i32
    %dma_wait3A_254 = arith.constant 0 : i32
    %dma_wait3A_255 = tpu.memref_slice %arg9[%dma_wait3A_253, %dma_wait3A_254] : memref<2x16384xf32, #tpu.memory_space<vmem>> -> memref<1x16384xf32, #tpu.memory_space<vmem>>
    %dma_wait3A_256 = tpu.memref_squeeze %dma_wait3A_255 : memref<1x16384xf32, #tpu.memory_space<vmem>> -> memref<16384xf32, #tpu.memory_space<vmem>>
    %dma_wait3A_257 = tpu.memref_slice %arg5[%multiple_of3A_252] : memref<8388608xf32, #tpu.memory_space<hbm>> -> memref<16384xf32, #tpu.memory_space<hbm>>
    %dma_wait3A_258 = tpu.memref_slice %arg5[%multiple_of3A_252] : memref<8388608xf32, #tpu.memory_space<hbm>> -> memref<16384xf32, #tpu.memory_space<hbm>>
    %dma_wait3A_259 = arith.constant 0 : i32
    %dma_wait3A_260 = tpu.memref_slice %arg9[%dma_wait3A_253, %dma_wait3A_259] : memref<2x16384xf32, #tpu.memory_space<vmem>> -> memref<1x16384xf32, #tpu.memory_space<vmem>>
    %dma_wait3A_261 = tpu.memref_squeeze %dma_wait3A_260 : memref<1x16384xf32, #tpu.memory_space<vmem>> -> memref<16384xf32, #tpu.memory_space<vmem>>
    tpu.wait_dma2 semaphore(%arg15 : memref<!tpu.dma_semaphore, #tpu.memory_space<semaphore_mem>>) src(%dma_wait3A_261 : memref<16384xf32, #tpu.memory_space<vmem>>) dst(%dma_wait3A_258 : memref<16384xf32, #tpu.memory_space<hbm>>)
    return
  }
}

module attributes {stable_mosaic.version = 14 : i64} {
  func.func @_tc_body(%arg0: memref<3x8x65536xf32, #tpu.memory_space<vmem>>, %arg1: memref<8xf32, #tpu.memory_space<smem>>, %arg2: memref<8x65536xi32, #tpu.memory_space<vmem>>, %arg3: memref<8x65536xf32, #tpu.memory_space<vmem>>) attributes {dimension_semantics = [], scalar_prefetch = 0 : i64, scratch_operands = 0 : i64, tpu.core_type = #tpu.core_type<tc>} {
    %get3A = arith.constant 0 : index
    %get3A_0 = arith.constant 0 : index
    %get3A_1 = arith.constant 0 : index
    %get3A_2 = vector.load %arg0[%get3A, %get3A_0, %get3A_1] : memref<3x8x65536xf32, #tpu.memory_space<vmem>>, vector<1x8x65536xf32>
    %get3A_3 = vector.shape_cast %get3A_2 : vector<1x8x65536xf32> to vector<8x65536xf32>
    %get3A_4 = arith.constant 1 : index
    %get3A_5 = arith.constant 0 : index
    %get3A_6 = arith.constant 0 : index
    %get3A_7 = vector.load %arg0[%get3A_4, %get3A_5, %get3A_6] : memref<3x8x65536xf32, #tpu.memory_space<vmem>>, vector<1x8x65536xf32>
    %get3A_8 = vector.shape_cast %get3A_7 : vector<1x8x65536xf32> to vector<8x65536xf32>
    %get3A_9 = arith.constant 2 : index
    %get3A_10 = arith.constant 0 : index
    %get3A_11 = arith.constant 0 : index
    %get3A_12 = vector.load %arg0[%get3A_9, %get3A_10, %get3A_11] : memref<3x8x65536xf32, #tpu.memory_space<vmem>>, vector<1x8x65536xf32>
    %get3A_13 = vector.shape_cast %get3A_12 : vector<1x8x65536xf32> to vector<8x65536xf32>
    %mul3A = arith.mulf %get3A_3, %get3A_3 : vector<8x65536xf32>
    %mul3A_14 = arith.mulf %get3A_8, %get3A_8 : vector<8x65536xf32>
    %add3A = arith.addf %mul3A, %mul3A_14 : vector<8x65536xf32>
    %mul3A_15 = arith.mulf %get3A_13, %get3A_13 : vector<8x65536xf32>
    %add3A_16 = arith.addf %add3A, %mul3A_15 : vector<8x65536xf32>
    %iota3A = tpu.iota {dimensions = array<i32: 0>} : vector<8x1xi32>
    %broadcast_in_dim3A = arith.constant 0.000000e+00 : f32
    %broadcast_in_dim3A_17 = vector.broadcast %broadcast_in_dim3A : f32 to vector<8x1xf32>
    %eq3A = arith.constant 0 : i32
    %eq3A_18 = vector.broadcast %eq3A : i32 to vector<8x1xi32>
    %eq3A_19 = arith.cmpi eq, %iota3A, %eq3A_18 : vector<8x1xi32>
    %get3A_20 = arith.constant 0 : index
    %get3A_21 = memref.load %arg1[%get3A_20] : memref<8xf32, #tpu.memory_space<smem>>
    %mul3A_22 = arith.constant 2.000000e-02 : f32
    %mul3A_23 = arith.mulf %get3A_21, %mul3A_22 : f32
    %div3A = arith.constant 1.000000e+00 : f32
    %div3A_24 = arith.divf %div3A, %mul3A_23 : f32
    %broadcast_in_dim3A_25 = vector.broadcast %div3A_24 : f32 to vector<8x1xf32>
    %select_n3A = arith.select %eq3A_19, %broadcast_in_dim3A_25, %broadcast_in_dim3A_17 : vector<8x1xi1>, vector<8x1xf32>
    %eq3A_26 = arith.constant 1 : i32
    %eq3A_27 = vector.broadcast %eq3A_26 : i32 to vector<8x1xi32>
    %eq3A_28 = arith.cmpi eq, %iota3A, %eq3A_27 : vector<8x1xi32>
    %get3A_29 = arith.constant 1 : index
    %get3A_30 = memref.load %arg1[%get3A_29] : memref<8xf32, #tpu.memory_space<smem>>
    %mul3A_31 = arith.constant 2.000000e-02 : f32
    %mul3A_32 = arith.mulf %get3A_30, %mul3A_31 : f32
    %div3A_33 = arith.constant 1.000000e+00 : f32
    %div3A_34 = arith.divf %div3A_33, %mul3A_32 : f32
    %broadcast_in_dim3A_35 = vector.broadcast %div3A_34 : f32 to vector<8x1xf32>
    %select_n3A_36 = arith.select %eq3A_28, %broadcast_in_dim3A_35, %select_n3A : vector<8x1xi1>, vector<8x1xf32>
    %eq3A_37 = arith.constant 2 : i32
    %eq3A_38 = vector.broadcast %eq3A_37 : i32 to vector<8x1xi32>
    %eq3A_39 = arith.cmpi eq, %iota3A, %eq3A_38 : vector<8x1xi32>
    %get3A_40 = arith.constant 2 : index
    %get3A_41 = memref.load %arg1[%get3A_40] : memref<8xf32, #tpu.memory_space<smem>>
    %mul3A_42 = arith.constant 2.000000e-02 : f32
    %mul3A_43 = arith.mulf %get3A_41, %mul3A_42 : f32
    %div3A_44 = arith.constant 1.000000e+00 : f32
    %div3A_45 = arith.divf %div3A_44, %mul3A_43 : f32
    %broadcast_in_dim3A_46 = vector.broadcast %div3A_45 : f32 to vector<8x1xf32>
    %select_n3A_47 = arith.select %eq3A_39, %broadcast_in_dim3A_46, %select_n3A_36 : vector<8x1xi1>, vector<8x1xf32>
    %eq3A_48 = arith.constant 3 : i32
    %eq3A_49 = vector.broadcast %eq3A_48 : i32 to vector<8x1xi32>
    %eq3A_50 = arith.cmpi eq, %iota3A, %eq3A_49 : vector<8x1xi32>
    %get3A_51 = arith.constant 3 : index
    %get3A_52 = memref.load %arg1[%get3A_51] : memref<8xf32, #tpu.memory_space<smem>>
    %mul3A_53 = arith.constant 2.000000e-02 : f32
    %mul3A_54 = arith.mulf %get3A_52, %mul3A_53 : f32
    %div3A_55 = arith.constant 1.000000e+00 : f32
    %div3A_56 = arith.divf %div3A_55, %mul3A_54 : f32
    %broadcast_in_dim3A_57 = vector.broadcast %div3A_56 : f32 to vector<8x1xf32>
    %select_n3A_58 = arith.select %eq3A_50, %broadcast_in_dim3A_57, %select_n3A_47 : vector<8x1xi1>, vector<8x1xf32>
    %eq3A_59 = arith.constant 4 : i32
    %eq3A_60 = vector.broadcast %eq3A_59 : i32 to vector<8x1xi32>
    %eq3A_61 = arith.cmpi eq, %iota3A, %eq3A_60 : vector<8x1xi32>
    %get3A_62 = arith.constant 4 : index
    %get3A_63 = memref.load %arg1[%get3A_62] : memref<8xf32, #tpu.memory_space<smem>>
    %mul3A_64 = arith.constant 2.000000e-02 : f32
    %mul3A_65 = arith.mulf %get3A_63, %mul3A_64 : f32
    %div3A_66 = arith.constant 1.000000e+00 : f32
    %div3A_67 = arith.divf %div3A_66, %mul3A_65 : f32
    %broadcast_in_dim3A_68 = vector.broadcast %div3A_67 : f32 to vector<8x1xf32>
    %select_n3A_69 = arith.select %eq3A_61, %broadcast_in_dim3A_68, %select_n3A_58 : vector<8x1xi1>, vector<8x1xf32>
    %eq3A_70 = arith.constant 5 : i32
    %eq3A_71 = vector.broadcast %eq3A_70 : i32 to vector<8x1xi32>
    %eq3A_72 = arith.cmpi eq, %iota3A, %eq3A_71 : vector<8x1xi32>
    %get3A_73 = arith.constant 5 : index
    %get3A_74 = memref.load %arg1[%get3A_73] : memref<8xf32, #tpu.memory_space<smem>>
    %mul3A_75 = arith.constant 2.000000e-02 : f32
    %mul3A_76 = arith.mulf %get3A_74, %mul3A_75 : f32
    %div3A_77 = arith.constant 1.000000e+00 : f32
    %div3A_78 = arith.divf %div3A_77, %mul3A_76 : f32
    %broadcast_in_dim3A_79 = vector.broadcast %div3A_78 : f32 to vector<8x1xf32>
    %select_n3A_80 = arith.select %eq3A_72, %broadcast_in_dim3A_79, %select_n3A_69 : vector<8x1xi1>, vector<8x1xf32>
    %eq3A_81 = arith.constant 6 : i32
    %eq3A_82 = vector.broadcast %eq3A_81 : i32 to vector<8x1xi32>
    %eq3A_83 = arith.cmpi eq, %iota3A, %eq3A_82 : vector<8x1xi32>
    %get3A_84 = arith.constant 6 : index
    %get3A_85 = memref.load %arg1[%get3A_84] : memref<8xf32, #tpu.memory_space<smem>>
    %mul3A_86 = arith.constant 2.000000e-02 : f32
    %mul3A_87 = arith.mulf %get3A_85, %mul3A_86 : f32
    %div3A_88 = arith.constant 1.000000e+00 : f32
    %div3A_89 = arith.divf %div3A_88, %mul3A_87 : f32
    %broadcast_in_dim3A_90 = vector.broadcast %div3A_89 : f32 to vector<8x1xf32>
    %select_n3A_91 = arith.select %eq3A_83, %broadcast_in_dim3A_90, %select_n3A_80 : vector<8x1xi1>, vector<8x1xf32>
    %eq3A_92 = arith.constant 7 : i32
    %eq3A_93 = vector.broadcast %eq3A_92 : i32 to vector<8x1xi32>
    %eq3A_94 = arith.cmpi eq, %iota3A, %eq3A_93 : vector<8x1xi32>
    %get3A_95 = arith.constant 7 : index
    %get3A_96 = memref.load %arg1[%get3A_95] : memref<8xf32, #tpu.memory_space<smem>>
    %mul3A_97 = arith.constant 2.000000e-02 : f32
    %mul3A_98 = arith.mulf %get3A_96, %mul3A_97 : f32
    %div3A_99 = arith.constant 1.000000e+00 : f32
    %div3A_100 = arith.divf %div3A_99, %mul3A_98 : f32
    %broadcast_in_dim3A_101 = vector.broadcast %div3A_100 : f32 to vector<8x1xf32>
    %select_n3A_102 = arith.select %eq3A_94, %broadcast_in_dim3A_101, %select_n3A_91 : vector<8x1xi1>, vector<8x1xf32>
    %sqrt3A = math.sqrt %add3A_16 : vector<8x65536xf32>
    %mul3A_103 = vector.broadcast %select_n3A_102 : vector<8x1xf32> to vector<8x65536xf32>
    %mul3A_104 = arith.mulf %sqrt3A, %mul3A_103 : vector<8x65536xf32>
    %min3A = arith.constant 1.064000e+04 : f32
    %min3A_105 = vector.broadcast %min3A : f32 to vector<8x65536xf32>
    %min3A_106 = arith.minimumf %mul3A_104, %min3A_105 : vector<8x65536xf32>
    %convert_element_type3A = arith.fptosi %min3A_106 : vector<8x65536xf32> to vector<8x65536xi32>
    %convert_element_type3A_107 = arith.sitofp %convert_element_type3A : vector<8x65536xi32> to vector<8x65536xf32>
    %sub3A = arith.subf %min3A_106, %convert_element_type3A_107 : vector<8x65536xf32>
    %swap3A = arith.constant 0 : index
    %swap3A_108 = arith.constant 0 : index
    %swap3A_109 = vector.load %arg3[%swap3A, %swap3A_108] : memref<8x65536xf32, #tpu.memory_space<vmem>>, vector<8x65536xf32>
    tpu.vector_store %arg3[%swap3A, %swap3A_108], %sub3A {strides = array<i32>} : memref<8x65536xf32, #tpu.memory_space<vmem>>, vector<8x65536xf32>,
    %min3A_110 = arith.constant 10639 : i32
    %min3A_111 = vector.broadcast %min3A_110 : i32 to vector<8x65536xi32>
    %min3A_112 = arith.minsi %convert_element_type3A, %min3A_111 : vector<8x65536xi32>
    %swap3A_113 = arith.constant 0 : index
    %swap3A_114 = arith.constant 0 : index
    %swap3A_115 = vector.load %arg2[%swap3A_113, %swap3A_114] : memref<8x65536xi32, #tpu.memory_space<vmem>>, vector<8x65536xi32>
    tpu.vector_store %arg2[%swap3A_113, %swap3A_114], %min3A_112 {strides = array<i32>} : memref<8x65536xi32, #tpu.memory_space<vmem>>, vector<8x65536xi32>,
    return
  }
}

module attributes {stable_mosaic.version = 14 : i64} {
  func.func @_fmt_body(%arg0: i32, %arg1: memref<64x2048xf32, #tpu.memory_space<vmem>>, %arg2: memref<1x16x8192xf32, #tpu.memory_space<vmem>>) attributes {dimension_semantics = [#tpu.dimension_semantics<arbitrary>], iteration_bounds = array<i64: 64>, scalar_prefetch = 0 : i64, scratch_operands = 0 : i64, tpu.core_type = #tpu.core_type<tc>, window_params = [{transform_indices = @transform_0, window_bounds = array<i64: 64, 2048>}, {transform_indices = @transform_1, window_bounds = array<i64: 1, 16, 8192>}]} {
    %get3A = arith.constant 0 : index
    %get3A_0 = arith.constant 0 : index
    %get3A_1 = vector.load %arg1[%get3A, %get3A_0] : memref<64x2048xf32, #tpu.memory_space<vmem>>, vector<64x2048xf32>
    %reshape3A = vector.shape_cast %get3A_1 : vector<64x2048xf32> to vector<64x128x16xf32>
    %transpose3A = tpu.transpose %reshape3A, [2, 0, 1] : vector<64x128x16xf32> -> vector<16x64x128xf32>
    %reshape3A_2 = vector.shape_cast %transpose3A : vector<16x64x128xf32> to vector<1x16x8192xf32>
    %swap3A = arith.constant 0 : index
    %swap3A_3 = arith.constant 0 : index
    %swap3A_4 = arith.constant 0 : index
    %swap3A_5 = vector.load %arg2[%swap3A, %swap3A_3, %swap3A_4] : memref<1x16x8192xf32, #tpu.memory_space<vmem>>, vector<1x16x8192xf32>
    tpu.vector_store %arg2[%swap3A, %swap3A_3, %swap3A_4], %reshape3A_2 {strides = array<i32>} : memref<1x16x8192xf32, #tpu.memory_space<vmem>>, vector<1x16x8192xf32>,
    return
  }
  func.func @transform_0(%arg0: i32) -> (i32, i32) {
    %c0_i32 = arith.constant 0 : i32
    %c0_i32_0 = arith.constant 0 : i32
    return %arg0, %c0_i32 : i32, i32
  }
  func.func @transform_1(%arg0: i32) -> (i32, i32, i32) {
    %jit3A = arith.constant 8 : i32
    %div3A = arith.divsi %arg0, %jit3A : i32
    %sign3A = arith.constant 0 : i32
    %sign3A_0 = arith.cmpi sgt, %arg0, %sign3A : i32
    %sign3A_1 = arith.extui %sign3A_0 : i1 to i32
    %sign3A_2 = arith.constant 0 : i32
    %sign3A_3 = arith.cmpi slt, %arg0, %sign3A_2 : i32
    %sign3A_4 = arith.extui %sign3A_3 : i1 to i32
    %sign3A_5 = arith.subi %sign3A_1, %sign3A_4 : i32
    %sign3A_6 = arith.constant 0 : i32
    %sign3A_7 = arith.cmpi sgt, %jit3A, %sign3A_6 : i32
    %sign3A_8 = arith.extui %sign3A_7 : i1 to i32
    %sign3A_9 = arith.constant 0 : i32
    %sign3A_10 = arith.cmpi slt, %jit3A, %sign3A_9 : i32
    %sign3A_11 = arith.extui %sign3A_10 : i1 to i32
    %sign3A_12 = arith.subi %sign3A_8, %sign3A_11 : i32
    %ne3A = arith.cmpi ne, %sign3A_5, %sign3A_12 : i32
    %rem3A = arith.remsi %arg0, %jit3A : i32
    %ne3A_13 = arith.constant 0 : i32
    %ne3A_14 = arith.cmpi ne, %rem3A, %ne3A_13 : i32
    %and3A = arith.andi %ne3A, %ne3A_14 : i1
    %sub3A = arith.constant 1 : i32
    %sub3A_15 = arith.subi %div3A, %sub3A : i32
    %select_n3A = arith.select %and3A, %sub3A_15, %div3A : i32
    %jit3A_16 = arith.constant 8 : i32
    %eq3A = arith.constant 0 : i32
    %eq3A_17 = arith.cmpi eq, %jit3A_16, %eq3A : i32
    %jit3A_18 = arith.constant 1 : i32
    %select_n3A_19 = arith.select %eq3A_17, %jit3A_18, %jit3A_16 : i32
    %rem3A_20 = arith.remsi %arg0, %select_n3A_19 : i32
    %ne3A_21 = arith.constant 0 : i32
    %ne3A_22 = arith.cmpi ne, %rem3A_20, %ne3A_21 : i32
    %lt3A = arith.constant 0 : i32
    %lt3A_23 = arith.cmpi slt, %rem3A_20, %lt3A : i32
    %lt3A_24 = arith.constant 0 : i32
    %lt3A_25 = arith.cmpi slt, %select_n3A_19, %lt3A_24 : i32
    %ne3A_26 = arith.xori %lt3A_23, %lt3A_25 : i1
    %and3A_27 = arith.andi %ne3A_26, %ne3A_22 : i1
    %add3A = arith.addi %rem3A_20, %select_n3A_19 : i32
    %select_n3A_28 = arith.select %and3A_27, %add3A, %rem3A_20 : i32
    %c0_i32 = arith.constant 0 : i32
    %c0_i32_29 = arith.constant 0 : i32
    return %select_n3A, %c0_i32, %select_n3A_28 : i32, i32, i32
  }
}

</mosaic_0001>

<sc_bundles>
// kernel: kernel.5.cloned.1.call-start
scs
__scs_entry_jumppad:
0x0: {  	(pc) =	sbr.rel $0x88, $3  }
0x1: {  	(tag) =	ssettag $0x0;
	lr =	simm.s32 $0x1  }
0x2: {  	[smem:$0x3F9E] =	sst lr;
	_ =	strace $0xD0000000  }
0x3: {  	_ = 	snop  }
0x4: {  	_ = 	snop  }
0x5: {  	_ = 	snop  }
0x6: {  	_ = 	snop  }
0x7: {  	_ = 	snop  }
__scs_overlays_trampoline_lowered:
0x8: {  	[smem:$0x3FAD] =	sst s0  }
0x9: {  	[smem:$0x3FAE] =	sst s1  }
0xa: {  	[smem:$0x3FAF] =	sst s2  }
0xb: {  	[smem:$0x3FB0] =	sst s3  }
0xc: {  	[smem:$0x3FB1] =	sst s4  }
0xd: {  	[smem:$0x3FB2] =	sst s5  }
0xe: {  	[smem:$0x3FB3] =	sst s6  }
0xf: {  	[smem:$0x3FB4] =	sst s7  }
0x10: {  	[smem:$0x3FB5] =	sst s8  }
0x11: {  	[smem:$0x3FB6] =	sst s9;
	s0 =	simm.s32 @!p0 $0x0  }
0x12: {  	s1 =	sld [smem:$0x3F9C];
	s0 =	simm.s32 @p0 $0x1  }
0x13: {  	[smem:$0x3FB7] =	sst s0;
	s0 =	simm.s32 @!p1 $0x0  }
0x14: {  	s2 =	sld [smem:$0x3F9B];
	s0 =	simm.s32 @p1 $0x1  }
0x15: {  	[smem:$0x3FB8] =	sst s0;
	s0 =	simm.s32 @!p2 $0x0  }
0x16: {  	s3 =	sld [smem:$0x3FDB];
	s0 =	simm.s32 @p2 $0x1  }
0x17: {  	s4 =	simm.s32 $0x1BF5;
	[smem:$0x3FBA] =	sst s0  }
0x18: {  	s0 =	sld [smem:$0x3F9D];
	_ =	swait.ge [sflag:s4], $0x0  }
0x19: {  	s7 =	sld [smem:$0x3F9E]  }
0x1a: {  	s8 =	sadd.s32 $0xFFFFE003, lr  }
0x1b: {  	s9 =	sadd.s32 $0xFFFFFEF7, lr;
	s5 =	simm.s32 $0xFFFFFFFF;
	p2 =	slt.u32 s8, $0xFFFFF086  }
0x1c: {  	p1 =	slt.u32 s9, $0xF7A;
	s5 =	simm.s32 @!p2 $0x0  }
0x1d: {  	s5 =	simm.s32 @p1 $0x1;
	p0 =	seq.s32 s7, s2  }
0x1e: {  	s7 =	smul.u32 @!p0 $0xF7A, s2;
	p2 =	seq.s32 @!p0 s5, $0x0  }
0x1f: {  	s9 =	smul.u32 $0xF7A, s1;
	s8 =	simm.s32 @!p0 $0x1BF5;
	p2 =	por !p2, p0  }
0x20: {  	[sflag:s8] =	ssyncset.s32 @!p0 $0xFFFFF086;
	s6 =	sadd.s32 @!p0 s3, s7;
	s7 =	simm.s32 @!p0 $0x108  }
0x21: {  	s3 =	sadd.s32 s3, s9;
	s6 =	sadd.s32 @!p0 $0x88, s6;
	s7 =	simm.s32 @p2 $0x1082  }
0x22: {  	[simem:s7], [sflag:s8] =	dma.local @!p0 [hbm:s6], $0xF7A  }
0x23: {  	s9 =	sor.u32 $0xD0000000, s2;
	s6 =	simm.s32 $0x108;
	_ =	swait.ge @!p0 [sflag:s8], $0x0  }
0x24: {  	s3 =	sadd.s32 $0x88, s3;
	s6 =	simm.s32 @!p1 $0x1082;
	[sflag:s4] =	ssyncset.s32 $0xFFFFF086  }
0x25: {  	[simem:s6], [sflag:s4] =	dma.local [hbm:s3], $0xF7A  }
0x26: {  	[smem:$0x3F9E] =	sst s1;
	(tag) =	ssettag s2;
	_ =	strace s9  }
0x27: {  	s1 =	sld [smem:$0x3FAE]  }
0x28: {  	s2 =	sld [smem:$0x3FAF]  }
0x29: {  	s4 =	sld [smem:$0x3FB1]  }
0x2a: {  	p0 =	seq.s32 s5, $0x0;
	s5 =	sld [smem:$0x3FB2]  }
0x2b: {  	s6 =	sld [smem:$0x3FB3]  }
0x2c: {  	s7 =	sld [smem:$0x3FB4]  }
0x2d: {  	s3 =	simm.s32 $0x108;
	s8 =	sld [smem:$0x3FB5]  }
0x2e: {  	s3 =	simm.s32 @!p0 $0x1082;
	s9 =	sld [smem:$0x3FB6]  }
0x2f: {  	lr =	sadd.s32 s0, s3;
	s0 =	sld [smem:$0x3FAD]  }
0x30: {  	s3 =	sld [smem:$0x3FB0]  }
0x31: {  	[smem:$0x3FB9] =	sst s10  }
0x32: {  	s10 =	sld [smem:$0x3FB7];
	_ =	sdelay $0x3  }
0x33: {  	p0 =	seq.s32 s10, $0x1;
	s10 =	sld [smem:$0x3FB9];
	_ =	sdelay $0x3  }
0x34: {  	[smem:$0x3FB9] =	sst s10  }
0x35: {  	s10 =	sld [smem:$0x3FB8];
	_ =	sdelay $0x3  }
0x36: {  	p1 =	seq.s32 s10, $0x1;
	s10 =	sld [smem:$0x3FB9];
	_ =	sdelay $0x3  }
0x37: {  	[smem:$0x3FB9] =	sst s10  }
0x38: {  	s10 =	sld [smem:$0x3FBA]  }
0x39: {  	_ = 	snop;
	(pc) =	sbr.ind lr, $3  }
0x3a: {  	_ = 	snop  }
0x3b: {  	_ = 	snop  }
0x3c: {  	p2 =	seq.s32 s10, $0x1;
	s10 =	sld [smem:$0x3FB9]  }
0x3d: {  	_ =	shalt  }
0x3e: {  	_ =	shalt  }
0x3f: {  	_ =	shalt  }
0x40: {  	_ =	shalt  }
0x41: {  	_ =	shalt  }
0x42: {  	_ =	shalt  }
0x43: {  	_ =	shalt  }
0x44: {  	_ =	shalt  }
0x45: {  	_ =	shalt  }
0x46: {  	_ =	shalt  }
0x47: {  	_ =	shalt  }
0x48: {  	_ =	shalt  }
0x49: {  	_ =	shalt  }
0x4a: {  	_ =	shalt  }
0x4b: {  	_ =	shalt  }
0x4c: {  	_ =	shalt  }
0x4d: {  	_ =	shalt  }
0x4e: {  	_ =	shalt  }
0x4f: {  	_ =	shalt  }
0x50: {  	_ =	shalt  }
0x51: {  	_ =	shalt  }
0x52: {  	_ =	shalt  }
0x53: {  	_ =	shalt  }
0x54: {  	_ =	shalt  }
0x55: {  	_ =	shalt  }
0x56: {  	_ =	shalt  }
0x57: {  	_ =	shalt  }
0x58: {  	_ =	shalt  }
0x59: {  	_ =	shalt  }
0x5a: {  	_ =	shalt  }
0x5b: {  	_ =	shalt  }
0x5c: {  	_ =	shalt  }
0x5d: {  	_ =	shalt  }
0x5e: {  	_ =	shalt  }
0x5f: {  	_ =	shalt  }
0x60: {  	_ =	shalt  }
0x61: {  	_ =	shalt  }
0x62: {  	_ =	shalt  }
0x63: {  	_ =	shalt  }
0x64: {  	_ =	shalt  }
0x65: {  	_ =	shalt  }
0x66: {  	_ =	shalt  }
0x67: {  	_ =	shalt  }
0x68: {  	_ =	shalt  }
0x69: {  	_ =	shalt  }
0x6a: {  	_ =	shalt  }
0x6b: {  	_ =	shalt  }
0x6c: {  	_ =	shalt  }
0x6d: {  	_ =	shalt  }
0x6e: {  	_ =	shalt  }
0x6f: {  	_ =	shalt  }
0x70: {  	_ =	shalt  }
0x71: {  	_ =	shalt  }
0x72: {  	_ =	shalt  }
0x73: {  	_ =	shalt  }
0x74: {  	_ =	shalt  }
0x75: {  	_ =	shalt  }
0x76: {  	_ =	shalt  }
0x77: {  	_ =	shalt  }
0x78: {  	_ =	shalt  }
0x79: {  	_ =	shalt  }
0x7a: {  	_ =	shalt  }
0x7b: {  	_ =	shalt  }
0x7c: {  	_ =	shalt  }
0x7d: {  	_ =	shalt  }
0x7e: {  	_ =	shalt  }
0x7f: {  	_ =	shalt  }
0x80: {  	_ =	shalt  }
0x81: {  	_ =	shalt  }
0x82: {  	_ =	shalt  }
0x83: {  	_ =	shalt  }
0x84: {  	_ =	shalt  }
0x85: {  	_ =	shalt  }
0x86: {  	_ =	shalt  }
0x87: {  	_ =	shalt  }
.Lfunc_end0:
.L_simem_size_0:
called_computation_lowered:
.L_overlay_start_0:
0x88: {  	s2 =	sld [smem:$0x3FD9]  }
0x89: {  	s3 =	sld [smem:$0x3FFE];
	_ =	sdelay $0x1  }
0x8a: {  	s1 =	srdreg.scid  }
0x8b: {  	s0 =	sand.u32 $0x1, s1  }
0x8c: {  	s17 =	sshll.u32 s0, $0xA;
	s2 =	sadd.s32 s3, s2  }
0x8d: {  	s2 =	sadd.s32 s2, s17  }
0x8e: {  	[smem:$0x3FC5] =	sst s2  }
0x8f: {  	_ = 	snop  }
0x90: {  	s2 =	sld [smem:$0x3FD0];
	(tm) =	ssettm $0x1  }
0x91: {  	s18 =	sld [smem:$0x3FFB];
	_ =	sdelay $0x3  }
0x92: {  	_ =	strace s18  }
0x93: {  	s3 =	sld [smem:$0x3FFC];
	_ =	sdelay $0x3  }
0x94: {  	_ =	strace s3  }
0x95: {  	s3 =	sld [smem:$0x3FFD];
	_ =	sdelay $0x3  }
0x96: {  	_ =	strace s3  }
0x97: {  	_ =	strace $0x8FFFFFFF  }
0x98: {  	s19 =	sld [smem:$0x3FDB];
	_ =	sdelay $0x1  }
0x99: {  	s4 =	simm.s32 $_scs_section_size  }
0x9a: {  	s5 =	simm.s32 $_size__tile_overlayer_lowered;
	s6 =	simm.s32 $_tile_overlayer_lowered  }
0x9b: {  	s22 =	simm.s32 $0x1BFF;
	s21 =	sshll.u32 s6, $0x1;
	s3 =	sadd.s32 s4, s19  }
0x9c: {  	s7 =	simm.s32 $0x0;
	s20 =	sshll.u32 s5, $0x1;
	s5 =	sadd.s32 s21, s3  }
0x9d: {  	[timem:s7], [sflag:s22] =	dma.local [hbm:s5], s20  }
0x9e: {  	_ =	swait.ge [sflag:s22], s20  }
0x9f: {  	s4 =	ssub.s32 $0x0, s20;
	[sflag:s22] =	ssyncset.done $0x0  }
0xa0: {  	[sflag:s22] =	ssyncadd.s32 s4;
	_ =	sdelay $0x1  }
0xa1: {  	s23 =	simm.s32 $0x1B8B  }
0xa2: {  	_ =	swait.ge [sflag:s23], $0x1  }
0xa3: {  	[sflag:s23] =	ssyncset.done $0x0  }
0xa4: {  	s25 =	simm.s32 $0x1B8E;
	s24 =	sld [smem:$0x3FFE];
	[sflag:s23] =	ssyncadd.s32 $0xFFFFFFFF  }
0xa5: {  	s26 =	simm.s32 $execute0_lowered;
	[smem:$0x3FD2] =	sst s25  }
0xa6: {  	s5 =	sshll.u32 s26, $0x1;
	_ =	strace $0x80000046;
	[dreg:$0x1] =	wrdreg $0xFFFFFFFF  }
0xa7: {  	s28 =	simm.s32 $_size_execute0_lowered;
	s3 =	sadd.s32 s3, s5;
	[dreg:$0x0] =	wrdreg $0x0  }
0xa8: {  	s5 =	sshll.u32 s28, $0x1;
	[dreg:$0x2] =	wrdreg s3  }
0xa9: {  	[dreg:$0x3] =	wrdreg s5  }
0xaa: {  	[dreg:$0x4] =	wrdreg $0xC0  }
0xab: {  	_ =	task [dreg:s7], $0x5FFFF  }
0xac: {  	[dreg:$0x1] =	wrdreg $0xFFFFFFFF  }
0xad: {  	[dreg:$0x0] =	wrdreg $0x60  }
0xae: {  	[dreg:$0x2] =	wrdreg s24  }
0xaf: {  	[dreg:$0x3] =	wrdreg s2  }
0xb0: {  	[dreg:$0x4] =	wrdreg $0x9  }
0xb1: {  	_ =	task.clear_ibuf [dreg:s7], $0x5FFFF;
	_ =	strace $0x90000046  }
0xb2: {  	s29 =	simm.s32 $0x9;
	_ =	strace $0x80000048  }
0xb3: {  	_ =	swait.ge [sflag:s29], $0x1  }
0xb4: {  	[sflag:s29] =	ssyncadd.s32 $0xFFFFFFFF  }
0xb5: {  	_ =	strace $0x90000048  }
0xb6: {  	_ =	sfence  }
0xb7: {  	s30 =	sld [smem:$0x0];
	_ =	sdelay $0x2  }
0xb8: {  	s31 =	sshll.u32 s1, $0xD;
	s1 =	sshrl.u32 s1, $0x2  }
0xb9: {  	s3 =	sand.u32 $0x4000, s31;
	s1 =	sadd.s32 s1, s30  }
0xba: {  	s0 =	sor.u32 s3, s0;
	s1 =	sshll.u32 s1, $0x11  }
0xbb: {  	s0 =	sor.u32 s1, s0  }
0xbc: {  	s0 =	sadd.s32 $0x8F2B, s0  }
0xbd: {  	[sflag:s0] =	ssyncadd.remote.s32 $0x1  }
0xbe: {  	_ =	sfence.sel $0xFFFF  }
0xbf: {  	[dreg:$0x0] =	wrdreg $0xFFFFFFFF;
	(pc) =	sbr.abs _section_cstart, $3  }
0xc0: {  	[dreg:$0x1] =	wrdreg $0xFFFFFFFF  }
0xc1: {  	_ =	task.clear_ibuf [dreg:s7], $0x2FFFF;
	_ =	strace $0x9FFFFFFF  }
0xc2: {  	(tm) =	ssettm $0x7FFFFFFF  }
0xc3: {  	_ =	shalt  }
tec
execute0_lowered:
.L_overlay_start_1:
0x0: {  	(tag) =	ssettag $0x1  }
0x1: {  	s0 =	rddreg [dreg:$0x0]  }
0x2: {  	s1 =	rddreg [dreg:$0x1];
	s2 =	simm.s32 $0x0  }
0x3: {  	s4 =	srdreg.scid;
	s6 =	stileid.u32;
	s16 =	simm.s32 $0x80  }
0x4: {  	s14 =	simm.s32 $0x2;
	s31 =	simm.s32 $0x780;
	s13 =	simm.s32 $0x15000  }
0x5: {  	s15 =	simm.s32 $0x6;
	s18 =	simm.s32 $0x0;
	[smem:$0x7FF] =	sst s2  }
0x6: {  	s3 =	sadd.s32 $0x1000, s0;
	s5 =	sand.u32 $0x1, s4;
	s6 =	sshll.u32 s6, $0x1  }
0x7: {  	s4 =	sadd.s32 $0xB800, s0;
	_ =	strace $0x80000047;
	s7 =	ssub.s32 $0x2, s5  }
0x8: {  	s6 =	sor.u32 s5, s6;
	s5 =	sadd.s32 $0x1B800, s0;
	s26 =	sshrl.u32 s7, $0x1  }
0x9: {  	s8 =	sshll.u32 s6, $0xB;
	s28 =	sshll.u32 s6, $0xF;
	s6 =	sshll.u32 s6, $0xE  }
0xa: {  	s0 =	ssub.s32 s7, s26;
	s9 =	sadd.s32 s4, s8;
	s29 =	sadd.s32 s5, s8  }
0xb: {  	v0 =	vimm.s32 $0x0;
	s8 =	sor.u32 $0x80, s8;
	s10 =	sor.u32 $0x800, s6;
	s11 =	sadd.s32 s1, s28  }
0xc: {  	v1 =	vimm.s32 $0x1;
	v2 =	vimm.s32 $0x2;
	v3 =	vimm.s32 $0x3;
	s12 =	sor.u32 $0xC00, s6;
	s1 =	simm.s32 $0x10000;
	[dreg:$0x3] =	wrdreg s9  }
0xd: {  	v4 =	vimm.s32 $0x4;
	v5 =	vimm.s32 $0x5;
	v6 =	vimm.s32 $0x6;
	s6 =	simm.s32 $0x3;
	[dreg:$0x4] =	wrdreg s29;
	s30 =	sadd.s32 s4, s8  }
0xe: {  	v7 =	vimm.s32 $0x7;
	v8 =	vimm.s32 $0x8;
	v9 =	vimm.s32 $0x9;
	s7 =	simm.s32 $0x11000;
	s8 =	sadd.s32 s5, s8;
	[dreg:$0x5] =	wrdreg s30  }
0xf: {  	v10 =	vimm.s32 $0xA;
	v11 =	vimm.s32 $0xB;
	v12 =	vimm.s32 $0xC;
	s0 =	smax.u32 s0, $0x1;
	s9 =	simm.s32 $0x5;
	[dreg:$0x6] =	wrdreg s8  }
0x10: {  	v13 =	vimm.s32 $0xD;
	v14 =	vimm.s32 $0xE;
	v15 =	vimm.s32 $0xF;
	[dreg:$0x7] =	wrdreg s0;
	s0 =	simm.s32 $0x400;
	s8 =	simm.s32 $0x4  }
.LBB2_1:
0x11: {  	[dreg:$0x8] =	wrdreg s18  }
0x12: {  	s17 =	rddreg [dreg:$0x3]  }
0x13: {  	[tilespmem:s2], [sflag:$0x1] =	stream.linear.gather [hbm4b:s17+s2], $0x400, $0x38;
	[tilespmem:$0x19000] =	vst v63  }
0x14: {  	s21 =	rddreg [dreg:$0x4];
	s22 =	simm.s32 $0x800;
	s23 =	simm.s32 $0x1  }
0x15: {  	[tilespmem:s22], [sflag:$0x1] =	stream.linear.gather [hbm4b:s21+s2], $0x400, $0x38;
	[tilespmem:$0x19000] =	vst v63  }
0x16: {  	_ =	swait.ge [sflag:s23], $0x400  }
0x17: {  	[sflag:s23] =	ssyncset.done $0x0  }
0x18: {  	[sflag:s23] =	ssyncadd.s32 $0xFFFFFC00  }
0x19: {  	_ =	swait.ge [sflag:s23], $0x400  }
0x1a: {  	[sflag:s23] =	ssyncset.done $0x0  }
0x1b: {  	s24 =	simm.s32 $0x1000;
	[sflag:s23] =	ssyncadd.s32 $0xFFFFFC00  }
0x1c: {  	[tilespmem:s24], [sflag:$0x3] =	stream.indirect.gather [hbm4b:s3+s16], $0x20, s2, s16, $0xb8;
	[tilespmem:$0x19000] =	vst v63  }
0x1d: {  	s25 =	simm.s32 $0x2000  }
0x1e: {  	[tilespmem:s25], [sflag:$0x3] =	stream.indirect.gather [hbm4b:s3+s16], $0x20, s16, s16, $0xb8;
	[tilespmem:$0x19000] =	vst v63  }
0x1f: {  	s26 =	simm.s32 $0x100;
	s28 =	simm.s32 $0x3000  }
0x20: {  	[tilespmem:s28], [sflag:$0x3] =	stream.indirect.gather [hbm4b:s3+s16], $0x20, s26, s16, $0xb8;
	[tilespmem:$0x19000] =	vst v63  }
0x21: {  	s29 =	simm.s32 $0x180;
	s30 =	simm.s32 $0x4000  }
0x22: {  	[tilespmem:s30], [sflag:$0x3] =	stream.indirect.gather [hbm4b:s3+s16], $0x20, s29, s16, $0xb8;
	[tilespmem:$0x19000] =	vst v63  }
0x23: {  	s19 =	simm.s32 $0x200;
	s20 =	simm.s32 $0x5000  }
0x24: {  	[tilespmem:s20], [sflag:$0x3] =	stream.indirect.gather [hbm4b:s3+s16], $0x20, s19, s16, $0xb8;
	[tilespmem:$0x19000] =	vst v63  }
0x25: {  	s21 =	simm.s32 $0x280;
	s22 =	simm.s32 $0x6000  }
0x26: {  	[tilespmem:s22], [sflag:$0x3] =	stream.indirect.gather [hbm4b:s3+s16], $0x20, s21, s16, $0xb8;
	[tilespmem:$0x19000] =	vst v63  }
0x27: {  	s23 =	simm.s32 $0x300;
	s24 =	simm.s32 $0x7000  }
0x28: {  	[tilespmem:s24], [sflag:$0x3] =	stream.indirect.gather [hbm4b:s3+s16], $0x20, s23, s16, $0xb8;
	[tilespmem:$0x19000] =	vst v63  }
0x29: {  	s25 =	simm.s32 $0x380;
	s26 =	simm.s32 $0x8000  }
0x2a: {  	[tilespmem:s26], [sflag:$0x3] =	stream.indirect.gather [hbm4b:s3+s16], $0x20, s25, s16, $0xb8;
	[tilespmem:$0x19000] =	vst v63  }
0x2b: {  	s28 =	rddreg [dreg:$0x5]  }
0x2c: {  	[tilespmem:s0], [sflag:$0x2] =	stream.linear.gather [hbm4b:s28+s2], $0x400, $0x38;
	[tilespmem:$0x19000] =	vst v63  }
0x2d: {  	s17 =	simm.s32 $0x0;
	s29 =	rddreg [dreg:$0x6];
	s30 =	simm.s32 $0xC00  }
0x2e: {  	[tilespmem:s30], [sflag:$0x2] =	stream.linear.gather [hbm4b:s29+s2], $0x400, $0x38;
	[tilespmem:$0x19000] =	vst v63  }
.LBB2_2:
0x2f: {  	_ =	swait.ge [sflag:s14], $0x400  }
0x30: {  	[sflag:s14] =	ssyncset.done $0x0  }
0x31: {  	[sflag:s14] =	ssyncadd.s32 $0xFFFFFC00  }
0x32: {  	_ =	swait.ge [sflag:s14], $0x400  }
0x33: {  	[sflag:s14] =	ssyncset.done $0x0  }
0x34: {  	s18 =	simm.s32 $0x9000;
	[sflag:s14] =	ssyncadd.s32 $0xFFFFFC00  }
0x35: {  	[tilespmem:s18], [sflag:$0x4] =	stream.indirect.gather [hbm4b:s3+s16], $0x20, s0, s16, $0xb8;
	[tilespmem:$0x19000] =	vst v63  }
0x36: {  	s26 =	simm.s32 $0x480;
	s19 =	simm.s32 $0xA000  }
0x37: {  	[tilespmem:s19], [sflag:$0x4] =	stream.indirect.gather [hbm4b:s3+s16], $0x20, s26, s16, $0xb8;
	[tilespmem:$0x19000] =	vst v63  }
0x38: {  	s29 =	simm.s32 $0x500;
	s30 =	simm.s32 $0xB000  }
0x39: {  	[tilespmem:s30], [sflag:$0x4] =	stream.indirect.gather [hbm4b:s3+s16], $0x20, s29, s16, $0xb8;
	[tilespmem:$0x19000] =	vst v63  }
0x3a: {  	s20 =	simm.s32 $0xC000;
	s19 =	simm.s32 $0x580  }
0x3b: {  	[tilespmem:s20], [sflag:$0x4] =	stream.indirect.gather [hbm4b:s3+s16], $0x20, s19, s16, $0xb8;
	[tilespmem:$0x19000] =	vst v63  }
0x3c: {  	s21 =	simm.s32 $0x600;
	s22 =	simm.s32 $0xD000  }
0x3d: {  	[tilespmem:s22], [sflag:$0x4] =	stream.indirect.gather [hbm4b:s3+s16], $0x20, s21, s16, $0xb8;
	[tilespmem:$0x19000] =	vst v63  }
0x3e: {  	s23 =	simm.s32 $0x680;
	s24 =	simm.s32 $0xE000  }
0x3f: {  	[tilespmem:s24], [sflag:$0x4] =	stream.indirect.gather [hbm4b:s3+s16], $0x20, s23, s16, $0xb8;
	[tilespmem:$0x19000] =	vst v63  }
0x40: {  	s25 =	simm.s32 $0x700;
	s26 =	simm.s32 $0xF000  }
0x41: {  	[tilespmem:s26], [sflag:$0x4] =	stream.indirect.gather [hbm4b:s3+s16], $0x20, s25, s16, $0xb8;
	[tilespmem:$0x19000] =	vst v63  }
0x42: {  	_ = 	snop  }
0x43: {  	[tilespmem:s1], [sflag:$0x4] =	stream.indirect.gather [hbm4b:s3+s16], $0x20, s31, s16, $0xb8;
	[tilespmem:$0x19000] =	vst v63  }
0x44: {  	_ =	swait.ge [sflag:s6], $0x1000  }
0x45: {  	[sflag:s6] =	ssyncset.done $0x0  }
0x46: {  	[sflag:s6] =	ssyncadd.s32 $0xFFFFF000  }
0x47: {  	_ =	swait.ge [sflag:s6], $0x1000  }
0x48: {  	[sflag:s6] =	ssyncset.done $0x0  }
0x49: {  	[sflag:s6] =	ssyncadd.s32 $0xFFFFF000  }
0x4a: {  	_ =	swait.ge [sflag:s6], $0x1000  }
0x4b: {  	[sflag:s6] =	ssyncset.done $0x0  }
0x4c: {  	[sflag:s6] =	ssyncadd.s32 $0xFFFFF000  }
0x4d: {  	_ =	swait.ge [sflag:s6], $0x1000  }
0x4e: {  	[sflag:s6] =	ssyncset.done $0x0  }
0x4f: {  	[sflag:s6] =	ssyncadd.s32 $0xFFFFF000  }
0x50: {  	_ =	swait.ge [sflag:s6], $0x1000  }
0x51: {  	[sflag:s6] =	ssyncset.done $0x0  }
0x52: {  	[sflag:s6] =	ssyncadd.s32 $0xFFFFF000  }
0x53: {  	_ =	swait.ge [sflag:s6], $0x1000  }
0x54: {  	[sflag:s6] =	ssyncset.done $0x0  }
0x55: {  	[sflag:s6] =	ssyncadd.s32 $0xFFFFF000  }
0x56: {  	_ =	swait.ge [sflag:s6], $0x1000  }
0x57: {  	[sflag:s6] =	ssyncset.done $0x0  }
0x58: {  	[sflag:s6] =	ssyncadd.s32 $0xFFFFF000  }
0x59: {  	_ =	swait.ge [sflag:s6], $0x1000  }
0x5a: {  	[sflag:s6] =	ssyncset.done $0x0  }
0x5b: {  	s29 =	simm.s32 $0x810;
	[sflag:s6] =	ssyncadd.s32 $0xFFFFF000  }
0x5c: {  	s24 =	simm.s32 $0x1200;
	v22 =	vld [tilespmem:s29+$0x0]  }
0x5d: {  	v16 =	vld [tilespmem:s24+$0x0]  }
0x5e: {  	v17 =	vld [tilespmem:s24+$0x10];
	_ =	sdelay $0x3  }
0x5f: {  	v18 =	vld [tilespmem:s24+$0xFFFFFE00]  }
0x60: {  	v21 =	vld [tilespmem:s24+$0xFFFFFE10];
	v20 =	vperm.xlane v22, v0;
	v17 =	vsub.f32 v17, v16  }
0x61: {  	v19 =	vld [tilespmem:s29+$0xFFFFFFF0]  }
0x62: {  	v17 =	vmul.f32 v17, v20;
	_ =	sdelay $0x1  }
0x63: {  	v16 =	vadd.f32 v17, v16  }
0x64: {  	s18 =	simm.s32 $0x11100  }
0x65: {  	v17 =	vsub.f32 v21, v18;
	[tilespmem:s18+$0x0] =	vst v16;
	v16 =	vperm.xlane v19, v0  }
0x66: {  	v20 =	vld [tilespmem:s24+$0x20]  }
0x67: {  	v21 =	vld [tilespmem:s24+$0x30];
	v16 =	vmul.f32 v17, v16;
	_ =	sdelay $0x1  }
0x68: {  	v16 =	vadd.f32 v16, v18;
	_ =	sdelay $0x1  }
0x69: {  	[tilespmem:s18+$0xFFFFFF00] =	vst v16  }
0x6a: {  	v16 =	vperm.xlane v22, v1;
	v17 =	vsub.f32 v21, v20;
	v18 =	vld [tilespmem:s24+$0xFFFFFE20]  }
0x6b: {  	v21 =	vld [tilespmem:s24+$0xFFFFFE30]  }
0x6c: {  	v16 =	vmul.f32 v17, v16;
	_ =	sdelay $0x1  }
0x6d: {  	v16 =	vadd.f32 v16, v20;
	_ =	sdelay $0x1  }
0x6e: {  	v17 =	vperm.xlane v19, v1;
	[tilespmem:s18+$0x10] =	vst v16;
	v16 =	vsub.f32 v21, v18  }
0x6f: {  	v20 =	vld [tilespmem:s24+$0x40]  }
0x70: {  	v21 =	vld [tilespmem:s24+$0x50];
	v16 =	vmul.f32 v16, v17;
	_ =	sdelay $0x1  }
0x71: {  	v16 =	vadd.f32 v16, v18;
	_ =	sdelay $0x1  }
0x72: {  	[tilespmem:s18+$0xFFFFFF10] =	vst v16  }
0x73: {  	v16 =	vperm.xlane v22, v2;
	v17 =	vsub.f32 v21, v20;
	v18 =	vld [tilespmem:s24+$0xFFFFFE40]  }
0x74: {  	v21 =	vld [tilespmem:s24+$0xFFFFFE50]  }
0x75: {  	v16 =	vmul.f32 v17, v16;
	_ =	sdelay $0x1  }
0x76: {  	v16 =	vadd.f32 v16, v20;
	_ =	sdelay $0x1  }
0x77: {  	v17 =	vperm.xlane v19, v2;
	[tilespmem:s18+$0x20] =	vst v16;
	v16 =	vsub.f32 v21, v18  }
0x78: {  	v20 =	vld [tilespmem:s24+$0x60]  }
0x79: {  	v21 =	vld [tilespmem:s24+$0x70];
	v16 =	vmul.f32 v16, v17;
	_ =	sdelay $0x1  }
0x7a: {  	v16 =	vadd.f32 v16, v18;
	_ =	sdelay $0x1  }
0x7b: {  	[tilespmem:s18+$0xFFFFFF20] =	vst v16  }
0x7c: {  	v16 =	vperm.xlane v22, v3;
	v17 =	vsub.f32 v21, v20;
	v18 =	vld [tilespmem:s24+$0xFFFFFE60]  }
0x7d: {  	v21 =	vld [tilespmem:s24+$0xFFFFFE70]  }
0x7e: {  	v16 =	vmul.f32 v17, v16;
	_ =	sdelay $0x1  }
0x7f: {  	v16 =	vadd.f32 v16, v20;
	_ =	sdelay $0x1  }
0x80: {  	v17 =	vperm.xlane v19, v3;
	[tilespmem:s18+$0x30] =	vst v16;
	v16 =	vsub.f32 v21, v18  }
0x81: {  	v20 =	vld [tilespmem:s24+$0x80]  }
0x82: {  	v21 =	vld [tilespmem:s24+$0x90];
	v16 =	vmul.f32 v16, v17;
	_ =	sdelay $0x1  }
0x83: {  	v16 =	vadd.f32 v16, v18;
	_ =	sdelay $0x1  }
0x84: {  	[tilespmem:s18+$0xFFFFFF30] =	vst v16  }
0x85: {  	v16 =	vperm.xlane v22, v4;
	v18 =	vsub.f32 v21, v20;
	v17 =	vld [tilespmem:s24+$0xFFFFFE80]  }
0x86: {  	v21 =	vld [tilespmem:s24+$0xFFFFFE90]  }
0x87: {  	v18 =	vmul.f32 v18, v16  }
0x88: {  	s20 =	simm.s32 $0x1600  }
0x89: {  	v23 =	vld [tilespmem:s20+$0x0];
	v18 =	vadd.f32 v18, v20  }
0x8a: {  	s30 =	simm.s32 $0x830;
	v24 =	vld [tilespmem:s20+$0x10]  }
0x8b: {  	v16 =	vld [tilespmem:s30+$0x0];
	v20 =	vperm.xlane v19, v4;
	v21 =	vsub.f32 v21, v17;
	[tilespmem:s18+$0x40] =	vst v18  }
0x8c: {  	v18 =	vld [tilespmem:s24+$0xA0]  }
0x8d: {  	v20 =	vmul.f32 v21, v20;
	v21 =	vld [tilespmem:s24+$0xB0];
	_ =	sdelay $0x2  }
0x8e: {  	v25 =	vld [tilespmem:s20+$0xFFFFFE00];
	v24 =	vsub.f32 v24, v23;
	v26 =	vperm.xlane v16, v0;
	v17 =	vadd.f32 v20, v17  }
0x8f: {  	v27 =	vld [tilespmem:s20+$0xFFFFFE10]  }
0x90: {  	v20 =	vld [tilespmem:s30+$0xFFFFFFF0];
	[tilespmem:s18+$0xFFFFFF40] =	vst v17;
	v17 =	vmul.f32 v24, v26;
	v24 =	vperm.xlane v22, v5;
	v21 =	vsub.f32 v21, v18  }
0x91: {  	v26 =	vld [tilespmem:s24+$0xFFFFFEA0]  }
0x92: {  	v28 =	vld [tilespmem:s24+$0xFFFFFEB0];
	v17 =	vadd.f32 v17, v23;
	v21 =	vmul.f32 v21, v24  }
0x93: {  	s19 =	simm.s32 $0x11300  }
0x94: {  	[tilespmem:s19+$0x0] =	vst v17;
	v17 =	vadd.f32 v21, v18  }
0x95: {  	v23 =	vsub.f32 v27, v25;
	v18 =	vperm.xlane v20, v0;
	v21 =	vld [tilespmem:s20+$0x20]  }
0x96: {  	v27 =	vld [tilespmem:s20+$0x30];
	[tilespmem:s18+$0x50] =	vst v17  }
0x97: {  	v24 =	vperm.xlane v19, v5;
	v17 =	vmul.f32 v23, v18;
	v18 =	vsub.f32 v28, v26;
	v23 =	vld [tilespmem:s24+$0xC0]  }
0x98: {  	v28 =	vld [tilespmem:s24+$0xD0]  }
0x99: {  	v17 =	vadd.f32 v17, v25;
	v18 =	vmul.f32 v18, v24;
	_ =	sdelay $0x1  }
0x9a: {  	v24 =	vsub.f32 v27, v21;
	[tilespmem:s19+$0xFFFFFF00] =	vst v17;
	v17 =	vadd.f32 v18, v26;
	v18 =	vperm.xlane v16, v1  }
0x9b: {  	v25 =	vld [tilespmem:s20+$0xFFFFFE20]  }
0x9c: {  	v26 =	vld [tilespmem:s20+$0xFFFFFE30];
	[tilespmem:s18+$0xFFFFFF50] =	vst v17;
	v17 =	vmul.f32 v24, v18;
	v18 =	vperm.xlane v22, v6;
	v24 =	vsub.f32 v28, v23  }
0x9d: {  	v27 =	vld [tilespmem:s24+$0xFFFFFEC0]  }
0x9e: {  	v28 =	vld [tilespmem:s24+$0xFFFFFED0];
	v17 =	vadd.f32 v17, v21;
	v18 =	vmul.f32 v24, v18;
	_ =	sdelay $0x1  }
0x9f: {  	[tilespmem:s19+$0x10] =	vst v17;
	v17 =	vadd.f32 v18, v23  }
0xa0: {  	v21 =	vperm.xlane v20, v1;
	v18 =	vsub.f32 v26, v25;
	v23 =	vld [tilespmem:s20+$0x40]  }
0xa1: {  	v26 =	vld [tilespmem:s20+$0x50];
	[tilespmem:s18+$0x60] =	vst v17  }
0xa2: {  	v24 =	vperm.xlane v19, v6;
	v17 =	vmul.f32 v18, v21;
	v18 =	vsub.f32 v28, v27;
	v21 =	vld [tilespmem:s24+$0xE0]  }
0xa3: {  	v28 =	vld [tilespmem:s24+$0xF0]  }
0xa4: {  	v17 =	vadd.f32 v17, v25;
	v18 =	vmul.f32 v18, v24;
	_ =	sdelay $0x1  }
0xa5: {  	[tilespmem:s19+$0xFFFFFF10] =	vst v17;
	v17 =	vadd.f32 v18, v27;
	v18 =	vperm.xlane v16, v2;
	v24 =	vsub.f32 v26, v23  }
0xa6: {  	v25 =	vld [tilespmem:s20+$0xFFFFFE40]  }
0xa7: {  	v26 =	vld [tilespmem:s20+$0xFFFFFE50];
	[tilespmem:s18+$0xFFFFFF60] =	vst v17;
	v17 =	vmul.f32 v24, v18;
	v18 =	vperm.xlane v22, v7;
	v24 =	vsub.f32 v28, v21  }
0xa8: {  	v27 =	vld [tilespmem:s24+$0xFFFFFEE0]  }
0xa9: {  	v28 =	vld [tilespmem:s24+$0xFFFFFEF0];
	v17 =	vadd.f32 v17, v23;
	v18 =	vmul.f32 v24, v18;
	_ =	sdelay $0x1  }
0xaa: {  	[tilespmem:s19+$0x20] =	vst v17;
	v17 =	vadd.f32 v18, v21  }
0xab: {  	v23 =	vperm.xlane v20, v2;
	v18 =	vsub.f32 v26, v25;
	v21 =	vld [tilespmem:s20+$0x60]  }
0xac: {  	v26 =	vld [tilespmem:s20+$0x70];
	[tilespmem:s18+$0x70] =	vst v17  }
0xad: {  	v24 =	vperm.xlane v19, v7;
	v17 =	vmul.f32 v18, v23;
	v18 =	vsub.f32 v28, v27;
	v23 =	vld [tilespmem:s24+$0x100]  }
0xae: {  	v28 =	vld [tilespmem:s24+$0x110]  }
0xaf: {  	v17 =	vadd.f32 v17, v25;
	v18 =	vmul.f32 v18, v24;
	_ =	sdelay $0x1  }
0xb0: {  	[tilespmem:s19+$0xFFFFFF20] =	vst v17;
	v17 =	vadd.f32 v18, v27;
	v18 =	vperm.xlane v16, v3;
	v24 =	vsub.f32 v26, v21  }
0xb1: {  	v25 =	vld [tilespmem:s20+$0xFFFFFE60]  }
0xb2: {  	v26 =	vld [tilespmem:s20+$0xFFFFFE70];
	[tilespmem:s18+$0xFFFFFF70] =	vst v17;
	v17 =	vmul.f32 v24, v18;
	v18 =	vperm.xlane v22, v8;
	v24 =	vsub.f32 v28, v23;
	_ =	sdelay $0x1  }
0xb3: {  	v27 =	vld [tilespmem:s24+$0xFFFFFF00];
	v17 =	vadd.f32 v17, v21;
	v18 =	vmul.f32 v24, v18  }
0xb4: {  	v28 =	vld [tilespmem:s24+$0xFFFFFF10]  }
0xb5: {  	[tilespmem:s19+$0x30] =	vst v17;
	v17 =	vadd.f32 v18, v23  }
0xb6: {  	v21 =	vperm.xlane v20, v3;
	v18 =	vsub.f32 v26, v25;
	v23 =	vld [tilespmem:s20+$0x80]  }
0xb7: {  	v26 =	vld [tilespmem:s20+$0x90];
	[tilespmem:s18+$0x80] =	vst v17  }
0xb8: {  	v17 =	vmul.f32 v18, v21;
	v21 =	vld [tilespmem:s24+$0x120]  }
0xb9: {  	v24 =	vperm.xlane v19, v8;
	v18 =	vsub.f32 v28, v27;
	v28 =	vld [tilespmem:s24+$0x130]  }
0xba: {  	v17 =	vadd.f32 v17, v25  }
0xbb: {  	s22 =	simm.s32 $0x1A00;
	v18 =	vmul.f32 v18, v24  }
0xbc: {  	v33 =	vld [tilespmem:s22+$0xFFFFFE10];
	v24 =	vperm.xlane v16, v4;
	[tilespmem:s19+$0xFFFFFF30] =	vst v17;
	v25 =	vsub.f32 v26, v23  }
0xbd: {  	v17 =	vadd.f32 v18, v27;
	v18 =	vld [tilespmem:s20+$0xFFFFFE80]  }
0xbe: {  	s21 =	simm.s32 $0x850;
	v27 =	vperm.xlane v22, v9;
	v26 =	vld [tilespmem:s20+$0xFFFFFE90];
	v24 =	vmul.f32 v25, v24;
	v28 =	vsub.f32 v28, v21  }
0xbf: {  	[tilespmem:s18+$0xFFFFFF80] =	vst v17;
	v17 =	vld [tilespmem:s21+$0x0]  }
0xc0: {  	v25 =	vld [tilespmem:s24+$0xFFFFFF20];
	v23 =	vadd.f32 v24, v23;
	v24 =	vmul.f32 v28, v27  }
0xc1: {  	v27 =	vld [tilespmem:s22+$0x0]  }
0xc2: {  	v28 =	vld [tilespmem:s22+$0x10];
	[tilespmem:s19+$0x40] =	vst v23;
	v21 =	vadd.f32 v24, v21  }
0xc3: {  	v23 =	vperm.xlane v20, v4;
	v24 =	vsub.f32 v26, v18;
	v30 =	vld [tilespmem:s20+$0xA0]  }
0xc4: {  	v31 =	vld [tilespmem:s20+$0xB0];
	[tilespmem:s18+$0x90] =	vst v21  }
0xc5: {  	v21 =	vmul.f32 v24, v23;
	v23 =	vld [tilespmem:s24+$0x140]  }
0xc6: {  	v24 =	vld [tilespmem:s24+$0x150]  }
0xc7: {  	v29 =	vld [tilespmem:s24+$0xFFFFFF30];
	v32 =	vperm.xlane v17, v0;
	v28 =	vsub.f32 v28, v27;
	v18 =	vadd.f32 v21, v18  }
0xc8: {  	v26 =	vld [tilespmem:s21+$0xFFFFFFF0]  }
0xc9: {  	v21 =	vld [tilespmem:s22+$0xFFFFFE00];
	[tilespmem:s19+$0xFFFFFF40] =	vst v18;
	v18 =	vmul.f32 v28, v32;
	v28 =	vperm.xlane v16, v5;
	v31 =	vsub.f32 v31, v30  }
0xca: {  	v34 =	vperm.xlane v22, v10;
	v44 =	vld [tilespmem:s20+$0xFFFFFEA0]  }
0xcb: {  	v18 =	vadd.f32 v18, v27;
	v27 =	vld [tilespmem:s20+$0xFFFFFEB0];
	v28 =	vmul.f32 v31, v28;
	v24 =	vsub.f32 v24, v23  }
0xcc: {  	s21 =	simm.s32 $0x11500;
	v29 =	vsub.f32 v29, v25  }
0xcd: {  	v31 =	vperm.xlane v19, v9;
	[tilespmem:s21+$0x0] =	vst v18;
	v18 =	vadd.f32 v28, v30;
	v24 =	vmul.f32 v24, v34  }
0xce: {  	v28 =	vsub.f32 v33, v21;
	v30 =	vperm.xlane v26, v0;
	v45 =	vld [tilespmem:s22+$0x20]  }
0xcf: {  	v29 =	vmul.f32 v29, v31;
	v31 =	vld [tilespmem:s22+$0x30];
	[tilespmem:s19+$0x50] =	vst v18;
	v18 =	vadd.f32 v24, v23  }
0xd0: {  	v23 =	vperm.xlane v20, v5;
	v24 =	vmul.f32 v28, v30;
	v27 =	vsub.f32 v27, v44;
	v28 =	vld [tilespmem:s20+$0xC0]  }
0xd1: {  	v25 =	vadd.f32 v29, v25;
	v29 =	vld [tilespmem:s20+$0xD0];
	[tilespmem:s18+$0xA0] =	vst v18  }
0xd2: {  	v18 =	vadd.f32 v24, v21;
	v21 =	vmul.f32 v27, v23;
	v23 =	vld [tilespmem:s24+$0x160]  }
0xd3: {  	[tilespmem:s18+$0xFFFFFF90] =	vst v25;
	v24 =	vld [tilespmem:s24+$0x170]  }
0xd4: {  	v25 =	vld [tilespmem:s24+$0xFFFFFF40];
	[tilespmem:s21+$0xFFFFFF00] =	vst v18;
	v18 =	vperm.xlane v17, v1;
	v27 =	vsub.f32 v31, v45;
	v21 =	vadd.f32 v21, v44  }
0xd5: {  	v30 =	vld [tilespmem:s22+$0xFFFFFE20]  }
0xd6: {  	v31 =	vld [tilespmem:s22+$0xFFFFFE30];
	v18 =	vmul.f32 v27, v18;
	v27 =	vsub.f32 v29, v28;
	[tilespmem:s19+$0xFFFFFF50] =	vst v21;
	v21 =	vperm.xlane v16, v6  }
0xd7: {  	v46 =	vperm.xlane v22, v11;
	v29 =	vld [tilespmem:s20+$0xFFFFFEC0]  }
0xd8: {  	v18 =	vadd.f32 v18, v45;
	v47 =	vld [tilespmem:s20+$0xFFFFFED0];
	v24 =	vsub.f32 v24, v23;
	v21 =	vmul.f32 v27, v21  }
0xd9: {  	v27 =	vld [tilespmem:s24+$0xFFFFFF50]  }
0xda: {  	[tilespmem:s21+$0x10] =	vst v18;
	v18 =	vadd.f32 v21, v28;
	v21 =	vmul.f32 v24, v46  }
0xdb: {  	v24 =	vperm.xlane v26, v1;
	v28 =	vsub.f32 v31, v30;
	v31 =	vld [tilespmem:s22+$0x40]  }
0xdc: {  	v48 =	vld [tilespmem:s22+$0x50];
	[tilespmem:s19+$0x60] =	vst v18;
	v18 =	vadd.f32 v21, v23  }
0xdd: {  	v21 =	vperm.xlane v20, v6;
	v23 =	vmul.f32 v28, v24;
	v24 =	vsub.f32 v47, v29;
	v28 =	vld [tilespmem:s20+$0xE0]  }
0xde: {  	v49 =	vperm.xlane v19, v10;
	v27 =	vsub.f32 v27, v25;
	v50 =	vld [tilespmem:s20+$0xF0];
	[tilespmem:s18+$0xB0] =	vst v18  }
0xdf: {  	v18 =	vadd.f32 v23, v30;
	v21 =	vmul.f32 v24, v21;
	v23 =	vld [tilespmem:s24+$0x180]  }
0xe0: {  	v24 =	vmul.f32 v27, v49;
	v27 =	vld [tilespmem:s24+$0x190]  }
0xe1: {  	v30 =	vsub.f32 v48, v31;
	[tilespmem:s21+$0xFFFFFF10] =	vst v18;
	v18 =	vperm.xlane v17, v2;
	v21 =	vadd.f32 v21, v29  }
0xe2: {  	v24 =	vadd.f32 v24, v25;
	v25 =	vld [tilespmem:s22+$0xFFFFFE40]  }
0xe3: {  	v29 =	vld [tilespmem:s22+$0xFFFFFE50];
	v18 =	vmul.f32 v30, v18;
	[tilespmem:s19+$0xFFFFFF60] =	vst v21;
	v21 =	vperm.xlane v16, v7;
	v30 =	vsub.f32 v50, v28  }
0xe4: {  	v52 =	vperm.xlane v22, v12;
	v51 =	vld [tilespmem:s20+$0xFFFFFEE0]  }
0xe5: {  	[tilespmem:s18+$0xFFFFFFA0] =	vst v24;
	v24 =	vld [tilespmem:s20+$0xFFFFFEF0];
	v18 =	vadd.f32 v18, v31;
	v21 =	vmul.f32 v30, v21;
	v27 =	vsub.f32 v27, v23  }
0xe6: {  	v30 =	vld [tilespmem:s24+$0xFFFFFF60]  }
0xe7: {  	v31 =	vld [tilespmem:s24+$0xFFFFFF70];
	[tilespmem:s21+$0x20] =	vst v18;
	v18 =	vadd.f32 v21, v28;
	v21 =	vmul.f32 v27, v52  }
0xe8: {  	v27 =	vperm.xlane v26, v2;
	v28 =	vsub.f32 v29, v25;
	v29 =	vld [tilespmem:s22+$0x60]  }
0xe9: {  	v53 =	vld [tilespmem:s22+$0x70];
	[tilespmem:s19+$0x70] =	vst v18;
	v18 =	vadd.f32 v21, v23  }
0xea: {  	v21 =	vperm.xlane v20, v7;
	v23 =	vmul.f32 v28, v27;
	v24 =	vsub.f32 v24, v51;
	v27 =	vld [tilespmem:s20+$0x100]  }
0xeb: {  	v28 =	vld [tilespmem:s20+$0x110];
	[tilespmem:s18+$0xC0] =	vst v18  }
0xec: {  	v18 =	vadd.f32 v23, v25;
	v21 =	vmul.f32 v24, v21;
	v23 =	vld [tilespmem:s24+$0x1A0]  }
0xed: {  	s25 =	simm.s32 $0x1E00;
	v24 =	vperm.xlane v19, v11;
	v25 =	vsub.f32 v31, v30;
	v31 =	vld [tilespmem:s24+$0x1B0]  }
0xee: {  	v60 =	vld [tilespmem:s25+$0x10];
	[tilespmem:s21+$0xFFFFFF20] =	vst v18;
	v18 =	vperm.xlane v17, v3;
	v33 =	vsub.f32 v53, v29;
	v21 =	vadd.f32 v21, v51  }
0xef: {  	v24 =	vmul.f32 v25, v24;
	v25 =	vld [tilespmem:s22+$0xFFFFFE60]  }
0xf0: {  	v54 =	vld [tilespmem:s22+$0xFFFFFE70];
	v18 =	vmul.f32 v33, v18;
	[tilespmem:s19+$0xFFFFFF70] =	vst v21;
	v21 =	vperm.xlane v16, v8;
	v28 =	vsub.f32 v28, v27  }
0xf1: {  	v42 =	vld [tilespmem:s25+$0xFFFFFE10];
	v55 =	vperm.xlane v22, v13;
	v24 =	vadd.f32 v24, v30  }
0xf2: {  	v30 =	vld [tilespmem:s20+$0xFFFFFF00];
	v18 =	vadd.f32 v18, v29;
	v21 =	vmul.f32 v28, v21;
	v28 =	vsub.f32 v31, v23  }
0xf3: {  	v29 =	vld [tilespmem:s20+$0xFFFFFF10];
	[tilespmem:s18+$0xFFFFFFB0] =	vst v24  }
0xf4: {  	v31 =	vld [tilespmem:s24+$0xFFFFFF80];
	[tilespmem:s21+$0x30] =	vst v18;
	v18 =	vadd.f32 v21, v27;
	v21 =	vmul.f32 v28, v55  }
0xf5: {  	v24 =	vperm.xlane v26, v3;
	v27 =	vsub.f32 v54, v25;
	v28 =	vld [tilespmem:s22+$0x80]  }
0xf6: {  	v56 =	vld [tilespmem:s22+$0x90];
	[tilespmem:s19+$0x80] =	vst v18;
	v18 =	vadd.f32 v21, v23  }
0xf7: {  	v23 =	vmul.f32 v27, v24;
	v27 =	vld [tilespmem:s20+$0x120]  }
0xf8: {  	v21 =	vperm.xlane v20, v8;
	v24 =	vsub.f32 v29, v30;
	v29 =	vld [tilespmem:s20+$0x130];
	[tilespmem:s18+$0xD0] =	vst v18  }
0xf9: {  	v18 =	vadd.f32 v23, v25;
	v23 =	vld [tilespmem:s24+$0x1C0]  }
0xfa: {  	v21 =	vmul.f32 v24, v21;
	v24 =	vld [tilespmem:s24+$0x1D0]  }
0xfb: {  	s23 =	simm.s32 $0x870;
	v25 =	vld [tilespmem:s24+$0xFFFFFF90]  }
0xfc: {  	v34 =	vld [tilespmem:s23+$0xFFFFFFF0];
	[tilespmem:s21+$0xFFFFFF30] =	vst v18;
	v32 =	vsub.f32 v56, v28;
	v18 =	vadd.f32 v21, v30;
	v30 =	vperm.xlane v17, v4  }
0xfd: {  	v59 =	vperm.xlane v16, v9;
	v21 =	vld [tilespmem:s22+$0xFFFFFE80];
	v29 =	vsub.f32 v29, v27  }
0xfe: {  	v57 =	vld [tilespmem:s22+$0xFFFFFE90];
	[tilespmem:s19+$0xFFFFFF80] =	vst v18;
	v30 =	vmul.f32 v32, v30  }
0xff: {  	v36 =	vperm.xlane v22, v14;
	v58 =	vld [tilespmem:s20+$0xFFFFFF20];
	v24 =	vsub.f32 v24, v23;
	v29 =	vmul.f32 v29, v59  }
0x100: {  	v45 =	vperm.xlane v19, v12;
	v25 =	vsub.f32 v25, v31;
	v35 =	vld [tilespmem:s20+$0xFFFFFF30];
	v28 =	vadd.f32 v30, v28  }
0x101: {  	v18 =	vld [tilespmem:s23+$0x0];
	v24 =	vmul.f32 v24, v36;
	v27 =	vadd.f32 v29, v27  }
0x102: {  	v30 =	vld [tilespmem:s25+$0x0];
	v25 =	vmul.f32 v25, v45;
	[tilespmem:s21+$0x40] =	vst v28  }
0x103: {  	v29 =	vld [tilespmem:s22+$0xA0];
	v23 =	vadd.f32 v24, v23;
	[tilespmem:s19+$0x90] =	vst v27;
	v24 =	vperm.xlane v26, v4;
	v27 =	vsub.f32 v57, v21  }
0x104: {  	v25 =	vadd.f32 v25, v31;
	v61 =	vld [tilespmem:s22+$0xB0]  }
0x105: {  	v62 =	vld [tilespmem:s20+$0x140];
	v35 =	vsub.f32 v35, v58;
	[tilespmem:s18+$0xE0] =	vst v23;
	v23 =	vperm.xlane v20, v9;
	v27 =	vmul.f32 v27, v24  }
0x106: {  	v37 =	vperm.xlane v18, v0;
	v63 =	vld [tilespmem:s20+$0x150];
	[tilespmem:s18+$0xFFFFFFC0] =	vst v25  }
0x107: {  	v38 =	vsub.f32 v60, v30;
	v52 =	vld [tilespmem:s24+$0xFFFFFFA0];
	v23 =	vmul.f32 v35, v23;
	v21 =	vadd.f32 v27, v21  }
0x108: {  	v43 =	vperm.xlane v17, v5;
	v28 =	vld [tilespmem:s24+$0x1E0]  }
0x109: {  	v27 =	vld [tilespmem:s25+$0xFFFFFE00];
	v36 =	vsub.f32 v61, v29;
	v23 =	vadd.f32 v23, v58;
	[tilespmem:s21+$0xFFFFFF40] =	vst v21;
	v21 =	vmul.f32 v38, v37  }
0x10a: {  	v39 =	vperm.xlane v16, v10;
	v44 =	vld [tilespmem:s22+$0xFFFFFEA0]  }
0x10b: {  	v35 =	vsub.f32 v63, v62;
	[tilespmem:s19+$0xFFFFFF90] =	vst v23;
	v21 =	vadd.f32 v21, v30;
	v23 =	vld [tilespmem:s22+$0xFFFFFEB0];
	v30 =	vmul.f32 v36, v43  }
0x10c: {  	s23 =	simm.s32 $0x11700;
	v46 =	vld [tilespmem:s20+$0xFFFFFF40]  }
0x10d: {  	[tilespmem:s23+$0x0] =	vst v21;
	v21 =	vadd.f32 v30, v29;
	v29 =	vld [tilespmem:s20+$0xFFFFFF50];
	v30 =	vmul.f32 v35, v39  }
0x10e: {  	v47 =	vperm.xlane v34, v0;
	v32 =	vsub.f32 v42, v27;
	v48 =	vld [tilespmem:s25+$0x20]  }
0x10f: {  	v49 =	vld [tilespmem:s25+$0x30];
	[tilespmem:s21+$0x50] =	vst v21;
	v21 =	vadd.f32 v30, v62  }
0x110: {  	v32 =	vmul.f32 v32, v47;
	v30 =	vperm.xlane v26, v5;
	v23 =	vsub.f32 v23, v44;
	v50 =	vld [tilespmem:s22+$0xC0]  }
0x111: {  	v31 =	vld [tilespmem:s22+$0xD0];
	[tilespmem:s19+$0xA0] =	vst v21  }
0x112: {  	v21 =	vadd.f32 v32, v27;
	v23 =	vmul.f32 v23, v30;
	v27 =	vld [tilespmem:s20+$0x160]  }
0x113: {  	v30 =	vperm.xlane v20, v10;
	v25 =	vsub.f32 v29, v46;
	v29 =	vld [tilespmem:s20+$0x170]  }
0x114: {  	v24 =	vld [tilespmem:s24+$0x1F0];
	[tilespmem:s23+$0xFFFFFF00] =	vst v21;
	v21 =	vperm.xlane v18, v1;
	v51 =	vsub.f32 v49, v48;
	v23 =	vadd.f32 v23, v44  }
0x115: {  	v53 =	vld [tilespmem:s25+$0xFFFFFE20];
	v25 =	vmul.f32 v25, v30  }
0x116: {  	v30 =	vld [tilespmem:s25+$0xFFFFFE30];
	v21 =	vmul.f32 v51, v21;
	v31 =	vsub.f32 v31, v50;
	[tilespmem:s21+$0xFFFFFF50] =	vst v23;
	v23 =	vperm.xlane v17, v6  }
0x117: {  	v55 =	vperm.xlane v16, v11;
	v25 =	vadd.f32 v25, v46;
	v54 =	vld [tilespmem:s22+$0xFFFFFEC0]  }
0x118: {  	v21 =	vadd.f32 v21, v48;
	v56 =	vld [tilespmem:s22+$0xFFFFFED0];
	v29 =	vsub.f32 v29, v27;
	v23 =	vmul.f32 v31, v23  }
0x119: {  	[tilespmem:s19+$0xFFFFFFA0] =	vst v25;
	v25 =	vld [tilespmem:s24+$0xFFFFFFB0]  }
0x11a: {  	[tilespmem:s23+$0x10] =	vst v21;
	v31 =	vld [tilespmem:s20+$0xFFFFFF60];
	v21 =	vadd.f32 v23, v50;
	v23 =	vmul.f32 v29, v55  }
0x11b: {  	v30 =	vsub.f32 v30, v53;
	v29 =	vperm.xlane v34, v1;
	v57 =	vld [tilespmem:s25+$0x40]  }
0x11c: {  	v58 =	vld [tilespmem:s25+$0x50];
	[tilespmem:s21+$0x60] =	vst v21;
	v21 =	vadd.f32 v23, v27  }
0x11d: {  	v23 =	vperm.xlane v26, v6;
	v27 =	vmul.f32 v30, v29;
	v29 =	vsub.f32 v56, v54;
	v30 =	vld [tilespmem:s22+$0xE0]  }
0x11e: {  	v59 =	vperm.xlane v19, v13;
	v60 =	vld [tilespmem:s22+$0xF0];
	[tilespmem:s19+$0xB0] =	vst v21;
	v21 =	vsub.f32 v25, v52  }
0x11f: {  	v25 =	vadd.f32 v27, v53;
	v23 =	vmul.f32 v29, v23;
	v27 =	vld [tilespmem:s20+$0x180]  }
0x120: {  	v29 =	vld [tilespmem:s20+$0x190];
	v21 =	vmul.f32 v21, v59  }
0x121: {  	v62 =	vld [tilespmem:s20+$0xFFFFFF70];
	v37 =	vsub.f32 v58, v57;
	[tilespmem:s23+$0xFFFFFF10] =	vst v25;
	v25 =	vperm.xlane v18, v2;
	v23 =	vadd.f32 v23, v54  }
0x122: {  	v41 =	vperm.xlane v16, v12;
	v61 =	vperm.xlane v19, v14;
	v40 =	vld [tilespmem:s25+$0xFFFFFE40];
	v21 =	vadd.f32 v21, v52  }
0x123: {  	v48 =	vld [tilespmem:s25+$0xFFFFFE50];
	v25 =	vmul.f32 v37, v25;
	[tilespmem:s21+$0xFFFFFF60] =	vst v23;
	v23 =	vperm.xlane v17, v7;
	v49 =	vsub.f32 v60, v30  }
0x124: {  	v19 =	vperm.xlane v19, v15;
	v63 =	vperm.xlane v20, v11;
	v50 =	vld [tilespmem:s22+$0xFFFFFEE0]  }
0x125: {  	v51 =	vld [tilespmem:s22+$0xFFFFFEF0];
	[tilespmem:s18+$0xFFFFFFD0] =	vst v21;
	v25 =	vadd.f32 v25, v57;
	v37 =	vmul.f32 v49, v23;
	v29 =	vsub.f32 v29, v27  }
0x126: {  	v43 =	vperm.xlane v20, v12;
	v39 =	vperm.xlane v34, v5;
	v42 =	vld [tilespmem:s24+$0xFFFFFFC0]  }
0x127: {  	v32 =	vsub.f32 v62, v31;
	v52 =	vld [tilespmem:s24+$0xFFFFFFD0];
	[tilespmem:s23+$0x20] =	vst v25;
	v25 =	vadd.f32 v37, v30;
	v29 =	vmul.f32 v29, v41  }
0x128: {  	v47 =	vperm.xlane v16, v13;
	v30 =	vperm.xlane v34, v2;
	v35 =	vsub.f32 v48, v40;
	v53 =	vld [tilespmem:s25+$0x60]  }
0x129: {  	v44 =	vperm.xlane v26, v7;
	v38 =	vmul.f32 v32, v63;
	v45 =	vld [tilespmem:s25+$0x70];
	[tilespmem:s21+$0x70] =	vst v25;
	v25 =	vadd.f32 v29, v27  }
0x12a: {  	v46 =	vperm.xlane v26, v8;
	v27 =	vmul.f32 v35, v30;
	v33 =	vsub.f32 v51, v50;
	v54 =	vld [tilespmem:s22+$0x100]  }
0x12b: {  	v62 =	vsub.f32 v24, v28;
	v24 =	vperm.xlane v26, v14;
	v31 =	vadd.f32 v38, v31;
	v55 =	vld [tilespmem:s22+$0x110];
	[tilespmem:s19+$0xC0] =	vst v25  }
0x12c: {  	v58 =	vperm.xlane v18, v3;
	v40 =	vadd.f32 v27, v40;
	v33 =	vmul.f32 v33, v44;
	v44 =	vld [tilespmem:s20+$0x1A0]  }
0x12d: {  	v32 =	vperm.xlane v26, v9;
	v59 =	vperm.xlane v22, v15;
	[tilespmem:s19+$0xFFFFFFB0] =	vst v31;
	v31 =	vsub.f32 v52, v42;
	v56 =	vld [tilespmem:s20+$0x1B0]  }
0x12e: {  	v23 =	vperm.xlane v20, v13;
	v48 =	vld [tilespmem:s20+$0xFFFFFF80];
	[tilespmem:s23+$0xFFFFFF20] =	vst v40;
	v45 =	vsub.f32 v45, v53;
	v33 =	vadd.f32 v33, v50  }
0x12f: {  	v30 =	vperm.xlane v26, v10;
	v22 =	vmul.f32 v31, v61;
	v50 =	vld [tilespmem:s25+$0xFFFFFE60]  }
0x130: {  	v61 =	vperm.xlane v17, v8;
	v31 =	vld [tilespmem:s25+$0xFFFFFE70];
	v60 =	vmul.f32 v45, v58;
	[tilespmem:s21+$0xFFFFFF70] =	vst v33;
	v38 =	vsub.f32 v55, v54  }
0x131: {  	v29 =	vperm.xlane v26, v11;
	v27 =	vperm.xlane v26, v12;
	v42 =	vadd.f32 v22, v42;
	v63 =	vld [tilespmem:s22+$0xFFFFFF00]  }
0x132: {  	v57 =	vld [tilespmem:s22+$0xFFFFFF10];
	v36 =	vadd.f32 v60, v53;
	v33 =	vmul.f32 v38, v61;
	v37 =	vsub.f32 v56, v44  }
0x133: {  	v25 =	vperm.xlane v26, v13;
	v22 =	vperm.xlane v26, v15;
	v26 =	vld [tilespmem:s20+$0xFFFFFF90];
	[tilespmem:s18+$0xFFFFFFE0] =	vst v42  }
0x134: {  	v21 =	vperm.xlane v20, v14;
	v40 =	vld [tilespmem:s24+$0xFFFFFFE0];
	[tilespmem:s23+$0x30] =	vst v36;
	v33 =	vadd.f32 v33, v54;
	v58 =	vmul.f32 v37, v47  }
0x135: {  	v51 =	vmul.f32 v62, v59;
	v59 =	vperm.xlane v34, v3;
	v31 =	vsub.f32 v31, v50;
	v49 =	vld [tilespmem:s25+$0x80]  }
0x136: {  	v20 =	vperm.xlane v20, v15;
	v41 =	vperm.xlane v34, v9;
	v52 =	vld [tilespmem:s25+$0x90];
	[tilespmem:s21+$0x80] =	vst v33;
	v60 =	vadd.f32 v58, v44  }
0x137: {  	v35 =	vperm.xlane v34, v10;
	v31 =	vmul.f32 v31, v59;
	v61 =	vsub.f32 v57, v63;
	v47 =	vld [tilespmem:s22+$0x120]  }
0x138: {  	v62 =	vperm.xlane v18, v4;
	v51 =	vadd.f32 v51, v28;
	v28 =	vperm.xlane v34, v13;
	v56 =	vld [tilespmem:s22+$0x130];
	[tilespmem:s19+$0xD0] =	vst v60  }
0x139: {  	v26 =	vsub.f32 v26, v48;
	v50 =	vadd.f32 v31, v50;
	v46 =	vmul.f32 v61, v46;
	v44 =	vld [tilespmem:s20+$0x1C0]  }
0x13a: {  	[tilespmem:s18+$0xF0] =	vst v51;
	v51 =	vperm.xlane v17, v9;
	v42 =	vperm.xlane v34, v4;
	v57 =	vld [tilespmem:s20+$0x1D0]  }
0x13b: {  	v38 =	vperm.xlane v34, v6;
	v54 =	vmul.f32 v26, v43;
	v43 =	vld [tilespmem:s24+$0xFFFFFFF0];
	[tilespmem:s23+$0xFFFFFF30] =	vst v50;
	v45 =	vadd.f32 v46, v63  }
0x13c: {  	v37 =	vperm.xlane v34, v7;
	v36 =	vperm.xlane v34, v8;
	v63 =	vsub.f32 v52, v49;
	v53 =	vld [tilespmem:s25+$0xFFFFFE80]  }
0x13d: {  	v33 =	vperm.xlane v34, v11;
	v26 =	vperm.xlane v34, v14;
	v58 =	vadd.f32 v54, v48;
	v54 =	vld [tilespmem:s25+$0xFFFFFE90];
	[tilespmem:s21+$0xFFFFFF80] =	vst v45  }
0x13e: {  	v31 =	vperm.xlane v34, v12;
	v55 =	vmul.f32 v63, v62;
	v52 =	vsub.f32 v56, v47;
	v48 =	vld [tilespmem:s22+$0xFFFFFF20]  }
0x13f: {  	s28 =	simm.s32 $0x890;
	s26 =	simm.s32 $0x6;
	s24 =	simm.s32 $0x1E00;
	v34 =	vperm.xlane v34, v15;
	[tilespmem:s19+$0xFFFFFFC0] =	vst v58;
	v45 =	vperm.xlane v16, v14;
	v50 =	vld [tilespmem:s22+$0xFFFFFF30];
	v46 =	vsub.f32 v57, v44  }
.LBB2_3:
0x140: {  	v56 =	vld [tilespmem:s28+$0x0];
	v49 =	vadd.f32 v55, v49;
	s25 =	sadd.s32 $0x400, s25;
	v51 =	vmul.f32 v52, v51;
	v43 =	vsub.f32 v43, v40  }
0x141: {  	v52 =	vld [tilespmem:s25+$0x0];
	v45 =	vmul.f32 v46, v45  }
0x142: {  	v46 =	vld [tilespmem:s25+$0x10];
	v54 =	vsub.f32 v54, v53;
	[tilespmem:s23+$0x40] =	vst v49;
	v47 =	vadd.f32 v51, v47;
	v43 =	vmul.f32 v43, v19  }
0x143: {  	v19 =	vmovc v20;
	v20 =	vmov v22;
	v22 =	vmov v34;
	v49 =	vld [tilespmem:s24+$0xA0];
	v44 =	vadd.f32 v45, v44  }
0x144: {  	v34 =	vmul.f32 v54, v42;
	v42 =	vld [tilespmem:s24+$0xB0];
	v45 =	vsub.f32 v50, v48;
	[tilespmem:s21+$0x90] =	vst v47;
	v40 =	vadd.f32 v43, v40  }
0x145: {  	v47 =	vld [tilespmem:s22+$0x140];
	[tilespmem:s19+$0xE0] =	vst v44  }
0x146: {  	v34 =	vadd.f32 v34, v53;
	v43 =	vmul.f32 v45, v32;
	v44 =	vld [tilespmem:s20+$0x1E0];
	[tilespmem:s18+$0xFFFFFFF0] =	vst v40;
	v32 =	vmov v41;
	s18 =	smov.u32 s19;
	s19 =	smov.u32 s21;
	s21 =	smov.u32 s23  }
0x147: {  	v40 =	vld [tilespmem:s20+$0x1F0]  }
0x148: {  	[tilespmem:s23+$0xFFFFFF40] =	vst v34;
	v34 =	vadd.f32 v43, v48;
	v41 =	vld [tilespmem:s22+$0x150]  }
0x149: {  	v46 =	vsub.f32 v46, v52;
	v43 =	vperm.xlane v56, v0;
	v45 =	vld [tilespmem:s25+$0xFFFFFE00]  }
0x14a: {  	v48 =	vld [tilespmem:s25+$0xFFFFFE10];
	[tilespmem:s19+$0xFFFFFF90] =	vst v34  }
0x14b: {  	v42 =	vsub.f32 v42, v49;
	v43 =	vmul.f32 v46, v43;
	v46 =	vperm.xlane v18, v5;
	v34 =	vld [tilespmem:s28+$0xFFFFFFF0]  }
0x14c: {  	v51 =	vperm.xlane v17, v10;
	v53 =	vperm.xlane v16, v15;
	v16 =	vmovc v17;
	v50 =	vld [tilespmem:s24+$0xFFFFFEA0];
	v40 =	vsub.f32 v40, v44  }
0x14d: {  	v17 =	vmovc v18;
	v43 =	vadd.f32 v43, v52;
	v42 =	vmul.f32 v42, v46;
	v52 =	vld [tilespmem:s24+$0xFFFFFEB0];
	v41 =	vsub.f32 v41, v47  }
0x14e: {  	s23 =	sadd.s32 $0x200, s23;
	v18 =	vmov v56;
	v46 =	vld [tilespmem:s22+$0xFFFFFF40];
	v40 =	vmul.f32 v40, v53  }
0x14f: {  	v42 =	vadd.f32 v42, v49;
	v48 =	vsub.f32 v48, v45;
	[tilespmem:s23+$0x0] =	vst v43;
	v49 =	vld [tilespmem:s22+$0xFFFFFF50];
	v41 =	vmul.f32 v41, v51  }
0x150: {  	v51 =	vperm.xlane v34, v0;
	v53 =	vperm.xlane v34, v1;
	v54 =	vld [tilespmem:s25+$0x20];
	v44 =	vadd.f32 v40, v44  }
0x151: {  	v40 =	vperm.xlane v34, v2;
	v43 =	vperm.xlane v34, v3;
	v55 =	vld [tilespmem:s25+$0x30];
	[tilespmem:s21+$0x50] =	vst v42;
	v41 =	vadd.f32 v41, v47  }
0x152: {  	v42 =	vperm.xlane v34, v4;
	v47 =	vmul.f32 v48, v51;
	v48 =	vsub.f32 v52, v50;
	v51 =	vld [tilespmem:s24+$0xC0];
	[tilespmem:s18+$0xF0] =	vst v44  }
0x153: {  	v56 =	vperm.xlane v34, v6;
	v52 =	vperm.xlane v34, v5;
	v57 =	vld [tilespmem:s24+$0xD0];
	[tilespmem:s19+$0xA0] =	vst v41  }
0x154: {  	v44 =	vperm.xlane v34, v7;
	v47 =	vadd.f32 v47, v45;
	v48 =	vmul.f32 v48, v39;
	v58 =	vld [tilespmem:s22+$0x160]  }
0x155: {  	v41 =	vperm.xlane v34, v9;
	v45 =	vperm.xlane v34, v8;
	v49 =	vsub.f32 v49, v46;
	v39 =	vmovc v52;
	v59 =	vld [tilespmem:s22+$0x170]  }
0x156: {  	[tilespmem:s23+$0xFFFFFF00] =	vst v47;
	v47 =	vperm.xlane v18, v1;
	v52 =	vsub.f32 v55, v54;
	v48 =	vadd.f32 v48, v50;
	v50 =	vld [tilespmem:s20+$0xFFFFFFA0]  }
0x157: {  	v49 =	vmul.f32 v49, v30;
	v30 =	vmov v35;
	v35 =	vperm.xlane v34, v10;
	v55 =	vld [tilespmem:s25+$0xFFFFFE20]  }
0x158: {  	v60 =	vld [tilespmem:s25+$0xFFFFFE30];
	v47 =	vmul.f32 v52, v47;
	[tilespmem:s21+$0xFFFFFF50] =	vst v48;
	v48 =	vperm.xlane v17, v6;
	v52 =	vsub.f32 v57, v51  }
0x159: {  	s26 =	sadd.s32 $0x2, s26;
	v62 =	vperm.xlane v16, v11;
	v57 =	vperm.xlane v34, v11;
	v49 =	vadd.f32 v49, v46;
	v61 =	vld [tilespmem:s24+$0xFFFFFEC0]  }
0x15a: {  	p0 =	slt.u32 s26, $0x3E;
	v47 =	vadd.f32 v47, v54;
	v54 =	vld [tilespmem:s24+$0xFFFFFED0];
	v48 =	vmul.f32 v52, v48;
	v52 =	vsub.f32 v59, v58  }
0x15b: {  	v46 =	vperm.xlane v34, v12;
	v59 =	vperm.xlane v34, v13;
	[tilespmem:s19+$0xFFFFFFA0] =	vst v49;
	v49 =	vld [tilespmem:s20+$0xFFFFFFB0]  }
0x15c: {  	v63 =	vperm.xlane v34, v14;
	[tilespmem:s23+$0x10] =	vst v47;
	v47 =	vadd.f32 v48, v51;
	v48 =	vld [tilespmem:s22+$0xFFFFFF60];
	v51 =	vmul.f32 v52, v62  }
0x15d: {  	v34 =	vperm.xlane v34, v15;
	v52 =	vsub.f32 v60, v55;
	v60 =	vld [tilespmem:s25+$0x40]  }
0x15e: {  	v62 =	vld [tilespmem:s25+$0x50];
	[tilespmem:s21+$0x60] =	vst v47;
	v47 =	vadd.f32 v51, v58  }
0x15f: {  	v51 =	vmul.f32 v52, v53;
	v52 =	vsub.f32 v54, v61;
	v53 =	vld [tilespmem:s24+$0xE0]  }
0x160: {  	v54 =	vld [tilespmem:s24+$0xF0];
	[tilespmem:s19+$0xB0] =	vst v47;
	v47 =	vsub.f32 v49, v50  }
0x161: {  	v49 =	vadd.f32 v51, v55;
	v51 =	vmul.f32 v52, v38;
	v52 =	vld [tilespmem:s22+$0x180];
	v38 =	vmov v56  }
0x162: {  	v55 =	vld [tilespmem:s22+$0x190];
	v47 =	vmul.f32 v47, v23;
	v23 =	vmovc v25;
	v25 =	vmov v28;
	v28 =	vmov v59  }
0x163: {  	[tilespmem:s23+$0xFFFFFF10] =	vst v49;
	v49 =	vperm.xlane v18, v2;
	v56 =	vsub.f32 v62, v60;
	v51 =	vadd.f32 v51, v61;
	v58 =	vld [tilespmem:s22+$0xFFFFFF70]  }
0x164: {  	v59 =	vld [tilespmem:s25+$0xFFFFFE40];
	v47 =	vadd.f32 v47, v50  }
0x165: {  	v50 =	vld [tilespmem:s25+$0xFFFFFE50];
	v49 =	vmul.f32 v56, v49;
	[tilespmem:s21+$0xFFFFFF60] =	vst v51;
	v51 =	vperm.xlane v17, v7;
	v54 =	vsub.f32 v54, v53  }
0x166: {  	v61 =	vperm.xlane v16, v12;
	v56 =	vld [tilespmem:s24+$0xFFFFFEE0];
	[tilespmem:s18+$0xFFFFFFD0] =	vst v47  }
0x167: {  	v47 =	vadd.f32 v49, v60;
	v49 =	vld [tilespmem:s24+$0xFFFFFEF0];
	v51 =	vmul.f32 v54, v51;
	v54 =	vsub.f32 v55, v52  }
0x168: {  	v55 =	vsub.f32 v58, v48;
	v58 =	vld [tilespmem:s20+$0xFFFFFFC0]  }
0x169: {  	[tilespmem:s23+$0x20] =	vst v47;
	v47 =	vadd.f32 v51, v53;
	v51 =	vmul.f32 v54, v61;
	v53 =	vld [tilespmem:s20+$0xFFFFFFD0]  }
0x16a: {  	v50 =	vsub.f32 v50, v59;
	v54 =	vld [tilespmem:s25+$0x60];
	v55 =	vmul.f32 v55, v29;
	v29 =	vmovc v33;
	v33 =	vmov v57  }
0x16b: {  	v57 =	vld [tilespmem:s25+$0x70];
	[tilespmem:s21+$0x70] =	vst v47;
	v47 =	vadd.f32 v51, v52  }
0x16c: {  	v40 =	vmul.f32 v50, v40;
	v49 =	vsub.f32 v49, v56;
	v50 =	vld [tilespmem:s24+$0x100];
	v48 =	vadd.f32 v55, v48  }
0x16d: {  	v51 =	vld [tilespmem:s24+$0x110];
	[tilespmem:s19+$0xC0] =	vst v47  }
0x16e: {  	v40 =	vadd.f32 v40, v59;
	v47 =	vmul.f32 v49, v37;
	[tilespmem:s19+$0xFFFFFFB0] =	vst v48;
	v48 =	vld [tilespmem:s22+$0x1A0];
	v49 =	vsub.f32 v53, v58  }
0x16f: {  	v37 =	vmov v44;
	v52 =	vld [tilespmem:s22+$0x1B0]  }
0x170: {  	[tilespmem:s23+$0xFFFFFF20] =	vst v40;
	v40 =	vperm.xlane v18, v3;
	v44 =	vsub.f32 v57, v54;
	v47 =	vadd.f32 v47, v56;
	v55 =	vld [tilespmem:s22+$0xFFFFFF80]  }
0x171: {  	v49 =	vmul.f32 v49, v21;
	v21 =	vmovc v24;
	v24 =	vmov v26;
	v26 =	vmov v63;
	v53 =	vld [tilespmem:s25+$0xFFFFFE60]  }
0x172: {  	v56 =	vld [tilespmem:s25+$0xFFFFFE70];
	v40 =	vmul.f32 v44, v40;
	[tilespmem:s21+$0xFFFFFF70] =	vst v47;
	v44 =	vperm.xlane v17, v8;
	v47 =	vsub.f32 v51, v50  }
0x173: {  	v57 =	vperm.xlane v16, v13;
	v49 =	vadd.f32 v49, v58;
	v51 =	vld [tilespmem:s24+$0xFFFFFF00]  }
0x174: {  	v40 =	vadd.f32 v40, v54;
	v54 =	vld [tilespmem:s24+$0xFFFFFF10];
	v44 =	vmul.f32 v47, v44;
	v47 =	vsub.f32 v52, v48  }
0x175: {  	v52 =	vld [tilespmem:s22+$0xFFFFFF90];
	[tilespmem:s18+$0xFFFFFFE0] =	vst v49  }
0x176: {  	[tilespmem:s23+$0x30] =	vst v40;
	v44 =	vadd.f32 v44, v50;
	v47 =	vmul.f32 v47, v57;
	v40 =	vld [tilespmem:s20+$0xFFFFFFE0]  }
0x177: {  	v50 =	vsub.f32 v56, v53;
	v49 =	vld [tilespmem:s25+$0x80]  }
0x178: {  	v56 =	vld [tilespmem:s25+$0x90];
	[tilespmem:s21+$0x80] =	vst v44;
	v44 =	vadd.f32 v47, v48  }
0x179: {  	v43 =	vmul.f32 v50, v43;
	v48 =	vsub.f32 v54, v51;
	v47 =	vld [tilespmem:s24+$0x120]  }
0x17a: {  	v50 =	vld [tilespmem:s24+$0x130];
	v52 =	vsub.f32 v52, v55;
	[tilespmem:s19+$0xD0] =	vst v44  }
0x17b: {  	v43 =	vadd.f32 v43, v53;
	v48 =	vmul.f32 v48, v36;
	v44 =	vld [tilespmem:s22+$0x1C0];
	v36 =	vmov v45  }
0x17c: {  	v45 =	vmul.f32 v52, v27;
	v57 =	vld [tilespmem:s22+$0x1D0];
	v27 =	vmov v31;
	v31 =	vmov v46  }
.Ltmp0:
0x17d: {  	[tilespmem:s23+$0xFFFFFF30] =	vst v43;
	v46 =	vadd.f32 v48, v51;
	v43 =	vld [tilespmem:s20+$0xFFFFFFF0];
	s20 =	smov.u32 s22;
	s22 =	smov.u32 s24;
	(pc) =	sbr.rel @p0 .LBB2_3-.Ltmp0, $4  }
0x17e: {  	v48 =	vperm.xlane v18, v4;
	v51 =	vsub.f32 v56, v49;
	s24 =	smov.u32 s25;
	v53 =	vld [tilespmem:s25+$0xFFFFFE80];
	v45 =	vadd.f32 v45, v55  }
0x17f: {  	v54 =	vld [tilespmem:s25+$0xFFFFFE90];
	[tilespmem:s21+$0xFFFFFF80] =	vst v46  }
0x180: {  	v55 =	vmul.f32 v51, v48;
	v51 =	vperm.xlane v17, v9;
	v52 =	vsub.f32 v50, v47;
	v48 =	vld [tilespmem:s22+$0xFFFFFF20];
	[tilespmem:s19+$0xFFFFFFC0] =	vst v45  }
0x181: {  	s28 =	sadd.s32 $0x20, s28;
	v45 =	vperm.xlane v16, v14;
	v50 =	vld [tilespmem:s22+$0xFFFFFF30];
	v46 =	vsub.f32 v57, v44  }
0x182: {  	_ =	sdelay $0x1  }
0x183: {  	v54 =	vsub.f32 v54, v53;
	_ =	sdelay $0x1  }
0x184: {  	v49 =	vadd.f32 v55, v49;
	v42 =	vmul.f32 v54, v42;
	_ =	sdelay $0x1  }
0x185: {  	[tilespmem:s23+$0x40] =	vst v49;
	v42 =	vadd.f32 v42, v53  }
0x186: {  	v49 =	vld [tilespmem:s24+$0xA0]  }
0x187: {  	v63 =	vld [tilespmem:s24+$0xB0];
	[tilespmem:s23+$0xFFFFFF40] =	vst v42  }
0x188: {  	v42 =	vld [tilespmem:s24+$0xFFFFFEA0]  }
0x189: {  	v57 =	vld [tilespmem:s24+$0xFFFFFEB0];
	_ =	sdelay $0x2  }
0x18a: {  	v58 =	vperm.xlane v18, v5;
	v53 =	vsub.f32 v63, v49;
	_ =	sdelay $0x1  }
0x18b: {  	v53 =	vmul.f32 v53, v58;
	v54 =	vsub.f32 v57, v42;
	_ =	sdelay $0x1  }
0x18c: {  	v49 =	vadd.f32 v53, v49;
	v39 =	vmul.f32 v54, v39;
	_ =	sdelay $0x1  }
0x18d: {  	[tilespmem:s23+$0x50] =	vst v49;
	v39 =	vadd.f32 v39, v42  }
0x18e: {  	v59 =	vld [tilespmem:s24+$0xC0]  }
0x18f: {  	v49 =	vld [tilespmem:s24+$0xD0];
	[tilespmem:s23+$0xFFFFFF50] =	vst v39  }
0x190: {  	v39 =	vld [tilespmem:s24+$0xFFFFFEC0]  }
0x191: {  	v60 =	vld [tilespmem:s24+$0xFFFFFED0];
	_ =	sdelay $0x2  }
0x192: {  	v61 =	vperm.xlane v18, v6;
	v49 =	vsub.f32 v49, v59;
	_ =	sdelay $0x1  }
0x193: {  	v49 =	vmul.f32 v49, v61;
	v53 =	vsub.f32 v60, v39;
	_ =	sdelay $0x1  }
0x194: {  	v42 =	vadd.f32 v49, v59;
	v38 =	vmul.f32 v53, v38;
	_ =	sdelay $0x1  }
0x195: {  	[tilespmem:s23+$0x60] =	vst v42;
	v38 =	vadd.f32 v38, v39  }
0x196: {  	v62 =	vld [tilespmem:s24+$0xE0]  }
0x197: {  	v42 =	vld [tilespmem:s24+$0xF0];
	[tilespmem:s23+$0xFFFFFF60] =	vst v38  }
0x198: {  	v38 =	vld [tilespmem:s24+$0xFFFFFEE0]  }
0x199: {  	v63 =	vld [tilespmem:s24+$0xFFFFFEF0];
	_ =	sdelay $0x2  }
0x19a: {  	v56 =	vperm.xlane v18, v7;
	v42 =	vsub.f32 v42, v62;
	_ =	sdelay $0x1  }
0x19b: {  	v42 =	vmul.f32 v42, v56;
	v49 =	vsub.f32 v63, v38;
	_ =	sdelay $0x1  }
0x19c: {  	v39 =	vadd.f32 v42, v62;
	v37 =	vmul.f32 v49, v37;
	_ =	sdelay $0x1  }
0x19d: {  	[tilespmem:s23+$0x70] =	vst v39;
	v37 =	vadd.f32 v37, v38  }
0x19e: {  	v57 =	vld [tilespmem:s24+$0x100]  }
0x19f: {  	v39 =	vld [tilespmem:s24+$0x110];
	[tilespmem:s23+$0xFFFFFF70] =	vst v37  }
0x1a0: {  	v37 =	vld [tilespmem:s24+$0xFFFFFF00]  }
0x1a1: {  	v58 =	vld [tilespmem:s24+$0xFFFFFF10];
	_ =	sdelay $0x2  }
0x1a2: {  	v59 =	vperm.xlane v18, v8;
	v39 =	vsub.f32 v39, v57;
	_ =	sdelay $0x1  }
0x1a3: {  	v39 =	vmul.f32 v39, v59;
	v42 =	vsub.f32 v58, v37;
	_ =	sdelay $0x1  }
0x1a4: {  	v38 =	vadd.f32 v39, v57;
	v36 =	vmul.f32 v42, v36;
	_ =	sdelay $0x1  }
0x1a5: {  	[tilespmem:s23+$0x80] =	vst v38;
	v36 =	vadd.f32 v36, v37  }
0x1a6: {  	v60 =	vld [tilespmem:s24+$0x120]  }
0x1a7: {  	v38 =	vld [tilespmem:s24+$0x130];
	[tilespmem:s23+$0xFFFFFF80] =	vst v36  }
0x1a8: {  	v36 =	vld [tilespmem:s24+$0xFFFFFF20]  }
0x1a9: {  	v61 =	vmul.f32 v52, v51;
	v62 =	vld [tilespmem:s24+$0xFFFFFF30]  }
0x1aa: {  	v63 =	vsub.f32 v50, v48  }
0x1ab: {  	v39 =	vadd.f32 v61, v47  }
0x1ac: {  	v32 =	vmul.f32 v63, v32;
	v49 =	vperm.xlane v18, v9;
	v38 =	vsub.f32 v38, v60  }
0x1ad: {  	[tilespmem:s21+$0x90] =	vst v39  }
0x1ae: {  	v32 =	vadd.f32 v32, v48;
	v39 =	vld [tilespmem:s22+$0x140];
	v38 =	vmul.f32 v38, v49;
	v42 =	vsub.f32 v62, v36  }
0x1af: {  	v50 =	vld [tilespmem:s22+$0x150]  }
0x1b0: {  	[tilespmem:s21+$0xFFFFFF90] =	vst v32;
	v51 =	vadd.f32 v38, v60;
	v52 =	vmul.f32 v42, v41  }
0x1b1: {  	v53 =	vld [tilespmem:s22+$0xFFFFFF40]  }
0x1b2: {  	v54 =	vld [tilespmem:s22+$0xFFFFFF50];
	[tilespmem:s23+$0x90] =	vst v51;
	v55 =	vadd.f32 v52, v36  }
0x1b3: {  	v56 =	vld [tilespmem:s24+$0x140]  }
0x1b4: {  	v57 =	vperm.xlane v17, v10;
	v58 =	vsub.f32 v50, v39;
	v59 =	vld [tilespmem:s24+$0x150];
	[tilespmem:s23+$0xFFFFFF90] =	vst v55  }
0x1b5: {  	v32 =	vld [tilespmem:s24+$0xFFFFFF40]  }
0x1b6: {  	v37 =	vmul.f32 v58, v57;
	v60 =	vld [tilespmem:s24+$0xFFFFFF50]  }
0x1b7: {  	v41 =	vsub.f32 v54, v53  }
0x1b8: {  	v37 =	vadd.f32 v37, v39  }
0x1b9: {  	v61 =	vperm.xlane v18, v10;
	v30 =	vmul.f32 v41, v30;
	v62 =	vsub.f32 v59, v56  }
0x1ba: {  	[tilespmem:s21+$0xA0] =	vst v37  }
0x1bb: {  	v37 =	vld [tilespmem:s22+$0x160];
	v30 =	vadd.f32 v30, v53;
	v63 =	vmul.f32 v62, v61;
	v47 =	vsub.f32 v60, v32  }
0x1bc: {  	v48 =	vld [tilespmem:s22+$0x170]  }
0x1bd: {  	[tilespmem:s21+$0xFFFFFFA0] =	vst v30;
	v30 =	vadd.f32 v63, v56;
	v35 =	vmul.f32 v47, v35  }
0x1be: {  	v49 =	vld [tilespmem:s22+$0xFFFFFF60]  }
0x1bf: {  	v50 =	vld [tilespmem:s22+$0xFFFFFF70];
	[tilespmem:s23+$0xA0] =	vst v30;
	v30 =	vadd.f32 v35, v32  }
0x1c0: {  	v51 =	vld [tilespmem:s24+$0x160]  }
0x1c1: {  	v52 =	vperm.xlane v17, v11;
	v53 =	vsub.f32 v48, v37;
	v54 =	vld [tilespmem:s24+$0x170];
	[tilespmem:s23+$0xFFFFFFA0] =	vst v30  }
0x1c2: {  	v30 =	vld [tilespmem:s24+$0xFFFFFF60]  }
0x1c3: {  	v35 =	vmul.f32 v53, v52;
	v55 =	vld [tilespmem:s24+$0xFFFFFF70]  }
0x1c4: {  	v38 =	vsub.f32 v50, v49  }
0x1c5: {  	v35 =	vadd.f32 v35, v37  }
0x1c6: {  	v56 =	vperm.xlane v18, v11;
	v29 =	vmul.f32 v38, v29;
	v57 =	vsub.f32 v54, v51  }
0x1c7: {  	[tilespmem:s21+$0xB0] =	vst v35  }
0x1c8: {  	v29 =	vadd.f32 v29, v49;
	v58 =	vmul.f32 v57, v56;
	v35 =	vld [tilespmem:s22+$0x180];
	v59 =	vsub.f32 v55, v30  }
0x1c9: {  	v60 =	vld [tilespmem:s22+$0x190]  }
0x1ca: {  	[tilespmem:s21+$0xFFFFFFB0] =	vst v29;
	v29 =	vadd.f32 v58, v51;
	v61 =	vmul.f32 v59, v33  }
0x1cb: {  	v62 =	vld [tilespmem:s22+$0xFFFFFF80]  }
0x1cc: {  	v63 =	vld [tilespmem:s22+$0xFFFFFF90];
	[tilespmem:s23+$0xB0] =	vst v29;
	v29 =	vadd.f32 v61, v30  }
0x1cd: {  	v47 =	vld [tilespmem:s24+$0x190]  }
0x1ce: {  	v41 =	vperm.xlane v17, v12;
	v42 =	vsub.f32 v60, v35;
	v30 =	vld [tilespmem:s24+$0x180];
	[tilespmem:s23+$0xFFFFFFB0] =	vst v29  }
0x1cf: {  	v29 =	vld [tilespmem:s24+$0xFFFFFF80]  }
0x1d0: {  	v32 =	vmul.f32 v42, v41;
	v48 =	vld [tilespmem:s24+$0xFFFFFF90]  }
0x1d1: {  	v36 =	vsub.f32 v63, v62  }
0x1d2: {  	v32 =	vadd.f32 v32, v35  }
0x1d3: {  	v50 =	vperm.xlane v18, v12;
	v49 =	vld [tilespmem:s20+$0xFFFFFFA0];
	v27 =	vmul.f32 v36, v27;
	v38 =	vsub.f32 v47, v30  }
0x1d4: {  	v51 =	vld [tilespmem:s20+$0xFFFFFFB0];
	[tilespmem:s21+$0xC0] =	vst v32  }
0x1d5: {  	v27 =	vadd.f32 v27, v62;
	v32 =	vld [tilespmem:s22+$0x1A0];
	v52 =	vmul.f32 v38, v50;
	v53 =	vsub.f32 v48, v29  }
0x1d6: {  	v54 =	vld [tilespmem:s22+$0x1B0]  }
0x1d7: {  	[tilespmem:s21+$0xFFFFFFC0] =	vst v27;
	v27 =	vadd.f32 v52, v30;
	v30 =	vmul.f32 v53, v31  }
0x1d8: {  	v56 =	vld [tilespmem:s22+$0xFFFFFFB0]  }
0x1d9: {  	v55 =	vsub.f32 v51, v49;
	v31 =	vld [tilespmem:s22+$0xFFFFFFA0];
	[tilespmem:s23+$0xC0] =	vst v27;
	v27 =	vadd.f32 v30, v29  }
0x1da: {  	v29 =	vld [tilespmem:s24+$0x1A0]  }
0x1db: {  	v23 =	vmul.f32 v55, v23;
	v57 =	vsub.f32 v54, v32;
	v30 =	vperm.xlane v17, v13;
	v58 =	vld [tilespmem:s24+$0x1B0];
	[tilespmem:s23+$0xFFFFFFC0] =	vst v27  }
0x1dc: {  	v27 =	vld [tilespmem:s24+$0xFFFFFFA0]  }
0x1dd: {  	v23 =	vadd.f32 v23, v49;
	v30 =	vmul.f32 v57, v30;
	v59 =	vld [tilespmem:s24+$0xFFFFFFB0]  }
0x1de: {  	v60 =	vsub.f32 v56, v31  }
0x1df: {  	[tilespmem:s19+$0xFFFFFFD0] =	vst v23;
	v23 =	vadd.f32 v30, v32  }
0x1e0: {  	v61 =	vperm.xlane v18, v13;
	v63 =	vld [tilespmem:s20+$0xFFFFFFD0];
	v25 =	vmul.f32 v60, v25;
	v62 =	vsub.f32 v58, v29  }
0x1e1: {  	v30 =	vld [tilespmem:s20+$0xFFFFFFC0];
	[tilespmem:s21+$0xD0] =	vst v23  }
0x1e2: {  	v23 =	vld [tilespmem:s22+$0x1C0];
	v25 =	vadd.f32 v25, v31;
	v31 =	vmul.f32 v62, v61;
	v41 =	vsub.f32 v59, v27  }
0x1e3: {  	v42 =	vld [tilespmem:s22+$0x1D0]  }
0x1e4: {  	[tilespmem:s21+$0xFFFFFFD0] =	vst v25;
	v25 =	vadd.f32 v31, v29;
	v28 =	vmul.f32 v41, v28  }
0x1e5: {  	v29 =	vld [tilespmem:s22+$0xFFFFFFC0]  }
0x1e6: {  	v31 =	vld [tilespmem:s22+$0xFFFFFFD0];
	[tilespmem:s23+$0xD0] =	vst v25;
	v25 =	vadd.f32 v28, v27  }
0x1e7: {  	v27 =	vmul.f32 v46, v45;
	v28 =	vsub.f32 v63, v30;
	v47 =	vld [tilespmem:s24+$0x1C0]  }
0x1e8: {  	v48 =	vperm.xlane v17, v14;
	v33 =	vsub.f32 v42, v23;
	v49 =	vld [tilespmem:s24+$0x1D0];
	[tilespmem:s23+$0xFFFFFFD0] =	vst v25  }
0x1e9: {  	v25 =	vadd.f32 v27, v44;
	v21 =	vmul.f32 v28, v21;
	v27 =	vld [tilespmem:s24+$0xFFFFFFC0]  }
0x1ea: {  	v28 =	vmul.f32 v33, v48;
	v50 =	vld [tilespmem:s24+$0xFFFFFFD0]  }
0x1eb: {  	[tilespmem:s19+$0xE0] =	vst v25;
	v21 =	vadd.f32 v21, v30;
	v25 =	vsub.f32 v31, v29  }
0x1ec: {  	v23 =	vadd.f32 v28, v23;
	v30 =	vld [tilespmem:s20+$0x1E0]  }
0x1ed: {  	v28 =	vld [tilespmem:s20+$0x1F0];
	[tilespmem:s19+$0xFFFFFFE0] =	vst v21;
	v21 =	vmul.f32 v25, v24;
	v24 =	vperm.xlane v18, v14;
	v25 =	vsub.f32 v49, v47  }
0x1ee: {  	v31 =	vld [tilespmem:s20+$0xFFFFFFE0]  }
0x1ef: {  	[tilespmem:s21+$0xE0] =	vst v23;
	v51 =	vld [tilespmem:s20+$0xFFFFFFF0];
	v21 =	vadd.f32 v21, v29;
	v23 =	vmul.f32 v25, v24;
	v24 =	vsub.f32 v50, v27  }
0x1f0: {  	v25 =	vld [tilespmem:s22+$0x1E0]  }
0x1f1: {  	v29 =	vld [tilespmem:s22+$0x1F0];
	[tilespmem:s21+$0xFFFFFFE0] =	vst v21;
	v21 =	vadd.f32 v23, v47;
	v23 =	vmul.f32 v24, v26  }
0x1f2: {  	v24 =	vld [tilespmem:s22+$0xFFFFFFE0]  }
0x1f3: {  	v26 =	vld [tilespmem:s22+$0xFFFFFFF0];
	[tilespmem:s23+$0xE0] =	vst v21;
	v21 =	vadd.f32 v23, v27  }
0x1f4: {  	v23 =	vld [tilespmem:s24+$0x1E0]  }
0x1f5: {  	v27 =	vsub.f32 v43, v40;
	v52 =	vld [tilespmem:s24+$0x1F0];
	[tilespmem:s23+$0xFFFFFFE0] =	vst v21  }
0x1f6: {  	v16 =	vperm.xlane v16, v15;
	v21 =	vsub.f32 v28, v30;
	v28 =	vld [tilespmem:s24+$0xFFFFFFE0]  }
0x1f7: {  	v19 =	vmul.f32 v27, v19;
	v27 =	vld [tilespmem:s24+$0xFFFFFFF0]  }
0x1f8: {  	v16 =	vmul.f32 v21, v16;
	v21 =	vsub.f32 v51, v31  }
0x1f9: {  	v17 =	vperm.xlane v17, v15;
	v18 =	vperm.xlane v18, v15;
	v29 =	vsub.f32 v29, v25  }
0x1fa: {  	v19 =	vadd.f32 v19, v40;
	v20 =	vmul.f32 v21, v20;
	v21 =	vsub.f32 v26, v24  }
0x1fb: {  	v17 =	vmul.f32 v29, v17;
	v16 =	vadd.f32 v16, v30;
	v26 =	vsub.f32 v52, v23  }
0x1fc: {  	[tilespmem:s18+$0xFFFFFFF0] =	vst v19;
	v19 =	vadd.f32 v20, v31;
	v20 =	vmul.f32 v21, v22;
	v21 =	vsub.f32 v27, v28  }
0x1fd: {  	[tilespmem:s19+$0xF0] =	vst v16;
	v16 =	vadd.f32 v17, v25;
	v17 =	vmul.f32 v26, v18  }
0x1fe: {  	p0 =	seq.s32 s17, $0x7;
	[tilespmem:s19+$0xFFFFFFF0] =	vst v19;
	v18 =	vadd.f32 v20, v24;
	v19 =	vmul.f32 v21, v34  }
0x1ff: {  	s18 =	sshll.u32 @!p0 s17, $0xB;
	[tilespmem:s21+$0xF0] =	vst v16;
	v16 =	vadd.f32 v17, v23  }
0x200: {  	s19 =	sadd.s32 @!p0 s18, s10;
	[tilespmem:s21+$0xFFFFFFF0] =	vst v18;
	v17 =	vadd.f32 v19, v28  }
0x201: {  	s20 =	sshrl.u32 @!p0 s19, $0x3;
	[tilespmem:s23+$0xF0] =	vst v16  }
0x202: {  	p1 =	seq.s32 @!p0 s17, $0x0;
	s19 =	simm.s32 @!p0 $0x0;
	s21 =	sadd.s32 @!p0 s4, s20;
	[tilespmem:s23+$0xFFFFFFF0] =	vst v17  }
0x203: {  	[tilespmem:s19], [sflag:$0x1] =	stream.linear.gather @!p0 [hbm4b:s21+s19], $0x400, $0x38;
	[tilespmem:$0x19000] =	vst v63  }
0x204: {  	p1 =	por p0, !p1;
	s20 =	sadd.s32 @!p0 s5, s20;
	s21 =	simm.s32 @!p0 $0x800  }
0x205: {  	[tilespmem:s21], [sflag:$0x1] =	stream.linear.gather @!p0 [hbm4b:s20+s19], $0x400, $0x38;
	[tilespmem:$0x19000] =	vst v63  }
0x206: {  	_ =	swait.ge @p1 [sflag:s15], $0x4000  }
0x207: {  	s25 =	sshll.u32 s17, $0xC;
	[sflag:s15] =	ssyncset.done @p1 $0x0  }
0x208: {  	s21 =	sadd.s32 s25, s11;
	s20 =	simm.s32 @!p0 $0x1;
	[sflag:s15] =	ssyncadd.s32 @p1 $0xFFFFC000  }
0x209: {  	[hbm4b:s21+s2] =	stream.linear.scatter [tilespmem:s7], [sflag:$0x5], $0x4000, $0x38;
	[tilespmem:$0x19000] =	vst v63  }
0x20a: {  	_ =	swait.ge @!p0 [sflag:s20], $0x400  }
0x20b: {  	[sflag:s20] =	ssyncset.done @!p0 $0x0  }
0x20c: {  	[sflag:s20] =	ssyncadd.s32 @!p0 $0xFFFFFC00  }
0x20d: {  	_ =	swait.ge @!p0 [sflag:s20], $0x400  }
0x20e: {  	[sflag:s20] =	ssyncset.done @!p0 $0x0  }
0x20f: {  	s21 =	simm.s32 @!p0 $0x1000;
	[sflag:s20] =	ssyncadd.s32 @!p0 $0xFFFFFC00;
	s20 =	simm.s32 @!p0 $0x80  }
0x210: {  	[tilespmem:s21], [sflag:$0x3] =	stream.indirect.gather @!p0 [hbm4b:s3+s20], $0x20, s19, s20, $0xb8;
	[tilespmem:$0x19000] =	vst v63  }
0x211: {  	s19 =	simm.s32 @!p0 $0x2000  }
0x212: {  	[tilespmem:s19], [sflag:$0x3] =	stream.indirect.gather @!p0 [hbm4b:s3+s20], $0x20, s20, s20, $0xb8;
	[tilespmem:$0x19000] =	vst v63  }
0x213: {  	s21 =	simm.s32 @!p0 $0x3000;
	s19 =	simm.s32 @!p0 $0x100  }
0x214: {  	[tilespmem:s21], [sflag:$0x3] =	stream.indirect.gather @!p0 [hbm4b:s3+s20], $0x20, s19, s20, $0xb8;
	[tilespmem:$0x19000] =	vst v63  }
0x215: {  	s19 =	simm.s32 @!p0 $0x180;
	s21 =	simm.s32 @!p0 $0x4000  }
0x216: {  	[tilespmem:s21], [sflag:$0x3] =	stream.indirect.gather @!p0 [hbm4b:s3+s20], $0x20, s19, s20, $0xb8;
	[tilespmem:$0x19000] =	vst v63  }
0x217: {  	s19 =	simm.s32 @!p0 $0x200;
	s21 =	simm.s32 @!p0 $0x5000  }
0x218: {  	[tilespmem:s21], [sflag:$0x3] =	stream.indirect.gather @!p0 [hbm4b:s3+s20], $0x20, s19, s20, $0xb8;
	[tilespmem:$0x19000] =	vst v63  }
0x219: {  	s19 =	simm.s32 @!p0 $0x280;
	s21 =	simm.s32 @!p0 $0x6000  }
0x21a: {  	[tilespmem:s21], [sflag:$0x3] =	stream.indirect.gather @!p0 [hbm4b:s3+s20], $0x20, s19, s20, $0xb8;
	[tilespmem:$0x19000] =	vst v63  }
0x21b: {  	s19 =	simm.s32 @!p0 $0x300;
	s21 =	simm.s32 @!p0 $0x7000  }
0x21c: {  	[tilespmem:s21], [sflag:$0x3] =	stream.indirect.gather @!p0 [hbm4b:s3+s20], $0x20, s19, s20, $0xb8;
	[tilespmem:$0x19000] =	vst v63  }
0x21d: {  	s19 =	simm.s32 @!p0 $0x380;
	s21 =	simm.s32 @!p0 $0x8000  }
0x21e: {  	[tilespmem:s21], [sflag:$0x3] =	stream.indirect.gather @!p0 [hbm4b:s3+s20], $0x20, s19, s20, $0xb8;
	[tilespmem:$0x19000] =	vst v63  }
0x21f: {  	_ =	swait.ge [sflag:s8], $0x1000  }
0x220: {  	[sflag:s8] =	ssyncset.done $0x0  }
0x221: {  	[sflag:s8] =	ssyncadd.s32 $0xFFFFF000  }
0x222: {  	_ =	swait.ge [sflag:s8], $0x1000  }
0x223: {  	[sflag:s8] =	ssyncset.done $0x0  }
0x224: {  	[sflag:s8] =	ssyncadd.s32 $0xFFFFF000  }
0x225: {  	_ =	swait.ge [sflag:s8], $0x1000  }
0x226: {  	[sflag:s8] =	ssyncset.done $0x0  }
0x227: {  	[sflag:s8] =	ssyncadd.s32 $0xFFFFF000  }
0x228: {  	_ =	swait.ge [sflag:s8], $0x1000  }
0x229: {  	[sflag:s8] =	ssyncset.done $0x0  }
0x22a: {  	[sflag:s8] =	ssyncadd.s32 $0xFFFFF000  }
0x22b: {  	_ =	swait.ge [sflag:s8], $0x1000  }
0x22c: {  	[sflag:s8] =	ssyncset.done $0x0  }
0x22d: {  	[sflag:s8] =	ssyncadd.s32 $0xFFFFF000  }
0x22e: {  	_ =	swait.ge [sflag:s8], $0x1000  }
0x22f: {  	[sflag:s8] =	ssyncset.done $0x0  }
0x230: {  	[sflag:s8] =	ssyncadd.s32 $0xFFFFF000  }
0x231: {  	_ =	swait.ge [sflag:s8], $0x1000  }
0x232: {  	[sflag:s8] =	ssyncset.done $0x0  }
0x233: {  	[sflag:s8] =	ssyncadd.s32 $0xFFFFF000  }
0x234: {  	_ =	swait.ge [sflag:s8], $0x1000  }
0x235: {  	[sflag:s8] =	ssyncset.done $0x0  }
0x236: {  	s22 =	simm.s32 $0xC10;
	[sflag:s8] =	ssyncadd.s32 $0xFFFFF000  }
0x237: {  	s26 =	simm.s32 $0x93F0;
	v22 =	vld [tilespmem:s22+$0x0]  }
0x238: {  	v16 =	vld [tilespmem:s26+$0xFFFFFE10]  }
0x239: {  	v17 =	vld [tilespmem:s26+$0xFFFFFE20];
	_ =	sdelay $0x3  }
0x23a: {  	v18 =	vld [tilespmem:s26+$0xFFFFFC10]  }
0x23b: {  	v21 =	vld [tilespmem:s26+$0xFFFFFC20];
	v20 =	vperm.xlane v22, v0;
	v17 =	vsub.f32 v17, v16  }
0x23c: {  	v19 =	vld [tilespmem:s22+$0xFFFFFFF0]  }
0x23d: {  	v17 =	vmul.f32 v17, v20;
	_ =	sdelay $0x1  }
0x23e: {  	v16 =	vadd.f32 v17, v16  }
0x23f: {  	s19 =	simm.s32 $0x151F0  }
0x240: {  	v17 =	vsub.f32 v21, v18;
	[tilespmem:s19+$0xFFFFFF10] =	vst v16;
	v16 =	vperm.xlane v19, v0  }
0x241: {  	v20 =	vld [tilespmem:s26+$0xFFFFFE30]  }
0x242: {  	v21 =	vld [tilespmem:s26+$0xFFFFFE40];
	v16 =	vmul.f32 v17, v16;
	_ =	sdelay $0x1  }
0x243: {  	v16 =	vadd.f32 v16, v18;
	_ =	sdelay $0x1  }
0x244: {  	[tilespmem:s19+$0xFFFFFE10] =	vst v16  }
0x245: {  	v16 =	vperm.xlane v22, v1;
	v17 =	vsub.f32 v21, v20;
	v18 =	vld [tilespmem:s26+$0xFFFFFC30]  }
0x246: {  	v21 =	vld [tilespmem:s26+$0xFFFFFC40]  }
0x247: {  	v16 =	vmul.f32 v17, v16;
	_ =	sdelay $0x1  }
0x248: {  	v16 =	vadd.f32 v16, v20;
	_ =	sdelay $0x1  }
0x249: {  	v17 =	vperm.xlane v19, v1;
	[tilespmem:s19+$0xFFFFFF20] =	vst v16;
	v16 =	vsub.f32 v21, v18  }
0x24a: {  	v20 =	vld [tilespmem:s26+$0xFFFFFE50]  }
0x24b: {  	v21 =	vld [tilespmem:s26+$0xFFFFFE60];
	v16 =	vmul.f32 v16, v17;
	_ =	sdelay $0x1  }
0x24c: {  	v16 =	vadd.f32 v16, v18;
	_ =	sdelay $0x1  }
0x24d: {  	[tilespmem:s19+$0xFFFFFE20] =	vst v16  }
0x24e: {  	v16 =	vperm.xlane v22, v2;
	v17 =	vsub.f32 v21, v20;
	v18 =	vld [tilespmem:s26+$0xFFFFFC50]  }
0x24f: {  	v21 =	vld [tilespmem:s26+$0xFFFFFC60]  }
0x250: {  	v16 =	vmul.f32 v17, v16;
	_ =	sdelay $0x1  }
0x251: {  	v16 =	vadd.f32 v16, v20;
	_ =	sdelay $0x1  }
0x252: {  	v17 =	vperm.xlane v19, v2;
	[tilespmem:s19+$0xFFFFFF30] =	vst v16;
	v16 =	vsub.f32 v21, v18  }
0x253: {  	v20 =	vld [tilespmem:s26+$0xFFFFFE70]  }
0x254: {  	v21 =	vld [tilespmem:s26+$0xFFFFFE80];
	v16 =	vmul.f32 v16, v17;
	_ =	sdelay $0x1  }
0x255: {  	v16 =	vadd.f32 v16, v18;
	_ =	sdelay $0x1  }
0x256: {  	[tilespmem:s19+$0xFFFFFE30] =	vst v16  }
0x257: {  	v16 =	vperm.xlane v22, v3;
	v17 =	vsub.f32 v21, v20;
	v18 =	vld [tilespmem:s26+$0xFFFFFC70]  }
0x258: {  	v21 =	vld [tilespmem:s26+$0xFFFFFC80]  }
0x259: {  	v16 =	vmul.f32 v17, v16;
	_ =	sdelay $0x1  }
0x25a: {  	v16 =	vadd.f32 v16, v20;
	_ =	sdelay $0x1  }
0x25b: {  	v17 =	vperm.xlane v19, v3;
	[tilespmem:s19+$0xFFFFFF40] =	vst v16;
	v16 =	vsub.f32 v21, v18  }
0x25c: {  	v20 =	vld [tilespmem:s26+$0xFFFFFE90]  }
0x25d: {  	v21 =	vld [tilespmem:s26+$0xFFFFFEA0];
	v16 =	vmul.f32 v16, v17;
	_ =	sdelay $0x1  }
0x25e: {  	v16 =	vadd.f32 v16, v18;
	_ =	sdelay $0x1  }
0x25f: {  	[tilespmem:s19+$0xFFFFFE40] =	vst v16  }
0x260: {  	v16 =	vperm.xlane v22, v4;
	v18 =	vsub.f32 v21, v20;
	v17 =	vld [tilespmem:s26+$0xFFFFFC90]  }
0x261: {  	v21 =	vld [tilespmem:s26+$0xFFFFFCA0]  }
0x262: {  	v18 =	vmul.f32 v18, v16  }
0x263: {  	s21 =	simm.s32 $0x97F0  }
0x264: {  	v23 =	vld [tilespmem:s21+$0xFFFFFE10];
	v18 =	vadd.f32 v18, v20  }
0x265: {  	s23 =	simm.s32 $0xC30;
	v24 =	vld [tilespmem:s21+$0xFFFFFE20]  }
0x266: {  	v16 =	vld [tilespmem:s23+$0x0];
	v20 =	vperm.xlane v19, v4;
	v21 =	vsub.f32 v21, v17;
	[tilespmem:s19+$0xFFFFFF50] =	vst v18  }
0x267: {  	v18 =	vld [tilespmem:s26+$0xFFFFFEB0]  }
0x268: {  	v20 =	vmul.f32 v21, v20;
	v21 =	vld [tilespmem:s26+$0xFFFFFEC0];
	_ =	sdelay $0x2  }
0x269: {  	v25 =	vld [tilespmem:s21+$0xFFFFFC10];
	v24 =	vsub.f32 v24, v23;
	v26 =	vperm.xlane v16, v0;
	v17 =	vadd.f32 v20, v17  }
0x26a: {  	v27 =	vld [tilespmem:s21+$0xFFFFFC20]  }
0x26b: {  	v20 =	vld [tilespmem:s23+$0xFFFFFFF0];
	[tilespmem:s19+$0xFFFFFE50] =	vst v17;
	v17 =	vmul.f32 v24, v26;
	v24 =	vperm.xlane v22, v5;
	v21 =	vsub.f32 v21, v18  }
0x26c: {  	v26 =	vld [tilespmem:s26+$0xFFFFFCB0]  }
0x26d: {  	v28 =	vld [tilespmem:s26+$0xFFFFFCC0];
	v17 =	vadd.f32 v17, v23;
	v21 =	vmul.f32 v21, v24  }
0x26e: {  	s20 =	simm.s32 $0x153F0  }
0x26f: {  	[tilespmem:s20+$0xFFFFFF10] =	vst v17;
	v17 =	vadd.f32 v21, v18  }
0x270: {  	v23 =	vsub.f32 v27, v25;
	v18 =	vperm.xlane v20, v0;
	v21 =	vld [tilespmem:s21+$0xFFFFFE30]  }
0x271: {  	v27 =	vld [tilespmem:s21+$0xFFFFFE40];
	[tilespmem:s19+$0xFFFFFF60] =	vst v17  }
0x272: {  	v24 =	vperm.xlane v19, v5;
	v17 =	vmul.f32 v23, v18;
	v18 =	vsub.f32 v28, v26;
	v23 =	vld [tilespmem:s26+$0xFFFFFED0]  }
0x273: {  	v28 =	vld [tilespmem:s26+$0xFFFFFEE0]  }
0x274: {  	v17 =	vadd.f32 v17, v25;
	v18 =	vmul.f32 v18, v24;
	_ =	sdelay $0x1  }
0x275: {  	v24 =	vsub.f32 v27, v21;
	[tilespmem:s20+$0xFFFFFE10] =	vst v17;
	v17 =	vadd.f32 v18, v26;
	v18 =	vperm.xlane v16, v1  }
0x276: {  	v25 =	vld [tilespmem:s21+$0xFFFFFC30]  }
0x277: {  	v26 =	vld [tilespmem:s21+$0xFFFFFC40];
	[tilespmem:s19+$0xFFFFFE60] =	vst v17;
	v17 =	vmul.f32 v24, v18;
	v18 =	vperm.xlane v22, v6;
	v24 =	vsub.f32 v28, v23  }
0x278: {  	v27 =	vld [tilespmem:s26+$0xFFFFFCD0]  }
0x279: {  	v28 =	vld [tilespmem:s26+$0xFFFFFCE0];
	v17 =	vadd.f32 v17, v21;
	v18 =	vmul.f32 v24, v18;
	_ =	sdelay $0x1  }
0x27a: {  	[tilespmem:s20+$0xFFFFFF20] =	vst v17;
	v17 =	vadd.f32 v18, v23  }
0x27b: {  	v21 =	vperm.xlane v20, v1;
	v18 =	vsub.f32 v26, v25;
	v23 =	vld [tilespmem:s21+$0xFFFFFE50]  }
0x27c: {  	v26 =	vld [tilespmem:s21+$0xFFFFFE60];
	[tilespmem:s19+$0xFFFFFF70] =	vst v17  }
0x27d: {  	v24 =	vperm.xlane v19, v6;
	v17 =	vmul.f32 v18, v21;
	v18 =	vsub.f32 v28, v27;
	v21 =	vld [tilespmem:s26+$0xFFFFFEF0]  }
0x27e: {  	v28 =	vld [tilespmem:s26+$0xFFFFFF00]  }
0x27f: {  	v17 =	vadd.f32 v17, v25;
	v18 =	vmul.f32 v18, v24;
	_ =	sdelay $0x1  }
0x280: {  	[tilespmem:s20+$0xFFFFFE20] =	vst v17;
	v17 =	vadd.f32 v18, v27;
	v18 =	vperm.xlane v16, v2;
	v24 =	vsub.f32 v26, v23  }
0x281: {  	v25 =	vld [tilespmem:s21+$0xFFFFFC50]  }
0x282: {  	v26 =	vld [tilespmem:s21+$0xFFFFFC60];
	[tilespmem:s19+$0xFFFFFE70] =	vst v17;
	v17 =	vmul.f32 v24, v18;
	v18 =	vperm.xlane v22, v7;
	v24 =	vsub.f32 v28, v21  }
0x283: {  	v27 =	vld [tilespmem:s26+$0xFFFFFCF0]  }
0x284: {  	v28 =	vld [tilespmem:s26+$0xFFFFFD00];
	v17 =	vadd.f32 v17, v23;
	v18 =	vmul.f32 v24, v18;
	_ =	sdelay $0x1  }
0x285: {  	[tilespmem:s20+$0xFFFFFF30] =	vst v17;
	v17 =	vadd.f32 v18, v21  }
0x286: {  	v23 =	vperm.xlane v20, v2;
	v18 =	vsub.f32 v26, v25;
	v21 =	vld [tilespmem:s21+$0xFFFFFE70]  }
0x287: {  	v26 =	vld [tilespmem:s21+$0xFFFFFE80];
	[tilespmem:s19+$0xFFFFFF80] =	vst v17  }
0x288: {  	v24 =	vperm.xlane v19, v7;
	v17 =	vmul.f32 v18, v23;
	v18 =	vsub.f32 v28, v27;
	v23 =	vld [tilespmem:s26+$0xFFFFFF10]  }
0x289: {  	v28 =	vld [tilespmem:s26+$0xFFFFFF20]  }
0x28a: {  	v17 =	vadd.f32 v17, v25;
	v18 =	vmul.f32 v18, v24;
	_ =	sdelay $0x1  }
0x28b: {  	[tilespmem:s20+$0xFFFFFE30] =	vst v17;
	v17 =	vadd.f32 v18, v27;
	v18 =	vperm.xlane v16, v3;
	v24 =	vsub.f32 v26, v21  }
0x28c: {  	v25 =	vld [tilespmem:s21+$0xFFFFFC70]  }
0x28d: {  	v26 =	vld [tilespmem:s21+$0xFFFFFC80];
	[tilespmem:s19+$0xFFFFFE80] =	vst v17;
	v17 =	vmul.f32 v24, v18;
	v18 =	vperm.xlane v22, v8;
	v24 =	vsub.f32 v28, v23;
	_ =	sdelay $0x1  }
0x28e: {  	v27 =	vld [tilespmem:s26+$0xFFFFFD10];
	v17 =	vadd.f32 v17, v21;
	v18 =	vmul.f32 v24, v18  }
0x28f: {  	v28 =	vld [tilespmem:s26+$0xFFFFFD20]  }
0x290: {  	[tilespmem:s20+$0xFFFFFF40] =	vst v17;
	v17 =	vadd.f32 v18, v23  }
0x291: {  	v21 =	vperm.xlane v20, v3;
	v18 =	vsub.f32 v26, v25;
	v23 =	vld [tilespmem:s21+$0xFFFFFE90]  }
0x292: {  	v26 =	vld [tilespmem:s21+$0xFFFFFEA0];
	[tilespmem:s19+$0xFFFFFF90] =	vst v17  }
0x293: {  	v17 =	vmul.f32 v18, v21;
	v21 =	vld [tilespmem:s26+$0xFFFFFF30]  }
0x294: {  	v24 =	vperm.xlane v19, v8;
	v18 =	vsub.f32 v28, v27;
	v28 =	vld [tilespmem:s26+$0xFFFFFF40]  }
0x295: {  	v17 =	vadd.f32 v17, v25  }
0x296: {  	s23 =	simm.s32 $0x9BF0;
	v18 =	vmul.f32 v18, v24  }
0x297: {  	v54 =	vld [tilespmem:s23+$0xFFFFFC20];
	v24 =	vperm.xlane v16, v4;
	[tilespmem:s20+$0xFFFFFE40] =	vst v17;
	v25 =	vsub.f32 v26, v23  }
0x298: {  	v17 =	vadd.f32 v18, v27;
	v18 =	vld [tilespmem:s21+$0xFFFFFC90]  }
0x299: {  	s24 =	simm.s32 $0xC50;
	v27 =	vperm.xlane v22, v9;
	v26 =	vld [tilespmem:s21+$0xFFFFFCA0];
	v24 =	vmul.f32 v25, v24;
	v28 =	vsub.f32 v28, v21  }
0x29a: {  	[tilespmem:s19+$0xFFFFFE90] =	vst v17;
	v17 =	vld [tilespmem:s24+$0x0]  }
0x29b: {  	v25 =	vld [tilespmem:s26+$0xFFFFFD30];
	v23 =	vadd.f32 v24, v23;
	v24 =	vmul.f32 v28, v27  }
0x29c: {  	v27 =	vld [tilespmem:s23+$0xFFFFFE10]  }
0x29d: {  	v28 =	vld [tilespmem:s23+$0xFFFFFE20];
	[tilespmem:s20+$0xFFFFFF50] =	vst v23;
	v21 =	vadd.f32 v24, v21  }
0x29e: {  	v23 =	vperm.xlane v20, v4;
	v24 =	vsub.f32 v26, v18;
	v30 =	vld [tilespmem:s21+$0xFFFFFEB0]  }
0x29f: {  	v31 =	vld [tilespmem:s21+$0xFFFFFEC0];
	[tilespmem:s19+$0xFFFFFFA0] =	vst v21  }
0x2a0: {  	v21 =	vmul.f32 v24, v23;
	v23 =	vld [tilespmem:s26+$0xFFFFFF50]  }
0x2a1: {  	v24 =	vld [tilespmem:s26+$0xFFFFFF60]  }
0x2a2: {  	v29 =	vld [tilespmem:s26+$0xFFFFFD40];
	v53 =	vperm.xlane v17, v0;
	v28 =	vsub.f32 v28, v27;
	v18 =	vadd.f32 v21, v18  }
0x2a3: {  	v26 =	vld [tilespmem:s24+$0xFFFFFFF0]  }
0x2a4: {  	v21 =	vld [tilespmem:s23+$0xFFFFFC10];
	[tilespmem:s20+$0xFFFFFE50] =	vst v18;
	v18 =	vmul.f32 v28, v53;
	v28 =	vperm.xlane v16, v5;
	v31 =	vsub.f32 v31, v30  }
0x2a5: {  	v56 =	vperm.xlane v22, v10;
	v55 =	vld [tilespmem:s21+$0xFFFFFCB0]  }
0x2a6: {  	v18 =	vadd.f32 v18, v27;
	v27 =	vld [tilespmem:s21+$0xFFFFFCC0];
	v28 =	vmul.f32 v31, v28;
	v24 =	vsub.f32 v24, v23  }
0x2a7: {  	s22 =	simm.s32 $0x155F0;
	v29 =	vsub.f32 v29, v25  }
0x2a8: {  	v31 =	vperm.xlane v19, v9;
	[tilespmem:s22+$0xFFFFFF10] =	vst v18;
	v18 =	vadd.f32 v28, v30;
	v24 =	vmul.f32 v24, v56  }
0x2a9: {  	v28 =	vsub.f32 v54, v21;
	v30 =	vperm.xlane v26, v0;
	v57 =	vld [tilespmem:s23+$0xFFFFFE30]  }
0x2aa: {  	v29 =	vmul.f32 v29, v31;
	v31 =	vld [tilespmem:s23+$0xFFFFFE40];
	[tilespmem:s20+$0xFFFFFF60] =	vst v18;
	v18 =	vadd.f32 v24, v23  }
0x2ab: {  	v23 =	vperm.xlane v20, v5;
	v24 =	vmul.f32 v28, v30;
	v27 =	vsub.f32 v27, v55;
	v28 =	vld [tilespmem:s21+$0xFFFFFED0]  }
0x2ac: {  	v25 =	vadd.f32 v29, v25;
	v29 =	vld [tilespmem:s21+$0xFFFFFEE0];
	[tilespmem:s19+$0xFFFFFFB0] =	vst v18  }
0x2ad: {  	v18 =	vadd.f32 v24, v21;
	v21 =	vmul.f32 v27, v23;
	v23 =	vld [tilespmem:s26+$0xFFFFFF70]  }
0x2ae: {  	[tilespmem:s19+$0xFFFFFEA0] =	vst v25;
	v24 =	vld [tilespmem:s26+$0xFFFFFF80]  }
0x2af: {  	v25 =	vld [tilespmem:s26+$0xFFFFFD50];
	[tilespmem:s22+$0xFFFFFE10] =	vst v18;
	v18 =	vperm.xlane v17, v1;
	v27 =	vsub.f32 v31, v57;
	v21 =	vadd.f32 v21, v55  }
0x2b0: {  	v30 =	vld [tilespmem:s23+$0xFFFFFC30]  }
0x2b1: {  	v31 =	vld [tilespmem:s23+$0xFFFFFC40];
	v18 =	vmul.f32 v27, v18;
	v27 =	vsub.f32 v29, v28;
	[tilespmem:s20+$0xFFFFFE60] =	vst v21;
	v21 =	vperm.xlane v16, v6  }
0x2b2: {  	v58 =	vperm.xlane v22, v11;
	v29 =	vld [tilespmem:s21+$0xFFFFFCD0]  }
0x2b3: {  	v18 =	vadd.f32 v18, v57;
	v59 =	vld [tilespmem:s21+$0xFFFFFCE0];
	v24 =	vsub.f32 v24, v23;
	v21 =	vmul.f32 v27, v21  }
0x2b4: {  	v27 =	vld [tilespmem:s26+$0xFFFFFD60]  }
0x2b5: {  	[tilespmem:s22+$0xFFFFFF20] =	vst v18;
	v18 =	vadd.f32 v21, v28;
	v21 =	vmul.f32 v24, v58  }
0x2b6: {  	v24 =	vperm.xlane v26, v1;
	v28 =	vsub.f32 v31, v30;
	v31 =	vld [tilespmem:s23+$0xFFFFFE50]  }
0x2b7: {  	v60 =	vld [tilespmem:s23+$0xFFFFFE60];
	[tilespmem:s20+$0xFFFFFF70] =	vst v18;
	v18 =	vadd.f32 v21, v23  }
0x2b8: {  	v21 =	vperm.xlane v20, v6;
	v23 =	vmul.f32 v28, v24;
	v24 =	vsub.f32 v59, v29;
	v28 =	vld [tilespmem:s21+$0xFFFFFEF0]  }
0x2b9: {  	v61 =	vperm.xlane v19, v10;
	v27 =	vsub.f32 v27, v25;
	v62 =	vld [tilespmem:s21+$0xFFFFFF00];
	[tilespmem:s19+$0xFFFFFFC0] =	vst v18  }
0x2ba: {  	v18 =	vadd.f32 v23, v30;
	v21 =	vmul.f32 v24, v21;
	v23 =	vld [tilespmem:s26+$0xFFFFFF90]  }
0x2bb: {  	v24 =	vmul.f32 v27, v61;
	v27 =	vld [tilespmem:s26+$0xFFFFFFA0]  }
0x2bc: {  	v30 =	vsub.f32 v60, v31;
	[tilespmem:s22+$0xFFFFFE20] =	vst v18;
	v18 =	vperm.xlane v17, v2;
	v21 =	vadd.f32 v21, v29  }
0x2bd: {  	v24 =	vadd.f32 v24, v25;
	v25 =	vld [tilespmem:s23+$0xFFFFFC50]  }
0x2be: {  	v29 =	vld [tilespmem:s23+$0xFFFFFC60];
	v18 =	vmul.f32 v30, v18;
	[tilespmem:s20+$0xFFFFFE70] =	vst v21;
	v21 =	vperm.xlane v16, v7;
	v30 =	vsub.f32 v62, v28  }
0x2bf: {  	v36 =	vperm.xlane v22, v12;
	v63 =	vld [tilespmem:s21+$0xFFFFFCF0]  }
0x2c0: {  	[tilespmem:s19+$0xFFFFFEB0] =	vst v24;
	v24 =	vld [tilespmem:s21+$0xFFFFFD00];
	v18 =	vadd.f32 v18, v31;
	v21 =	vmul.f32 v30, v21;
	v27 =	vsub.f32 v27, v23  }
0x2c1: {  	v30 =	vld [tilespmem:s26+$0xFFFFFD70]  }
0x2c2: {  	v31 =	vld [tilespmem:s26+$0xFFFFFD80];
	[tilespmem:s22+$0xFFFFFF30] =	vst v18;
	v18 =	vadd.f32 v21, v28;
	v21 =	vmul.f32 v27, v36  }
0x2c3: {  	v27 =	vperm.xlane v26, v2;
	v28 =	vsub.f32 v29, v25;
	v29 =	vld [tilespmem:s23+$0xFFFFFE70]  }
0x2c4: {  	v37 =	vld [tilespmem:s23+$0xFFFFFE80];
	[tilespmem:s20+$0xFFFFFF80] =	vst v18;
	v18 =	vadd.f32 v21, v23  }
0x2c5: {  	v21 =	vperm.xlane v20, v7;
	v23 =	vmul.f32 v28, v27;
	v24 =	vsub.f32 v24, v63;
	v27 =	vld [tilespmem:s21+$0xFFFFFF10]  }
0x2c6: {  	v28 =	vld [tilespmem:s21+$0xFFFFFF20];
	[tilespmem:s19+$0xFFFFFFD0] =	vst v18  }
0x2c7: {  	v18 =	vadd.f32 v23, v25;
	v21 =	vmul.f32 v24, v21;
	v23 =	vld [tilespmem:s26+$0xFFFFFFB0]  }
0x2c8: {  	s28 =	simm.s32 $0x9FF0;
	v24 =	vperm.xlane v19, v11;
	v25 =	vsub.f32 v31, v30;
	v31 =	vld [tilespmem:s26+$0xFFFFFFC0]  }
0x2c9: {  	v46 =	vld [tilespmem:s28+$0xFFFFFE20];
	[tilespmem:s22+$0xFFFFFE30] =	vst v18;
	v18 =	vperm.xlane v17, v3;
	v33 =	vsub.f32 v37, v29;
	v21 =	vadd.f32 v21, v63  }
0x2ca: {  	v24 =	vmul.f32 v25, v24;
	v25 =	vld [tilespmem:s23+$0xFFFFFC70]  }
0x2cb: {  	v38 =	vld [tilespmem:s23+$0xFFFFFC80];
	v18 =	vmul.f32 v33, v18;
	[tilespmem:s20+$0xFFFFFE80] =	vst v21;
	v21 =	vperm.xlane v16, v8;
	v28 =	vsub.f32 v28, v27  }
0x2cc: {  	v52 =	vld [tilespmem:s28+$0xFFFFFC20];
	v39 =	vperm.xlane v22, v13;
	v24 =	vadd.f32 v24, v30  }
0x2cd: {  	v30 =	vld [tilespmem:s21+$0xFFFFFD10];
	v18 =	vadd.f32 v18, v29;
	v21 =	vmul.f32 v28, v21;
	v28 =	vsub.f32 v31, v23  }
0x2ce: {  	v29 =	vld [tilespmem:s21+$0xFFFFFD20];
	[tilespmem:s19+$0xFFFFFEC0] =	vst v24  }
0x2cf: {  	v31 =	vld [tilespmem:s26+$0xFFFFFD90];
	[tilespmem:s22+$0xFFFFFF40] =	vst v18;
	v18 =	vadd.f32 v21, v27;
	v21 =	vmul.f32 v28, v39  }
0x2d0: {  	v24 =	vperm.xlane v26, v3;
	v27 =	vsub.f32 v38, v25;
	v28 =	vld [tilespmem:s23+$0xFFFFFE90]  }
0x2d1: {  	v40 =	vld [tilespmem:s23+$0xFFFFFEA0];
	[tilespmem:s20+$0xFFFFFF90] =	vst v18;
	v18 =	vadd.f32 v21, v23  }
0x2d2: {  	v23 =	vmul.f32 v27, v24;
	v27 =	vld [tilespmem:s21+$0xFFFFFF30]  }
0x2d3: {  	v21 =	vperm.xlane v20, v8;
	v24 =	vsub.f32 v29, v30;
	v29 =	vld [tilespmem:s21+$0xFFFFFF40];
	[tilespmem:s19+$0xFFFFFFE0] =	vst v18  }
0x2d4: {  	v18 =	vadd.f32 v23, v25;
	v23 =	vld [tilespmem:s26+$0xFFFFFFD0]  }
0x2d5: {  	v21 =	vmul.f32 v24, v21;
	v24 =	vld [tilespmem:s26+$0xFFFFFFE0]  }
0x2d6: {  	s24 =	simm.s32 $0xC70;
	v25 =	vld [tilespmem:s26+$0xFFFFFDA0]  }
0x2d7: {  	v34 =	vld [tilespmem:s24+$0xFFFFFFF0];
	[tilespmem:s22+$0xFFFFFE40] =	vst v18;
	v32 =	vsub.f32 v40, v28;
	v18 =	vadd.f32 v21, v30;
	v30 =	vperm.xlane v17, v4  }
0x2d8: {  	v43 =	vperm.xlane v16, v9;
	v21 =	vld [tilespmem:s23+$0xFFFFFC90];
	v29 =	vsub.f32 v29, v27  }
0x2d9: {  	v41 =	vld [tilespmem:s23+$0xFFFFFCA0];
	[tilespmem:s20+$0xFFFFFE90] =	vst v18;
	v30 =	vmul.f32 v32, v30  }
0x2da: {  	v45 =	vperm.xlane v22, v14;
	v42 =	vld [tilespmem:s21+$0xFFFFFD30];
	v24 =	vsub.f32 v24, v23;
	v29 =	vmul.f32 v29, v43  }
0x2db: {  	v56 =	vperm.xlane v19, v12;
	v25 =	vsub.f32 v25, v31;
	v44 =	vld [tilespmem:s21+$0xFFFFFD40];
	v28 =	vadd.f32 v30, v28  }
0x2dc: {  	v18 =	vld [tilespmem:s24+$0x0];
	v24 =	vmul.f32 v24, v45;
	v27 =	vadd.f32 v29, v27  }
0x2dd: {  	v30 =	vld [tilespmem:s28+$0xFFFFFE10];
	v25 =	vmul.f32 v25, v56;
	[tilespmem:s22+$0xFFFFFF50] =	vst v28  }
0x2de: {  	v29 =	vld [tilespmem:s23+$0xFFFFFEB0];
	v23 =	vadd.f32 v24, v23;
	[tilespmem:s20+$0xFFFFFFA0] =	vst v27;
	v24 =	vperm.xlane v26, v4;
	v27 =	vsub.f32 v41, v21  }
0x2df: {  	v25 =	vadd.f32 v25, v31;
	v47 =	vld [tilespmem:s23+$0xFFFFFEC0]  }
0x2e0: {  	v48 =	vld [tilespmem:s21+$0xFFFFFF50];
	v35 =	vsub.f32 v44, v42;
	[tilespmem:s19+$0xFFFFFFF0] =	vst v23;
	v23 =	vperm.xlane v20, v9;
	v27 =	vmul.f32 v27, v24  }
0x2e1: {  	v50 =	vperm.xlane v18, v0;
	v49 =	vld [tilespmem:s21+$0xFFFFFF60];
	[tilespmem:s19+$0xFFFFFED0] =	vst v25  }
0x2e2: {  	v51 =	vsub.f32 v46, v30;
	v63 =	vld [tilespmem:s26+$0xFFFFFDB0];
	v23 =	vmul.f32 v35, v23;
	v21 =	vadd.f32 v27, v21  }
0x2e3: {  	v53 =	vperm.xlane v17, v5;
	v28 =	vld [tilespmem:s26+$0xFFFFFFF0]  }
0x2e4: {  	v27 =	vld [tilespmem:s28+$0xFFFFFC10];
	v36 =	vsub.f32 v47, v29;
	v23 =	vadd.f32 v23, v42;
	[tilespmem:s22+$0xFFFFFE50] =	vst v21;
	v21 =	vmul.f32 v51, v50  }
0x2e5: {  	v55 =	vperm.xlane v16, v10;
	v54 =	vld [tilespmem:s23+$0xFFFFFCB0]  }
0x2e6: {  	v35 =	vsub.f32 v49, v48;
	[tilespmem:s20+$0xFFFFFEA0] =	vst v23;
	v21 =	vadd.f32 v21, v30;
	v23 =	vld [tilespmem:s23+$0xFFFFFCC0];
	v30 =	vmul.f32 v36, v53  }
0x2e7: {  	s24 =	simm.s32 $0x157F0;
	v57 =	vld [tilespmem:s21+$0xFFFFFD50]  }
0x2e8: {  	[tilespmem:s24+$0xFFFFFF10] =	vst v21;
	v21 =	vadd.f32 v30, v29;
	v29 =	vld [tilespmem:s21+$0xFFFFFD60];
	v30 =	vmul.f32 v35, v55  }
0x2e9: {  	v58 =	vperm.xlane v34, v0;
	v32 =	vsub.f32 v52, v27;
	v59 =	vld [tilespmem:s28+$0xFFFFFE30]  }
0x2ea: {  	v60 =	vld [tilespmem:s28+$0xFFFFFE40];
	[tilespmem:s22+$0xFFFFFF60] =	vst v21;
	v21 =	vadd.f32 v30, v48  }
0x2eb: {  	v32 =	vmul.f32 v32, v58;
	v30 =	vperm.xlane v26, v5;
	v23 =	vsub.f32 v23, v54;
	v61 =	vld [tilespmem:s23+$0xFFFFFED0]  }
0x2ec: {  	v31 =	vld [tilespmem:s23+$0xFFFFFEE0];
	[tilespmem:s20+$0xFFFFFFB0] =	vst v21  }
0x2ed: {  	v21 =	vadd.f32 v32, v27;
	v23 =	vmul.f32 v23, v30;
	v27 =	vld [tilespmem:s21+$0xFFFFFF70]  }
0x2ee: {  	v30 =	vperm.xlane v20, v10;
	v25 =	vsub.f32 v29, v57;
	v29 =	vld [tilespmem:s21+$0xFFFFFF80]  }
0x2ef: {  	v24 =	vld [tilespmem:s26+$0x0];
	[tilespmem:s24+$0xFFFFFE10] =	vst v21;
	v21 =	vperm.xlane v18, v1;
	v62 =	vsub.f32 v60, v59;
	v23 =	vadd.f32 v23, v54  }
0x2f0: {  	v43 =	vld [tilespmem:s28+$0xFFFFFC30];
	v25 =	vmul.f32 v25, v30  }
0x2f1: {  	v30 =	vld [tilespmem:s28+$0xFFFFFC40];
	v21 =	vmul.f32 v62, v21;
	v31 =	vsub.f32 v31, v61;
	[tilespmem:s22+$0xFFFFFE60] =	vst v23;
	v23 =	vperm.xlane v17, v6  }
0x2f2: {  	v45 =	vperm.xlane v16, v11;
	v25 =	vadd.f32 v25, v57;
	v44 =	vld [tilespmem:s23+$0xFFFFFCD0]  }
0x2f3: {  	v21 =	vadd.f32 v21, v59;
	v46 =	vld [tilespmem:s23+$0xFFFFFCE0];
	v29 =	vsub.f32 v29, v27;
	v23 =	vmul.f32 v31, v23  }
0x2f4: {  	[tilespmem:s20+$0xFFFFFEB0] =	vst v25;
	v25 =	vld [tilespmem:s26+$0xFFFFFDC0]  }
0x2f5: {  	[tilespmem:s24+$0xFFFFFF20] =	vst v21;
	v31 =	vld [tilespmem:s21+$0xFFFFFD70];
	v21 =	vadd.f32 v23, v61;
	v23 =	vmul.f32 v29, v45  }
0x2f6: {  	v30 =	vsub.f32 v30, v43;
	v29 =	vperm.xlane v34, v1;
	v47 =	vld [tilespmem:s28+$0xFFFFFE50]  }
0x2f7: {  	v48 =	vld [tilespmem:s28+$0xFFFFFE60];
	[tilespmem:s22+$0xFFFFFF70] =	vst v21;
	v21 =	vadd.f32 v23, v27  }
0x2f8: {  	v23 =	vperm.xlane v26, v6;
	v27 =	vmul.f32 v30, v29;
	v29 =	vsub.f32 v46, v44;
	v30 =	vld [tilespmem:s23+$0xFFFFFEF0]  }
0x2f9: {  	v49 =	vperm.xlane v19, v13;
	v50 =	vld [tilespmem:s23+$0xFFFFFF00];
	[tilespmem:s20+$0xFFFFFFC0] =	vst v21;
	v21 =	vsub.f32 v25, v63  }
0x2fa: {  	v25 =	vadd.f32 v27, v43;
	v23 =	vmul.f32 v29, v23;
	v27 =	vld [tilespmem:s21+$0xFFFFFF90]  }
0x2fb: {  	v29 =	vld [tilespmem:s21+$0xFFFFFFA0];
	v21 =	vmul.f32 v21, v49  }
0x2fc: {  	v51 =	vld [tilespmem:s21+$0xFFFFFD80];
	v37 =	vsub.f32 v48, v47;
	[tilespmem:s24+$0xFFFFFE20] =	vst v25;
	v25 =	vperm.xlane v18, v2;
	v23 =	vadd.f32 v23, v44  }
0x2fd: {  	v39 =	vperm.xlane v34, v5;
	v41 =	vperm.xlane v34, v9;
	v53 =	vld [tilespmem:s28+$0xFFFFFC50];
	v21 =	vadd.f32 v21, v63  }
0x2fe: {  	v54 =	vld [tilespmem:s28+$0xFFFFFC60];
	v25 =	vmul.f32 v37, v25;
	[tilespmem:s22+$0xFFFFFE70] =	vst v23;
	v23 =	vperm.xlane v17, v7;
	v55 =	vsub.f32 v50, v30  }
0x2ff: {  	v36 =	vperm.xlane v19, v14;
	v57 =	vperm.xlane v16, v12;
	v56 =	vld [tilespmem:s23+$0xFFFFFCF0]  }
0x300: {  	v58 =	vld [tilespmem:s23+$0xFFFFFD00];
	[tilespmem:s19+$0xFFFFFEE0] =	vst v21;
	v25 =	vadd.f32 v25, v47;
	v37 =	vmul.f32 v55, v23;
	v29 =	vsub.f32 v29, v27  }
0x301: {  	v19 =	vperm.xlane v19, v15;
	v52 =	vperm.xlane v20, v11;
	v42 =	vld [tilespmem:s26+$0xFFFFFDD0]  }
0x302: {  	v32 =	vsub.f32 v51, v31;
	v59 =	vld [tilespmem:s26+$0xFFFFFDE0];
	[tilespmem:s24+$0xFFFFFF30] =	vst v25;
	v25 =	vadd.f32 v37, v30;
	v29 =	vmul.f32 v29, v57  }
0x303: {  	v61 =	vperm.xlane v26, v7;
	v30 =	vperm.xlane v34, v2;
	v35 =	vsub.f32 v54, v53;
	v60 =	vld [tilespmem:s28+$0xFFFFFE70]  }
0x304: {  	v46 =	vperm.xlane v26, v8;
	v38 =	vmul.f32 v32, v52;
	v62 =	vld [tilespmem:s28+$0xFFFFFE80];
	[tilespmem:s22+$0xFFFFFF80] =	vst v25;
	v25 =	vadd.f32 v29, v27  }
0x305: {  	v43 =	vperm.xlane v20, v12;
	v27 =	vmul.f32 v35, v30;
	v33 =	vsub.f32 v58, v56;
	v63 =	vld [tilespmem:s23+$0xFFFFFF10]  }
0x306: {  	v32 =	vperm.xlane v26, v9;
	v31 =	vadd.f32 v38, v31;
	v55 =	vperm.xlane v22, v15;
	v52 =	vld [tilespmem:s23+$0xFFFFFF20];
	[tilespmem:s20+$0xFFFFFFD0] =	vst v25  }
0x307: {  	v54 =	vperm.xlane v18, v3;
	v40 =	vadd.f32 v27, v53;
	v33 =	vmul.f32 v33, v61;
	v44 =	vld [tilespmem:s21+$0xFFFFFFB0]  }
0x308: {  	[tilespmem:s20+$0xFFFFFEC0] =	vst v31;
	v57 =	vperm.xlane v17, v8;
	v30 =	vperm.xlane v26, v10;
	v31 =	vsub.f32 v59, v42;
	v53 =	vld [tilespmem:s21+$0xFFFFFFC0]  }
0x309: {  	v48 =	vld [tilespmem:s21+$0xFFFFFD90];
	v29 =	vperm.xlane v26, v11;
	[tilespmem:s24+$0xFFFFFE30] =	vst v40;
	v45 =	vsub.f32 v62, v60;
	v33 =	vadd.f32 v33, v56  }
0x30a: {  	v58 =	vsub.f32 v24, v28;
	v24 =	vperm.xlane v26, v14;
	v22 =	vmul.f32 v31, v36;
	v50 =	vld [tilespmem:s28+$0xFFFFFC70]  }
0x30b: {  	v27 =	vperm.xlane v26, v12;
	v31 =	vld [tilespmem:s28+$0xFFFFFC80];
	v56 =	vmul.f32 v45, v54;
	[tilespmem:s22+$0xFFFFFE80] =	vst v33;
	v38 =	vsub.f32 v52, v63  }
0x30c: {  	v25 =	vperm.xlane v26, v13;
	v59 =	vperm.xlane v16, v13;
	v42 =	vadd.f32 v22, v42;
	v45 =	vld [tilespmem:s23+$0xFFFFFD10]  }
0x30d: {  	v36 =	vadd.f32 v56, v60;
	v60 =	vld [tilespmem:s23+$0xFFFFFD20];
	v33 =	vmul.f32 v38, v57;
	v37 =	vsub.f32 v53, v44  }
0x30e: {  	v51 =	vmul.f32 v58, v55;
	v22 =	vperm.xlane v26, v15;
	v26 =	vld [tilespmem:s21+$0xFFFFFDA0];
	[tilespmem:s19+$0xFFFFFEF0] =	vst v42  }
0x30f: {  	v23 =	vperm.xlane v20, v13;
	v40 =	vld [tilespmem:s26+$0xFFFFFDF0];
	[tilespmem:s24+$0xFFFFFF40] =	vst v36;
	v33 =	vadd.f32 v33, v63;
	v61 =	vmul.f32 v37, v59  }
0x310: {  	v62 =	vperm.xlane v34, v3;
	v51 =	vadd.f32 v51, v28;
	v31 =	vsub.f32 v31, v50;
	v49 =	vld [tilespmem:s28+$0xFFFFFE90]  }
0x311: {  	v21 =	vperm.xlane v20, v14;
	v20 =	vperm.xlane v20, v15;
	v63 =	vld [tilespmem:s28+$0xFFFFFEA0];
	[tilespmem:s22+$0xFFFFFF90] =	vst v33;
	v53 =	vadd.f32 v61, v44  }
0x312: {  	v35 =	vperm.xlane v34, v10;
	[tilespmem:s19+$0x0] =	vst v51;
	v31 =	vmul.f32 v31, v62;
	v60 =	vsub.f32 v60, v45;
	v47 =	vld [tilespmem:s23+$0xFFFFFF30]  }
0x313: {  	v28 =	vperm.xlane v34, v13;
	v51 =	vperm.xlane v17, v9;
	v56 =	vld [tilespmem:s23+$0xFFFFFF40];
	[tilespmem:s20+$0xFFFFFFE0] =	vst v53  }
0x314: {  	v26 =	vsub.f32 v26, v48;
	v50 =	vadd.f32 v31, v50;
	v46 =	vmul.f32 v60, v46;
	v44 =	vld [tilespmem:s21+$0xFFFFFFD0]  }
0x315: {  	v42 =	vperm.xlane v34, v4;
	v38 =	vperm.xlane v34, v6;
	v57 =	vld [tilespmem:s21+$0xFFFFFFE0]  }
0x316: {  	v37 =	vperm.xlane v34, v7;
	v61 =	vmul.f32 v26, v43;
	v43 =	vld [tilespmem:s26+$0xFFFFFE00];
	[tilespmem:s24+$0xFFFFFE40] =	vst v50;
	v45 =	vadd.f32 v46, v45  }
0x317: {  	v36 =	vperm.xlane v34, v8;
	v62 =	vperm.xlane v18, v4;
	v63 =	vsub.f32 v63, v49;
	v53 =	vld [tilespmem:s28+$0xFFFFFC90]  }
0x318: {  	v33 =	vperm.xlane v34, v11;
	v26 =	vperm.xlane v34, v14;
	v58 =	vadd.f32 v61, v48;
	v54 =	vld [tilespmem:s28+$0xFFFFFCA0];
	[tilespmem:s22+$0xFFFFFE90] =	vst v45  }
0x319: {  	s29 =	simm.s32 $0x6;
	v31 =	vperm.xlane v34, v12;
	v55 =	vmul.f32 v63, v62;
	v52 =	vsub.f32 v56, v47;
	v48 =	vld [tilespmem:s23+$0xFFFFFD30]  }
0x31a: {  	s30 =	simm.s32 $0xC90;
	s25 =	sor.u32 $0x800, s25;
	s26 =	simm.s32 $0x9FF0;
	v34 =	vperm.xlane v34, v15;
	[tilespmem:s20+$0xFFFFFED0] =	vst v58;
	v45 =	vperm.xlane v16, v14;
	v50 =	vld [tilespmem:s23+$0xFFFFFD40];
	v46 =	vsub.f32 v57, v44  }
.LBB2_5:
0x31b: {  	v56 =	vld [tilespmem:s30+$0x0];
	v49 =	vadd.f32 v55, v49;
	s28 =	sadd.s32 $0x400, s28;
	v51 =	vmul.f32 v52, v51;
	v43 =	vsub.f32 v43, v40  }
0x31c: {  	v52 =	vld [tilespmem:s28+$0xFFFFFE10];
	v45 =	vmul.f32 v46, v45  }
0x31d: {  	v46 =	vld [tilespmem:s28+$0xFFFFFE20];
	v54 =	vsub.f32 v54, v53;
	[tilespmem:s24+$0xFFFFFF50] =	vst v49;
	v47 =	vadd.f32 v51, v47;
	v43 =	vmul.f32 v43, v19  }
0x31e: {  	v19 =	vmovc v20;
	v20 =	vmov v22;
	v22 =	vmov v34;
	v49 =	vld [tilespmem:s26+$0xFFFFFEB0];
	v44 =	vadd.f32 v45, v44  }
0x31f: {  	v34 =	vmul.f32 v54, v42;
	v42 =	vld [tilespmem:s26+$0xFFFFFEC0];
	v45 =	vsub.f32 v50, v48;
	[tilespmem:s22+$0xFFFFFFA0] =	vst v47;
	v40 =	vadd.f32 v43, v40  }
0x320: {  	v47 =	vld [tilespmem:s23+$0xFFFFFF50];
	[tilespmem:s20+$0xFFFFFFF0] =	vst v44  }
0x321: {  	v34 =	vadd.f32 v34, v53;
	v43 =	vmul.f32 v45, v32;
	v44 =	vld [tilespmem:s21+$0xFFFFFFF0];
	[tilespmem:s19+$0xFFFFFF00] =	vst v40;
	v32 =	vmov v41;
	s19 =	smov.u32 s20;
	s20 =	smov.u32 s22;
	s22 =	smov.u32 s24  }
0x322: {  	v40 =	vld [tilespmem:s21+$0x0]  }
0x323: {  	[tilespmem:s24+$0xFFFFFE50] =	vst v34;
	v34 =	vadd.f32 v43, v48;
	v41 =	vld [tilespmem:s23+$0xFFFFFF60]  }
0x324: {  	v46 =	vsub.f32 v46, v52;
	v43 =	vperm.xlane v56, v0;
	v45 =	vld [tilespmem:s28+$0xFFFFFC10]  }
0x325: {  	v48 =	vld [tilespmem:s28+$0xFFFFFC20];
	[tilespmem:s20+$0xFFFFFEA0] =	vst v34  }
0x326: {  	v42 =	vsub.f32 v42, v49;
	v43 =	vmul.f32 v46, v43;
	v46 =	vperm.xlane v18, v5;
	v34 =	vld [tilespmem:s30+$0xFFFFFFF0]  }
0x327: {  	v51 =	vperm.xlane v17, v10;
	v53 =	vperm.xlane v16, v15;
	v16 =	vmovc v17;
	v50 =	vld [tilespmem:s26+$0xFFFFFCB0];
	v40 =	vsub.f32 v40, v44  }
0x328: {  	v17 =	vmovc v18;
	v43 =	vadd.f32 v43, v52;
	v42 =	vmul.f32 v42, v46;
	v52 =	vld [tilespmem:s26+$0xFFFFFCC0];
	v41 =	vsub.f32 v41, v47  }
0x329: {  	s24 =	sadd.s32 $0x200, s24;
	v18 =	vmov v56;
	v46 =	vld [tilespmem:s23+$0xFFFFFD50];
	v40 =	vmul.f32 v40, v53  }
0x32a: {  	v42 =	vadd.f32 v42, v49;
	v48 =	vsub.f32 v48, v45;
	[tilespmem:s24+$0xFFFFFF10] =	vst v43;
	v49 =	vld [tilespmem:s23+$0xFFFFFD60];
	v41 =	vmul.f32 v41, v51  }
0x32b: {  	v51 =	vperm.xlane v34, v0;
	v53 =	vperm.xlane v34, v1;
	v54 =	vld [tilespmem:s28+$0xFFFFFE30];
	v44 =	vadd.f32 v40, v44  }
0x32c: {  	v40 =	vperm.xlane v34, v2;
	v43 =	vperm.xlane v34, v3;
	v55 =	vld [tilespmem:s28+$0xFFFFFE40];
	[tilespmem:s22+$0xFFFFFF60] =	vst v42;
	v41 =	vadd.f32 v41, v47  }
0x32d: {  	v42 =	vperm.xlane v34, v4;
	v47 =	vmul.f32 v48, v51;
	v48 =	vsub.f32 v52, v50;
	v51 =	vld [tilespmem:s26+$0xFFFFFED0];
	[tilespmem:s19+$0x0] =	vst v44  }
0x32e: {  	v56 =	vperm.xlane v34, v6;
	v52 =	vperm.xlane v34, v5;
	v57 =	vld [tilespmem:s26+$0xFFFFFEE0];
	[tilespmem:s20+$0xFFFFFFB0] =	vst v41  }
0x32f: {  	v44 =	vperm.xlane v34, v7;
	v47 =	vadd.f32 v47, v45;
	v48 =	vmul.f32 v48, v39;
	v58 =	vld [tilespmem:s23+$0xFFFFFF70]  }
0x330: {  	v41 =	vperm.xlane v34, v9;
	v45 =	vperm.xlane v34, v8;
	v49 =	vsub.f32 v49, v46;
	v39 =	vmovc v52;
	v59 =	vld [tilespmem:s23+$0xFFFFFF80]  }
0x331: {  	[tilespmem:s24+$0xFFFFFE10] =	vst v47;
	v47 =	vperm.xlane v18, v1;
	v52 =	vsub.f32 v55, v54;
	v48 =	vadd.f32 v48, v50;
	v50 =	vld [tilespmem:s21+$0xFFFFFDB0]  }
0x332: {  	v49 =	vmul.f32 v49, v30;
	v30 =	vmov v35;
	v35 =	vperm.xlane v34, v10;
	v55 =	vld [tilespmem:s28+$0xFFFFFC30]  }
0x333: {  	v60 =	vld [tilespmem:s28+$0xFFFFFC40];
	v47 =	vmul.f32 v52, v47;
	[tilespmem:s22+$0xFFFFFE60] =	vst v48;
	v48 =	vperm.xlane v17, v6;
	v52 =	vsub.f32 v57, v51  }
0x334: {  	s29 =	sadd.s32 $0x2, s29;
	v62 =	vperm.xlane v16, v11;
	v57 =	vperm.xlane v34, v11;
	v49 =	vadd.f32 v49, v46;
	v61 =	vld [tilespmem:s26+$0xFFFFFCD0]  }
0x335: {  	p1 =	slt.u32 s29, $0x3E;
	v47 =	vadd.f32 v47, v54;
	v54 =	vld [tilespmem:s26+$0xFFFFFCE0];
	v48 =	vmul.f32 v52, v48;
	v52 =	vsub.f32 v59, v58  }
0x336: {  	v46 =	vperm.xlane v34, v12;
	v59 =	vperm.xlane v34, v13;
	[tilespmem:s20+$0xFFFFFEB0] =	vst v49;
	v49 =	vld [tilespmem:s21+$0xFFFFFDC0]  }
0x337: {  	v63 =	vperm.xlane v34, v14;
	[tilespmem:s24+$0xFFFFFF20] =	vst v47;
	v47 =	vadd.f32 v48, v51;
	v48 =	vld [tilespmem:s23+$0xFFFFFD70];
	v51 =	vmul.f32 v52, v62  }
0x338: {  	v34 =	vperm.xlane v34, v15;
	v52 =	vsub.f32 v60, v55;
	v60 =	vld [tilespmem:s28+$0xFFFFFE50]  }
0x339: {  	v62 =	vld [tilespmem:s28+$0xFFFFFE60];
	[tilespmem:s22+$0xFFFFFF70] =	vst v47;
	v47 =	vadd.f32 v51, v58  }
0x33a: {  	v51 =	vmul.f32 v52, v53;
	v52 =	vsub.f32 v54, v61;
	v53 =	vld [tilespmem:s26+$0xFFFFFEF0]  }
0x33b: {  	v54 =	vld [tilespmem:s26+$0xFFFFFF00];
	[tilespmem:s20+$0xFFFFFFC0] =	vst v47;
	v47 =	vsub.f32 v49, v50  }
0x33c: {  	v49 =	vadd.f32 v51, v55;
	v51 =	vmul.f32 v52, v38;
	v52 =	vld [tilespmem:s23+$0xFFFFFF90];
	v38 =	vmov v56  }
0x33d: {  	v55 =	vld [tilespmem:s23+$0xFFFFFFA0];
	v47 =	vmul.f32 v47, v23;
	v23 =	vmovc v25;
	v25 =	vmov v28;
	v28 =	vmov v59  }
0x33e: {  	[tilespmem:s24+$0xFFFFFE20] =	vst v49;
	v49 =	vperm.xlane v18, v2;
	v56 =	vsub.f32 v62, v60;
	v51 =	vadd.f32 v51, v61;
	v58 =	vld [tilespmem:s23+$0xFFFFFD80]  }
0x33f: {  	v59 =	vld [tilespmem:s28+$0xFFFFFC50];
	v47 =	vadd.f32 v47, v50  }
0x340: {  	v50 =	vld [tilespmem:s28+$0xFFFFFC60];
	v49 =	vmul.f32 v56, v49;
	[tilespmem:s22+$0xFFFFFE70] =	vst v51;
	v51 =	vperm.xlane v17, v7;
	v54 =	vsub.f32 v54, v53  }
0x341: {  	v61 =	vperm.xlane v16, v12;
	v56 =	vld [tilespmem:s26+$0xFFFFFCF0];
	[tilespmem:s19+$0xFFFFFEE0] =	vst v47  }
0x342: {  	v47 =	vadd.f32 v49, v60;
	v49 =	vld [tilespmem:s26+$0xFFFFFD00];
	v51 =	vmul.f32 v54, v51;
	v54 =	vsub.f32 v55, v52  }
0x343: {  	v55 =	vsub.f32 v58, v48;
	v58 =	vld [tilespmem:s21+$0xFFFFFDD0]  }
0x344: {  	[tilespmem:s24+$0xFFFFFF30] =	vst v47;
	v47 =	vadd.f32 v51, v53;
	v51 =	vmul.f32 v54, v61;
	v53 =	vld [tilespmem:s21+$0xFFFFFDE0]  }
0x345: {  	v50 =	vsub.f32 v50, v59;
	v54 =	vld [tilespmem:s28+$0xFFFFFE70];
	v55 =	vmul.f32 v55, v29;
	v29 =	vmovc v33;
	v33 =	vmov v57  }
0x346: {  	v57 =	vld [tilespmem:s28+$0xFFFFFE80];
	[tilespmem:s22+$0xFFFFFF80] =	vst v47;
	v47 =	vadd.f32 v51, v52  }
0x347: {  	v40 =	vmul.f32 v50, v40;
	v49 =	vsub.f32 v49, v56;
	v50 =	vld [tilespmem:s26+$0xFFFFFF10];
	v48 =	vadd.f32 v55, v48  }
0x348: {  	v51 =	vld [tilespmem:s26+$0xFFFFFF20];
	[tilespmem:s20+$0xFFFFFFD0] =	vst v47  }
0x349: {  	v40 =	vadd.f32 v40, v59;
	v47 =	vmul.f32 v49, v37;
	[tilespmem:s20+$0xFFFFFEC0] =	vst v48;
	v48 =	vld [tilespmem:s23+$0xFFFFFFB0];
	v49 =	vsub.f32 v53, v58  }
0x34a: {  	v37 =	vmov v44;
	v52 =	vld [tilespmem:s23+$0xFFFFFFC0]  }
0x34b: {  	[tilespmem:s24+$0xFFFFFE30] =	vst v40;
	v40 =	vperm.xlane v18, v3;
	v44 =	vsub.f32 v57, v54;
	v47 =	vadd.f32 v47, v56;
	v55 =	vld [tilespmem:s23+$0xFFFFFD90]  }
0x34c: {  	v49 =	vmul.f32 v49, v21;
	v21 =	vmovc v24;
	v24 =	vmov v26;
	v26 =	vmov v63;
	v53 =	vld [tilespmem:s28+$0xFFFFFC70]  }
0x34d: {  	v56 =	vld [tilespmem:s28+$0xFFFFFC80];
	v40 =	vmul.f32 v44, v40;
	[tilespmem:s22+$0xFFFFFE80] =	vst v47;
	v44 =	vperm.xlane v17, v8;
	v47 =	vsub.f32 v51, v50  }
0x34e: {  	v57 =	vperm.xlane v16, v13;
	v49 =	vadd.f32 v49, v58;
	v51 =	vld [tilespmem:s26+$0xFFFFFD10]  }
0x34f: {  	v40 =	vadd.f32 v40, v54;
	v54 =	vld [tilespmem:s26+$0xFFFFFD20];
	v44 =	vmul.f32 v47, v44;
	v47 =	vsub.f32 v52, v48  }
0x350: {  	v52 =	vld [tilespmem:s23+$0xFFFFFDA0];
	[tilespmem:s19+$0xFFFFFEF0] =	vst v49  }
0x351: {  	[tilespmem:s24+$0xFFFFFF40] =	vst v40;
	v44 =	vadd.f32 v44, v50;
	v47 =	vmul.f32 v47, v57;
	v40 =	vld [tilespmem:s21+$0xFFFFFDF0]  }
0x352: {  	v50 =	vsub.f32 v56, v53;
	v49 =	vld [tilespmem:s28+$0xFFFFFE90]  }
0x353: {  	v56 =	vld [tilespmem:s28+$0xFFFFFEA0];
	[tilespmem:s22+$0xFFFFFF90] =	vst v44;
	v44 =	vadd.f32 v47, v48  }
0x354: {  	v43 =	vmul.f32 v50, v43;
	v48 =	vsub.f32 v54, v51;
	v47 =	vld [tilespmem:s26+$0xFFFFFF30]  }
0x355: {  	v50 =	vld [tilespmem:s26+$0xFFFFFF40];
	v52 =	vsub.f32 v52, v55;
	[tilespmem:s20+$0xFFFFFFE0] =	vst v44  }
0x356: {  	v43 =	vadd.f32 v43, v53;
	v48 =	vmul.f32 v48, v36;
	v44 =	vld [tilespmem:s23+$0xFFFFFFD0];
	v36 =	vmov v45  }
0x357: {  	v45 =	vmul.f32 v52, v27;
	v57 =	vld [tilespmem:s23+$0xFFFFFFE0];
	v27 =	vmov v31;
	v31 =	vmov v46  }
.Ltmp1:
0x358: {  	[tilespmem:s24+$0xFFFFFE40] =	vst v43;
	v46 =	vadd.f32 v48, v51;
	v43 =	vld [tilespmem:s21+$0xFFFFFE00];
	s21 =	smov.u32 s23;
	s23 =	smov.u32 s26;
	(pc) =	sbr.rel @p1 .LBB2_5-.Ltmp1, $4  }
0x359: {  	v48 =	vperm.xlane v18, v4;
	v51 =	vsub.f32 v56, v49;
	s26 =	smov.u32 s28;
	v53 =	vld [tilespmem:s28+$0xFFFFFC90];
	v45 =	vadd.f32 v45, v55  }
0x35a: {  	v54 =	vld [tilespmem:s28+$0xFFFFFCA0];
	[tilespmem:s22+$0xFFFFFE90] =	vst v46  }
0x35b: {  	v55 =	vmul.f32 v51, v48;
	v51 =	vperm.xlane v17, v9;
	v52 =	vsub.f32 v50, v47;
	v48 =	vld [tilespmem:s23+$0xFFFFFD30];
	[tilespmem:s20+$0xFFFFFED0] =	vst v45  }
0x35c: {  	s30 =	sadd.s32 $0x20, s30;
	v45 =	vperm.xlane v16, v14;
	v50 =	vld [tilespmem:s23+$0xFFFFFD40];
	v46 =	vsub.f32 v57, v44  }
0x35d: {  	_ =	sdelay $0x1  }
0x35e: {  	v54 =	vsub.f32 v54, v53;
	_ =	sdelay $0x1  }
0x35f: {  	v49 =	vadd.f32 v55, v49;
	v42 =	vmul.f32 v54, v42;
	_ =	sdelay $0x1  }
0x360: {  	[tilespmem:s24+$0xFFFFFF50] =	vst v49;
	v42 =	vadd.f32 v42, v53  }
0x361: {  	v49 =	vld [tilespmem:s26+$0xFFFFFEB0]  }
0x362: {  	v57 =	vld [tilespmem:s26+$0xFFFFFEC0];
	[tilespmem:s24+$0xFFFFFE50] =	vst v42  }
0x363: {  	v42 =	vld [tilespmem:s26+$0xFFFFFCB0]  }
0x364: {  	v58 =	vld [tilespmem:s26+$0xFFFFFCC0];
	_ =	sdelay $0x2  }
0x365: {  	v59 =	vperm.xlane v18, v5;
	v53 =	vsub.f32 v57, v49;
	_ =	sdelay $0x1  }
0x366: {  	v53 =	vmul.f32 v53, v59;
	v54 =	vsub.f32 v58, v42;
	_ =	sdelay $0x1  }
0x367: {  	v49 =	vadd.f32 v53, v49;
	v39 =	vmul.f32 v54, v39;
	_ =	sdelay $0x1  }
0x368: {  	[tilespmem:s24+$0xFFFFFF60] =	vst v49;
	v39 =	vadd.f32 v39, v42  }
0x369: {  	v60 =	vld [tilespmem:s26+$0xFFFFFED0]  }
0x36a: {  	v49 =	vld [tilespmem:s26+$0xFFFFFEE0];
	[tilespmem:s24+$0xFFFFFE60] =	vst v39  }
0x36b: {  	v39 =	vld [tilespmem:s26+$0xFFFFFCD0]  }
0x36c: {  	v61 =	vld [tilespmem:s26+$0xFFFFFCE0];
	_ =	sdelay $0x2  }
0x36d: {  	v62 =	vperm.xlane v18, v6;
	v49 =	vsub.f32 v49, v60;
	_ =	sdelay $0x1  }
0x36e: {  	v49 =	vmul.f32 v49, v62;
	v53 =	vsub.f32 v61, v39;
	_ =	sdelay $0x1  }
0x36f: {  	v42 =	vadd.f32 v49, v60;
	v38 =	vmul.f32 v53, v38;
	_ =	sdelay $0x1  }
0x370: {  	[tilespmem:s24+$0xFFFFFF70] =	vst v42;
	v38 =	vadd.f32 v38, v39  }
0x371: {  	v63 =	vld [tilespmem:s26+$0xFFFFFEF0]  }
0x372: {  	v42 =	vld [tilespmem:s26+$0xFFFFFF00];
	[tilespmem:s24+$0xFFFFFE70] =	vst v38  }
0x373: {  	v38 =	vld [tilespmem:s26+$0xFFFFFCF0]  }
0x374: {  	v56 =	vld [tilespmem:s26+$0xFFFFFD00];
	_ =	sdelay $0x2  }
0x375: {  	v57 =	vperm.xlane v18, v7;
	v42 =	vsub.f32 v42, v63;
	_ =	sdelay $0x1  }
0x376: {  	v42 =	vmul.f32 v42, v57;
	v49 =	vsub.f32 v56, v38;
	_ =	sdelay $0x1  }
0x377: {  	v39 =	vadd.f32 v42, v63;
	v37 =	vmul.f32 v49, v37;
	_ =	sdelay $0x1  }
0x378: {  	[tilespmem:s24+$0xFFFFFF80] =	vst v39;
	v37 =	vadd.f32 v37, v38  }
0x379: {  	v58 =	vld [tilespmem:s26+$0xFFFFFF10]  }
0x37a: {  	v39 =	vld [tilespmem:s26+$0xFFFFFF20];
	[tilespmem:s24+$0xFFFFFE80] =	vst v37  }
0x37b: {  	v37 =	vld [tilespmem:s26+$0xFFFFFD10]  }
0x37c: {  	v59 =	vld [tilespmem:s26+$0xFFFFFD20];
	_ =	sdelay $0x2  }
0x37d: {  	v60 =	vperm.xlane v18, v8;
	v39 =	vsub.f32 v39, v58;
	_ =	sdelay $0x1  }
0x37e: {  	v39 =	vmul.f32 v39, v60;
	v42 =	vsub.f32 v59, v37;
	_ =	sdelay $0x1  }
0x37f: {  	v38 =	vadd.f32 v39, v58;
	v36 =	vmul.f32 v42, v36;
	_ =	sdelay $0x1  }
0x380: {  	[tilespmem:s24+$0xFFFFFF90] =	vst v38;
	v36 =	vadd.f32 v36, v37  }
0x381: {  	v61 =	vld [tilespmem:s26+$0xFFFFFF30]  }
0x382: {  	v38 =	vld [tilespmem:s26+$0xFFFFFF40];
	[tilespmem:s24+$0xFFFFFE90] =	vst v36  }
0x383: {  	v36 =	vld [tilespmem:s26+$0xFFFFFD30]  }
0x384: {  	v62 =	vmul.f32 v52, v51;
	v52 =	vsub.f32 v50, v48;
	v63 =	vld [tilespmem:s26+$0xFFFFFD40];
	_ =	sdelay $0x1  }
0x385: {  	v32 =	vmul.f32 v52, v32  }
0x386: {  	v53 =	vperm.xlane v18, v9;
	v39 =	vadd.f32 v62, v47;
	v38 =	vsub.f32 v38, v61;
	_ =	sdelay $0x1  }
0x387: {  	v32 =	vadd.f32 v32, v48;
	[tilespmem:s22+$0xFFFFFFA0] =	vst v39;
	v38 =	vmul.f32 v38, v53;
	v42 =	vsub.f32 v63, v36  }
0x388: {  	v39 =	vld [tilespmem:s23+$0xFFFFFF50]  }
0x389: {  	[tilespmem:s22+$0xFFFFFEA0] =	vst v32;
	v54 =	vld [tilespmem:s23+$0xFFFFFF60];
	v55 =	vadd.f32 v38, v61;
	v56 =	vmul.f32 v42, v41  }
0x38a: {  	v57 =	vld [tilespmem:s23+$0xFFFFFD50]  }
0x38b: {  	v58 =	vld [tilespmem:s23+$0xFFFFFD60];
	[tilespmem:s24+$0xFFFFFFA0] =	vst v55;
	v59 =	vadd.f32 v56, v36  }
0x38c: {  	v60 =	vld [tilespmem:s26+$0xFFFFFF50]  }
0x38d: {  	v63 =	vld [tilespmem:s26+$0xFFFFFF60];
	[tilespmem:s24+$0xFFFFFEA0] =	vst v59  }
0x38e: {  	v62 =	vsub.f32 v54, v39;
	v61 =	vperm.xlane v17, v10;
	v32 =	vld [tilespmem:s26+$0xFFFFFD50]  }
0x38f: {  	v48 =	vld [tilespmem:s26+$0xFFFFFD60]  }
0x390: {  	v37 =	vmul.f32 v62, v61;
	v41 =	vsub.f32 v58, v57  }
0x391: {  	v49 =	vperm.xlane v18, v10  }
0x392: {  	v37 =	vadd.f32 v37, v39;
	v30 =	vmul.f32 v41, v30;
	v50 =	vsub.f32 v63, v60;
	_ =	sdelay $0x1  }
0x393: {  	[tilespmem:s22+$0xFFFFFFB0] =	vst v37;
	v30 =	vadd.f32 v30, v57;
	v51 =	vmul.f32 v50, v49;
	v52 =	vsub.f32 v48, v32  }
0x394: {  	v37 =	vld [tilespmem:s23+$0xFFFFFF70]  }
0x395: {  	v53 =	vld [tilespmem:s23+$0xFFFFFF80];
	[tilespmem:s22+$0xFFFFFEB0] =	vst v30;
	v54 =	vadd.f32 v51, v60;
	v35 =	vmul.f32 v52, v35  }
0x396: {  	v55 =	vld [tilespmem:s23+$0xFFFFFD70]  }
0x397: {  	v56 =	vld [tilespmem:s23+$0xFFFFFD80];
	[tilespmem:s24+$0xFFFFFFB0] =	vst v54;
	v57 =	vadd.f32 v35, v32  }
0x398: {  	v58 =	vld [tilespmem:s26+$0xFFFFFF70]  }
0x399: {  	v61 =	vld [tilespmem:s26+$0xFFFFFF80];
	[tilespmem:s24+$0xFFFFFEB0] =	vst v57  }
0x39a: {  	v59 =	vperm.xlane v17, v11;
	v60 =	vsub.f32 v53, v37;
	v30 =	vld [tilespmem:s26+$0xFFFFFD70]  }
0x39b: {  	v62 =	vld [tilespmem:s26+$0xFFFFFD80]  }
0x39c: {  	v38 =	vsub.f32 v56, v55;
	v35 =	vmul.f32 v60, v59  }
0x39d: {  	v63 =	vperm.xlane v18, v11  }
0x39e: {  	v29 =	vmul.f32 v38, v29;
	v35 =	vadd.f32 v35, v37;
	v42 =	vsub.f32 v61, v58;
	_ =	sdelay $0x1  }
0x39f: {  	v29 =	vadd.f32 v29, v55;
	[tilespmem:s22+$0xFFFFFFC0] =	vst v35;
	v47 =	vmul.f32 v42, v63;
	v48 =	vsub.f32 v62, v30  }
0x3a0: {  	v35 =	vld [tilespmem:s23+$0xFFFFFF90]  }
0x3a1: {  	[tilespmem:s22+$0xFFFFFEC0] =	vst v29;
	v49 =	vld [tilespmem:s23+$0xFFFFFFA0];
	v50 =	vadd.f32 v47, v58;
	v51 =	vmul.f32 v48, v33  }
0x3a2: {  	v52 =	vld [tilespmem:s23+$0xFFFFFD90]  }
0x3a3: {  	v53 =	vld [tilespmem:s23+$0xFFFFFDA0];
	[tilespmem:s24+$0xFFFFFFC0] =	vst v50;
	v54 =	vadd.f32 v51, v30  }
0x3a4: {  	v55 =	vld [tilespmem:s26+$0xFFFFFF90]  }
0x3a5: {  	v58 =	vld [tilespmem:s26+$0xFFFFFFA0];
	[tilespmem:s24+$0xFFFFFEC0] =	vst v54  }
0x3a6: {  	v56 =	vperm.xlane v17, v12;
	v57 =	vsub.f32 v49, v35;
	v29 =	vld [tilespmem:s26+$0xFFFFFD90]  }
0x3a7: {  	v59 =	vld [tilespmem:s26+$0xFFFFFDA0]  }
0x3a8: {  	v36 =	vsub.f32 v53, v52;
	v32 =	vmul.f32 v57, v56  }
0x3a9: {  	v61 =	vperm.xlane v18, v12  }
0x3aa: {  	v27 =	vmul.f32 v36, v27;
	v32 =	vadd.f32 v32, v35;
	v38 =	vsub.f32 v58, v55  }
0x3ab: {  	v60 =	vld [tilespmem:s21+$0xFFFFFDB0]  }
0x3ac: {  	v62 =	vld [tilespmem:s21+$0xFFFFFDC0];
	v27 =	vadd.f32 v27, v52;
	[tilespmem:s22+$0xFFFFFFD0] =	vst v32;
	v63 =	vmul.f32 v38, v61;
	v41 =	vsub.f32 v59, v29  }
0x3ad: {  	v32 =	vld [tilespmem:s23+$0xFFFFFFB0]  }
0x3ae: {  	[tilespmem:s22+$0xFFFFFED0] =	vst v27;
	v42 =	vld [tilespmem:s23+$0xFFFFFFC0];
	v47 =	vadd.f32 v63, v55;
	v48 =	vmul.f32 v41, v31  }
0x3af: {  	v49 =	vld [tilespmem:s23+$0xFFFFFDB0]  }
0x3b0: {  	v51 =	vld [tilespmem:s23+$0xFFFFFDC0];
	[tilespmem:s24+$0xFFFFFFD0] =	vst v47;
	v52 =	vadd.f32 v48, v29  }
0x3b1: {  	v50 =	vsub.f32 v62, v60;
	v53 =	vld [tilespmem:s26+$0xFFFFFFB0]  }
0x3b2: {  	v56 =	vld [tilespmem:s26+$0xFFFFFFC0];
	[tilespmem:s24+$0xFFFFFED0] =	vst v52  }
0x3b3: {  	v54 =	vperm.xlane v17, v13;
	v23 =	vmul.f32 v50, v23;
	v55 =	vsub.f32 v42, v32;
	v27 =	vld [tilespmem:s26+$0xFFFFFDB0]  }
0x3b4: {  	v57 =	vld [tilespmem:s26+$0xFFFFFDC0]  }
0x3b5: {  	v23 =	vadd.f32 v23, v60;
	v58 =	vsub.f32 v51, v49;
	v30 =	vmul.f32 v55, v54  }
0x3b6: {  	v61 =	vperm.xlane v18, v13  }
0x3b7: {  	[tilespmem:s20+$0xFFFFFEE0] =	vst v23;
	v25 =	vmul.f32 v58, v25;
	v59 =	vadd.f32 v30, v32;
	v62 =	vsub.f32 v56, v53  }
0x3b8: {  	v60 =	vld [tilespmem:s21+$0xFFFFFDD0]  }
0x3b9: {  	v63 =	vld [tilespmem:s21+$0xFFFFFDE0];
	v25 =	vadd.f32 v25, v49;
	[tilespmem:s22+$0xFFFFFFE0] =	vst v59;
	v37 =	vmul.f32 v62, v61;
	v38 =	vsub.f32 v57, v27  }
0x3ba: {  	v23 =	vld [tilespmem:s23+$0xFFFFFFD0]  }
0x3bb: {  	[tilespmem:s22+$0xFFFFFEE0] =	vst v25;
	v39 =	vld [tilespmem:s23+$0xFFFFFFE0];
	v41 =	vadd.f32 v37, v53;
	v28 =	vmul.f32 v38, v28  }
0x3bc: {  	v42 =	vld [tilespmem:s23+$0xFFFFFDD0]  }
0x3bd: {  	v47 =	vld [tilespmem:s23+$0xFFFFFDE0];
	[tilespmem:s24+$0xFFFFFFE0] =	vst v41;
	v48 =	vadd.f32 v28, v27  }
0x3be: {  	v50 =	vsub.f32 v63, v60;
	v49 =	vmul.f32 v46, v45;
	v51 =	vld [tilespmem:s26+$0xFFFFFFD0]  }
0x3bf: {  	v52 =	vperm.xlane v17, v14;
	v53 =	vld [tilespmem:s26+$0xFFFFFFE0];
	[tilespmem:s24+$0xFFFFFEE0] =	vst v48  }
0x3c0: {  	v21 =	vmul.f32 v50, v21;
	v54 =	vadd.f32 v49, v44;
	v33 =	vsub.f32 v39, v23;
	v55 =	vld [tilespmem:s26+$0xFFFFFDD0]  }
0x3c1: {  	v57 =	vld [tilespmem:s26+$0xFFFFFDE0]  }
0x3c2: {  	v21 =	vadd.f32 v21, v60;
	[tilespmem:s20+$0xFFFFFFF0] =	vst v54;
	v58 =	vsub.f32 v47, v42;
	v56 =	vmul.f32 v33, v52  }
0x3c3: {  	v62 =	vperm.xlane v18, v14;
	v59 =	vld [tilespmem:s21+$0xFFFFFFF0]  }
0x3c4: {  	v60 =	vld [tilespmem:s21+$0x0];
	[tilespmem:s20+$0xFFFFFEF0] =	vst v21;
	v61 =	vmul.f32 v58, v24;
	v23 =	vadd.f32 v56, v23;
	v63 =	vsub.f32 v53, v51  }
0x3c5: {  	v36 =	vld [tilespmem:s21+$0xFFFFFDF0]  }
0x3c6: {  	v37 =	vld [tilespmem:s21+$0xFFFFFE00];
	v21 =	vadd.f32 v61, v42;
	[tilespmem:s22+$0xFFFFFFF0] =	vst v23;
	v38 =	vmul.f32 v63, v62;
	v39 =	vsub.f32 v57, v55  }
0x3c7: {  	v41 =	vld [tilespmem:s23+$0xFFFFFFF0]  }
0x3c8: {  	[tilespmem:s22+$0xFFFFFEF0] =	vst v21;
	v42 =	vld [tilespmem:s23+$0x0];
	v44 =	vadd.f32 v38, v51;
	v45 =	vmul.f32 v39, v26  }
0x3c9: {  	v46 =	vld [tilespmem:s23+$0xFFFFFDF0]  }
0x3ca: {  	v47 =	vld [tilespmem:s23+$0xFFFFFE00];
	[tilespmem:s24+$0xFFFFFFF0] =	vst v44;
	v48 =	vadd.f32 v45, v55  }
0x3cb: {  	v49 =	vld [tilespmem:s26+$0xFFFFFFF0]  }
0x3cc: {  	v50 =	vsub.f32 v43, v40;
	v51 =	vld [tilespmem:s26+$0x0];
	[tilespmem:s24+$0xFFFFFEF0] =	vst v48  }
0x3cd: {  	v16 =	vperm.xlane v16, v15;
	v52 =	vsub.f32 v60, v59;
	v53 =	vld [tilespmem:s26+$0xFFFFFDF0]  }
0x3ce: {  	v19 =	vmul.f32 v50, v19;
	v54 =	vld [tilespmem:s26+$0xFFFFFE00]  }
0x3cf: {  	v17 =	vperm.xlane v17, v15;
	v16 =	vmul.f32 v52, v16;
	v29 =	vsub.f32 v42, v41  }
0x3d0: {  	v19 =	vadd.f32 v19, v40;
	v56 =	vsub.f32 v47, v46  }
0x3d1: {  	v16 =	vadd.f32 v16, v59;
	v55 =	vsub.f32 v37, v36;
	v17 =	vmul.f32 v29, v17  }
0x3d2: {  	v57 =	vperm.xlane v18, v15;
	v60 =	vmul.f32 v56, v22;
	v58 =	vsub.f32 v51, v49  }
0x3d3: {  	[tilespmem:s20+$0x0] =	vst v16;
	v20 =	vmul.f32 v55, v20;
	v16 =	vadd.f32 v17, v41;
	v61 =	vsub.f32 v54, v53  }
0x3d4: {  	[tilespmem:s19+$0xFFFFFF00] =	vst v19;
	v62 =	vadd.f32 v60, v46;
	v17 =	vmul.f32 v58, v57  }
0x3d5: {  	v59 =	vadd.f32 v20, v36;
	[tilespmem:s22+$0x0] =	vst v16;
	v63 =	vmul.f32 v61, v34  }
0x3d6: {  	[tilespmem:s22+$0xFFFFFF00] =	vst v62;
	v16 =	vadd.f32 v17, v49  }
0x3d7: {  	s18 =	sadd.s32 @!p0 s18, s12;
	[tilespmem:s20+$0xFFFFFF00] =	vst v59;
	v17 =	vadd.f32 v63, v53  }
0x3d8: {  	s18 =	sshrl.u32 @!p0 s18, $0x3;
	[tilespmem:s24+$0x0] =	vst v16  }
0x3d9: {  	s21 =	simm.s32 @!p0 $0x400;
	s19 =	sadd.s32 @!p0 s4, s18;
	s20 =	simm.s32 @!p0 $0x0;
	[tilespmem:s24+$0xFFFFFF00] =	vst v17  }
0x3da: {  	[tilespmem:s21], [sflag:$0x2] =	stream.linear.gather @!p0 [hbm4b:s19+s20], $0x400, $0x38;
	[tilespmem:$0x19000] =	vst v63  }
0x3db: {  	s17 =	sadd.s32 $0x1, s17;
	s18 =	sadd.s32 @!p0 s5, s18;
	s19 =	simm.s32 @!p0 $0xC00  }
0x3dc: {  	[tilespmem:s19], [sflag:$0x2] =	stream.linear.gather @!p0 [hbm4b:s18+s20], $0x400, $0x38;
	[tilespmem:$0x19000] =	vst v63  }
0x3dd: {  	p0 =	sne.s32 s17, $0x8  }
.Ltmp2:
0x3de: {  	_ = 	snop;
	(pc) =	sbr.rel @p0 .LBB2_2-.Ltmp2, $4  }
0x3df: {  	_ =	swait.ge [sflag:s9], $0x4000  }
0x3e0: {  	[sflag:s9] =	ssyncset.done $0x0  }
0x3e1: {  	s30 =	sadd.s32 s25, s11;
	[sflag:s9] =	ssyncadd.s32 $0xFFFFC000  }
0x3e2: {  	[hbm4b:s30+s2] =	stream.linear.scatter [tilespmem:s13], [sflag:$0x6], $0x4000, $0x38;
	[tilespmem:$0x19000] =	vst v63  }
0x3e3: {  	_ =	swait.ge [sflag:s15], $0x4000  }
0x3e4: {  	s18 =	rddreg [dreg:$0x8]  }
0x3e5: {  	s17 =	rddreg [dreg:$0x7];
	s18 =	sadd.s32 $0x1, s18  }
0x3e6: {  	p0 =	sne.s32 s18, s17  }
.Ltmp3:
0x3e7: {  	_ = 	snop;
	(pc) =	sbr.rel @p0 .LBB2_1-.Ltmp3, $3  }
0x3e8: {  	_ =	sdelay $0x1  }
0x3e9: {  	[sflag:s15] =	ssyncset.done $0x0  }
0x3ea: {  	[sflag:s15] =	ssyncadd.s32 $0xFFFFC000  }
0x3eb: {  	_ =	sfence.sel $0x180000  }
0x3ec: {  	[bflag:$0x0] =	sbarrier.arrive $0xFFFF  }
0x3ed: {  	_ =	strace $0x90000047  }
0x3ee: {  	s0 =	stileid.u32;
	[bflag:$0x2] =	sbarrier.arrive $0xFFFF  }
0x3ef: {  	p0 =	sne.s32 s0, $0x0;
	s0 =	rddreg [dreg:$0x2]  }
0x3f0: {  	s0 =	sadd.s32 @!p0 $0x100000, s0  }
0x3f1: {  	[sflag:s0] =	ssyncadd.tile.s32 @!p0 $0x1;
	_ =	shalt  }
.Lfunc_end2:
_tile_overlayer_lowered:
.L_overlay_start_2:
0x3f2: {  	(tag) =	ssettag $0x2  }
0x3f3: {  	s0 =	rddreg [dreg:$0x0];
	s2 =	stileid.u32  }
0x3f4: {  	s1 =	rddreg [dreg:$0x1];
	p0 =	sne.s32 s2, $0x0  }
0x3f5: {  	s3 =	rddreg [dreg:$0x2];
	[bflag:$0x3] =	sbarrier.arrive $0xFFFF;
	s2 =	simm.s32 @!p0 $0x1C07  }
0x3f6: {  	[timem:s3], [sflag:s2] =	dma.local @!p0 [hbm:s0], s1  }
0x3f7: {  	s0 =	simm.s32 @!p0 $0x7  }
0x3f8: {  	_ =	swait.ge @!p0 [sflag:s0], s1  }
0x3f9: {  	s1 =	ssub.s32 @!p0 $0x0, s1;
	[sflag:s0] =	ssyncset.done @!p0 $0x0  }
0x3fa: {  	[sflag:s0] =	ssyncadd.s32 @!p0 s1  }
0x3fb: {  	[bflag:$0x3] =	sbarrier.arrive $0xFFFF  }
0x3fc: {  	_ =	shalt  }

</sc_bundles>
